<compile_context>
chip_gen: v7x
topology: tpu7x:2x2x1
jax: 0.10.2.dev20260603
libtpu: 0.0.44.dev20260713+nightly
codegen_flags: <defaults>
</compile_context>

<pallas_src>
import jax
import jax.numpy as jnp
from jax import lax
from jax.experimental import pallas as pl
from jax.experimental.pallas import tpu as pltpu
from jax.experimental.pallas import tpu_sc as plsc

N = 10000
D = 128
OUT = 128
E = 320000

NC = 2
NS = 16
NW = NC * NS
LANES = 16

CHUNK = 80
NBUF = 3
NRING = 6
CPT = 126
E_PAD = NW * CPT * CHUNK
N_PAD = 10240
RPT = N_PAD // NS


def _sc_body(idx_hbm, aff_hbm, x_hbm, out_hbm,
             agg_sh, ring, aring, splat, bufs, isems, gsems, ssems):
    cid = lax.axis_index("c")
    sid = lax.axis_index("s")
    wid = sid * NC + cid

    zbuf = bufs[0]

    @pl.loop(0, CHUNK)
    def _zero_rows(r):
        for j in range(D // LANES):
            zbuf[r, pl.ds(j * LANES, LANES)] = jnp.zeros((LANES,), jnp.float32)

    r0 = sid * RPT
    for k in range(RPT // CHUNK):
        pltpu.sync_copy(zbuf, agg_sh.at[pl.ds(r0 + k * CHUNK, CHUNK)])

    plsc.subcore_barrier()

    def fetch_idx(g, r):
        return (pltpu.make_async_copy(idx_hbm.at[wid, g], ring.at[r], isems[r]),
                pltpu.make_async_copy(aff_hbm.at[wid, g], aring.at[r], isems[r]))

    def gather(r, b):
        return pltpu.make_async_copy(x_hbm.at[ring.at[r, 0]], bufs[b], gsems[b])

    def scatter(r, b):
        return pltpu.make_async_copy(bufs[b], agg_sh.at[ring.at[r, 1]], ssems[b])

    for r in range(4):
        for dsc in fetch_idx(r, r):
            dsc.start()
    for b in range(2):
        for dsc in fetch_idx(b, b):
            dsc.wait()
        gather(b, b).start()

    @pl.loop(0, CPT // NRING)
    def _outer(it):
        for rr in range(NRING):
            g = it * NRING + rr
            b = rr % NBUF

            @pl.when(g >= 1)
            def _retire():
                scatter((rr + 5) % NRING, (b + 2) % NBUF).wait()

            @pl.when(g + 4 < CPT)
            def _pref_idx():
                for dsc in fetch_idx(g + 4, (rr + 4) % NRING):
                    dsc.start()

            @pl.when(g + 2 < CPT)
            def _pref_rows():
                for dsc in fetch_idx(0, (rr + 2) % NRING):
                    dsc.wait()
                gather((rr + 2) % NRING, (b + 2) % NBUF).start()

            gather(rr, b).wait()
            rows_v = bufs[b]

            @pl.loop(0, CHUNK // LANES)
            def _splat(e16):
                avec = aring[rr, pl.ds(e16 * LANES, LANES)]
                for l in range(LANES):
                    splat[e16 * LANES + l, :] = jnp.full((LANES,), avec[l],
                                                         jnp.float32)

            @pl.loop(0, CHUNK)
            def _scale(e):
                av = splat[e, :]
                for j in range(D // LANES):
                    sl = pl.ds(j * LANES, LANES)
                    rows_v[e, sl] = rows_v[e, sl] * av

            scatter(rr, b).start(add=True)

    scatter((CPT - 1) % NRING, (CPT - 1) % NBUF).wait()

    plsc.subcore_barrier()

    pltpu.sync_copy(agg_sh.at[pl.ds(r0, RPT)],
                    out_hbm.at[cid, pl.ds(r0, RPT)])


@jax.jit
def _segment_sum_sc(idx, aff, x):
    mesh = plsc.VectorSubcoreMesh(core_axis_name="c", subcore_axis_name="s")
    return pl.kernel(
        _sc_body,
        out_type=jax.ShapeDtypeStruct((NC, N_PAD, D), jnp.float32),
        mesh=mesh,
        scratch_types=[
            pltpu.VMEM_SHARED((N_PAD, D), jnp.float32),
            pltpu.VMEM((NRING, 2, CHUNK), jnp.int32),
            pltpu.VMEM((NRING, CHUNK), jnp.float32),
            pltpu.VMEM((CHUNK, LANES), jnp.float32),
            [pltpu.VMEM((CHUNK, D), jnp.float32) for _ in range(NBUF)],
            [pltpu.SemaphoreType.DMA for _ in range(NRING)],
            [pltpu.SemaphoreType.DMA for _ in range(NBUF)],
            [pltpu.SemaphoreType.DMA for _ in range(NBUF)],
        ],
    )(idx, aff, x)


ROW_BLK = 1000


def _mm_body(x_ref, p0_ref, p1_ref, w1_ref, w2_ref, b_ref, o_ref):
    agg = p0_ref[...] + p1_ref[...]
    acc = jnp.dot(x_ref[...], w1_ref[...], preferred_element_type=jnp.float32)
    acc = acc + jnp.dot(agg, w2_ref[...], preferred_element_type=jnp.float32)
    o_ref[...] = acc + b_ref[...]


@jax.jit
def _concat_linear_tc(x, p0, p1, w1t, w2t, b2d):
    grid = (N // ROW_BLK,)
    return pl.pallas_call(
        _mm_body,
        grid=grid,
        in_specs=[
            pl.BlockSpec((ROW_BLK, D), lambda i: (i, 0)),
            pl.BlockSpec((ROW_BLK, D), lambda i: (i, 0)),
            pl.BlockSpec((ROW_BLK, D), lambda i: (i, 0)),
            pl.BlockSpec((D, OUT), lambda i: (0, 0)),
            pl.BlockSpec((D, OUT), lambda i: (0, 0)),
            pl.BlockSpec((1, OUT), lambda i: (0, 0)),
        ],
        out_specs=pl.BlockSpec((ROW_BLK, OUT), lambda i: (i, 0)),
        out_shape=jax.ShapeDtypeStruct((N, OUT), jnp.float32),
    )(x, p0, p1, w1t, w2t, b2d)


def kernel(x, edge_index, affine, W, b):
    pad = E_PAD - E
    shape3 = (NW, CPT, CHUNK)
    src = jnp.concatenate([edge_index[0], jnp.zeros((pad,), jnp.int32)]).reshape(shape3)
    dst = jnp.concatenate([edge_index[1], jnp.zeros((pad,), jnp.int32)]).reshape(shape3)
    aff = jnp.concatenate([affine, jnp.zeros((pad,), jnp.float32)]).reshape(shape3)
    idx = jnp.stack([src, dst], axis=2)

    partials = _segment_sum_sc(idx, aff, x)

    w1t = W[:, :D].T
    w2t = W[:, D:].T
    b2d = b.reshape(1, OUT)
    return _concat_linear_tc(x, partials[0], partials[1], w1t, w2t, b2d)

# --- scband reference (transcript-rebuilt; emitter-appended) ---
"""Pipeline reference for scband-graph-conv-layer-52183852646405 (READ-ONLY COPY).

The authoritative reference and input builder live on the scoring server;
editing this copy changes nothing except your own understanding.
"""

import jax, jax.numpy as jnp
import numpy as np

N = 10000
E = 320000
D = 128
OUT = 128

def setup_inputs(seed: int = 0) -> dict:
    key = jax.random.key(seed)
    k1, k2, k3, k4 = jax.random.split(key, 4)
    x = jax.random.normal(k1, (N, D), dtype=jnp.float32)
    edge_index = jax.random.randint(k2, (2, E), 0, N, dtype=jnp.int32)
    affine = jax.random.normal(k3, (E,), dtype=jnp.float32)
    # learned params: mlp = Linear(2*D -> OUT, bias=True)
    W = jax.random.normal(k4, (OUT, 2 * D), dtype=jnp.float32) * 0.05
    b = jnp.zeros((OUT,), dtype=jnp.float32)
    return {"x": x, "edge_index": edge_index, "affine": affine, "W": W, "b": b}

def reference(x, edge_index, affine, W, b):
    # DGL update_all(u_mul_e('h','affine','m'), sum('m','h')):
    # message per edge = src feature * scalar edge weight; reduce = sum over incoming edges at dst
    src = edge_index[0]
    dst = edge_index[1]
    m = jnp.take(x, src, axis=0) * affine[:, None]          # gather src feats, scale by edge weight
    agg = jax.ops.segment_sum(m, dst, num_segments=x.shape[0])  # scatter-add to dst nodes
    # homogeneous graph: dstfeat = x (num_dst_nodes == num nodes)
    gcn_feat = jnp.concatenate([x, agg], axis=-1)
    out = gcn_feat @ W.T + b
    return out

if __name__ == "__main__":
    import jax
    _d = setup_inputs()
    print(jax.jit(kernel)(*tuple(_d.values())))

</pallas_src>

<mosaic_0001>
#map = affine_map<(d0, d1) -> (0, 0, 0, 0)>
#map1 = affine_map<(d0, d1) -> (0, 0, 0)>
#map2 = affine_map<(d0, d1) -> (0, 0)>
module attributes {stable_mosaic.version = 14 : i64} {
  func.func @_sc_body(%arg0: i32, %arg1: i32, %arg2: memref<32x126x2x80xi32, #tpu.memory_space<hbm>>, %arg3: memref<32x126x80xf32, #tpu.memory_space<hbm>>, %arg4: memref<10000x128xf32, #tpu.memory_space<hbm>>, %arg5: memref<2x10240x128xf32, #tpu.memory_space<hbm>>, %arg6: memref<10240x128xf32, #tpu.memory_space<vmem_shared>>, %arg7: memref<6x2x80xi32, #tpu.memory_space<vmem>>, %arg8: memref<6x80xf32, #tpu.memory_space<vmem>>, %arg9: memref<80x16xf32, #tpu.memory_space<vmem>>, %arg10: memref<80x128xf32, #tpu.memory_space<vmem>>, %arg11: memref<80x128xf32, #tpu.memory_space<vmem>>, %arg12: memref<80x128xf32, #tpu.memory_space<vmem>>, %arg13: memref<!tpu.dma_semaphore, #tpu.memory_space<semaphore_mem>>, %arg14: memref<!tpu.dma_semaphore, #tpu.memory_space<semaphore_mem>>, %arg15: memref<!tpu.dma_semaphore, #tpu.memory_space<semaphore_mem>>, %arg16: memref<!tpu.dma_semaphore, #tpu.memory_space<semaphore_mem>>, %arg17: memref<!tpu.dma_semaphore, #tpu.memory_space<semaphore_mem>>, %arg18: memref<!tpu.dma_semaphore, #tpu.memory_space<semaphore_mem>>, %arg19: memref<!tpu.dma_semaphore, #tpu.memory_space<semaphore_mem>>, %arg20: memref<!tpu.dma_semaphore, #tpu.memory_space<semaphore_mem>>, %arg21: memref<!tpu.dma_semaphore, #tpu.memory_space<semaphore_mem>>, %arg22: memref<!tpu.dma_semaphore, #tpu.memory_space<semaphore_mem>>, %arg23: memref<!tpu.dma_semaphore, #tpu.memory_space<semaphore_mem>>, %arg24: memref<!tpu.dma_semaphore, #tpu.memory_space<semaphore_mem>>) attributes {dimension_semantics = [#tpu.dimension_semantics<core_parallel>, #tpu.dimension_semantics<subcore_parallel>], iteration_bounds = array<i64: 2, 16>, scalar_prefetch = 0 : i64, scratch_operands = 19 : i64, tpu.core_type = #tpu.core_type<sc_vector_subcore>, window_params = [{transform_indices = #map}, {transform_indices = #map1}, {transform_indices = #map2}, {transform_indices = #map1}]} {
    %mul3A = arith.constant 2 : i32
    %mul3A_0 = arith.muli %arg1, %mul3A : i32
    %add3A = arith.addi %mul3A_0, %arg0 : i32
    %scan3A = arith.constant 0 : i32
    %scan3A_1 = arith.constant 80 : i32
    %scan3A_2 = arith.addi %scan3A, %scan3A_1 : i32
    %scan3A_3 = arith.constant 1 : i32
    scf.for %scan3A_243 = %scan3A to %scan3A_2 step %scan3A_3  : i32 {
      %mul3A_244 = arith.constant 1 : i32
      %mul3A_245 = arith.muli %scan3A_243, %mul3A_244 : i32
      %add3A_246 = arith.constant 0 : i32
      %add3A_247 = arith.addi %add3A_246, %mul3A_245 : i32
      %broadcast_in_dim3A = arith.constant 0.000000e+00 : f32
      %broadcast_in_dim3A_248 = vector.broadcast %broadcast_in_dim3A : f32 to vector<16xf32>
      %swap3A = arith.index_cast %add3A_247 : i32 to index
      %swap3A_249 = arith.constant 0 : index
      %swap3A_250 = tpu.vector_load %arg10[%swap3A, %swap3A_249] {strides = array<i32>} : memref<80x128xf32, #tpu.memory_space<vmem>>, vector<1x16xf32>,
      %swap3A_251 = vector.shape_cast %swap3A_250 : vector<1x16xf32> to vector<16xf32>
      %swap3A_252 = vector.shape_cast %broadcast_in_dim3A_248 : vector<16xf32> to vector<1x16xf32>
      tpu.vector_store %arg10[%swap3A, %swap3A_249], %swap3A_252 {strides = array<i32>} : memref<80x128xf32, #tpu.memory_space<vmem>>, vector<1x16xf32>,
      %broadcast_in_dim3A_253 = arith.constant 0.000000e+00 : f32
      %broadcast_in_dim3A_254 = vector.broadcast %broadcast_in_dim3A_253 : f32 to vector<16xf32>
      %swap3A_255 = arith.index_cast %add3A_247 : i32 to index
      %swap3A_256 = arith.constant 16 : index
      %swap3A_257 = tpu.vector_load %arg10[%swap3A_255, %swap3A_256] {strides = array<i32>} : memref<80x128xf32, #tpu.memory_space<vmem>>, vector<1x16xf32>,
      %swap3A_258 = vector.shape_cast %swap3A_257 : vector<1x16xf32> to vector<16xf32>
      %swap3A_259 = vector.shape_cast %broadcast_in_dim3A_254 : vector<16xf32> to vector<1x16xf32>
      tpu.vector_store %arg10[%swap3A_255, %swap3A_256], %swap3A_259 {strides = array<i32>} : memref<80x128xf32, #tpu.memory_space<vmem>>, vector<1x16xf32>,
      %broadcast_in_dim3A_260 = arith.constant 0.000000e+00 : f32
      %broadcast_in_dim3A_261 = vector.broadcast %broadcast_in_dim3A_260 : f32 to vector<16xf32>
      %swap3A_262 = arith.index_cast %add3A_247 : i32 to index
      %swap3A_263 = arith.constant 32 : index
      %swap3A_264 = tpu.vector_load %arg10[%swap3A_262, %swap3A_263] {strides = array<i32>} : memref<80x128xf32, #tpu.memory_space<vmem>>, vector<1x16xf32>,
      %swap3A_265 = vector.shape_cast %swap3A_264 : vector<1x16xf32> to vector<16xf32>
      %swap3A_266 = vector.shape_cast %broadcast_in_dim3A_261 : vector<16xf32> to vector<1x16xf32>
      tpu.vector_store %arg10[%swap3A_262, %swap3A_263], %swap3A_266 {strides = array<i32>} : memref<80x128xf32, #tpu.memory_space<vmem>>, vector<1x16xf32>,
      %broadcast_in_dim3A_267 = arith.constant 0.000000e+00 : f32
      %broadcast_in_dim3A_268 = vector.broadcast %broadcast_in_dim3A_267 : f32 to vector<16xf32>
      %swap3A_269 = arith.index_cast %add3A_247 : i32 to index
      %swap3A_270 = arith.constant 48 : index
      %swap3A_271 = tpu.vector_load %arg10[%swap3A_269, %swap3A_270] {strides = array<i32>} : memref<80x128xf32, #tpu.memory_space<vmem>>, vector<1x16xf32>,
      %swap3A_272 = vector.shape_cast %swap3A_271 : vector<1x16xf32> to vector<16xf32>
      %swap3A_273 = vector.shape_cast %broadcast_in_dim3A_268 : vector<16xf32> to vector<1x16xf32>
      tpu.vector_store %arg10[%swap3A_269, %swap3A_270], %swap3A_273 {strides = array<i32>} : memref<80x128xf32, #tpu.memory_space<vmem>>, vector<1x16xf32>,
      %broadcast_in_dim3A_274 = arith.constant 0.000000e+00 : f32
      %broadcast_in_dim3A_275 = vector.broadcast %broadcast_in_dim3A_274 : f32 to vector<16xf32>
      %swap3A_276 = arith.index_cast %add3A_247 : i32 to index
      %swap3A_277 = arith.constant 64 : index
      %swap3A_278 = tpu.vector_load %arg10[%swap3A_276, %swap3A_277] {strides = array<i32>} : memref<80x128xf32, #tpu.memory_space<vmem>>, vector<1x16xf32>,
      %swap3A_279 = vector.shape_cast %swap3A_278 : vector<1x16xf32> to vector<16xf32>
      %swap3A_280 = vector.shape_cast %broadcast_in_dim3A_275 : vector<16xf32> to vector<1x16xf32>
      tpu.vector_store %arg10[%swap3A_276, %swap3A_277], %swap3A_280 {strides = array<i32>} : memref<80x128xf32, #tpu.memory_space<vmem>>, vector<1x16xf32>,
      %broadcast_in_dim3A_281 = arith.constant 0.000000e+00 : f32
      %broadcast_in_dim3A_282 = vector.broadcast %broadcast_in_dim3A_281 : f32 to vector<16xf32>
      %swap3A_283 = arith.index_cast %add3A_247 : i32 to index
      %swap3A_284 = arith.constant 80 : index
      %swap3A_285 = tpu.vector_load %arg10[%swap3A_283, %swap3A_284] {strides = array<i32>} : memref<80x128xf32, #tpu.memory_space<vmem>>, vector<1x16xf32>,
      %swap3A_286 = vector.shape_cast %swap3A_285 : vector<1x16xf32> to vector<16xf32>
      %swap3A_287 = vector.shape_cast %broadcast_in_dim3A_282 : vector<16xf32> to vector<1x16xf32>
      tpu.vector_store %arg10[%swap3A_283, %swap3A_284], %swap3A_287 {strides = array<i32>} : memref<80x128xf32, #tpu.memory_space<vmem>>, vector<1x16xf32>,
      %broadcast_in_dim3A_288 = arith.constant 0.000000e+00 : f32
      %broadcast_in_dim3A_289 = vector.broadcast %broadcast_in_dim3A_288 : f32 to vector<16xf32>
      %swap3A_290 = arith.index_cast %add3A_247 : i32 to index
      %swap3A_291 = arith.constant 96 : index
      %swap3A_292 = tpu.vector_load %arg10[%swap3A_290, %swap3A_291] {strides = array<i32>} : memref<80x128xf32, #tpu.memory_space<vmem>>, vector<1x16xf32>,
      %swap3A_293 = vector.shape_cast %swap3A_292 : vector<1x16xf32> to vector<16xf32>
      %swap3A_294 = vector.shape_cast %broadcast_in_dim3A_289 : vector<16xf32> to vector<1x16xf32>
      tpu.vector_store %arg10[%swap3A_290, %swap3A_291], %swap3A_294 {strides = array<i32>} : memref<80x128xf32, #tpu.memory_space<vmem>>, vector<1x16xf32>,
      %broadcast_in_dim3A_295 = arith.constant 0.000000e+00 : f32
      %broadcast_in_dim3A_296 = vector.broadcast %broadcast_in_dim3A_295 : f32 to vector<16xf32>
      %swap3A_297 = arith.index_cast %add3A_247 : i32 to index
      %swap3A_298 = arith.constant 112 : index
      %swap3A_299 = tpu.vector_load %arg10[%swap3A_297, %swap3A_298] {strides = array<i32>} : memref<80x128xf32, #tpu.memory_space<vmem>>, vector<1x16xf32>,
      %swap3A_300 = vector.shape_cast %swap3A_299 : vector<1x16xf32> to vector<16xf32>
      %swap3A_301 = vector.shape_cast %broadcast_in_dim3A_296 : vector<16xf32> to vector<1x16xf32>
      tpu.vector_store %arg10[%swap3A_297, %swap3A_298], %swap3A_301 {strides = array<i32>} : memref<80x128xf32, #tpu.memory_space<vmem>>, vector<1x16xf32>,
    }
    %scan3A_4 = arith.constant 80 : i32
    %mul3A_5 = arith.constant 640 : i32
    %mul3A_6 = arith.muli %arg1, %mul3A_5 : i32
    %add3A_7 = arith.constant 0 : i32
    %add3A_8 = arith.addi %mul3A_6, %add3A_7 : i32
    "tpu.region"() ({
      %run_scoped3A = tpu.sem_alloc : memref<!tpu.dma_semaphore, #tpu.memory_space<semaphore_mem>>
      %dma_start3A_243 = arith.constant 0 : i32
      %dma_start3A_244 = tpu.memref_slice %arg6[%add3A_8, %dma_start3A_243] : memref<10240x128xf32, #tpu.memory_space<vmem_shared>> -> memref<80x128xf32, #tpu.memory_space<vmem_shared>>
      %dma_start3A_245 = arith.constant 0 : i32
      %dma_start3A_246 = tpu.memref_slice %arg6[%add3A_8, %dma_start3A_245] : memref<10240x128xf32, #tpu.memory_space<vmem_shared>> -> memref<80x128xf32, #tpu.memory_space<vmem_shared>>
      tpu.enqueue_dma source(%arg10 : memref<80x128xf32, #tpu.memory_space<vmem>>) target(%dma_start3A_246 : memref<80x128xf32, #tpu.memory_space<vmem_shared>>) target_semaphore(%run_scoped3A : memref<!tpu.dma_semaphore, #tpu.memory_space<semaphore_mem>>)
      %dma_wait3A_247 = arith.constant 0 : i32
      %dma_wait3A_248 = tpu.memref_slice %arg6[%add3A_8, %dma_wait3A_247] : memref<10240x128xf32, #tpu.memory_space<vmem_shared>> -> memref<80x128xf32, #tpu.memory_space<vmem_shared>>
      %dma_wait3A_249 = arith.constant 0 : i32
      %dma_wait3A_250 = tpu.memref_slice %arg6[%add3A_8, %dma_wait3A_249] : memref<10240x128xf32, #tpu.memory_space<vmem_shared>> -> memref<80x128xf32, #tpu.memory_space<vmem_shared>>
      tpu.wait_dma2 semaphore(%run_scoped3A : memref<!tpu.dma_semaphore, #tpu.memory_space<semaphore_mem>>) src(%arg10 : memref<80x128xf32, #tpu.memory_space<vmem>>) dst(%dma_wait3A_250 : memref<80x128xf32, #tpu.memory_space<vmem_shared>>)
      tpu.yield
    }) : () -> ()
    %add3A_9 = arith.constant 80 : i32
    %add3A_10 = arith.addi %mul3A_6, %add3A_9 : i32
    "tpu.region"() ({
      %run_scoped3A = tpu.sem_alloc : memref<!tpu.dma_semaphore, #tpu.memory_space<semaphore_mem>>
      %dma_start3A_243 = arith.constant 0 : i32
      %dma_start3A_244 = tpu.memref_slice %arg6[%add3A_10, %dma_start3A_243] : memref<10240x128xf32, #tpu.memory_space<vmem_shared>> -> memref<80x128xf32, #tpu.memory_space<vmem_shared>>
      %dma_start3A_245 = arith.constant 0 : i32
      %dma_start3A_246 = tpu.memref_slice %arg6[%add3A_10, %dma_start3A_245] : memref<10240x128xf32, #tpu.memory_space<vmem_shared>> -> memref<80x128xf32, #tpu.memory_space<vmem_shared>>
      tpu.enqueue_dma source(%arg10 : memref<80x128xf32, #tpu.memory_space<vmem>>) target(%dma_start3A_246 : memref<80x128xf32, #tpu.memory_space<vmem_shared>>) target_semaphore(%run_scoped3A : memref<!tpu.dma_semaphore, #tpu.memory_space<semaphore_mem>>)
      %dma_wait3A_247 = arith.constant 0 : i32
      %dma_wait3A_248 = tpu.memref_slice %arg6[%add3A_10, %dma_wait3A_247] : memref<10240x128xf32, #tpu.memory_space<vmem_shared>> -> memref<80x128xf32, #tpu.memory_space<vmem_shared>>
      %dma_wait3A_249 = arith.constant 0 : i32
      %dma_wait3A_250 = tpu.memref_slice %arg6[%add3A_10, %dma_wait3A_249] : memref<10240x128xf32, #tpu.memory_space<vmem_shared>> -> memref<80x128xf32, #tpu.memory_space<vmem_shared>>
      tpu.wait_dma2 semaphore(%run_scoped3A : memref<!tpu.dma_semaphore, #tpu.memory_space<semaphore_mem>>) src(%arg10 : memref<80x128xf32, #tpu.memory_space<vmem>>) dst(%dma_wait3A_250 : memref<80x128xf32, #tpu.memory_space<vmem_shared>>)
      tpu.yield
    }) : () -> ()
    %add3A_11 = arith.constant 160 : i32
    %add3A_12 = arith.addi %mul3A_6, %add3A_11 : i32
    "tpu.region"() ({
      %run_scoped3A = tpu.sem_alloc : memref<!tpu.dma_semaphore, #tpu.memory_space<semaphore_mem>>
      %dma_start3A_243 = arith.constant 0 : i32
      %dma_start3A_244 = tpu.memref_slice %arg6[%add3A_12, %dma_start3A_243] : memref<10240x128xf32, #tpu.memory_space<vmem_shared>> -> memref<80x128xf32, #tpu.memory_space<vmem_shared>>
      %dma_start3A_245 = arith.constant 0 : i32
      %dma_start3A_246 = tpu.memref_slice %arg6[%add3A_12, %dma_start3A_245] : memref<10240x128xf32, #tpu.memory_space<vmem_shared>> -> memref<80x128xf32, #tpu.memory_space<vmem_shared>>
      tpu.enqueue_dma source(%arg10 : memref<80x128xf32, #tpu.memory_space<vmem>>) target(%dma_start3A_246 : memref<80x128xf32, #tpu.memory_space<vmem_shared>>) target_semaphore(%run_scoped3A : memref<!tpu.dma_semaphore, #tpu.memory_space<semaphore_mem>>)
      %dma_wait3A_247 = arith.constant 0 : i32
      %dma_wait3A_248 = tpu.memref_slice %arg6[%add3A_12, %dma_wait3A_247] : memref<10240x128xf32, #tpu.memory_space<vmem_shared>> -> memref<80x128xf32, #tpu.memory_space<vmem_shared>>
      %dma_wait3A_249 = arith.constant 0 : i32
      %dma_wait3A_250 = tpu.memref_slice %arg6[%add3A_12, %dma_wait3A_249] : memref<10240x128xf32, #tpu.memory_space<vmem_shared>> -> memref<80x128xf32, #tpu.memory_space<vmem_shared>>
      tpu.wait_dma2 semaphore(%run_scoped3A : memref<!tpu.dma_semaphore, #tpu.memory_space<semaphore_mem>>) src(%arg10 : memref<80x128xf32, #tpu.memory_space<vmem>>) dst(%dma_wait3A_250 : memref<80x128xf32, #tpu.memory_space<vmem_shared>>)
      tpu.yield
    }) : () -> ()
    %add3A_13 = arith.constant 240 : i32
    %add3A_14 = arith.addi %mul3A_6, %add3A_13 : i32
    "tpu.region"() ({
      %run_scoped3A = tpu.sem_alloc : memref<!tpu.dma_semaphore, #tpu.memory_space<semaphore_mem>>
      %dma_start3A_243 = arith.constant 0 : i32
      %dma_start3A_244 = tpu.memref_slice %arg6[%add3A_14, %dma_start3A_243] : memref<10240x128xf32, #tpu.memory_space<vmem_shared>> -> memref<80x128xf32, #tpu.memory_space<vmem_shared>>
      %dma_start3A_245 = arith.constant 0 : i32
      %dma_start3A_246 = tpu.memref_slice %arg6[%add3A_14, %dma_start3A_245] : memref<10240x128xf32, #tpu.memory_space<vmem_shared>> -> memref<80x128xf32, #tpu.memory_space<vmem_shared>>
      tpu.enqueue_dma source(%arg10 : memref<80x128xf32, #tpu.memory_space<vmem>>) target(%dma_start3A_246 : memref<80x128xf32, #tpu.memory_space<vmem_shared>>) target_semaphore(%run_scoped3A : memref<!tpu.dma_semaphore, #tpu.memory_space<semaphore_mem>>)
      %dma_wait3A_247 = arith.constant 0 : i32
      %dma_wait3A_248 = tpu.memref_slice %arg6[%add3A_14, %dma_wait3A_247] : memref<10240x128xf32, #tpu.memory_space<vmem_shared>> -> memref<80x128xf32, #tpu.memory_space<vmem_shared>>
      %dma_wait3A_249 = arith.constant 0 : i32
      %dma_wait3A_250 = tpu.memref_slice %arg6[%add3A_14, %dma_wait3A_249] : memref<10240x128xf32, #tpu.memory_space<vmem_shared>> -> memref<80x128xf32, #tpu.memory_space<vmem_shared>>
      tpu.wait_dma2 semaphore(%run_scoped3A : memref<!tpu.dma_semaphore, #tpu.memory_space<semaphore_mem>>) src(%arg10 : memref<80x128xf32, #tpu.memory_space<vmem>>) dst(%dma_wait3A_250 : memref<80x128xf32, #tpu.memory_space<vmem_shared>>)
      tpu.yield
    }) : () -> ()
    %add3A_15 = arith.constant 320 : i32
    %add3A_16 = arith.addi %mul3A_6, %add3A_15 : i32
    "tpu.region"() ({
      %run_scoped3A = tpu.sem_alloc : memref<!tpu.dma_semaphore, #tpu.memory_space<semaphore_mem>>
      %dma_start3A_243 = arith.constant 0 : i32
      %dma_start3A_244 = tpu.memref_slice %arg6[%add3A_16, %dma_start3A_243] : memref<10240x128xf32, #tpu.memory_space<vmem_shared>> -> memref<80x128xf32, #tpu.memory_space<vmem_shared>>
      %dma_start3A_245 = arith.constant 0 : i32
      %dma_start3A_246 = tpu.memref_slice %arg6[%add3A_16, %dma_start3A_245] : memref<10240x128xf32, #tpu.memory_space<vmem_shared>> -> memref<80x128xf32, #tpu.memory_space<vmem_shared>>
      tpu.enqueue_dma source(%arg10 : memref<80x128xf32, #tpu.memory_space<vmem>>) target(%dma_start3A_246 : memref<80x128xf32, #tpu.memory_space<vmem_shared>>) target_semaphore(%run_scoped3A : memref<!tpu.dma_semaphore, #tpu.memory_space<semaphore_mem>>)
      %dma_wait3A_247 = arith.constant 0 : i32
      %dma_wait3A_248 = tpu.memref_slice %arg6[%add3A_16, %dma_wait3A_247] : memref<10240x128xf32, #tpu.memory_space<vmem_shared>> -> memref<80x128xf32, #tpu.memory_space<vmem_shared>>
      %dma_wait3A_249 = arith.constant 0 : i32
      %dma_wait3A_250 = tpu.memref_slice %arg6[%add3A_16, %dma_wait3A_249] : memref<10240x128xf32, #tpu.memory_space<vmem_shared>> -> memref<80x128xf32, #tpu.memory_space<vmem_shared>>
      tpu.wait_dma2 semaphore(%run_scoped3A : memref<!tpu.dma_semaphore, #tpu.memory_space<semaphore_mem>>) src(%arg10 : memref<80x128xf32, #tpu.memory_space<vmem>>) dst(%dma_wait3A_250 : memref<80x128xf32, #tpu.memory_space<vmem_shared>>)
      tpu.yield
    }) : () -> ()
    %add3A_17 = arith.constant 400 : i32
    %add3A_18 = arith.addi %mul3A_6, %add3A_17 : i32
    "tpu.region"() ({
      %run_scoped3A = tpu.sem_alloc : memref<!tpu.dma_semaphore, #tpu.memory_space<semaphore_mem>>
      %dma_start3A_243 = arith.constant 0 : i32
      %dma_start3A_244 = tpu.memref_slice %arg6[%add3A_18, %dma_start3A_243] : memref<10240x128xf32, #tpu.memory_space<vmem_shared>> -> memref<80x128xf32, #tpu.memory_space<vmem_shared>>
      %dma_start3A_245 = arith.constant 0 : i32
      %dma_start3A_246 = tpu.memref_slice %arg6[%add3A_18, %dma_start3A_245] : memref<10240x128xf32, #tpu.memory_space<vmem_shared>> -> memref<80x128xf32, #tpu.memory_space<vmem_shared>>
      tpu.enqueue_dma source(%arg10 : memref<80x128xf32, #tpu.memory_space<vmem>>) target(%dma_start3A_246 : memref<80x128xf32, #tpu.memory_space<vmem_shared>>) target_semaphore(%run_scoped3A : memref<!tpu.dma_semaphore, #tpu.memory_space<semaphore_mem>>)
      %dma_wait3A_247 = arith.constant 0 : i32
      %dma_wait3A_248 = tpu.memref_slice %arg6[%add3A_18, %dma_wait3A_247] : memref<10240x128xf32, #tpu.memory_space<vmem_shared>> -> memref<80x128xf32, #tpu.memory_space<vmem_shared>>
      %dma_wait3A_249 = arith.constant 0 : i32
      %dma_wait3A_250 = tpu.memref_slice %arg6[%add3A_18, %dma_wait3A_249] : memref<10240x128xf32, #tpu.memory_space<vmem_shared>> -> memref<80x128xf32, #tpu.memory_space<vmem_shared>>
      tpu.wait_dma2 semaphore(%run_scoped3A : memref<!tpu.dma_semaphore, #tpu.memory_space<semaphore_mem>>) src(%arg10 : memref<80x128xf32, #tpu.memory_space<vmem>>) dst(%dma_wait3A_250 : memref<80x128xf32, #tpu.memory_space<vmem_shared>>)
      tpu.yield
    }) : () -> ()
    %add3A_19 = arith.constant 480 : i32
    %add3A_20 = arith.addi %mul3A_6, %add3A_19 : i32
    "tpu.region"() ({
      %run_scoped3A = tpu.sem_alloc : memref<!tpu.dma_semaphore, #tpu.memory_space<semaphore_mem>>
      %dma_start3A_243 = arith.constant 0 : i32
      %dma_start3A_244 = tpu.memref_slice %arg6[%add3A_20, %dma_start3A_243] : memref<10240x128xf32, #tpu.memory_space<vmem_shared>> -> memref<80x128xf32, #tpu.memory_space<vmem_shared>>
      %dma_start3A_245 = arith.constant 0 : i32
      %dma_start3A_246 = tpu.memref_slice %arg6[%add3A_20, %dma_start3A_245] : memref<10240x128xf32, #tpu.memory_space<vmem_shared>> -> memref<80x128xf32, #tpu.memory_space<vmem_shared>>
      tpu.enqueue_dma source(%arg10 : memref<80x128xf32, #tpu.memory_space<vmem>>) target(%dma_start3A_246 : memref<80x128xf32, #tpu.memory_space<vmem_shared>>) target_semaphore(%run_scoped3A : memref<!tpu.dma_semaphore, #tpu.memory_space<semaphore_mem>>)
      %dma_wait3A_247 = arith.constant 0 : i32
      %dma_wait3A_248 = tpu.memref_slice %arg6[%add3A_20, %dma_wait3A_247] : memref<10240x128xf32, #tpu.memory_space<vmem_shared>> -> memref<80x128xf32, #tpu.memory_space<vmem_shared>>
      %dma_wait3A_249 = arith.constant 0 : i32
      %dma_wait3A_250 = tpu.memref_slice %arg6[%add3A_20, %dma_wait3A_249] : memref<10240x128xf32, #tpu.memory_space<vmem_shared>> -> memref<80x128xf32, #tpu.memory_space<vmem_shared>>
      tpu.wait_dma2 semaphore(%run_scoped3A : memref<!tpu.dma_semaphore, #tpu.memory_space<semaphore_mem>>) src(%arg10 : memref<80x128xf32, #tpu.memory_space<vmem>>) dst(%dma_wait3A_250 : memref<80x128xf32, #tpu.memory_space<vmem_shared>>)
      tpu.yield
    }) : () -> ()
    %add3A_21 = arith.constant 560 : i32
    %add3A_22 = arith.addi %mul3A_6, %add3A_21 : i32
    "tpu.region"() ({
      %run_scoped3A = tpu.sem_alloc : memref<!tpu.dma_semaphore, #tpu.memory_space<semaphore_mem>>
      %dma_start3A_243 = arith.constant 0 : i32
      %dma_start3A_244 = tpu.memref_slice %arg6[%add3A_22, %dma_start3A_243] : memref<10240x128xf32, #tpu.memory_space<vmem_shared>> -> memref<80x128xf32, #tpu.memory_space<vmem_shared>>
      %dma_start3A_245 = arith.constant 0 : i32
      %dma_start3A_246 = tpu.memref_slice %arg6[%add3A_22, %dma_start3A_245] : memref<10240x128xf32, #tpu.memory_space<vmem_shared>> -> memref<80x128xf32, #tpu.memory_space<vmem_shared>>
      tpu.enqueue_dma source(%arg10 : memref<80x128xf32, #tpu.memory_space<vmem>>) target(%dma_start3A_246 : memref<80x128xf32, #tpu.memory_space<vmem_shared>>) target_semaphore(%run_scoped3A : memref<!tpu.dma_semaphore, #tpu.memory_space<semaphore_mem>>)
      %dma_wait3A_247 = arith.constant 0 : i32
      %dma_wait3A_248 = tpu.memref_slice %arg6[%add3A_22, %dma_wait3A_247] : memref<10240x128xf32, #tpu.memory_space<vmem_shared>> -> memref<80x128xf32, #tpu.memory_space<vmem_shared>>
      %dma_wait3A_249 = arith.constant 0 : i32
      %dma_wait3A_250 = tpu.memref_slice %arg6[%add3A_22, %dma_wait3A_249] : memref<10240x128xf32, #tpu.memory_space<vmem_shared>> -> memref<80x128xf32, #tpu.memory_space<vmem_shared>>
      tpu.wait_dma2 semaphore(%run_scoped3A : memref<!tpu.dma_semaphore, #tpu.memory_space<semaphore_mem>>) src(%arg10 : memref<80x128xf32, #tpu.memory_space<vmem>>) dst(%dma_wait3A_250 : memref<80x128xf32, #tpu.memory_space<vmem_shared>>)
      tpu.yield
    }) : () -> ()
    %barrier3A = arith.constant 0 : index
    tpu.barrier barrier_id(%barrier3A)
    %dma_start3A = arith.constant 0 : i32
    %dma_start3A_23 = arith.constant 0 : i32
    %dma_start3A_24 = arith.constant 0 : i32
    %dma_start3A_25 = arith.constant 0 : i32
    %dma_start3A_26 = tpu.memref_slice %arg7[%dma_start3A_23, %dma_start3A_24, %dma_start3A_25] : memref<6x2x80xi32, #tpu.memory_space<vmem>> -> memref<1x2x80xi32, #tpu.memory_space<vmem>>
    %dma_start3A_27 = tpu.memref_squeeze %dma_start3A_26 : memref<1x2x80xi32, #tpu.memory_space<vmem>> -> memref<2x80xi32, #tpu.memory_space<vmem>>
    %dma_start3A_28 = arith.constant 0 : i32
    %dma_start3A_29 = arith.constant 0 : i32
    %dma_start3A_30 = tpu.memref_slice %arg2[%add3A, %dma_start3A, %dma_start3A_28, %dma_start3A_29] : memref<32x126x2x80xi32, #tpu.memory_space<hbm>> -> memref<1x1x2x80xi32, #tpu.memory_space<hbm>>
    %dma_start3A_31 = tpu.memref_squeeze %dma_start3A_30 : memref<1x1x2x80xi32, #tpu.memory_space<hbm>> -> memref<2x80xi32, #tpu.memory_space<hbm>>
    %dma_start3A_32 = arith.constant 0 : i32
    %dma_start3A_33 = arith.constant 0 : i32
    %dma_start3A_34 = tpu.memref_slice %arg7[%dma_start3A_23, %dma_start3A_32, %dma_start3A_33] : memref<6x2x80xi32, #tpu.memory_space<vmem>> -> memref<1x2x80xi32, #tpu.memory_space<vmem>>
    %dma_start3A_35 = tpu.memref_squeeze %dma_start3A_34 : memref<1x2x80xi32, #tpu.memory_space<vmem>> -> memref<2x80xi32, #tpu.memory_space<vmem>>
    %dma_start3A_36 = arith.constant 0 : i32
    %dma_start3A_37 = arith.constant 0 : i32
    %dma_start3A_38 = tpu.memref_slice %arg2[%add3A, %dma_start3A, %dma_start3A_36, %dma_start3A_37] : memref<32x126x2x80xi32, #tpu.memory_space<hbm>> -> memref<1x1x2x80xi32, #tpu.memory_space<hbm>>
    %dma_start3A_39 = tpu.memref_squeeze %dma_start3A_38 : memref<1x1x2x80xi32, #tpu.memory_space<hbm>> -> memref<2x80xi32, #tpu.memory_space<hbm>>
    tpu.enqueue_dma source(%dma_start3A_39 : memref<2x80xi32, #tpu.memory_space<hbm>>) target(%dma_start3A_35 : memref<2x80xi32, #tpu.memory_space<vmem>>) target_semaphore(%arg13 : memref<!tpu.dma_semaphore, #tpu.memory_space<semaphore_mem>>)
    %dma_start3A_40 = arith.constant 0 : i32
    %dma_start3A_41 = arith.constant 0 : i32
    %dma_start3A_42 = arith.constant 0 : i32
    %dma_start3A_43 = tpu.memref_slice %arg8[%dma_start3A_41, %dma_start3A_42] : memref<6x80xf32, #tpu.memory_space<vmem>> -> memref<1x80xf32, #tpu.memory_space<vmem>>
    %dma_start3A_44 = tpu.memref_squeeze %dma_start3A_43 : memref<1x80xf32, #tpu.memory_space<vmem>> -> memref<80xf32, #tpu.memory_space<vmem>>
    %dma_start3A_45 = arith.constant 0 : i32
    %dma_start3A_46 = tpu.memref_slice %arg3[%add3A, %dma_start3A_40, %dma_start3A_45] : memref<32x126x80xf32, #tpu.memory_space<hbm>> -> memref<1x1x80xf32, #tpu.memory_space<hbm>>
    %dma_start3A_47 = tpu.memref_squeeze %dma_start3A_46 : memref<1x1x80xf32, #tpu.memory_space<hbm>> -> memref<80xf32, #tpu.memory_space<hbm>>
    %dma_start3A_48 = arith.constant 0 : i32
    %dma_start3A_49 = tpu.memref_slice %arg8[%dma_start3A_41, %dma_start3A_48] : memref<6x80xf32, #tpu.memory_space<vmem>> -> memref<1x80xf32, #tpu.memory_space<vmem>>
    %dma_start3A_50 = tpu.memref_squeeze %dma_start3A_49 : memref<1x80xf32, #tpu.memory_space<vmem>> -> memref<80xf32, #tpu.memory_space<vmem>>
    %dma_start3A_51 = arith.constant 0 : i32
    %dma_start3A_52 = tpu.memref_slice %arg3[%add3A, %dma_start3A_40, %dma_start3A_51] : memref<32x126x80xf32, #tpu.memory_space<hbm>> -> memref<1x1x80xf32, #tpu.memory_space<hbm>>
    %dma_start3A_53 = tpu.memref_squeeze %dma_start3A_52 : memref<1x1x80xf32, #tpu.memory_space<hbm>> -> memref<80xf32, #tpu.memory_space<hbm>>
    tpu.enqueue_dma source(%dma_start3A_53 : memref<80xf32, #tpu.memory_space<hbm>>) target(%dma_start3A_50 : memref<80xf32, #tpu.memory_space<vmem>>) target_semaphore(%arg13 : memref<!tpu.dma_semaphore, #tpu.memory_space<semaphore_mem>>)
    %dma_start3A_54 = arith.constant 1 : i32
    %dma_start3A_55 = arith.constant 1 : i32
    %dma_start3A_56 = arith.constant 0 : i32
    %dma_start3A_57 = arith.constant 0 : i32
    %dma_start3A_58 = tpu.memref_slice %arg7[%dma_start3A_55, %dma_start3A_56, %dma_start3A_57] : memref<6x2x80xi32, #tpu.memory_space<vmem>> -> memref<1x2x80xi32, #tpu.memory_space<vmem>>
    %dma_start3A_59 = tpu.memref_squeeze %dma_start3A_58 : memref<1x2x80xi32, #tpu.memory_space<vmem>> -> memref<2x80xi32, #tpu.memory_space<vmem>>
    %dma_start3A_60 = arith.constant 0 : i32
    %dma_start3A_61 = arith.constant 0 : i32
    %dma_start3A_62 = tpu.memref_slice %arg2[%add3A, %dma_start3A_54, %dma_start3A_60, %dma_start3A_61] : memref<32x126x2x80xi32, #tpu.memory_space<hbm>> -> memref<1x1x2x80xi32, #tpu.memory_space<hbm>>
    %dma_start3A_63 = tpu.memref_squeeze %dma_start3A_62 : memref<1x1x2x80xi32, #tpu.memory_space<hbm>> -> memref<2x80xi32, #tpu.memory_space<hbm>>
    %dma_start3A_64 = arith.constant 0 : i32
    %dma_start3A_65 = arith.constant 0 : i32
    %dma_start3A_66 = tpu.memref_slice %arg7[%dma_start3A_55, %dma_start3A_64, %dma_start3A_65] : memref<6x2x80xi32, #tpu.memory_space<vmem>> -> memref<1x2x80xi32, #tpu.memory_space<vmem>>
    %dma_start3A_67 = tpu.memref_squeeze %dma_start3A_66 : memref<1x2x80xi32, #tpu.memory_space<vmem>> -> memref<2x80xi32, #tpu.memory_space<vmem>>
    %dma_start3A_68 = arith.constant 0 : i32
    %dma_start3A_69 = arith.constant 0 : i32
    %dma_start3A_70 = tpu.memref_slice %arg2[%add3A, %dma_start3A_54, %dma_start3A_68, %dma_start3A_69] : memref<32x126x2x80xi32, #tpu.memory_space<hbm>> -> memref<1x1x2x80xi32, #tpu.memory_space<hbm>>
    %dma_start3A_71 = tpu.memref_squeeze %dma_start3A_70 : memref<1x1x2x80xi32, #tpu.memory_space<hbm>> -> memref<2x80xi32, #tpu.memory_space<hbm>>
    tpu.enqueue_dma source(%dma_start3A_71 : memref<2x80xi32, #tpu.memory_space<hbm>>) target(%dma_start3A_67 : memref<2x80xi32, #tpu.memory_space<vmem>>) target_semaphore(%arg14 : memref<!tpu.dma_semaphore, #tpu.memory_space<semaphore_mem>>)
    %dma_start3A_72 = arith.constant 1 : i32
    %dma_start3A_73 = arith.constant 1 : i32
    %dma_start3A_74 = arith.constant 0 : i32
    %dma_start3A_75 = tpu.memref_slice %arg8[%dma_start3A_73, %dma_start3A_74] : memref<6x80xf32, #tpu.memory_space<vmem>> -> memref<1x80xf32, #tpu.memory_space<vmem>>
    %dma_start3A_76 = tpu.memref_squeeze %dma_start3A_75 : memref<1x80xf32, #tpu.memory_space<vmem>> -> memref<80xf32, #tpu.memory_space<vmem>>
    %dma_start3A_77 = arith.constant 0 : i32
    %dma_start3A_78 = tpu.memref_slice %arg3[%add3A, %dma_start3A_72, %dma_start3A_77] : memref<32x126x80xf32, #tpu.memory_space<hbm>> -> memref<1x1x80xf32, #tpu.memory_space<hbm>>
    %dma_start3A_79 = tpu.memref_squeeze %dma_start3A_78 : memref<1x1x80xf32, #tpu.memory_space<hbm>> -> memref<80xf32, #tpu.memory_space<hbm>>
    %dma_start3A_80 = arith.constant 0 : i32
    %dma_start3A_81 = tpu.memref_slice %arg8[%dma_start3A_73, %dma_start3A_80] : memref<6x80xf32, #tpu.memory_space<vmem>> -> memref<1x80xf32, #tpu.memory_space<vmem>>
    %dma_start3A_82 = tpu.memref_squeeze %dma_start3A_81 : memref<1x80xf32, #tpu.memory_space<vmem>> -> memref<80xf32, #tpu.memory_space<vmem>>
    %dma_start3A_83 = arith.constant 0 : i32
    %dma_start3A_84 = tpu.memref_slice %arg3[%add3A, %dma_start3A_72, %dma_start3A_83] : memref<32x126x80xf32, #tpu.memory_space<hbm>> -> memref<1x1x80xf32, #tpu.memory_space<hbm>>
    %dma_start3A_85 = tpu.memref_squeeze %dma_start3A_84 : memref<1x1x80xf32, #tpu.memory_space<hbm>> -> memref<80xf32, #tpu.memory_space<hbm>>
    tpu.enqueue_dma source(%dma_start3A_85 : memref<80xf32, #tpu.memory_space<hbm>>) target(%dma_start3A_82 : memref<80xf32, #tpu.memory_space<vmem>>) target_semaphore(%arg14 : memref<!tpu.dma_semaphore, #tpu.memory_space<semaphore_mem>>)
    %dma_start3A_86 = arith.constant 2 : i32
    %dma_start3A_87 = arith.constant 2 : i32
    %dma_start3A_88 = arith.constant 0 : i32
    %dma_start3A_89 = arith.constant 0 : i32
    %dma_start3A_90 = tpu.memref_slice %arg7[%dma_start3A_87, %dma_start3A_88, %dma_start3A_89] : memref<6x2x80xi32, #tpu.memory_space<vmem>> -> memref<1x2x80xi32, #tpu.memory_space<vmem>>
    %dma_start3A_91 = tpu.memref_squeeze %dma_start3A_90 : memref<1x2x80xi32, #tpu.memory_space<vmem>> -> memref<2x80xi32, #tpu.memory_space<vmem>>
    %dma_start3A_92 = arith.constant 0 : i32
    %dma_start3A_93 = arith.constant 0 : i32
    %dma_start3A_94 = tpu.memref_slice %arg2[%add3A, %dma_start3A_86, %dma_start3A_92, %dma_start3A_93] : memref<32x126x2x80xi32, #tpu.memory_space<hbm>> -> memref<1x1x2x80xi32, #tpu.memory_space<hbm>>
    %dma_start3A_95 = tpu.memref_squeeze %dma_start3A_94 : memref<1x1x2x80xi32, #tpu.memory_space<hbm>> -> memref<2x80xi32, #tpu.memory_space<hbm>>
    %dma_start3A_96 = arith.constant 0 : i32
    %dma_start3A_97 = arith.constant 0 : i32
    %dma_start3A_98 = tpu.memref_slice %arg7[%dma_start3A_87, %dma_start3A_96, %dma_start3A_97] : memref<6x2x80xi32, #tpu.memory_space<vmem>> -> memref<1x2x80xi32, #tpu.memory_space<vmem>>
    %dma_start3A_99 = tpu.memref_squeeze %dma_start3A_98 : memref<1x2x80xi32, #tpu.memory_space<vmem>> -> memref<2x80xi32, #tpu.memory_space<vmem>>
    %dma_start3A_100 = arith.constant 0 : i32
    %dma_start3A_101 = arith.constant 0 : i32
    %dma_start3A_102 = tpu.memref_slice %arg2[%add3A, %dma_start3A_86, %dma_start3A_100, %dma_start3A_101] : memref<32x126x2x80xi32, #tpu.memory_space<hbm>> -> memref<1x1x2x80xi32, #tpu.memory_space<hbm>>
    %dma_start3A_103 = tpu.memref_squeeze %dma_start3A_102 : memref<1x1x2x80xi32, #tpu.memory_space<hbm>> -> memref<2x80xi32, #tpu.memory_space<hbm>>
    tpu.enqueue_dma source(%dma_start3A_103 : memref<2x80xi32, #tpu.memory_space<hbm>>) target(%dma_start3A_99 : memref<2x80xi32, #tpu.memory_space<vmem>>) target_semaphore(%arg15 : memref<!tpu.dma_semaphore, #tpu.memory_space<semaphore_mem>>)
    %dma_start3A_104 = arith.constant 2 : i32
    %dma_start3A_105 = arith.constant 2 : i32
    %dma_start3A_106 = arith.constant 0 : i32
    %dma_start3A_107 = tpu.memref_slice %arg8[%dma_start3A_105, %dma_start3A_106] : memref<6x80xf32, #tpu.memory_space<vmem>> -> memref<1x80xf32, #tpu.memory_space<vmem>>
    %dma_start3A_108 = tpu.memref_squeeze %dma_start3A_107 : memref<1x80xf32, #tpu.memory_space<vmem>> -> memref<80xf32, #tpu.memory_space<vmem>>
    %dma_start3A_109 = arith.constant 0 : i32
    %dma_start3A_110 = tpu.memref_slice %arg3[%add3A, %dma_start3A_104, %dma_start3A_109] : memref<32x126x80xf32, #tpu.memory_space<hbm>> -> memref<1x1x80xf32, #tpu.memory_space<hbm>>
    %dma_start3A_111 = tpu.memref_squeeze %dma_start3A_110 : memref<1x1x80xf32, #tpu.memory_space<hbm>> -> memref<80xf32, #tpu.memory_space<hbm>>
    %dma_start3A_112 = arith.constant 0 : i32
    %dma_start3A_113 = tpu.memref_slice %arg8[%dma_start3A_105, %dma_start3A_112] : memref<6x80xf32, #tpu.memory_space<vmem>> -> memref<1x80xf32, #tpu.memory_space<vmem>>
    %dma_start3A_114 = tpu.memref_squeeze %dma_start3A_113 : memref<1x80xf32, #tpu.memory_space<vmem>> -> memref<80xf32, #tpu.memory_space<vmem>>
    %dma_start3A_115 = arith.constant 0 : i32
    %dma_start3A_116 = tpu.memref_slice %arg3[%add3A, %dma_start3A_104, %dma_start3A_115] : memref<32x126x80xf32, #tpu.memory_space<hbm>> -> memref<1x1x80xf32, #tpu.memory_space<hbm>>
    %dma_start3A_117 = tpu.memref_squeeze %dma_start3A_116 : memref<1x1x80xf32, #tpu.memory_space<hbm>> -> memref<80xf32, #tpu.memory_space<hbm>>
    tpu.enqueue_dma source(%dma_start3A_117 : memref<80xf32, #tpu.memory_space<hbm>>) target(%dma_start3A_114 : memref<80xf32, #tpu.memory_space<vmem>>) target_semaphore(%arg15 : memref<!tpu.dma_semaphore, #tpu.memory_space<semaphore_mem>>)
    %dma_start3A_118 = arith.constant 3 : i32
    %dma_start3A_119 = arith.constant 3 : i32
    %dma_start3A_120 = arith.constant 0 : i32
    %dma_start3A_121 = arith.constant 0 : i32
    %dma_start3A_122 = tpu.memref_slice %arg7[%dma_start3A_119, %dma_start3A_120, %dma_start3A_121] : memref<6x2x80xi32, #tpu.memory_space<vmem>> -> memref<1x2x80xi32, #tpu.memory_space<vmem>>
    %dma_start3A_123 = tpu.memref_squeeze %dma_start3A_122 : memref<1x2x80xi32, #tpu.memory_space<vmem>> -> memref<2x80xi32, #tpu.memory_space<vmem>>
    %dma_start3A_124 = arith.constant 0 : i32
    %dma_start3A_125 = arith.constant 0 : i32
    %dma_start3A_126 = tpu.memref_slice %arg2[%add3A, %dma_start3A_118, %dma_start3A_124, %dma_start3A_125] : memref<32x126x2x80xi32, #tpu.memory_space<hbm>> -> memref<1x1x2x80xi32, #tpu.memory_space<hbm>>
    %dma_start3A_127 = tpu.memref_squeeze %dma_start3A_126 : memref<1x1x2x80xi32, #tpu.memory_space<hbm>> -> memref<2x80xi32, #tpu.memory_space<hbm>>
    %dma_start3A_128 = arith.constant 0 : i32
    %dma_start3A_129 = arith.constant 0 : i32
    %dma_start3A_130 = tpu.memref_slice %arg7[%dma_start3A_119, %dma_start3A_128, %dma_start3A_129] : memref<6x2x80xi32, #tpu.memory_space<vmem>> -> memref<1x2x80xi32, #tpu.memory_space<vmem>>
    %dma_start3A_131 = tpu.memref_squeeze %dma_start3A_130 : memref<1x2x80xi32, #tpu.memory_space<vmem>> -> memref<2x80xi32, #tpu.memory_space<vmem>>
    %dma_start3A_132 = arith.constant 0 : i32
    %dma_start3A_133 = arith.constant 0 : i32
    %dma_start3A_134 = tpu.memref_slice %arg2[%add3A, %dma_start3A_118, %dma_start3A_132, %dma_start3A_133] : memref<32x126x2x80xi32, #tpu.memory_space<hbm>> -> memref<1x1x2x80xi32, #tpu.memory_space<hbm>>
    %dma_start3A_135 = tpu.memref_squeeze %dma_start3A_134 : memref<1x1x2x80xi32, #tpu.memory_space<hbm>> -> memref<2x80xi32, #tpu.memory_space<hbm>>
    tpu.enqueue_dma source(%dma_start3A_135 : memref<2x80xi32, #tpu.memory_space<hbm>>) target(%dma_start3A_131 : memref<2x80xi32, #tpu.memory_space<vmem>>) target_semaphore(%arg16 : memref<!tpu.dma_semaphore, #tpu.memory_space<semaphore_mem>>)
    %dma_start3A_136 = arith.constant 3 : i32
    %dma_start3A_137 = arith.constant 3 : i32
    %dma_start3A_138 = arith.constant 0 : i32
    %dma_start3A_139 = tpu.memref_slice %arg8[%dma_start3A_137, %dma_start3A_138] : memref<6x80xf32, #tpu.memory_space<vmem>> -> memref<1x80xf32, #tpu.memory_space<vmem>>
    %dma_start3A_140 = tpu.memref_squeeze %dma_start3A_139 : memref<1x80xf32, #tpu.memory_space<vmem>> -> memref<80xf32, #tpu.memory_space<vmem>>
    %dma_start3A_141 = arith.constant 0 : i32
    %dma_start3A_142 = tpu.memref_slice %arg3[%add3A, %dma_start3A_136, %dma_start3A_141] : memref<32x126x80xf32, #tpu.memory_space<hbm>> -> memref<1x1x80xf32, #tpu.memory_space<hbm>>
    %dma_start3A_143 = tpu.memref_squeeze %dma_start3A_142 : memref<1x1x80xf32, #tpu.memory_space<hbm>> -> memref<80xf32, #tpu.memory_space<hbm>>
    %dma_start3A_144 = arith.constant 0 : i32
    %dma_start3A_145 = tpu.memref_slice %arg8[%dma_start3A_137, %dma_start3A_144] : memref<6x80xf32, #tpu.memory_space<vmem>> -> memref<1x80xf32, #tpu.memory_space<vmem>>
    %dma_start3A_146 = tpu.memref_squeeze %dma_start3A_145 : memref<1x80xf32, #tpu.memory_space<vmem>> -> memref<80xf32, #tpu.memory_space<vmem>>
    %dma_start3A_147 = arith.constant 0 : i32
    %dma_start3A_148 = tpu.memref_slice %arg3[%add3A, %dma_start3A_136, %dma_start3A_147] : memref<32x126x80xf32, #tpu.memory_space<hbm>> -> memref<1x1x80xf32, #tpu.memory_space<hbm>>
    %dma_start3A_149 = tpu.memref_squeeze %dma_start3A_148 : memref<1x1x80xf32, #tpu.memory_space<hbm>> -> memref<80xf32, #tpu.memory_space<hbm>>
    tpu.enqueue_dma source(%dma_start3A_149 : memref<80xf32, #tpu.memory_space<hbm>>) target(%dma_start3A_146 : memref<80xf32, #tpu.memory_space<vmem>>) target_semaphore(%arg16 : memref<!tpu.dma_semaphore, #tpu.memory_space<semaphore_mem>>)
    %dma_wait3A = arith.constant 0 : i32
    %dma_wait3A_150 = arith.constant 0 : i32
    %dma_wait3A_151 = arith.constant 0 : i32
    %dma_wait3A_152 = arith.constant 0 : i32
    %dma_wait3A_153 = tpu.memref_slice %arg7[%dma_wait3A_150, %dma_wait3A_151, %dma_wait3A_152] : memref<6x2x80xi32, #tpu.memory_space<vmem>> -> memref<1x2x80xi32, #tpu.memory_space<vmem>>
    %dma_wait3A_154 = tpu.memref_squeeze %dma_wait3A_153 : memref<1x2x80xi32, #tpu.memory_space<vmem>> -> memref<2x80xi32, #tpu.memory_space<vmem>>
    %dma_wait3A_155 = arith.constant 0 : i32
    %dma_wait3A_156 = arith.constant 0 : i32
    %dma_wait3A_157 = tpu.memref_slice %arg2[%add3A, %dma_wait3A, %dma_wait3A_155, %dma_wait3A_156] : memref<32x126x2x80xi32, #tpu.memory_space<hbm>> -> memref<1x1x2x80xi32, #tpu.memory_space<hbm>>
    %dma_wait3A_158 = tpu.memref_squeeze %dma_wait3A_157 : memref<1x1x2x80xi32, #tpu.memory_space<hbm>> -> memref<2x80xi32, #tpu.memory_space<hbm>>
    %dma_wait3A_159 = arith.constant 0 : i32
    %dma_wait3A_160 = arith.constant 0 : i32
    %dma_wait3A_161 = tpu.memref_slice %arg7[%dma_wait3A_150, %dma_wait3A_159, %dma_wait3A_160] : memref<6x2x80xi32, #tpu.memory_space<vmem>> -> memref<1x2x80xi32, #tpu.memory_space<vmem>>
    %dma_wait3A_162 = tpu.memref_squeeze %dma_wait3A_161 : memref<1x2x80xi32, #tpu.memory_space<vmem>> -> memref<2x80xi32, #tpu.memory_space<vmem>>
    %dma_wait3A_163 = arith.constant 0 : i32
    %dma_wait3A_164 = arith.constant 0 : i32
    %dma_wait3A_165 = tpu.memref_slice %arg2[%add3A, %dma_wait3A, %dma_wait3A_163, %dma_wait3A_164] : memref<32x126x2x80xi32, #tpu.memory_space<hbm>> -> memref<1x1x2x80xi32, #tpu.memory_space<hbm>>
    %dma_wait3A_166 = tpu.memref_squeeze %dma_wait3A_165 : memref<1x1x2x80xi32, #tpu.memory_space<hbm>> -> memref<2x80xi32, #tpu.memory_space<hbm>>
    tpu.wait_dma2 semaphore(%arg13 : memref<!tpu.dma_semaphore, #tpu.memory_space<semaphore_mem>>) src(%dma_wait3A_166 : memref<2x80xi32, #tpu.memory_space<hbm>>) dst(%dma_wait3A_162 : memref<2x80xi32, #tpu.memory_space<vmem>>)
    %dma_wait3A_167 = arith.constant 0 : i32
    %dma_wait3A_168 = arith.constant 0 : i32
    %dma_wait3A_169 = arith.constant 0 : i32
    %dma_wait3A_170 = tpu.memref_slice %arg8[%dma_wait3A_168, %dma_wait3A_169] : memref<6x80xf32, #tpu.memory_space<vmem>> -> memref<1x80xf32, #tpu.memory_space<vmem>>
    %dma_wait3A_171 = tpu.memref_squeeze %dma_wait3A_170 : memref<1x80xf32, #tpu.memory_space<vmem>> -> memref<80xf32, #tpu.memory_space<vmem>>
    %dma_wait3A_172 = arith.constant 0 : i32
    %dma_wait3A_173 = tpu.memref_slice %arg3[%add3A, %dma_wait3A_167, %dma_wait3A_172] : memref<32x126x80xf32, #tpu.memory_space<hbm>> -> memref<1x1x80xf32, #tpu.memory_space<hbm>>
    %dma_wait3A_174 = tpu.memref_squeeze %dma_wait3A_173 : memref<1x1x80xf32, #tpu.memory_space<hbm>> -> memref<80xf32, #tpu.memory_space<hbm>>
    %dma_wait3A_175 = arith.constant 0 : i32
    %dma_wait3A_176 = tpu.memref_slice %arg8[%dma_wait3A_168, %dma_wait3A_175] : memref<6x80xf32, #tpu.memory_space<vmem>> -> memref<1x80xf32, #tpu.memory_space<vmem>>
    %dma_wait3A_177 = tpu.memref_squeeze %dma_wait3A_176 : memref<1x80xf32, #tpu.memory_space<vmem>> -> memref<80xf32, #tpu.memory_space<vmem>>
    %dma_wait3A_178 = arith.constant 0 : i32
    %dma_wait3A_179 = tpu.memref_slice %arg3[%add3A, %dma_wait3A_167, %dma_wait3A_178] : memref<32x126x80xf32, #tpu.memory_space<hbm>> -> memref<1x1x80xf32, #tpu.memory_space<hbm>>
    %dma_wait3A_180 = tpu.memref_squeeze %dma_wait3A_179 : memref<1x1x80xf32, #tpu.memory_space<hbm>> -> memref<80xf32, #tpu.memory_space<hbm>>
    tpu.wait_dma2 semaphore(%arg13 : memref<!tpu.dma_semaphore, #tpu.memory_space<semaphore_mem>>) src(%dma_wait3A_180 : memref<80xf32, #tpu.memory_space<hbm>>) dst(%dma_wait3A_177 : memref<80xf32, #tpu.memory_space<vmem>>)
    %dma_start3A_181 = arith.constant 0 : i32
    %dma_start3A_182 = arith.constant 0 : i32
    %dma_start3A_183 = arith.constant 0 : i32
    %dma_start3A_184 = tpu.memref_slice %arg7[%dma_start3A_181, %dma_start3A_182, %dma_start3A_183] : memref<6x2x80xi32, #tpu.memory_space<vmem>> -> memref<1x1x80xi32, #tpu.memory_space<vmem>>
    %dma_start3A_185 = tpu.memref_squeeze %dma_start3A_184 : memref<1x1x80xi32, #tpu.memory_space<vmem>> -> memref<80xi32, #tpu.memory_space<vmem>>
    %dma_start3A_186 = arith.constant 0 : i32
    %dma_start3A_187 = arith.constant 0 : i32
    %dma_start3A_188 = tpu.memref_slice %arg4[%dma_start3A_186, %dma_start3A_187] : memref<10000x128xf32, #tpu.memory_space<hbm>> -> memref<10000x128xf32, #tpu.memory_space<hbm>>
    tpu.enqueue_indirect_dma source(%dma_start3A_188 : memref<10000x128xf32, #tpu.memory_space<hbm>>) target(%arg10 : memref<80x128xf32, #tpu.memory_space<vmem>>) offsets(%dma_start3A_185 : memref<80xi32, #tpu.memory_space<vmem>>) semaphore(%arg19 : memref<!tpu.dma_semaphore, #tpu.memory_space<semaphore_mem>>)
    %dma_wait3A_189 = arith.constant 1 : i32
    %dma_wait3A_190 = arith.constant 1 : i32
    %dma_wait3A_191 = arith.constant 0 : i32
    %dma_wait3A_192 = arith.constant 0 : i32
    %dma_wait3A_193 = tpu.memref_slice %arg7[%dma_wait3A_190, %dma_wait3A_191, %dma_wait3A_192] : memref<6x2x80xi32, #tpu.memory_space<vmem>> -> memref<1x2x80xi32, #tpu.memory_space<vmem>>
    %dma_wait3A_194 = tpu.memref_squeeze %dma_wait3A_193 : memref<1x2x80xi32, #tpu.memory_space<vmem>> -> memref<2x80xi32, #tpu.memory_space<vmem>>
    %dma_wait3A_195 = arith.constant 0 : i32
    %dma_wait3A_196 = arith.constant 0 : i32
    %dma_wait3A_197 = tpu.memref_slice %arg2[%add3A, %dma_wait3A_189, %dma_wait3A_195, %dma_wait3A_196] : memref<32x126x2x80xi32, #tpu.memory_space<hbm>> -> memref<1x1x2x80xi32, #tpu.memory_space<hbm>>
    %dma_wait3A_198 = tpu.memref_squeeze %dma_wait3A_197 : memref<1x1x2x80xi32, #tpu.memory_space<hbm>> -> memref<2x80xi32, #tpu.memory_space<hbm>>
    %dma_wait3A_199 = arith.constant 0 : i32
    %dma_wait3A_200 = arith.constant 0 : i32
    %dma_wait3A_201 = tpu.memref_slice %arg7[%dma_wait3A_190, %dma_wait3A_199, %dma_wait3A_200] : memref<6x2x80xi32, #tpu.memory_space<vmem>> -> memref<1x2x80xi32, #tpu.memory_space<vmem>>
    %dma_wait3A_202 = tpu.memref_squeeze %dma_wait3A_201 : memref<1x2x80xi32, #tpu.memory_space<vmem>> -> memref<2x80xi32, #tpu.memory_space<vmem>>
    %dma_wait3A_203 = arith.constant 0 : i32
    %dma_wait3A_204 = arith.constant 0 : i32
    %dma_wait3A_205 = tpu.memref_slice %arg2[%add3A, %dma_wait3A_189, %dma_wait3A_203, %dma_wait3A_204] : memref<32x126x2x80xi32, #tpu.memory_space<hbm>> -> memref<1x1x2x80xi32, #tpu.memory_space<hbm>>
    %dma_wait3A_206 = tpu.memref_squeeze %dma_wait3A_205 : memref<1x1x2x80xi32, #tpu.memory_space<hbm>> -> memref<2x80xi32, #tpu.memory_space<hbm>>
    tpu.wait_dma2 semaphore(%arg14 : memref<!tpu.dma_semaphore, #tpu.memory_space<semaphore_mem>>) src(%dma_wait3A_206 : memref<2x80xi32, #tpu.memory_space<hbm>>) dst(%dma_wait3A_202 : memref<2x80xi32, #tpu.memory_space<vmem>>)
    %dma_wait3A_207 = arith.constant 1 : i32
    %dma_wait3A_208 = arith.constant 1 : i32
    %dma_wait3A_209 = arith.constant 0 : i32
    %dma_wait3A_210 = tpu.memref_slice %arg8[%dma_wait3A_208, %dma_wait3A_209] : memref<6x80xf32, #tpu.memory_space<vmem>> -> memref<1x80xf32, #tpu.memory_space<vmem>>
    %dma_wait3A_211 = tpu.memref_squeeze %dma_wait3A_210 : memref<1x80xf32, #tpu.memory_space<vmem>> -> memref<80xf32, #tpu.memory_space<vmem>>
    %dma_wait3A_212 = arith.constant 0 : i32
    %dma_wait3A_213 = tpu.memref_slice %arg3[%add3A, %dma_wait3A_207, %dma_wait3A_212] : memref<32x126x80xf32, #tpu.memory_space<hbm>> -> memref<1x1x80xf32, #tpu.memory_space<hbm>>
    %dma_wait3A_214 = tpu.memref_squeeze %dma_wait3A_213 : memref<1x1x80xf32, #tpu.memory_space<hbm>> -> memref<80xf32, #tpu.memory_space<hbm>>
    %dma_wait3A_215 = arith.constant 0 : i32
    %dma_wait3A_216 = tpu.memref_slice %arg8[%dma_wait3A_208, %dma_wait3A_215] : memref<6x80xf32, #tpu.memory_space<vmem>> -> memref<1x80xf32, #tpu.memory_space<vmem>>
    %dma_wait3A_217 = tpu.memref_squeeze %dma_wait3A_216 : memref<1x80xf32, #tpu.memory_space<vmem>> -> memref<80xf32, #tpu.memory_space<vmem>>
    %dma_wait3A_218 = arith.constant 0 : i32
    %dma_wait3A_219 = tpu.memref_slice %arg3[%add3A, %dma_wait3A_207, %dma_wait3A_218] : memref<32x126x80xf32, #tpu.memory_space<hbm>> -> memref<1x1x80xf32, #tpu.memory_space<hbm>>
    %dma_wait3A_220 = tpu.memref_squeeze %dma_wait3A_219 : memref<1x1x80xf32, #tpu.memory_space<hbm>> -> memref<80xf32, #tpu.memory_space<hbm>>
    tpu.wait_dma2 semaphore(%arg14 : memref<!tpu.dma_semaphore, #tpu.memory_space<semaphore_mem>>) src(%dma_wait3A_220 : memref<80xf32, #tpu.memory_space<hbm>>) dst(%dma_wait3A_217 : memref<80xf32, #tpu.memory_space<vmem>>)
    %dma_start3A_221 = arith.constant 1 : i32
    %dma_start3A_222 = arith.constant 0 : i32
    %dma_start3A_223 = arith.constant 0 : i32
    %dma_start3A_224 = tpu.memref_slice %arg7[%dma_start3A_221, %dma_start3A_222, %dma_start3A_223] : memref<6x2x80xi32, #tpu.memory_space<vmem>> -> memref<1x1x80xi32, #tpu.memory_space<vmem>>
    %dma_start3A_225 = tpu.memref_squeeze %dma_start3A_224 : memref<1x1x80xi32, #tpu.memory_space<vmem>> -> memref<80xi32, #tpu.memory_space<vmem>>
    %dma_start3A_226 = arith.constant 0 : i32
    %dma_start3A_227 = arith.constant 0 : i32
    %dma_start3A_228 = tpu.memref_slice %arg4[%dma_start3A_226, %dma_start3A_227] : memref<10000x128xf32, #tpu.memory_space<hbm>> -> memref<10000x128xf32, #tpu.memory_space<hbm>>
    tpu.enqueue_indirect_dma source(%dma_start3A_228 : memref<10000x128xf32, #tpu.memory_space<hbm>>) target(%arg11 : memref<80x128xf32, #tpu.memory_space<vmem>>) offsets(%dma_start3A_225 : memref<80xi32, #tpu.memory_space<vmem>>) semaphore(%arg20 : memref<!tpu.dma_semaphore, #tpu.memory_space<semaphore_mem>>)
    %scan3A_229 = arith.constant 0 : i32
    %scan3A_230 = arith.constant 21 : i32
    %scan3A_231 = arith.addi %scan3A_229, %scan3A_230 : i32
    %scan3A_232 = arith.constant 1 : i32
    scf.for %scan3A_243 = %scan3A_229 to %scan3A_231 step %scan3A_232  : i32 {
      %mul3A_244 = arith.constant 1 : i32
      %mul3A_245 = arith.muli %scan3A_243, %mul3A_244 : i32
      %add3A_246 = arith.constant 0 : i32
      %add3A_247 = arith.addi %add3A_246, %mul3A_245 : i32
      %mul3A_248 = arith.constant 6 : i32
      %mul3A_249 = arith.muli %add3A_247, %mul3A_248 : i32
      %add3A_250 = arith.constant 0 : i32
      %add3A_251 = arith.addi %mul3A_249, %add3A_250 : i32
      %ge3A = arith.constant 1 : i32
      %ge3A_252 = arith.cmpi sge, %add3A_251, %ge3A : i32
      %convert_element_type3A = arith.extui %ge3A_252 : i1 to i32
      %cond3A = arith.constant 0 : i32
      %cond3A_253 = arith.cmpi ne, %convert_element_type3A, %cond3A : i32
      scf.if %cond3A_253 {
        %dma_wait3A_538 = arith.constant 5 : i32
        %dma_wait3A_539 = arith.constant 1 : i32
        %dma_wait3A_540 = arith.constant 0 : i32
        %dma_wait3A_541 = tpu.memref_slice %arg7[%dma_wait3A_538, %dma_wait3A_539, %dma_wait3A_540] : memref<6x2x80xi32, #tpu.memory_space<vmem>> -> memref<1x1x80xi32, #tpu.memory_space<vmem>>
        %dma_wait3A_542 = tpu.memref_squeeze %dma_wait3A_541 : memref<1x1x80xi32, #tpu.memory_space<vmem>> -> memref<80xi32, #tpu.memory_space<vmem>>
        %dma_wait3A_543 = arith.constant 0 : i32
        %dma_wait3A_544 = arith.constant 0 : i32
        %dma_wait3A_545 = tpu.memref_slice %arg6[%dma_wait3A_543, %dma_wait3A_544] : memref<10240x128xf32, #tpu.memory_space<vmem_shared>> -> memref<10240x128xf32, #tpu.memory_space<vmem_shared>>
        tpu.wait_indirect_dma semaphore(%arg24 : memref<!tpu.dma_semaphore, #tpu.memory_space<semaphore_mem>>) src(%arg12 : memref<80x128xf32, #tpu.memory_space<vmem>>) dst(%dma_wait3A_545 : memref<10240x128xf32, #tpu.memory_space<vmem_shared>>)
      } else {
      }
      %add3A_254 = arith.constant 4 : i32
      %add3A_255 = arith.addi %add3A_251, %add3A_254 : i32
      %lt3A = arith.constant 126 : i32
      %lt3A_256 = arith.cmpi slt, %add3A_255, %lt3A : i32
      %convert_element_type3A_257 = arith.extui %lt3A_256 : i1 to i32
      %cond3A_258 = arith.constant 0 : i32
      %cond3A_259 = arith.cmpi ne, %convert_element_type3A_257, %cond3A_258 : i32
      scf.if %cond3A_259 {
        %add3A_538 = arith.constant 4 : i32
        %add3A_539 = arith.addi %add3A_251, %add3A_538 : i32
        %dma_start3A_540 = arith.constant 4 : i32
        %dma_start3A_541 = arith.constant 0 : i32
        %dma_start3A_542 = arith.constant 0 : i32
        %dma_start3A_543 = tpu.memref_slice %arg7[%dma_start3A_540, %dma_start3A_541, %dma_start3A_542] : memref<6x2x80xi32, #tpu.memory_space<vmem>> -> memref<1x2x80xi32, #tpu.memory_space<vmem>>
        %dma_start3A_544 = tpu.memref_squeeze %dma_start3A_543 : memref<1x2x80xi32, #tpu.memory_space<vmem>> -> memref<2x80xi32, #tpu.memory_space<vmem>>
        %dma_start3A_545 = arith.constant 0 : i32
        %dma_start3A_546 = arith.constant 0 : i32
        %dma_start3A_547 = tpu.memref_slice %arg2[%add3A, %add3A_539, %dma_start3A_545, %dma_start3A_546] : memref<32x126x2x80xi32, #tpu.memory_space<hbm>> -> memref<1x1x2x80xi32, #tpu.memory_space<hbm>>
        %dma_start3A_548 = tpu.memref_squeeze %dma_start3A_547 : memref<1x1x2x80xi32, #tpu.memory_space<hbm>> -> memref<2x80xi32, #tpu.memory_space<hbm>>
        %dma_start3A_549 = arith.constant 0 : i32
        %dma_start3A_550 = arith.constant 0 : i32
        %dma_start3A_551 = tpu.memref_slice %arg7[%dma_start3A_540, %dma_start3A_549, %dma_start3A_550] : memref<6x2x80xi32, #tpu.memory_space<vmem>> -> memref<1x2x80xi32, #tpu.memory_space<vmem>>
        %dma_start3A_552 = tpu.memref_squeeze %dma_start3A_551 : memref<1x2x80xi32, #tpu.memory_space<vmem>> -> memref<2x80xi32, #tpu.memory_space<vmem>>
        %dma_start3A_553 = arith.constant 0 : i32
        %dma_start3A_554 = arith.constant 0 : i32
        %dma_start3A_555 = tpu.memref_slice %arg2[%add3A, %add3A_539, %dma_start3A_553, %dma_start3A_554] : memref<32x126x2x80xi32, #tpu.memory_space<hbm>> -> memref<1x1x2x80xi32, #tpu.memory_space<hbm>>
        %dma_start3A_556 = tpu.memref_squeeze %dma_start3A_555 : memref<1x1x2x80xi32, #tpu.memory_space<hbm>> -> memref<2x80xi32, #tpu.memory_space<hbm>>
        tpu.enqueue_dma source(%dma_start3A_556 : memref<2x80xi32, #tpu.memory_space<hbm>>) target(%dma_start3A_552 : memref<2x80xi32, #tpu.memory_space<vmem>>) target_semaphore(%arg17 : memref<!tpu.dma_semaphore, #tpu.memory_space<semaphore_mem>>)
        %dma_start3A_557 = arith.constant 4 : i32
        %dma_start3A_558 = arith.constant 0 : i32
        %dma_start3A_559 = tpu.memref_slice %arg8[%dma_start3A_557, %dma_start3A_558] : memref<6x80xf32, #tpu.memory_space<vmem>> -> memref<1x80xf32, #tpu.memory_space<vmem>>
        %dma_start3A_560 = tpu.memref_squeeze %dma_start3A_559 : memref<1x80xf32, #tpu.memory_space<vmem>> -> memref<80xf32, #tpu.memory_space<vmem>>
        %dma_start3A_561 = arith.constant 0 : i32
        %dma_start3A_562 = tpu.memref_slice %arg3[%add3A, %add3A_539, %dma_start3A_561] : memref<32x126x80xf32, #tpu.memory_space<hbm>> -> memref<1x1x80xf32, #tpu.memory_space<hbm>>
        %dma_start3A_563 = tpu.memref_squeeze %dma_start3A_562 : memref<1x1x80xf32, #tpu.memory_space<hbm>> -> memref<80xf32, #tpu.memory_space<hbm>>
        %dma_start3A_564 = arith.constant 0 : i32
        %dma_start3A_565 = tpu.memref_slice %arg8[%dma_start3A_557, %dma_start3A_564] : memref<6x80xf32, #tpu.memory_space<vmem>> -> memref<1x80xf32, #tpu.memory_space<vmem>>
        %dma_start3A_566 = tpu.memref_squeeze %dma_start3A_565 : memref<1x80xf32, #tpu.memory_space<vmem>> -> memref<80xf32, #tpu.memory_space<vmem>>
        %dma_start3A_567 = arith.constant 0 : i32
        %dma_start3A_568 = tpu.memref_slice %arg3[%add3A, %add3A_539, %dma_start3A_567] : memref<32x126x80xf32, #tpu.memory_space<hbm>> -> memref<1x1x80xf32, #tpu.memory_space<hbm>>
        %dma_start3A_569 = tpu.memref_squeeze %dma_start3A_568 : memref<1x1x80xf32, #tpu.memory_space<hbm>> -> memref<80xf32, #tpu.memory_space<hbm>>
        tpu.enqueue_dma source(%dma_start3A_569 : memref<80xf32, #tpu.memory_space<hbm>>) target(%dma_start3A_566 : memref<80xf32, #tpu.memory_space<vmem>>) target_semaphore(%arg17 : memref<!tpu.dma_semaphore, #tpu.memory_space<semaphore_mem>>)
      } else {
      }
      %add3A_260 = arith.constant 2 : i32
      %add3A_261 = arith.addi %add3A_251, %add3A_260 : i32
      %lt3A_262 = arith.constant 126 : i32
      %lt3A_263 = arith.cmpi slt, %add3A_261, %lt3A_262 : i32
      %convert_element_type3A_264 = arith.extui %lt3A_263 : i1 to i32
      %cond3A_265 = arith.constant 0 : i32
      %cond3A_266 = arith.cmpi ne, %convert_element_type3A_264, %cond3A_265 : i32
      scf.if %cond3A_266 {
        %dma_wait3A_538 = arith.constant 0 : i32
        %dma_wait3A_539 = arith.constant 2 : i32
        %dma_wait3A_540 = arith.constant 0 : i32
        %dma_wait3A_541 = arith.constant 0 : i32
        %dma_wait3A_542 = tpu.memref_slice %arg7[%dma_wait3A_539, %dma_wait3A_540, %dma_wait3A_541] : memref<6x2x80xi32, #tpu.memory_space<vmem>> -> memref<1x2x80xi32, #tpu.memory_space<vmem>>
        %dma_wait3A_543 = tpu.memref_squeeze %dma_wait3A_542 : memref<1x2x80xi32, #tpu.memory_space<vmem>> -> memref<2x80xi32, #tpu.memory_space<vmem>>
        %dma_wait3A_544 = arith.constant 0 : i32
        %dma_wait3A_545 = arith.constant 0 : i32
        %dma_wait3A_546 = tpu.memref_slice %arg2[%add3A, %dma_wait3A_538, %dma_wait3A_544, %dma_wait3A_545] : memref<32x126x2x80xi32, #tpu.memory_space<hbm>> -> memref<1x1x2x80xi32, #tpu.memory_space<hbm>>
        %dma_wait3A_547 = tpu.memref_squeeze %dma_wait3A_546 : memref<1x1x2x80xi32, #tpu.memory_space<hbm>> -> memref<2x80xi32, #tpu.memory_space<hbm>>
        %dma_wait3A_548 = arith.constant 0 : i32
        %dma_wait3A_549 = arith.constant 0 : i32
        %dma_wait3A_550 = tpu.memref_slice %arg7[%dma_wait3A_539, %dma_wait3A_548, %dma_wait3A_549] : memref<6x2x80xi32, #tpu.memory_space<vmem>> -> memref<1x2x80xi32, #tpu.memory_space<vmem>>
        %dma_wait3A_551 = tpu.memref_squeeze %dma_wait3A_550 : memref<1x2x80xi32, #tpu.memory_space<vmem>> -> memref<2x80xi32, #tpu.memory_space<vmem>>
        %dma_wait3A_552 = arith.constant 0 : i32
        %dma_wait3A_553 = arith.constant 0 : i32
        %dma_wait3A_554 = tpu.memref_slice %arg2[%add3A, %dma_wait3A_538, %dma_wait3A_552, %dma_wait3A_553] : memref<32x126x2x80xi32, #tpu.memory_space<hbm>> -> memref<1x1x2x80xi32, #tpu.memory_space<hbm>>
        %dma_wait3A_555 = tpu.memref_squeeze %dma_wait3A_554 : memref<1x1x2x80xi32, #tpu.memory_space<hbm>> -> memref<2x80xi32, #tpu.memory_space<hbm>>
        tpu.wait_dma2 semaphore(%arg15 : memref<!tpu.dma_semaphore, #tpu.memory_space<semaphore_mem>>) src(%dma_wait3A_555 : memref<2x80xi32, #tpu.memory_space<hbm>>) dst(%dma_wait3A_551 : memref<2x80xi32, #tpu.memory_space<vmem>>)
        %dma_wait3A_556 = arith.constant 0 : i32
        %dma_wait3A_557 = arith.constant 2 : i32
        %dma_wait3A_558 = arith.constant 0 : i32
        %dma_wait3A_559 = tpu.memref_slice %arg8[%dma_wait3A_557, %dma_wait3A_558] : memref<6x80xf32, #tpu.memory_space<vmem>> -> memref<1x80xf32, #tpu.memory_space<vmem>>
        %dma_wait3A_560 = tpu.memref_squeeze %dma_wait3A_559 : memref<1x80xf32, #tpu.memory_space<vmem>> -> memref<80xf32, #tpu.memory_space<vmem>>
        %dma_wait3A_561 = arith.constant 0 : i32
        %dma_wait3A_562 = tpu.memref_slice %arg3[%add3A, %dma_wait3A_556, %dma_wait3A_561] : memref<32x126x80xf32, #tpu.memory_space<hbm>> -> memref<1x1x80xf32, #tpu.memory_space<hbm>>
        %dma_wait3A_563 = tpu.memref_squeeze %dma_wait3A_562 : memref<1x1x80xf32, #tpu.memory_space<hbm>> -> memref<80xf32, #tpu.memory_space<hbm>>
        %dma_wait3A_564 = arith.constant 0 : i32
        %dma_wait3A_565 = tpu.memref_slice %arg8[%dma_wait3A_557, %dma_wait3A_564] : memref<6x80xf32, #tpu.memory_space<vmem>> -> memref<1x80xf32, #tpu.memory_space<vmem>>
        %dma_wait3A_566 = tpu.memref_squeeze %dma_wait3A_565 : memref<1x80xf32, #tpu.memory_space<vmem>> -> memref<80xf32, #tpu.memory_space<vmem>>
        %dma_wait3A_567 = arith.constant 0 : i32
        %dma_wait3A_568 = tpu.memref_slice %arg3[%add3A, %dma_wait3A_556, %dma_wait3A_567] : memref<32x126x80xf32, #tpu.memory_space<hbm>> -> memref<1x1x80xf32, #tpu.memory_space<hbm>>
        %dma_wait3A_569 = tpu.memref_squeeze %dma_wait3A_568 : memref<1x1x80xf32, #tpu.memory_space<hbm>> -> memref<80xf32, #tpu.memory_space<hbm>>
        tpu.wait_dma2 semaphore(%arg15 : memref<!tpu.dma_semaphore, #tpu.memory_space<semaphore_mem>>) src(%dma_wait3A_569 : memref<80xf32, #tpu.memory_space<hbm>>) dst(%dma_wait3A_566 : memref<80xf32, #tpu.memory_space<vmem>>)
        %dma_start3A_570 = arith.constant 2 : i32
        %dma_start3A_571 = arith.constant 0 : i32
        %dma_start3A_572 = arith.constant 0 : i32
        %dma_start3A_573 = tpu.memref_slice %arg7[%dma_start3A_570, %dma_start3A_571, %dma_start3A_572] : memref<6x2x80xi32, #tpu.memory_space<vmem>> -> memref<1x1x80xi32, #tpu.memory_space<vmem>>
        %dma_start3A_574 = tpu.memref_squeeze %dma_start3A_573 : memref<1x1x80xi32, #tpu.memory_space<vmem>> -> memref<80xi32, #tpu.memory_space<vmem>>
        %dma_start3A_575 = arith.constant 0 : i32
        %dma_start3A_576 = arith.constant 0 : i32
        %dma_start3A_577 = tpu.memref_slice %arg4[%dma_start3A_575, %dma_start3A_576] : memref<10000x128xf32, #tpu.memory_space<hbm>> -> memref<10000x128xf32, #tpu.memory_space<hbm>>
        tpu.enqueue_indirect_dma source(%dma_start3A_577 : memref<10000x128xf32, #tpu.memory_space<hbm>>) target(%arg12 : memref<80x128xf32, #tpu.memory_space<vmem>>) offsets(%dma_start3A_574 : memref<80xi32, #tpu.memory_space<vmem>>) semaphore(%arg21 : memref<!tpu.dma_semaphore, #tpu.memory_space<semaphore_mem>>)
      } else {
      }
      %dma_wait3A_267 = arith.constant 0 : i32
      %dma_wait3A_268 = arith.constant 0 : i32
      %dma_wait3A_269 = arith.constant 0 : i32
      %dma_wait3A_270 = tpu.memref_slice %arg7[%dma_wait3A_267, %dma_wait3A_268, %dma_wait3A_269] : memref<6x2x80xi32, #tpu.memory_space<vmem>> -> memref<1x1x80xi32, #tpu.memory_space<vmem>>
      %dma_wait3A_271 = tpu.memref_squeeze %dma_wait3A_270 : memref<1x1x80xi32, #tpu.memory_space<vmem>> -> memref<80xi32, #tpu.memory_space<vmem>>
      %dma_wait3A_272 = arith.constant 0 : i32
      %dma_wait3A_273 = arith.constant 0 : i32
      %dma_wait3A_274 = tpu.memref_slice %arg4[%dma_wait3A_272, %dma_wait3A_273] : memref<10000x128xf32, #tpu.memory_space<hbm>> -> memref<10000x128xf32, #tpu.memory_space<hbm>>
      tpu.wait_indirect_dma semaphore(%arg19 : memref<!tpu.dma_semaphore, #tpu.memory_space<semaphore_mem>>) src(%dma_wait3A_274 : memref<10000x128xf32, #tpu.memory_space<hbm>>) dst(%arg10 : memref<80x128xf32, #tpu.memory_space<vmem>>)
      %scan3A_275 = arith.constant 0 : i32
      %scan3A_276 = arith.constant 5 : i32
      %scan3A_277 = arith.addi %scan3A_275, %scan3A_276 : i32
      %scan3A_278 = arith.constant 1 : i32
      scf.for %scan3A_538 = %scan3A_275 to %scan3A_277 step %scan3A_278  : i32 {
        %mul3A_539 = arith.constant 1 : i32
        %mul3A_540 = arith.muli %scan3A_538, %mul3A_539 : i32
        %add3A_541 = arith.constant 0 : i32
        %add3A_542 = arith.addi %add3A_541, %mul3A_540 : i32
        %mul3A_543 = arith.constant 16 : i32
        %mul3A_544 = arith.muli %add3A_542, %mul3A_543 : i32
        %get3A = arith.constant 0 : i32
        %get3A_545 = arith.index_cast %get3A : i32 to index
        %get3A_546 = arith.index_cast %mul3A_544 : i32 to index
        %get3A_547 = tpu.vector_load %arg8[%get3A_545, %get3A_546] {strides = array<i32>} : memref<6x80xf32, #tpu.memory_space<vmem>>, vector<1x16xf32>,
        %get3A_548 = vector.shape_cast %get3A_547 : vector<1x16xf32> to vector<16xf32>
        %slice3A = vector.extract_strided_slice %get3A_548 {offsets = [0], sizes = [1], strides = [1]} : vector<16xf32> to vector<1xf32>
        %squeeze3A = vector.extract %slice3A[0] : f32 from vector<1xf32>
        %broadcast_in_dim3A = vector.broadcast %squeeze3A : f32 to vector<16xf32>
        %mul3A_549 = arith.constant 16 : i32
        %mul3A_550 = arith.muli %add3A_542, %mul3A_549 : i32
        %add3A_551 = arith.constant 0 : i32
        %add3A_552 = arith.addi %mul3A_550, %add3A_551 : i32
        %swap3A = arith.index_cast %add3A_552 : i32 to index
        %swap3A_553 = arith.constant 0 : index
        %swap3A_554 = tpu.vector_load %arg9[%swap3A, %swap3A_553] {strides = array<i32>} : memref<80x16xf32, #tpu.memory_space<vmem>>, vector<1x16xf32>,
        %swap3A_555 = vector.shape_cast %swap3A_554 : vector<1x16xf32> to vector<16xf32>
        %swap3A_556 = vector.shape_cast %broadcast_in_dim3A : vector<16xf32> to vector<1x16xf32>
        tpu.vector_store %arg9[%swap3A, %swap3A_553], %swap3A_556 {strides = array<i32>} : memref<80x16xf32, #tpu.memory_space<vmem>>, vector<1x16xf32>,
        %slice3A_557 = vector.extract_strided_slice %get3A_548 {offsets = [1], sizes = [1], strides = [1]} : vector<16xf32> to vector<1xf32>
        %squeeze3A_558 = vector.extract %slice3A_557[0] : f32 from vector<1xf32>
        %broadcast_in_dim3A_559 = vector.broadcast %squeeze3A_558 : f32 to vector<16xf32>
        %mul3A_560 = arith.constant 16 : i32
        %mul3A_561 = arith.muli %add3A_542, %mul3A_560 : i32
        %add3A_562 = arith.constant 1 : i32
        %add3A_563 = arith.addi %mul3A_561, %add3A_562 : i32
        %swap3A_564 = arith.index_cast %add3A_563 : i32 to index
        %swap3A_565 = arith.constant 0 : index
        %swap3A_566 = tpu.vector_load %arg9[%swap3A_564, %swap3A_565] {strides = array<i32>} : memref<80x16xf32, #tpu.memory_space<vmem>>, vector<1x16xf32>,
        %swap3A_567 = vector.shape_cast %swap3A_566 : vector<1x16xf32> to vector<16xf32>
        %swap3A_568 = vector.shape_cast %broadcast_in_dim3A_559 : vector<16xf32> to vector<1x16xf32>
        tpu.vector_store %arg9[%swap3A_564, %swap3A_565], %swap3A_568 {strides = array<i32>} : memref<80x16xf32, #tpu.memory_space<vmem>>, vector<1x16xf32>,
        %slice3A_569 = vector.extract_strided_slice %get3A_548 {offsets = [2], sizes = [1], strides = [1]} : vector<16xf32> to vector<1xf32>
        %squeeze3A_570 = vector.extract %slice3A_569[0] : f32 from vector<1xf32>
        %broadcast_in_dim3A_571 = vector.broadcast %squeeze3A_570 : f32 to vector<16xf32>
        %mul3A_572 = arith.constant 16 : i32
        %mul3A_573 = arith.muli %add3A_542, %mul3A_572 : i32
        %add3A_574 = arith.constant 2 : i32
        %add3A_575 = arith.addi %mul3A_573, %add3A_574 : i32
        %swap3A_576 = arith.index_cast %add3A_575 : i32 to index
        %swap3A_577 = arith.constant 0 : index
        %swap3A_578 = tpu.vector_load %arg9[%swap3A_576, %swap3A_577] {strides = array<i32>} : memref<80x16xf32, #tpu.memory_space<vmem>>, vector<1x16xf32>,
        %swap3A_579 = vector.shape_cast %swap3A_578 : vector<1x16xf32> to vector<16xf32>
        %swap3A_580 = vector.shape_cast %broadcast_in_dim3A_571 : vector<16xf32> to vector<1x16xf32>
        tpu.vector_store %arg9[%swap3A_576, %swap3A_577], %swap3A_580 {strides = array<i32>} : memref<80x16xf32, #tpu.memory_space<vmem>>, vector<1x16xf32>,
        %slice3A_581 = vector.extract_strided_slice %get3A_548 {offsets = [3], sizes = [1], strides = [1]} : vector<16xf32> to vector<1xf32>
        %squeeze3A_582 = vector.extract %slice3A_581[0] : f32 from vector<1xf32>
        %broadcast_in_dim3A_583 = vector.broadcast %squeeze3A_582 : f32 to vector<16xf32>
        %mul3A_584 = arith.constant 16 : i32
        %mul3A_585 = arith.muli %add3A_542, %mul3A_584 : i32
        %add3A_586 = arith.constant 3 : i32
        %add3A_587 = arith.addi %mul3A_585, %add3A_586 : i32
        %swap3A_588 = arith.index_cast %add3A_587 : i32 to index
        %swap3A_589 = arith.constant 0 : index
        %swap3A_590 = tpu.vector_load %arg9[%swap3A_588, %swap3A_589] {strides = array<i32>} : memref<80x16xf32, #tpu.memory_space<vmem>>, vector<1x16xf32>,
        %swap3A_591 = vector.shape_cast %swap3A_590 : vector<1x16xf32> to vector<16xf32>
        %swap3A_592 = vector.shape_cast %broadcast_in_dim3A_583 : vector<16xf32> to vector<1x16xf32>
        tpu.vector_store %arg9[%swap3A_588, %swap3A_589], %swap3A_592 {strides = array<i32>} : memref<80x16xf32, #tpu.memory_space<vmem>>, vector<1x16xf32>,
        %slice3A_593 = vector.extract_strided_slice %get3A_548 {offsets = [4], sizes = [1], strides = [1]} : vector<16xf32> to vector<1xf32>
        %squeeze3A_594 = vector.extract %slice3A_593[0] : f32 from vector<1xf32>
        %broadcast_in_dim3A_595 = vector.broadcast %squeeze3A_594 : f32 to vector<16xf32>
        %mul3A_596 = arith.constant 16 : i32
        %mul3A_597 = arith.muli %add3A_542, %mul3A_596 : i32
        %add3A_598 = arith.constant 4 : i32
        %add3A_599 = arith.addi %mul3A_597, %add3A_598 : i32
        %swap3A_600 = arith.index_cast %add3A_599 : i32 to index
        %swap3A_601 = arith.constant 0 : index
        %swap3A_602 = tpu.vector_load %arg9[%swap3A_600, %swap3A_601] {strides = array<i32>} : memref<80x16xf32, #tpu.memory_space<vmem>>, vector<1x16xf32>,
        %swap3A_603 = vector.shape_cast %swap3A_602 : vector<1x16xf32> to vector<16xf32>
        %swap3A_604 = vector.shape_cast %broadcast_in_dim3A_595 : vector<16xf32> to vector<1x16xf32>
        tpu.vector_store %arg9[%swap3A_600, %swap3A_601], %swap3A_604 {strides = array<i32>} : memref<80x16xf32, #tpu.memory_space<vmem>>, vector<1x16xf32>,
        %slice3A_605 = vector.extract_strided_slice %get3A_548 {offsets = [5], sizes = [1], strides = [1]} : vector<16xf32> to vector<1xf32>
        %squeeze3A_606 = vector.extract %slice3A_605[0] : f32 from vector<1xf32>
        %broadcast_in_dim3A_607 = vector.broadcast %squeeze3A_606 : f32 to vector<16xf32>
        %mul3A_608 = arith.constant 16 : i32
        %mul3A_609 = arith.muli %add3A_542, %mul3A_608 : i32
        %add3A_610 = arith.constant 5 : i32
        %add3A_611 = arith.addi %mul3A_609, %add3A_610 : i32
        %swap3A_612 = arith.index_cast %add3A_611 : i32 to index
        %swap3A_613 = arith.constant 0 : index
        %swap3A_614 = tpu.vector_load %arg9[%swap3A_612, %swap3A_613] {strides = array<i32>} : memref<80x16xf32, #tpu.memory_space<vmem>>, vector<1x16xf32>,
        %swap3A_615 = vector.shape_cast %swap3A_614 : vector<1x16xf32> to vector<16xf32>
        %swap3A_616 = vector.shape_cast %broadcast_in_dim3A_607 : vector<16xf32> to vector<1x16xf32>
        tpu.vector_store %arg9[%swap3A_612, %swap3A_613], %swap3A_616 {strides = array<i32>} : memref<80x16xf32, #tpu.memory_space<vmem>>, vector<1x16xf32>,
        %slice3A_617 = vector.extract_strided_slice %get3A_548 {offsets = [6], sizes = [1], strides = [1]} : vector<16xf32> to vector<1xf32>
        %squeeze3A_618 = vector.extract %slice3A_617[0] : f32 from vector<1xf32>
        %broadcast_in_dim3A_619 = vector.broadcast %squeeze3A_618 : f32 to vector<16xf32>
        %mul3A_620 = arith.constant 16 : i32
        %mul3A_621 = arith.muli %add3A_542, %mul3A_620 : i32
        %add3A_622 = arith.constant 6 : i32
        %add3A_623 = arith.addi %mul3A_621, %add3A_622 : i32
        %swap3A_624 = arith.index_cast %add3A_623 : i32 to index
        %swap3A_625 = arith.constant 0 : index
        %swap3A_626 = tpu.vector_load %arg9[%swap3A_624, %swap3A_625] {strides = array<i32>} : memref<80x16xf32, #tpu.memory_space<vmem>>, vector<1x16xf32>,
        %swap3A_627 = vector.shape_cast %swap3A_626 : vector<1x16xf32> to vector<16xf32>
        %swap3A_628 = vector.shape_cast %broadcast_in_dim3A_619 : vector<16xf32> to vector<1x16xf32>
        tpu.vector_store %arg9[%swap3A_624, %swap3A_625], %swap3A_628 {strides = array<i32>} : memref<80x16xf32, #tpu.memory_space<vmem>>, vector<1x16xf32>,
        %slice3A_629 = vector.extract_strided_slice %get3A_548 {offsets = [7], sizes = [1], strides = [1]} : vector<16xf32> to vector<1xf32>
        %squeeze3A_630 = vector.extract %slice3A_629[0] : f32 from vector<1xf32>
        %broadcast_in_dim3A_631 = vector.broadcast %squeeze3A_630 : f32 to vector<16xf32>
        %mul3A_632 = arith.constant 16 : i32
        %mul3A_633 = arith.muli %add3A_542, %mul3A_632 : i32
        %add3A_634 = arith.constant 7 : i32
        %add3A_635 = arith.addi %mul3A_633, %add3A_634 : i32
        %swap3A_636 = arith.index_cast %add3A_635 : i32 to index
        %swap3A_637 = arith.constant 0 : index
        %swap3A_638 = tpu.vector_load %arg9[%swap3A_636, %swap3A_637] {strides = array<i32>} : memref<80x16xf32, #tpu.memory_space<vmem>>, vector<1x16xf32>,
        %swap3A_639 = vector.shape_cast %swap3A_638 : vector<1x16xf32> to vector<16xf32>
        %swap3A_640 = vector.shape_cast %broadcast_in_dim3A_631 : vector<16xf32> to vector<1x16xf32>
        tpu.vector_store %arg9[%swap3A_636, %swap3A_637], %swap3A_640 {strides = array<i32>} : memref<80x16xf32, #tpu.memory_space<vmem>>, vector<1x16xf32>,
        %slice3A_641 = vector.extract_strided_slice %get3A_548 {offsets = [8], sizes = [1], strides = [1]} : vector<16xf32> to vector<1xf32>
        %squeeze3A_642 = vector.extract %slice3A_641[0] : f32 from vector<1xf32>
        %broadcast_in_dim3A_643 = vector.broadcast %squeeze3A_642 : f32 to vector<16xf32>
        %mul3A_644 = arith.constant 16 : i32
        %mul3A_645 = arith.muli %add3A_542, %mul3A_644 : i32
        %add3A_646 = arith.constant 8 : i32
        %add3A_647 = arith.addi %mul3A_645, %add3A_646 : i32
        %swap3A_648 = arith.index_cast %add3A_647 : i32 to index
        %swap3A_649 = arith.constant 0 : index
        %swap3A_650 = tpu.vector_load %arg9[%swap3A_648, %swap3A_649] {strides = array<i32>} : memref<80x16xf32, #tpu.memory_space<vmem>>, vector<1x16xf32>,
        %swap3A_651 = vector.shape_cast %swap3A_650 : vector<1x16xf32> to vector<16xf32>
        %swap3A_652 = vector.shape_cast %broadcast_in_dim3A_643 : vector<16xf32> to vector<1x16xf32>
        tpu.vector_store %arg9[%swap3A_648, %swap3A_649], %swap3A_652 {strides = array<i32>} : memref<80x16xf32, #tpu.memory_space<vmem>>, vector<1x16xf32>,
        %slice3A_653 = vector.extract_strided_slice %get3A_548 {offsets = [9], sizes = [1], strides = [1]} : vector<16xf32> to vector<1xf32>
        %squeeze3A_654 = vector.extract %slice3A_653[0] : f32 from vector<1xf32>
        %broadcast_in_dim3A_655 = vector.broadcast %squeeze3A_654 : f32 to vector<16xf32>
        %mul3A_656 = arith.constant 16 : i32
        %mul3A_657 = arith.muli %add3A_542, %mul3A_656 : i32
        %add3A_658 = arith.constant 9 : i32
        %add3A_659 = arith.addi %mul3A_657, %add3A_658 : i32
        %swap3A_660 = arith.index_cast %add3A_659 : i32 to index
        %swap3A_661 = arith.constant 0 : index
        %swap3A_662 = tpu.vector_load %arg9[%swap3A_660, %swap3A_661] {strides = array<i32>} : memref<80x16xf32, #tpu.memory_space<vmem>>, vector<1x16xf32>,
        %swap3A_663 = vector.shape_cast %swap3A_662 : vector<1x16xf32> to vector<16xf32>
        %swap3A_664 = vector.shape_cast %broadcast_in_dim3A_655 : vector<16xf32> to vector<1x16xf32>
        tpu.vector_store %arg9[%swap3A_660, %swap3A_661], %swap3A_664 {strides = array<i32>} : memref<80x16xf32, #tpu.memory_space<vmem>>, vector<1x16xf32>,
        %slice3A_665 = vector.extract_strided_slice %get3A_548 {offsets = [10], sizes = [1], strides = [1]} : vector<16xf32> to vector<1xf32>
        %squeeze3A_666 = vector.extract %slice3A_665[0] : f32 from vector<1xf32>
        %broadcast_in_dim3A_667 = vector.broadcast %squeeze3A_666 : f32 to vector<16xf32>
        %mul3A_668 = arith.constant 16 : i32
        %mul3A_669 = arith.muli %add3A_542, %mul3A_668 : i32
        %add3A_670 = arith.constant 10 : i32
        %add3A_671 = arith.addi %mul3A_669, %add3A_670 : i32
        %swap3A_672 = arith.index_cast %add3A_671 : i32 to index
        %swap3A_673 = arith.constant 0 : index
        %swap3A_674 = tpu.vector_load %arg9[%swap3A_672, %swap3A_673] {strides = array<i32>} : memref<80x16xf32, #tpu.memory_space<vmem>>, vector<1x16xf32>,
        %swap3A_675 = vector.shape_cast %swap3A_674 : vector<1x16xf32> to vector<16xf32>
        %swap3A_676 = vector.shape_cast %broadcast_in_dim3A_667 : vector<16xf32> to vector<1x16xf32>
        tpu.vector_store %arg9[%swap3A_672, %swap3A_673], %swap3A_676 {strides = array<i32>} : memref<80x16xf32, #tpu.memory_space<vmem>>, vector<1x16xf32>,
        %slice3A_677 = vector.extract_strided_slice %get3A_548 {offsets = [11], sizes = [1], strides = [1]} : vector<16xf32> to vector<1xf32>
        %squeeze3A_678 = vector.extract %slice3A_677[0] : f32 from vector<1xf32>
        %broadcast_in_dim3A_679 = vector.broadcast %squeeze3A_678 : f32 to vector<16xf32>
        %mul3A_680 = arith.constant 16 : i32
        %mul3A_681 = arith.muli %add3A_542, %mul3A_680 : i32
        %add3A_682 = arith.constant 11 : i32
        %add3A_683 = arith.addi %mul3A_681, %add3A_682 : i32
        %swap3A_684 = arith.index_cast %add3A_683 : i32 to index
        %swap3A_685 = arith.constant 0 : index
        %swap3A_686 = tpu.vector_load %arg9[%swap3A_684, %swap3A_685] {strides = array<i32>} : memref<80x16xf32, #tpu.memory_space<vmem>>, vector<1x16xf32>,
        %swap3A_687 = vector.shape_cast %swap3A_686 : vector<1x16xf32> to vector<16xf32>
        %swap3A_688 = vector.shape_cast %broadcast_in_dim3A_679 : vector<16xf32> to vector<1x16xf32>
        tpu.vector_store %arg9[%swap3A_684, %swap3A_685], %swap3A_688 {strides = array<i32>} : memref<80x16xf32, #tpu.memory_space<vmem>>, vector<1x16xf32>,
        %slice3A_689 = vector.extract_strided_slice %get3A_548 {offsets = [12], sizes = [1], strides = [1]} : vector<16xf32> to vector<1xf32>
        %squeeze3A_690 = vector.extract %slice3A_689[0] : f32 from vector<1xf32>
        %broadcast_in_dim3A_691 = vector.broadcast %squeeze3A_690 : f32 to vector<16xf32>
        %mul3A_692 = arith.constant 16 : i32
        %mul3A_693 = arith.muli %add3A_542, %mul3A_692 : i32
        %add3A_694 = arith.constant 12 : i32
        %add3A_695 = arith.addi %mul3A_693, %add3A_694 : i32
        %swap3A_696 = arith.index_cast %add3A_695 : i32 to index
        %swap3A_697 = arith.constant 0 : index
        %swap3A_698 = tpu.vector_load %arg9[%swap3A_696, %swap3A_697] {strides = array<i32>} : memref<80x16xf32, #tpu.memory_space<vmem>>, vector<1x16xf32>,
        %swap3A_699 = vector.shape_cast %swap3A_698 : vector<1x16xf32> to vector<16xf32>
        %swap3A_700 = vector.shape_cast %broadcast_in_dim3A_691 : vector<16xf32> to vector<1x16xf32>
        tpu.vector_store %arg9[%swap3A_696, %swap3A_697], %swap3A_700 {strides = array<i32>} : memref<80x16xf32, #tpu.memory_space<vmem>>, vector<1x16xf32>,
        %slice3A_701 = vector.extract_strided_slice %get3A_548 {offsets = [13], sizes = [1], strides = [1]} : vector<16xf32> to vector<1xf32>
        %squeeze3A_702 = vector.extract %slice3A_701[0] : f32 from vector<1xf32>
        %broadcast_in_dim3A_703 = vector.broadcast %squeeze3A_702 : f32 to vector<16xf32>
        %mul3A_704 = arith.constant 16 : i32
        %mul3A_705 = arith.muli %add3A_542, %mul3A_704 : i32
        %add3A_706 = arith.constant 13 : i32
        %add3A_707 = arith.addi %mul3A_705, %add3A_706 : i32
        %swap3A_708 = arith.index_cast %add3A_707 : i32 to index
        %swap3A_709 = arith.constant 0 : index
        %swap3A_710 = tpu.vector_load %arg9[%swap3A_708, %swap3A_709] {strides = array<i32>} : memref<80x16xf32, #tpu.memory_space<vmem>>, vector<1x16xf32>,
        %swap3A_711 = vector.shape_cast %swap3A_710 : vector<1x16xf32> to vector<16xf32>
        %swap3A_712 = vector.shape_cast %broadcast_in_dim3A_703 : vector<16xf32> to vector<1x16xf32>
        tpu.vector_store %arg9[%swap3A_708, %swap3A_709], %swap3A_712 {strides = array<i32>} : memref<80x16xf32, #tpu.memory_space<vmem>>, vector<1x16xf32>,
        %slice3A_713 = vector.extract_strided_slice %get3A_548 {offsets = [14], sizes = [1], strides = [1]} : vector<16xf32> to vector<1xf32>
        %squeeze3A_714 = vector.extract %slice3A_713[0] : f32 from vector<1xf32>
        %broadcast_in_dim3A_715 = vector.broadcast %squeeze3A_714 : f32 to vector<16xf32>
        %mul3A_716 = arith.constant 16 : i32
        %mul3A_717 = arith.muli %add3A_542, %mul3A_716 : i32
        %add3A_718 = arith.constant 14 : i32
        %add3A_719 = arith.addi %mul3A_717, %add3A_718 : i32
        %swap3A_720 = arith.index_cast %add3A_719 : i32 to index
        %swap3A_721 = arith.constant 0 : index
        %swap3A_722 = tpu.vector_load %arg9[%swap3A_720, %swap3A_721] {strides = array<i32>} : memref<80x16xf32, #tpu.memory_space<vmem>>, vector<1x16xf32>,
        %swap3A_723 = vector.shape_cast %swap3A_722 : vector<1x16xf32> to vector<16xf32>
        %swap3A_724 = vector.shape_cast %broadcast_in_dim3A_715 : vector<16xf32> to vector<1x16xf32>
        tpu.vector_store %arg9[%swap3A_720, %swap3A_721], %swap3A_724 {strides = array<i32>} : memref<80x16xf32, #tpu.memory_space<vmem>>, vector<1x16xf32>,
        %slice3A_725 = vector.extract_strided_slice %get3A_548 {offsets = [15], sizes = [1], strides = [1]} : vector<16xf32> to vector<1xf32>
        %squeeze3A_726 = vector.extract %slice3A_725[0] : f32 from vector<1xf32>
        %broadcast_in_dim3A_727 = vector.broadcast %squeeze3A_726 : f32 to vector<16xf32>
        %mul3A_728 = arith.constant 16 : i32
        %mul3A_729 = arith.muli %add3A_542, %mul3A_728 : i32
        %add3A_730 = arith.constant 15 : i32
        %add3A_731 = arith.addi %mul3A_729, %add3A_730 : i32
        %swap3A_732 = arith.index_cast %add3A_731 : i32 to index
        %swap3A_733 = arith.constant 0 : index
        %swap3A_734 = tpu.vector_load %arg9[%swap3A_732, %swap3A_733] {strides = array<i32>} : memref<80x16xf32, #tpu.memory_space<vmem>>, vector<1x16xf32>,
        %swap3A_735 = vector.shape_cast %swap3A_734 : vector<1x16xf32> to vector<16xf32>
        %swap3A_736 = vector.shape_cast %broadcast_in_dim3A_727 : vector<16xf32> to vector<1x16xf32>
        tpu.vector_store %arg9[%swap3A_732, %swap3A_733], %swap3A_736 {strides = array<i32>} : memref<80x16xf32, #tpu.memory_space<vmem>>, vector<1x16xf32>,
      }
      %scan3A_279 = arith.constant 5 : i32
      %scan3A_280 = arith.constant 0 : i32
      %scan3A_281 = arith.constant 80 : i32
      %scan3A_282 = arith.addi %scan3A_280, %scan3A_281 : i32
      %scan3A_283 = arith.constant 1 : i32
      scf.for %scan3A_538 = %scan3A_280 to %scan3A_282 step %scan3A_283  : i32 {
        %mul3A_539 = arith.constant 1 : i32
        %mul3A_540 = arith.muli %scan3A_538, %mul3A_539 : i32
        %add3A_541 = arith.constant 0 : i32
        %add3A_542 = arith.addi %add3A_541, %mul3A_540 : i32
        %get3A = arith.index_cast %add3A_542 : i32 to index
        %get3A_543 = arith.constant 0 : index
        %get3A_544 = tpu.vector_load %arg9[%get3A, %get3A_543] {strides = array<i32>} : memref<80x16xf32, #tpu.memory_space<vmem>>, vector<1x16xf32>,
        %get3A_545 = vector.shape_cast %get3A_544 : vector<1x16xf32> to vector<16xf32>
        %get3A_546 = arith.index_cast %add3A_542 : i32 to index
        %get3A_547 = arith.constant 0 : index
        %get3A_548 = tpu.vector_load %arg10[%get3A_546, %get3A_547] {strides = array<i32>} : memref<80x128xf32, #tpu.memory_space<vmem>>, vector<1x16xf32>,
        %get3A_549 = vector.shape_cast %get3A_548 : vector<1x16xf32> to vector<16xf32>
        %mul3A_550 = arith.mulf %get3A_549, %get3A_545 : vector<16xf32>
        %swap3A = arith.index_cast %add3A_542 : i32 to index
        %swap3A_551 = arith.constant 0 : index
        %swap3A_552 = tpu.vector_load %arg10[%swap3A, %swap3A_551] {strides = array<i32>} : memref<80x128xf32, #tpu.memory_space<vmem>>, vector<1x16xf32>,
        %swap3A_553 = vector.shape_cast %swap3A_552 : vector<1x16xf32> to vector<16xf32>
        %swap3A_554 = vector.shape_cast %mul3A_550 : vector<16xf32> to vector<1x16xf32>
        tpu.vector_store %arg10[%swap3A, %swap3A_551], %swap3A_554 {strides = array<i32>} : memref<80x128xf32, #tpu.memory_space<vmem>>, vector<1x16xf32>,
        %get3A_555 = arith.index_cast %add3A_542 : i32 to index
        %get3A_556 = arith.constant 16 : index
        %get3A_557 = tpu.vector_load %arg10[%get3A_555, %get3A_556] {strides = array<i32>} : memref<80x128xf32, #tpu.memory_space<vmem>>, vector<1x16xf32>,
        %get3A_558 = vector.shape_cast %get3A_557 : vector<1x16xf32> to vector<16xf32>
        %mul3A_559 = arith.mulf %get3A_558, %get3A_545 : vector<16xf32>
        %swap3A_560 = arith.index_cast %add3A_542 : i32 to index
        %swap3A_561 = arith.constant 16 : index
        %swap3A_562 = tpu.vector_load %arg10[%swap3A_560, %swap3A_561] {strides = array<i32>} : memref<80x128xf32, #tpu.memory_space<vmem>>, vector<1x16xf32>,
        %swap3A_563 = vector.shape_cast %swap3A_562 : vector<1x16xf32> to vector<16xf32>
        %swap3A_564 = vector.shape_cast %mul3A_559 : vector<16xf32> to vector<1x16xf32>
        tpu.vector_store %arg10[%swap3A_560, %swap3A_561], %swap3A_564 {strides = array<i32>} : memref<80x128xf32, #tpu.memory_space<vmem>>, vector<1x16xf32>,
        %get3A_565 = arith.index_cast %add3A_542 : i32 to index
        %get3A_566 = arith.constant 32 : index
        %get3A_567 = tpu.vector_load %arg10[%get3A_565, %get3A_566] {strides = array<i32>} : memref<80x128xf32, #tpu.memory_space<vmem>>, vector<1x16xf32>,
        %get3A_568 = vector.shape_cast %get3A_567 : vector<1x16xf32> to vector<16xf32>
        %mul3A_569 = arith.mulf %get3A_568, %get3A_545 : vector<16xf32>
        %swap3A_570 = arith.index_cast %add3A_542 : i32 to index
        %swap3A_571 = arith.constant 32 : index
        %swap3A_572 = tpu.vector_load %arg10[%swap3A_570, %swap3A_571] {strides = array<i32>} : memref<80x128xf32, #tpu.memory_space<vmem>>, vector<1x16xf32>,
        %swap3A_573 = vector.shape_cast %swap3A_572 : vector<1x16xf32> to vector<16xf32>
        %swap3A_574 = vector.shape_cast %mul3A_569 : vector<16xf32> to vector<1x16xf32>
        tpu.vector_store %arg10[%swap3A_570, %swap3A_571], %swap3A_574 {strides = array<i32>} : memref<80x128xf32, #tpu.memory_space<vmem>>, vector<1x16xf32>,
        %get3A_575 = arith.index_cast %add3A_542 : i32 to index
        %get3A_576 = arith.constant 48 : index
        %get3A_577 = tpu.vector_load %arg10[%get3A_575, %get3A_576] {strides = array<i32>} : memref<80x128xf32, #tpu.memory_space<vmem>>, vector<1x16xf32>,
        %get3A_578 = vector.shape_cast %get3A_577 : vector<1x16xf32> to vector<16xf32>
        %mul3A_579 = arith.mulf %get3A_578, %get3A_545 : vector<16xf32>
        %swap3A_580 = arith.index_cast %add3A_542 : i32 to index
        %swap3A_581 = arith.constant 48 : index
        %swap3A_582 = tpu.vector_load %arg10[%swap3A_580, %swap3A_581] {strides = array<i32>} : memref<80x128xf32, #tpu.memory_space<vmem>>, vector<1x16xf32>,
        %swap3A_583 = vector.shape_cast %swap3A_582 : vector<1x16xf32> to vector<16xf32>
        %swap3A_584 = vector.shape_cast %mul3A_579 : vector<16xf32> to vector<1x16xf32>
        tpu.vector_store %arg10[%swap3A_580, %swap3A_581], %swap3A_584 {strides = array<i32>} : memref<80x128xf32, #tpu.memory_space<vmem>>, vector<1x16xf32>,
        %get3A_585 = arith.index_cast %add3A_542 : i32 to index
        %get3A_586 = arith.constant 64 : index
        %get3A_587 = tpu.vector_load %arg10[%get3A_585, %get3A_586] {strides = array<i32>} : memref<80x128xf32, #tpu.memory_space<vmem>>, vector<1x16xf32>,
        %get3A_588 = vector.shape_cast %get3A_587 : vector<1x16xf32> to vector<16xf32>
        %mul3A_589 = arith.mulf %get3A_588, %get3A_545 : vector<16xf32>
        %swap3A_590 = arith.index_cast %add3A_542 : i32 to index
        %swap3A_591 = arith.constant 64 : index
        %swap3A_592 = tpu.vector_load %arg10[%swap3A_590, %swap3A_591] {strides = array<i32>} : memref<80x128xf32, #tpu.memory_space<vmem>>, vector<1x16xf32>,
        %swap3A_593 = vector.shape_cast %swap3A_592 : vector<1x16xf32> to vector<16xf32>
        %swap3A_594 = vector.shape_cast %mul3A_589 : vector<16xf32> to vector<1x16xf32>
        tpu.vector_store %arg10[%swap3A_590, %swap3A_591], %swap3A_594 {strides = array<i32>} : memref<80x128xf32, #tpu.memory_space<vmem>>, vector<1x16xf32>,
        %get3A_595 = arith.index_cast %add3A_542 : i32 to index
        %get3A_596 = arith.constant 80 : index
        %get3A_597 = tpu.vector_load %arg10[%get3A_595, %get3A_596] {strides = array<i32>} : memref<80x128xf32, #tpu.memory_space<vmem>>, vector<1x16xf32>,
        %get3A_598 = vector.shape_cast %get3A_597 : vector<1x16xf32> to vector<16xf32>
        %mul3A_599 = arith.mulf %get3A_598, %get3A_545 : vector<16xf32>
        %swap3A_600 = arith.index_cast %add3A_542 : i32 to index
        %swap3A_601 = arith.constant 80 : index
        %swap3A_602 = tpu.vector_load %arg10[%swap3A_600, %swap3A_601] {strides = array<i32>} : memref<80x128xf32, #tpu.memory_space<vmem>>, vector<1x16xf32>,
        %swap3A_603 = vector.shape_cast %swap3A_602 : vector<1x16xf32> to vector<16xf32>
        %swap3A_604 = vector.shape_cast %mul3A_599 : vector<16xf32> to vector<1x16xf32>
        tpu.vector_store %arg10[%swap3A_600, %swap3A_601], %swap3A_604 {strides = array<i32>} : memref<80x128xf32, #tpu.memory_space<vmem>>, vector<1x16xf32>,
        %get3A_605 = arith.index_cast %add3A_542 : i32 to index
        %get3A_606 = arith.constant 96 : index
        %get3A_607 = tpu.vector_load %arg10[%get3A_605, %get3A_606] {strides = array<i32>} : memref<80x128xf32, #tpu.memory_space<vmem>>, vector<1x16xf32>,
        %get3A_608 = vector.shape_cast %get3A_607 : vector<1x16xf32> to vector<16xf32>
        %mul3A_609 = arith.mulf %get3A_608, %get3A_545 : vector<16xf32>
        %swap3A_610 = arith.index_cast %add3A_542 : i32 to index
        %swap3A_611 = arith.constant 96 : index
        %swap3A_612 = tpu.vector_load %arg10[%swap3A_610, %swap3A_611] {strides = array<i32>} : memref<80x128xf32, #tpu.memory_space<vmem>>, vector<1x16xf32>,
        %swap3A_613 = vector.shape_cast %swap3A_612 : vector<1x16xf32> to vector<16xf32>
        %swap3A_614 = vector.shape_cast %mul3A_609 : vector<16xf32> to vector<1x16xf32>
        tpu.vector_store %arg10[%swap3A_610, %swap3A_611], %swap3A_614 {strides = array<i32>} : memref<80x128xf32, #tpu.memory_space<vmem>>, vector<1x16xf32>,
        %get3A_615 = arith.index_cast %add3A_542 : i32 to index
        %get3A_616 = arith.constant 112 : index
        %get3A_617 = tpu.vector_load %arg10[%get3A_615, %get3A_616] {strides = array<i32>} : memref<80x128xf32, #tpu.memory_space<vmem>>, vector<1x16xf32>,
        %get3A_618 = vector.shape_cast %get3A_617 : vector<1x16xf32> to vector<16xf32>
        %mul3A_619 = arith.mulf %get3A_618, %get3A_545 : vector<16xf32>
        %swap3A_620 = arith.index_cast %add3A_542 : i32 to index
        %swap3A_621 = arith.constant 112 : index
        %swap3A_622 = tpu.vector_load %arg10[%swap3A_620, %swap3A_621] {strides = array<i32>} : memref<80x128xf32, #tpu.memory_space<vmem>>, vector<1x16xf32>,
        %swap3A_623 = vector.shape_cast %swap3A_622 : vector<1x16xf32> to vector<16xf32>
        %swap3A_624 = vector.shape_cast %mul3A_619 : vector<16xf32> to vector<1x16xf32>
        tpu.vector_store %arg10[%swap3A_620, %swap3A_621], %swap3A_624 {strides = array<i32>} : memref<80x128xf32, #tpu.memory_space<vmem>>, vector<1x16xf32>,
      }
      %scan3A_284 = arith.constant 80 : i32
      %dma_start3A_285 = arith.constant 0 : i32
      %dma_start3A_286 = arith.constant 1 : i32
      %dma_start3A_287 = arith.constant 0 : i32
      %dma_start3A_288 = tpu.memref_slice %arg7[%dma_start3A_285, %dma_start3A_286, %dma_start3A_287] : memref<6x2x80xi32, #tpu.memory_space<vmem>> -> memref<1x1x80xi32, #tpu.memory_space<vmem>>
      %dma_start3A_289 = tpu.memref_squeeze %dma_start3A_288 : memref<1x1x80xi32, #tpu.memory_space<vmem>> -> memref<80xi32, #tpu.memory_space<vmem>>
      %dma_start3A_290 = arith.constant 0 : i32
      %dma_start3A_291 = arith.constant 0 : i32
      %dma_start3A_292 = tpu.memref_slice %arg6[%dma_start3A_290, %dma_start3A_291] : memref<10240x128xf32, #tpu.memory_space<vmem_shared>> -> memref<10240x128xf32, #tpu.memory_space<vmem_shared>>
      tpu.enqueue_indirect_dma source(%arg10 : memref<80x128xf32, #tpu.memory_space<vmem>>) target(%dma_start3A_292 : memref<10240x128xf32, #tpu.memory_space<vmem_shared>>) offsets(%dma_start3A_289 : memref<80xi32, #tpu.memory_space<vmem>>) semaphore(%arg22 : memref<!tpu.dma_semaphore, #tpu.memory_space<semaphore_mem>>) {add = true}
      %mul3A_293 = arith.constant 6 : i32
      %mul3A_294 = arith.muli %add3A_247, %mul3A_293 : i32
      %add3A_295 = arith.constant 1 : i32
      %add3A_296 = arith.addi %mul3A_294, %add3A_295 : i32
      %ge3A_297 = arith.constant 1 : i32
      %ge3A_298 = arith.cmpi sge, %add3A_296, %ge3A_297 : i32
      %convert_element_type3A_299 = arith.extui %ge3A_298 : i1 to i32
      %cond3A_300 = arith.constant 0 : i32
      %cond3A_301 = arith.cmpi ne, %convert_element_type3A_299, %cond3A_300 : i32
      scf.if %cond3A_301 {
        %dma_wait3A_538 = arith.constant 0 : i32
        %dma_wait3A_539 = arith.constant 1 : i32
        %dma_wait3A_540 = arith.constant 0 : i32
        %dma_wait3A_541 = tpu.memref_slice %arg7[%dma_wait3A_538, %dma_wait3A_539, %dma_wait3A_540] : memref<6x2x80xi32, #tpu.memory_space<vmem>> -> memref<1x1x80xi32, #tpu.memory_space<vmem>>
        %dma_wait3A_542 = tpu.memref_squeeze %dma_wait3A_541 : memref<1x1x80xi32, #tpu.memory_space<vmem>> -> memref<80xi32, #tpu.memory_space<vmem>>
        %dma_wait3A_543 = arith.constant 0 : i32
        %dma_wait3A_544 = arith.constant 0 : i32
        %dma_wait3A_545 = tpu.memref_slice %arg6[%dma_wait3A_543, %dma_wait3A_544] : memref<10240x128xf32, #tpu.memory_space<vmem_shared>> -> memref<10240x128xf32, #tpu.memory_space<vmem_shared>>
        tpu.wait_indirect_dma semaphore(%arg22 : memref<!tpu.dma_semaphore, #tpu.memory_space<semaphore_mem>>) src(%arg10 : memref<80x128xf32, #tpu.memory_space<vmem>>) dst(%dma_wait3A_545 : memref<10240x128xf32, #tpu.memory_space<vmem_shared>>)
      } else {
      }
      %add3A_302 = arith.constant 4 : i32
      %add3A_303 = arith.addi %add3A_296, %add3A_302 : i32
      %lt3A_304 = arith.constant 126 : i32
      %lt3A_305 = arith.cmpi slt, %add3A_303, %lt3A_304 : i32
      %convert_element_type3A_306 = arith.extui %lt3A_305 : i1 to i32
      %cond3A_307 = arith.constant 0 : i32
      %cond3A_308 = arith.cmpi ne, %convert_element_type3A_306, %cond3A_307 : i32
      scf.if %cond3A_308 {
        %add3A_538 = arith.constant 4 : i32
        %add3A_539 = arith.addi %add3A_296, %add3A_538 : i32
        %dma_start3A_540 = arith.constant 5 : i32
        %dma_start3A_541 = arith.constant 0 : i32
        %dma_start3A_542 = arith.constant 0 : i32
        %dma_start3A_543 = tpu.memref_slice %arg7[%dma_start3A_540, %dma_start3A_541, %dma_start3A_542] : memref<6x2x80xi32, #tpu.memory_space<vmem>> -> memref<1x2x80xi32, #tpu.memory_space<vmem>>
        %dma_start3A_544 = tpu.memref_squeeze %dma_start3A_543 : memref<1x2x80xi32, #tpu.memory_space<vmem>> -> memref<2x80xi32, #tpu.memory_space<vmem>>
        %dma_start3A_545 = arith.constant 0 : i32
        %dma_start3A_546 = arith.constant 0 : i32
        %dma_start3A_547 = tpu.memref_slice %arg2[%add3A, %add3A_539, %dma_start3A_545, %dma_start3A_546] : memref<32x126x2x80xi32, #tpu.memory_space<hbm>> -> memref<1x1x2x80xi32, #tpu.memory_space<hbm>>
        %dma_start3A_548 = tpu.memref_squeeze %dma_start3A_547 : memref<1x1x2x80xi32, #tpu.memory_space<hbm>> -> memref<2x80xi32, #tpu.memory_space<hbm>>
        %dma_start3A_549 = arith.constant 0 : i32
        %dma_start3A_550 = arith.constant 0 : i32
        %dma_start3A_551 = tpu.memref_slice %arg7[%dma_start3A_540, %dma_start3A_549, %dma_start3A_550] : memref<6x2x80xi32, #tpu.memory_space<vmem>> -> memref<1x2x80xi32, #tpu.memory_space<vmem>>
        %dma_start3A_552 = tpu.memref_squeeze %dma_start3A_551 : memref<1x2x80xi32, #tpu.memory_space<vmem>> -> memref<2x80xi32, #tpu.memory_space<vmem>>
        %dma_start3A_553 = arith.constant 0 : i32
        %dma_start3A_554 = arith.constant 0 : i32
        %dma_start3A_555 = tpu.memref_slice %arg2[%add3A, %add3A_539, %dma_start3A_553, %dma_start3A_554] : memref<32x126x2x80xi32, #tpu.memory_space<hbm>> -> memref<1x1x2x80xi32, #tpu.memory_space<hbm>>
        %dma_start3A_556 = tpu.memref_squeeze %dma_start3A_555 : memref<1x1x2x80xi32, #tpu.memory_space<hbm>> -> memref<2x80xi32, #tpu.memory_space<hbm>>
        tpu.enqueue_dma source(%dma_start3A_556 : memref<2x80xi32, #tpu.memory_space<hbm>>) target(%dma_start3A_552 : memref<2x80xi32, #tpu.memory_space<vmem>>) target_semaphore(%arg18 : memref<!tpu.dma_semaphore, #tpu.memory_space<semaphore_mem>>)
        %dma_start3A_557 = arith.constant 5 : i32
        %dma_start3A_558 = arith.constant 0 : i32
        %dma_start3A_559 = tpu.memref_slice %arg8[%dma_start3A_557, %dma_start3A_558] : memref<6x80xf32, #tpu.memory_space<vmem>> -> memref<1x80xf32, #tpu.memory_space<vmem>>
        %dma_start3A_560 = tpu.memref_squeeze %dma_start3A_559 : memref<1x80xf32, #tpu.memory_space<vmem>> -> memref<80xf32, #tpu.memory_space<vmem>>
        %dma_start3A_561 = arith.constant 0 : i32
        %dma_start3A_562 = tpu.memref_slice %arg3[%add3A, %add3A_539, %dma_start3A_561] : memref<32x126x80xf32, #tpu.memory_space<hbm>> -> memref<1x1x80xf32, #tpu.memory_space<hbm>>
        %dma_start3A_563 = tpu.memref_squeeze %dma_start3A_562 : memref<1x1x80xf32, #tpu.memory_space<hbm>> -> memref<80xf32, #tpu.memory_space<hbm>>
        %dma_start3A_564 = arith.constant 0 : i32
        %dma_start3A_565 = tpu.memref_slice %arg8[%dma_start3A_557, %dma_start3A_564] : memref<6x80xf32, #tpu.memory_space<vmem>> -> memref<1x80xf32, #tpu.memory_space<vmem>>
        %dma_start3A_566 = tpu.memref_squeeze %dma_start3A_565 : memref<1x80xf32, #tpu.memory_space<vmem>> -> memref<80xf32, #tpu.memory_space<vmem>>
        %dma_start3A_567 = arith.constant 0 : i32
        %dma_start3A_568 = tpu.memref_slice %arg3[%add3A, %add3A_539, %dma_start3A_567] : memref<32x126x80xf32, #tpu.memory_space<hbm>> -> memref<1x1x80xf32, #tpu.memory_space<hbm>>
        %dma_start3A_569 = tpu.memref_squeeze %dma_start3A_568 : memref<1x1x80xf32, #tpu.memory_space<hbm>> -> memref<80xf32, #tpu.memory_space<hbm>>
        tpu.enqueue_dma source(%dma_start3A_569 : memref<80xf32, #tpu.memory_space<hbm>>) target(%dma_start3A_566 : memref<80xf32, #tpu.memory_space<vmem>>) target_semaphore(%arg18 : memref<!tpu.dma_semaphore, #tpu.memory_space<semaphore_mem>>)
      } else {
      }
      %add3A_309 = arith.constant 2 : i32
      %add3A_310 = arith.addi %add3A_296, %add3A_309 : i32
      %lt3A_311 = arith.constant 126 : i32
      %lt3A_312 = arith.cmpi slt, %add3A_310, %lt3A_311 : i32
      %convert_element_type3A_313 = arith.extui %lt3A_312 : i1 to i32
      %cond3A_314 = arith.constant 0 : i32
      %cond3A_315 = arith.cmpi ne, %convert_element_type3A_313, %cond3A_314 : i32
      scf.if %cond3A_315 {
        %dma_wait3A_538 = arith.constant 0 : i32
        %dma_wait3A_539 = arith.constant 3 : i32
        %dma_wait3A_540 = arith.constant 0 : i32
        %dma_wait3A_541 = arith.constant 0 : i32
        %dma_wait3A_542 = tpu.memref_slice %arg7[%dma_wait3A_539, %dma_wait3A_540, %dma_wait3A_541] : memref<6x2x80xi32, #tpu.memory_space<vmem>> -> memref<1x2x80xi32, #tpu.memory_space<vmem>>
        %dma_wait3A_543 = tpu.memref_squeeze %dma_wait3A_542 : memref<1x2x80xi32, #tpu.memory_space<vmem>> -> memref<2x80xi32, #tpu.memory_space<vmem>>
        %dma_wait3A_544 = arith.constant 0 : i32
        %dma_wait3A_545 = arith.constant 0 : i32
        %dma_wait3A_546 = tpu.memref_slice %arg2[%add3A, %dma_wait3A_538, %dma_wait3A_544, %dma_wait3A_545] : memref<32x126x2x80xi32, #tpu.memory_space<hbm>> -> memref<1x1x2x80xi32, #tpu.memory_space<hbm>>
        %dma_wait3A_547 = tpu.memref_squeeze %dma_wait3A_546 : memref<1x1x2x80xi32, #tpu.memory_space<hbm>> -> memref<2x80xi32, #tpu.memory_space<hbm>>
        %dma_wait3A_548 = arith.constant 0 : i32
        %dma_wait3A_549 = arith.constant 0 : i32
        %dma_wait3A_550 = tpu.memref_slice %arg7[%dma_wait3A_539, %dma_wait3A_548, %dma_wait3A_549] : memref<6x2x80xi32, #tpu.memory_space<vmem>> -> memref<1x2x80xi32, #tpu.memory_space<vmem>>
        %dma_wait3A_551 = tpu.memref_squeeze %dma_wait3A_550 : memref<1x2x80xi32, #tpu.memory_space<vmem>> -> memref<2x80xi32, #tpu.memory_space<vmem>>
        %dma_wait3A_552 = arith.constant 0 : i32
        %dma_wait3A_553 = arith.constant 0 : i32
        %dma_wait3A_554 = tpu.memref_slice %arg2[%add3A, %dma_wait3A_538, %dma_wait3A_552, %dma_wait3A_553] : memref<32x126x2x80xi32, #tpu.memory_space<hbm>> -> memref<1x1x2x80xi32, #tpu.memory_space<hbm>>
        %dma_wait3A_555 = tpu.memref_squeeze %dma_wait3A_554 : memref<1x1x2x80xi32, #tpu.memory_space<hbm>> -> memref<2x80xi32, #tpu.memory_space<hbm>>
        tpu.wait_dma2 semaphore(%arg16 : memref<!tpu.dma_semaphore, #tpu.memory_space<semaphore_mem>>) src(%dma_wait3A_555 : memref<2x80xi32, #tpu.memory_space<hbm>>) dst(%dma_wait3A_551 : memref<2x80xi32, #tpu.memory_space<vmem>>)
        %dma_wait3A_556 = arith.constant 0 : i32
        %dma_wait3A_557 = arith.constant 3 : i32
        %dma_wait3A_558 = arith.constant 0 : i32
        %dma_wait3A_559 = tpu.memref_slice %arg8[%dma_wait3A_557, %dma_wait3A_558] : memref<6x80xf32, #tpu.memory_space<vmem>> -> memref<1x80xf32, #tpu.memory_space<vmem>>
        %dma_wait3A_560 = tpu.memref_squeeze %dma_wait3A_559 : memref<1x80xf32, #tpu.memory_space<vmem>> -> memref<80xf32, #tpu.memory_space<vmem>>
        %dma_wait3A_561 = arith.constant 0 : i32
        %dma_wait3A_562 = tpu.memref_slice %arg3[%add3A, %dma_wait3A_556, %dma_wait3A_561] : memref<32x126x80xf32, #tpu.memory_space<hbm>> -> memref<1x1x80xf32, #tpu.memory_space<hbm>>
        %dma_wait3A_563 = tpu.memref_squeeze %dma_wait3A_562 : memref<1x1x80xf32, #tpu.memory_space<hbm>> -> memref<80xf32, #tpu.memory_space<hbm>>
        %dma_wait3A_564 = arith.constant 0 : i32
        %dma_wait3A_565 = tpu.memref_slice %arg8[%dma_wait3A_557, %dma_wait3A_564] : memref<6x80xf32, #tpu.memory_space<vmem>> -> memref<1x80xf32, #tpu.memory_space<vmem>>
        %dma_wait3A_566 = tpu.memref_squeeze %dma_wait3A_565 : memref<1x80xf32, #tpu.memory_space<vmem>> -> memref<80xf32, #tpu.memory_space<vmem>>
        %dma_wait3A_567 = arith.constant 0 : i32
        %dma_wait3A_568 = tpu.memref_slice %arg3[%add3A, %dma_wait3A_556, %dma_wait3A_567] : memref<32x126x80xf32, #tpu.memory_space<hbm>> -> memref<1x1x80xf32, #tpu.memory_space<hbm>>
        %dma_wait3A_569 = tpu.memref_squeeze %dma_wait3A_568 : memref<1x1x80xf32, #tpu.memory_space<hbm>> -> memref<80xf32, #tpu.memory_space<hbm>>
        tpu.wait_dma2 semaphore(%arg16 : memref<!tpu.dma_semaphore, #tpu.memory_space<semaphore_mem>>) src(%dma_wait3A_569 : memref<80xf32, #tpu.memory_space<hbm>>) dst(%dma_wait3A_566 : memref<80xf32, #tpu.memory_space<vmem>>)
        %dma_start3A_570 = arith.constant 3 : i32
        %dma_start3A_571 = arith.constant 0 : i32
        %dma_start3A_572 = arith.constant 0 : i32
        %dma_start3A_573 = tpu.memref_slice %arg7[%dma_start3A_570, %dma_start3A_571, %dma_start3A_572] : memref<6x2x80xi32, #tpu.memory_space<vmem>> -> memref<1x1x80xi32, #tpu.memory_space<vmem>>
        %dma_start3A_574 = tpu.memref_squeeze %dma_start3A_573 : memref<1x1x80xi32, #tpu.memory_space<vmem>> -> memref<80xi32, #tpu.memory_space<vmem>>
        %dma_start3A_575 = arith.constant 0 : i32
        %dma_start3A_576 = arith.constant 0 : i32
        %dma_start3A_577 = tpu.memref_slice %arg4[%dma_start3A_575, %dma_start3A_576] : memref<10000x128xf32, #tpu.memory_space<hbm>> -> memref<10000x128xf32, #tpu.memory_space<hbm>>
        tpu.enqueue_indirect_dma source(%dma_start3A_577 : memref<10000x128xf32, #tpu.memory_space<hbm>>) target(%arg10 : memref<80x128xf32, #tpu.memory_space<vmem>>) offsets(%dma_start3A_574 : memref<80xi32, #tpu.memory_space<vmem>>) semaphore(%arg19 : memref<!tpu.dma_semaphore, #tpu.memory_space<semaphore_mem>>)
      } else {
      }
      %dma_wait3A_316 = arith.constant 1 : i32
      %dma_wait3A_317 = arith.constant 0 : i32
      %dma_wait3A_318 = arith.constant 0 : i32
      %dma_wait3A_319 = tpu.memref_slice %arg7[%dma_wait3A_316, %dma_wait3A_317, %dma_wait3A_318] : memref<6x2x80xi32, #tpu.memory_space<vmem>> -> memref<1x1x80xi32, #tpu.memory_space<vmem>>
      %dma_wait3A_320 = tpu.memref_squeeze %dma_wait3A_319 : memref<1x1x80xi32, #tpu.memory_space<vmem>> -> memref<80xi32, #tpu.memory_space<vmem>>
      %dma_wait3A_321 = arith.constant 0 : i32
      %dma_wait3A_322 = arith.constant 0 : i32
      %dma_wait3A_323 = tpu.memref_slice %arg4[%dma_wait3A_321, %dma_wait3A_322] : memref<10000x128xf32, #tpu.memory_space<hbm>> -> memref<10000x128xf32, #tpu.memory_space<hbm>>
      tpu.wait_indirect_dma semaphore(%arg20 : memref<!tpu.dma_semaphore, #tpu.memory_space<semaphore_mem>>) src(%dma_wait3A_323 : memref<10000x128xf32, #tpu.memory_space<hbm>>) dst(%arg11 : memref<80x128xf32, #tpu.memory_space<vmem>>)
      %scan3A_324 = arith.constant 0 : i32
      %scan3A_325 = arith.constant 5 : i32
      %scan3A_326 = arith.addi %scan3A_324, %scan3A_325 : i32
      %scan3A_327 = arith.constant 1 : i32
      scf.for %scan3A_538 = %scan3A_324 to %scan3A_326 step %scan3A_327  : i32 {
        %mul3A_539 = arith.constant 1 : i32
        %mul3A_540 = arith.muli %scan3A_538, %mul3A_539 : i32
        %add3A_541 = arith.constant 0 : i32
        %add3A_542 = arith.addi %add3A_541, %mul3A_540 : i32
        %mul3A_543 = arith.constant 16 : i32
        %mul3A_544 = arith.muli %add3A_542, %mul3A_543 : i32
        %get3A = arith.constant 1 : i32
        %get3A_545 = arith.index_cast %get3A : i32 to index
        %get3A_546 = arith.index_cast %mul3A_544 : i32 to index
        %get3A_547 = tpu.vector_load %arg8[%get3A_545, %get3A_546] {strides = array<i32>} : memref<6x80xf32, #tpu.memory_space<vmem>>, vector<1x16xf32>,
        %get3A_548 = vector.shape_cast %get3A_547 : vector<1x16xf32> to vector<16xf32>
        %slice3A = vector.extract_strided_slice %get3A_548 {offsets = [0], sizes = [1], strides = [1]} : vector<16xf32> to vector<1xf32>
        %squeeze3A = vector.extract %slice3A[0] : f32 from vector<1xf32>
        %broadcast_in_dim3A = vector.broadcast %squeeze3A : f32 to vector<16xf32>
        %mul3A_549 = arith.constant 16 : i32
        %mul3A_550 = arith.muli %add3A_542, %mul3A_549 : i32
        %add3A_551 = arith.constant 0 : i32
        %add3A_552 = arith.addi %mul3A_550, %add3A_551 : i32
        %swap3A = arith.index_cast %add3A_552 : i32 to index
        %swap3A_553 = arith.constant 0 : index
        %swap3A_554 = tpu.vector_load %arg9[%swap3A, %swap3A_553] {strides = array<i32>} : memref<80x16xf32, #tpu.memory_space<vmem>>, vector<1x16xf32>,
        %swap3A_555 = vector.shape_cast %swap3A_554 : vector<1x16xf32> to vector<16xf32>
        %swap3A_556 = vector.shape_cast %broadcast_in_dim3A : vector<16xf32> to vector<1x16xf32>
        tpu.vector_store %arg9[%swap3A, %swap3A_553], %swap3A_556 {strides = array<i32>} : memref<80x16xf32, #tpu.memory_space<vmem>>, vector<1x16xf32>,
        %slice3A_557 = vector.extract_strided_slice %get3A_548 {offsets = [1], sizes = [1], strides = [1]} : vector<16xf32> to vector<1xf32>
        %squeeze3A_558 = vector.extract %slice3A_557[0] : f32 from vector<1xf32>
        %broadcast_in_dim3A_559 = vector.broadcast %squeeze3A_558 : f32 to vector<16xf32>
        %mul3A_560 = arith.constant 16 : i32
        %mul3A_561 = arith.muli %add3A_542, %mul3A_560 : i32
        %add3A_562 = arith.constant 1 : i32
        %add3A_563 = arith.addi %mul3A_561, %add3A_562 : i32
        %swap3A_564 = arith.index_cast %add3A_563 : i32 to index
        %swap3A_565 = arith.constant 0 : index
        %swap3A_566 = tpu.vector_load %arg9[%swap3A_564, %swap3A_565] {strides = array<i32>} : memref<80x16xf32, #tpu.memory_space<vmem>>, vector<1x16xf32>,
        %swap3A_567 = vector.shape_cast %swap3A_566 : vector<1x16xf32> to vector<16xf32>
        %swap3A_568 = vector.shape_cast %broadcast_in_dim3A_559 : vector<16xf32> to vector<1x16xf32>
        tpu.vector_store %arg9[%swap3A_564, %swap3A_565], %swap3A_568 {strides = array<i32>} : memref<80x16xf32, #tpu.memory_space<vmem>>, vector<1x16xf32>,
        %slice3A_569 = vector.extract_strided_slice %get3A_548 {offsets = [2], sizes = [1], strides = [1]} : vector<16xf32> to vector<1xf32>
        %squeeze3A_570 = vector.extract %slice3A_569[0] : f32 from vector<1xf32>
        %broadcast_in_dim3A_571 = vector.broadcast %squeeze3A_570 : f32 to vector<16xf32>
        %mul3A_572 = arith.constant 16 : i32
        %mul3A_573 = arith.muli %add3A_542, %mul3A_572 : i32
        %add3A_574 = arith.constant 2 : i32
        %add3A_575 = arith.addi %mul3A_573, %add3A_574 : i32
        %swap3A_576 = arith.index_cast %add3A_575 : i32 to index
        %swap3A_577 = arith.constant 0 : index
        %swap3A_578 = tpu.vector_load %arg9[%swap3A_576, %swap3A_577] {strides = array<i32>} : memref<80x16xf32, #tpu.memory_space<vmem>>, vector<1x16xf32>,
        %swap3A_579 = vector.shape_cast %swap3A_578 : vector<1x16xf32> to vector<16xf32>
        %swap3A_580 = vector.shape_cast %broadcast_in_dim3A_571 : vector<16xf32> to vector<1x16xf32>
        tpu.vector_store %arg9[%swap3A_576, %swap3A_577], %swap3A_580 {strides = array<i32>} : memref<80x16xf32, #tpu.memory_space<vmem>>, vector<1x16xf32>,
        %slice3A_581 = vector.extract_strided_slice %get3A_548 {offsets = [3], sizes = [1], strides = [1]} : vector<16xf32> to vector<1xf32>
        %squeeze3A_582 = vector.extract %slice3A_581[0] : f32 from vector<1xf32>
        %broadcast_in_dim3A_583 = vector.broadcast %squeeze3A_582 : f32 to vector<16xf32>
        %mul3A_584 = arith.constant 16 : i32
        %mul3A_585 = arith.muli %add3A_542, %mul3A_584 : i32
        %add3A_586 = arith.constant 3 : i32
        %add3A_587 = arith.addi %mul3A_585, %add3A_586 : i32
        %swap3A_588 = arith.index_cast %add3A_587 : i32 to index
        %swap3A_589 = arith.constant 0 : index
        %swap3A_590 = tpu.vector_load %arg9[%swap3A_588, %swap3A_589] {strides = array<i32>} : memref<80x16xf32, #tpu.memory_space<vmem>>, vector<1x16xf32>,
        %swap3A_591 = vector.shape_cast %swap3A_590 : vector<1x16xf32> to vector<16xf32>
        %swap3A_592 = vector.shape_cast %broadcast_in_dim3A_583 : vector<16xf32> to vector<1x16xf32>
        tpu.vector_store %arg9[%swap3A_588, %swap3A_589], %swap3A_592 {strides = array<i32>} : memref<80x16xf32, #tpu.memory_space<vmem>>, vector<1x16xf32>,
        %slice3A_593 = vector.extract_strided_slice %get3A_548 {offsets = [4], sizes = [1], strides = [1]} : vector<16xf32> to vector<1xf32>
        %squeeze3A_594 = vector.extract %slice3A_593[0] : f32 from vector<1xf32>
        %broadcast_in_dim3A_595 = vector.broadcast %squeeze3A_594 : f32 to vector<16xf32>
        %mul3A_596 = arith.constant 16 : i32
        %mul3A_597 = arith.muli %add3A_542, %mul3A_596 : i32
        %add3A_598 = arith.constant 4 : i32
        %add3A_599 = arith.addi %mul3A_597, %add3A_598 : i32
        %swap3A_600 = arith.index_cast %add3A_599 : i32 to index
        %swap3A_601 = arith.constant 0 : index
        %swap3A_602 = tpu.vector_load %arg9[%swap3A_600, %swap3A_601] {strides = array<i32>} : memref<80x16xf32, #tpu.memory_space<vmem>>, vector<1x16xf32>,
        %swap3A_603 = vector.shape_cast %swap3A_602 : vector<1x16xf32> to vector<16xf32>
        %swap3A_604 = vector.shape_cast %broadcast_in_dim3A_595 : vector<16xf32> to vector<1x16xf32>
        tpu.vector_store %arg9[%swap3A_600, %swap3A_601], %swap3A_604 {strides = array<i32>} : memref<80x16xf32, #tpu.memory_space<vmem>>, vector<1x16xf32>,
        %slice3A_605 = vector.extract_strided_slice %get3A_548 {offsets = [5], sizes = [1], strides = [1]} : vector<16xf32> to vector<1xf32>
        %squeeze3A_606 = vector.extract %slice3A_605[0] : f32 from vector<1xf32>
        %broadcast_in_dim3A_607 = vector.broadcast %squeeze3A_606 : f32 to vector<16xf32>
        %mul3A_608 = arith.constant 16 : i32
        %mul3A_609 = arith.muli %add3A_542, %mul3A_608 : i32
        %add3A_610 = arith.constant 5 : i32
        %add3A_611 = arith.addi %mul3A_609, %add3A_610 : i32
        %swap3A_612 = arith.index_cast %add3A_611 : i32 to index
        %swap3A_613 = arith.constant 0 : index
        %swap3A_614 = tpu.vector_load %arg9[%swap3A_612, %swap3A_613] {strides = array<i32>} : memref<80x16xf32, #tpu.memory_space<vmem>>, vector<1x16xf32>,
        %swap3A_615 = vector.shape_cast %swap3A_614 : vector<1x16xf32> to vector<16xf32>
        %swap3A_616 = vector.shape_cast %broadcast_in_dim3A_607 : vector<16xf32> to vector<1x16xf32>
        tpu.vector_store %arg9[%swap3A_612, %swap3A_613], %swap3A_616 {strides = array<i32>} : memref<80x16xf32, #tpu.memory_space<vmem>>, vector<1x16xf32>,
        %slice3A_617 = vector.extract_strided_slice %get3A_548 {offsets = [6], sizes = [1], strides = [1]} : vector<16xf32> to vector<1xf32>
        %squeeze3A_618 = vector.extract %slice3A_617[0] : f32 from vector<1xf32>
        %broadcast_in_dim3A_619 = vector.broadcast %squeeze3A_618 : f32 to vector<16xf32>
        %mul3A_620 = arith.constant 16 : i32
        %mul3A_621 = arith.muli %add3A_542, %mul3A_620 : i32
        %add3A_622 = arith.constant 6 : i32
        %add3A_623 = arith.addi %mul3A_621, %add3A_622 : i32
        %swap3A_624 = arith.index_cast %add3A_623 : i32 to index
        %swap3A_625 = arith.constant 0 : index
        %swap3A_626 = tpu.vector_load %arg9[%swap3A_624, %swap3A_625] {strides = array<i32>} : memref<80x16xf32, #tpu.memory_space<vmem>>, vector<1x16xf32>,
        %swap3A_627 = vector.shape_cast %swap3A_626 : vector<1x16xf32> to vector<16xf32>
        %swap3A_628 = vector.shape_cast %broadcast_in_dim3A_619 : vector<16xf32> to vector<1x16xf32>
        tpu.vector_store %arg9[%swap3A_624, %swap3A_625], %swap3A_628 {strides = array<i32>} : memref<80x16xf32, #tpu.memory_space<vmem>>, vector<1x16xf32>,
        %slice3A_629 = vector.extract_strided_slice %get3A_548 {offsets = [7], sizes = [1], strides = [1]} : vector<16xf32> to vector<1xf32>
        %squeeze3A_630 = vector.extract %slice3A_629[0] : f32 from vector<1xf32>
        %broadcast_in_dim3A_631 = vector.broadcast %squeeze3A_630 : f32 to vector<16xf32>
        %mul3A_632 = arith.constant 16 : i32
        %mul3A_633 = arith.muli %add3A_542, %mul3A_632 : i32
        %add3A_634 = arith.constant 7 : i32
        %add3A_635 = arith.addi %mul3A_633, %add3A_634 : i32
        %swap3A_636 = arith.index_cast %add3A_635 : i32 to index
        %swap3A_637 = arith.constant 0 : index
        %swap3A_638 = tpu.vector_load %arg9[%swap3A_636, %swap3A_637] {strides = array<i32>} : memref<80x16xf32, #tpu.memory_space<vmem>>, vector<1x16xf32>,
        %swap3A_639 = vector.shape_cast %swap3A_638 : vector<1x16xf32> to vector<16xf32>
        %swap3A_640 = vector.shape_cast %broadcast_in_dim3A_631 : vector<16xf32> to vector<1x16xf32>
        tpu.vector_store %arg9[%swap3A_636, %swap3A_637], %swap3A_640 {strides = array<i32>} : memref<80x16xf32, #tpu.memory_space<vmem>>, vector<1x16xf32>,
        %slice3A_641 = vector.extract_strided_slice %get3A_548 {offsets = [8], sizes = [1], strides = [1]} : vector<16xf32> to vector<1xf32>
        %squeeze3A_642 = vector.extract %slice3A_641[0] : f32 from vector<1xf32>
        %broadcast_in_dim3A_643 = vector.broadcast %squeeze3A_642 : f32 to vector<16xf32>
        %mul3A_644 = arith.constant 16 : i32
        %mul3A_645 = arith.muli %add3A_542, %mul3A_644 : i32
        %add3A_646 = arith.constant 8 : i32
        %add3A_647 = arith.addi %mul3A_645, %add3A_646 : i32
        %swap3A_648 = arith.index_cast %add3A_647 : i32 to index
        %swap3A_649 = arith.constant 0 : index
        %swap3A_650 = tpu.vector_load %arg9[%swap3A_648, %swap3A_649] {strides = array<i32>} : memref<80x16xf32, #tpu.memory_space<vmem>>, vector<1x16xf32>,
        %swap3A_651 = vector.shape_cast %swap3A_650 : vector<1x16xf32> to vector<16xf32>
        %swap3A_652 = vector.shape_cast %broadcast_in_dim3A_643 : vector<16xf32> to vector<1x16xf32>
        tpu.vector_store %arg9[%swap3A_648, %swap3A_649], %swap3A_652 {strides = array<i32>} : memref<80x16xf32, #tpu.memory_space<vmem>>, vector<1x16xf32>,
        %slice3A_653 = vector.extract_strided_slice %get3A_548 {offsets = [9], sizes = [1], strides = [1]} : vector<16xf32> to vector<1xf32>
        %squeeze3A_654 = vector.extract %slice3A_653[0] : f32 from vector<1xf32>
        %broadcast_in_dim3A_655 = vector.broadcast %squeeze3A_654 : f32 to vector<16xf32>
        %mul3A_656 = arith.constant 16 : i32
        %mul3A_657 = arith.muli %add3A_542, %mul3A_656 : i32
        %add3A_658 = arith.constant 9 : i32
        %add3A_659 = arith.addi %mul3A_657, %add3A_658 : i32
        %swap3A_660 = arith.index_cast %add3A_659 : i32 to index
        %swap3A_661 = arith.constant 0 : index
        %swap3A_662 = tpu.vector_load %arg9[%swap3A_660, %swap3A_661] {strides = array<i32>} : memref<80x16xf32, #tpu.memory_space<vmem>>, vector<1x16xf32>,
        %swap3A_663 = vector.shape_cast %swap3A_662 : vector<1x16xf32> to vector<16xf32>
        %swap3A_664 = vector.shape_cast %broadcast_in_dim3A_655 : vector<16xf32> to vector<1x16xf32>
        tpu.vector_store %arg9[%swap3A_660, %swap3A_661], %swap3A_664 {strides = array<i32>} : memref<80x16xf32, #tpu.memory_space<vmem>>, vector<1x16xf32>,
        %slice3A_665 = vector.extract_strided_slice %get3A_548 {offsets = [10], sizes = [1], strides = [1]} : vector<16xf32> to vector<1xf32>
        %squeeze3A_666 = vector.extract %slice3A_665[0] : f32 from vector<1xf32>
        %broadcast_in_dim3A_667 = vector.broadcast %squeeze3A_666 : f32 to vector<16xf32>
        %mul3A_668 = arith.constant 16 : i32
        %mul3A_669 = arith.muli %add3A_542, %mul3A_668 : i32
        %add3A_670 = arith.constant 10 : i32
        %add3A_671 = arith.addi %mul3A_669, %add3A_670 : i32
        %swap3A_672 = arith.index_cast %add3A_671 : i32 to index
        %swap3A_673 = arith.constant 0 : index
        %swap3A_674 = tpu.vector_load %arg9[%swap3A_672, %swap3A_673] {strides = array<i32>} : memref<80x16xf32, #tpu.memory_space<vmem>>, vector<1x16xf32>,
        %swap3A_675 = vector.shape_cast %swap3A_674 : vector<1x16xf32> to vector<16xf32>
        %swap3A_676 = vector.shape_cast %broadcast_in_dim3A_667 : vector<16xf32> to vector<1x16xf32>
        tpu.vector_store %arg9[%swap3A_672, %swap3A_673], %swap3A_676 {strides = array<i32>} : memref<80x16xf32, #tpu.memory_space<vmem>>, vector<1x16xf32>,
        %slice3A_677 = vector.extract_strided_slice %get3A_548 {offsets = [11], sizes = [1], strides = [1]} : vector<16xf32> to vector<1xf32>
        %squeeze3A_678 = vector.extract %slice3A_677[0] : f32 from vector<1xf32>
        %broadcast_in_dim3A_679 = vector.broadcast %squeeze3A_678 : f32 to vector<16xf32>
        %mul3A_680 = arith.constant 16 : i32
        %mul3A_681 = arith.muli %add3A_542, %mul3A_680 : i32
        %add3A_682 = arith.constant 11 : i32
        %add3A_683 = arith.addi %mul3A_681, %add3A_682 : i32
        %swap3A_684 = arith.index_cast %add3A_683 : i32 to index
        %swap3A_685 = arith.constant 0 : index
        %swap3A_686 = tpu.vector_load %arg9[%swap3A_684, %swap3A_685] {strides = array<i32>} : memref<80x16xf32, #tpu.memory_space<vmem>>, vector<1x16xf32>,
        %swap3A_687 = vector.shape_cast %swap3A_686 : vector<1x16xf32> to vector<16xf32>
        %swap3A_688 = vector.shape_cast %broadcast_in_dim3A_679 : vector<16xf32> to vector<1x16xf32>
        tpu.vector_store %arg9[%swap3A_684, %swap3A_685], %swap3A_688 {strides = array<i32>} : memref<80x16xf32, #tpu.memory_space<vmem>>, vector<1x16xf32>,
        %slice3A_689 = vector.extract_strided_slice %get3A_548 {offsets = [12], sizes = [1], strides = [1]} : vector<16xf32> to vector<1xf32>
        %squeeze3A_690 = vector.extract %slice3A_689[0] : f32 from vector<1xf32>
        %broadcast_in_dim3A_691 = vector.broadcast %squeeze3A_690 : f32 to vector<16xf32>
        %mul3A_692 = arith.constant 16 : i32
        %mul3A_693 = arith.muli %add3A_542, %mul3A_692 : i32
        %add3A_694 = arith.constant 12 : i32
        %add3A_695 = arith.addi %mul3A_693, %add3A_694 : i32
        %swap3A_696 = arith.index_cast %add3A_695 : i32 to index
        %swap3A_697 = arith.constant 0 : index
        %swap3A_698 = tpu.vector_load %arg9[%swap3A_696, %swap3A_697] {strides = array<i32>} : memref<80x16xf32, #tpu.memory_space<vmem>>, vector<1x16xf32>,
        %swap3A_699 = vector.shape_cast %swap3A_698 : vector<1x16xf32> to vector<16xf32>
        %swap3A_700 = vector.shape_cast %broadcast_in_dim3A_691 : vector<16xf32> to vector<1x16xf32>
        tpu.vector_store %arg9[%swap3A_696, %swap3A_697], %swap3A_700 {strides = array<i32>} : memref<80x16xf32, #tpu.memory_space<vmem>>, vector<1x16xf32>,
        %slice3A_701 = vector.extract_strided_slice %get3A_548 {offsets = [13], sizes = [1], strides = [1]} : vector<16xf32> to vector<1xf32>
        %squeeze3A_702 = vector.extract %slice3A_701[0] : f32 from vector<1xf32>
        %broadcast_in_dim3A_703 = vector.broadcast %squeeze3A_702 : f32 to vector<16xf32>
        %mul3A_704 = arith.constant 16 : i32
        %mul3A_705 = arith.muli %add3A_542, %mul3A_704 : i32
        %add3A_706 = arith.constant 13 : i32
        %add3A_707 = arith.addi %mul3A_705, %add3A_706 : i32
        %swap3A_708 = arith.index_cast %add3A_707 : i32 to index
        %swap3A_709 = arith.constant 0 : index
        %swap3A_710 = tpu.vector_load %arg9[%swap3A_708, %swap3A_709] {strides = array<i32>} : memref<80x16xf32, #tpu.memory_space<vmem>>, vector<1x16xf32>,
        %swap3A_711 = vector.shape_cast %swap3A_710 : vector<1x16xf32> to vector<16xf32>
        %swap3A_712 = vector.shape_cast %broadcast_in_dim3A_703 : vector<16xf32> to vector<1x16xf32>
        tpu.vector_store %arg9[%swap3A_708, %swap3A_709], %swap3A_712 {strides = array<i32>} : memref<80x16xf32, #tpu.memory_space<vmem>>, vector<1x16xf32>,
        %slice3A_713 = vector.extract_strided_slice %get3A_548 {offsets = [14], sizes = [1], strides = [1]} : vector<16xf32> to vector<1xf32>
        %squeeze3A_714 = vector.extract %slice3A_713[0] : f32 from vector<1xf32>
        %broadcast_in_dim3A_715 = vector.broadcast %squeeze3A_714 : f32 to vector<16xf32>
        %mul3A_716 = arith.constant 16 : i32
        %mul3A_717 = arith.muli %add3A_542, %mul3A_716 : i32
        %add3A_718 = arith.constant 14 : i32
        %add3A_719 = arith.addi %mul3A_717, %add3A_718 : i32
        %swap3A_720 = arith.index_cast %add3A_719 : i32 to index
        %swap3A_721 = arith.constant 0 : index
        %swap3A_722 = tpu.vector_load %arg9[%swap3A_720, %swap3A_721] {strides = array<i32>} : memref<80x16xf32, #tpu.memory_space<vmem>>, vector<1x16xf32>,
        %swap3A_723 = vector.shape_cast %swap3A_722 : vector<1x16xf32> to vector<16xf32>
        %swap3A_724 = vector.shape_cast %broadcast_in_dim3A_715 : vector<16xf32> to vector<1x16xf32>
        tpu.vector_store %arg9[%swap3A_720, %swap3A_721], %swap3A_724 {strides = array<i32>} : memref<80x16xf32, #tpu.memory_space<vmem>>, vector<1x16xf32>,
        %slice3A_725 = vector.extract_strided_slice %get3A_548 {offsets = [15], sizes = [1], strides = [1]} : vector<16xf32> to vector<1xf32>
        %squeeze3A_726 = vector.extract %slice3A_725[0] : f32 from vector<1xf32>
        %broadcast_in_dim3A_727 = vector.broadcast %squeeze3A_726 : f32 to vector<16xf32>
        %mul3A_728 = arith.constant 16 : i32
        %mul3A_729 = arith.muli %add3A_542, %mul3A_728 : i32
        %add3A_730 = arith.constant 15 : i32
        %add3A_731 = arith.addi %mul3A_729, %add3A_730 : i32
        %swap3A_732 = arith.index_cast %add3A_731 : i32 to index
        %swap3A_733 = arith.constant 0 : index
        %swap3A_734 = tpu.vector_load %arg9[%swap3A_732, %swap3A_733] {strides = array<i32>} : memref<80x16xf32, #tpu.memory_space<vmem>>, vector<1x16xf32>,
        %swap3A_735 = vector.shape_cast %swap3A_734 : vector<1x16xf32> to vector<16xf32>
        %swap3A_736 = vector.shape_cast %broadcast_in_dim3A_727 : vector<16xf32> to vector<1x16xf32>
        tpu.vector_store %arg9[%swap3A_732, %swap3A_733], %swap3A_736 {strides = array<i32>} : memref<80x16xf32, #tpu.memory_space<vmem>>, vector<1x16xf32>,
      }
      %scan3A_328 = arith.constant 5 : i32
      %scan3A_329 = arith.constant 0 : i32
      %scan3A_330 = arith.constant 80 : i32
      %scan3A_331 = arith.addi %scan3A_329, %scan3A_330 : i32
      %scan3A_332 = arith.constant 1 : i32
      scf.for %scan3A_538 = %scan3A_329 to %scan3A_331 step %scan3A_332  : i32 {
        %mul3A_539 = arith.constant 1 : i32
        %mul3A_540 = arith.muli %scan3A_538, %mul3A_539 : i32
        %add3A_541 = arith.constant 0 : i32
        %add3A_542 = arith.addi %add3A_541, %mul3A_540 : i32
        %get3A = arith.index_cast %add3A_542 : i32 to index
        %get3A_543 = arith.constant 0 : index
        %get3A_544 = tpu.vector_load %arg9[%get3A, %get3A_543] {strides = array<i32>} : memref<80x16xf32, #tpu.memory_space<vmem>>, vector<1x16xf32>,
        %get3A_545 = vector.shape_cast %get3A_544 : vector<1x16xf32> to vector<16xf32>
        %get3A_546 = arith.index_cast %add3A_542 : i32 to index
        %get3A_547 = arith.constant 0 : index
        %get3A_548 = tpu.vector_load %arg11[%get3A_546, %get3A_547] {strides = array<i32>} : memref<80x128xf32, #tpu.memory_space<vmem>>, vector<1x16xf32>,
        %get3A_549 = vector.shape_cast %get3A_548 : vector<1x16xf32> to vector<16xf32>
        %mul3A_550 = arith.mulf %get3A_549, %get3A_545 : vector<16xf32>
        %swap3A = arith.index_cast %add3A_542 : i32 to index
        %swap3A_551 = arith.constant 0 : index
        %swap3A_552 = tpu.vector_load %arg11[%swap3A, %swap3A_551] {strides = array<i32>} : memref<80x128xf32, #tpu.memory_space<vmem>>, vector<1x16xf32>,
        %swap3A_553 = vector.shape_cast %swap3A_552 : vector<1x16xf32> to vector<16xf32>
        %swap3A_554 = vector.shape_cast %mul3A_550 : vector<16xf32> to vector<1x16xf32>
        tpu.vector_store %arg11[%swap3A, %swap3A_551], %swap3A_554 {strides = array<i32>} : memref<80x128xf32, #tpu.memory_space<vmem>>, vector<1x16xf32>,
        %get3A_555 = arith.index_cast %add3A_542 : i32 to index
        %get3A_556 = arith.constant 16 : index
        %get3A_557 = tpu.vector_load %arg11[%get3A_555, %get3A_556] {strides = array<i32>} : memref<80x128xf32, #tpu.memory_space<vmem>>, vector<1x16xf32>,
        %get3A_558 = vector.shape_cast %get3A_557 : vector<1x16xf32> to vector<16xf32>
        %mul3A_559 = arith.mulf %get3A_558, %get3A_545 : vector<16xf32>
        %swap3A_560 = arith.index_cast %add3A_542 : i32 to index
        %swap3A_561 = arith.constant 16 : index
        %swap3A_562 = tpu.vector_load %arg11[%swap3A_560, %swap3A_561] {strides = array<i32>} : memref<80x128xf32, #tpu.memory_space<vmem>>, vector<1x16xf32>,
        %swap3A_563 = vector.shape_cast %swap3A_562 : vector<1x16xf32> to vector<16xf32>
        %swap3A_564 = vector.shape_cast %mul3A_559 : vector<16xf32> to vector<1x16xf32>
        tpu.vector_store %arg11[%swap3A_560, %swap3A_561], %swap3A_564 {strides = array<i32>} : memref<80x128xf32, #tpu.memory_space<vmem>>, vector<1x16xf32>,
        %get3A_565 = arith.index_cast %add3A_542 : i32 to index
        %get3A_566 = arith.constant 32 : index
        %get3A_567 = tpu.vector_load %arg11[%get3A_565, %get3A_566] {strides = array<i32>} : memref<80x128xf32, #tpu.memory_space<vmem>>, vector<1x16xf32>,
        %get3A_568 = vector.shape_cast %get3A_567 : vector<1x16xf32> to vector<16xf32>
        %mul3A_569 = arith.mulf %get3A_568, %get3A_545 : vector<16xf32>
        %swap3A_570 = arith.index_cast %add3A_542 : i32 to index
        %swap3A_571 = arith.constant 32 : index
        %swap3A_572 = tpu.vector_load %arg11[%swap3A_570, %swap3A_571] {strides = array<i32>} : memref<80x128xf32, #tpu.memory_space<vmem>>, vector<1x16xf32>,
        %swap3A_573 = vector.shape_cast %swap3A_572 : vector<1x16xf32> to vector<16xf32>
        %swap3A_574 = vector.shape_cast %mul3A_569 : vector<16xf32> to vector<1x16xf32>
        tpu.vector_store %arg11[%swap3A_570, %swap3A_571], %swap3A_574 {strides = array<i32>} : memref<80x128xf32, #tpu.memory_space<vmem>>, vector<1x16xf32>,
        %get3A_575 = arith.index_cast %add3A_542 : i32 to index
        %get3A_576 = arith.constant 48 : index
        %get3A_577 = tpu.vector_load %arg11[%get3A_575, %get3A_576] {strides = array<i32>} : memref<80x128xf32, #tpu.memory_space<vmem>>, vector<1x16xf32>,
        %get3A_578 = vector.shape_cast %get3A_577 : vector<1x16xf32> to vector<16xf32>
        %mul3A_579 = arith.mulf %get3A_578, %get3A_545 : vector<16xf32>
        %swap3A_580 = arith.index_cast %add3A_542 : i32 to index
        %swap3A_581 = arith.constant 48 : index
        %swap3A_582 = tpu.vector_load %arg11[%swap3A_580, %swap3A_581] {strides = array<i32>} : memref<80x128xf32, #tpu.memory_space<vmem>>, vector<1x16xf32>,
        %swap3A_583 = vector.shape_cast %swap3A_582 : vector<1x16xf32> to vector<16xf32>
        %swap3A_584 = vector.shape_cast %mul3A_579 : vector<16xf32> to vector<1x16xf32>
        tpu.vector_store %arg11[%swap3A_580, %swap3A_581], %swap3A_584 {strides = array<i32>} : memref<80x128xf32, #tpu.memory_space<vmem>>, vector<1x16xf32>,
        %get3A_585 = arith.index_cast %add3A_542 : i32 to index
        %get3A_586 = arith.constant 64 : index
        %get3A_587 = tpu.vector_load %arg11[%get3A_585, %get3A_586] {strides = array<i32>} : memref<80x128xf32, #tpu.memory_space<vmem>>, vector<1x16xf32>,
        %get3A_588 = vector.shape_cast %get3A_587 : vector<1x16xf32> to vector<16xf32>
        %mul3A_589 = arith.mulf %get3A_588, %get3A_545 : vector<16xf32>
        %swap3A_590 = arith.index_cast %add3A_542 : i32 to index
        %swap3A_591 = arith.constant 64 : index
        %swap3A_592 = tpu.vector_load %arg11[%swap3A_590, %swap3A_591] {strides = array<i32>} : memref<80x128xf32, #tpu.memory_space<vmem>>, vector<1x16xf32>,
        %swap3A_593 = vector.shape_cast %swap3A_592 : vector<1x16xf32> to vector<16xf32>
        %swap3A_594 = vector.shape_cast %mul3A_589 : vector<16xf32> to vector<1x16xf32>
        tpu.vector_store %arg11[%swap3A_590, %swap3A_591], %swap3A_594 {strides = array<i32>} : memref<80x128xf32, #tpu.memory_space<vmem>>, vector<1x16xf32>,
        %get3A_595 = arith.index_cast %add3A_542 : i32 to index
        %get3A_596 = arith.constant 80 : index
        %get3A_597 = tpu.vector_load %arg11[%get3A_595, %get3A_596] {strides = array<i32>} : memref<80x128xf32, #tpu.memory_space<vmem>>, vector<1x16xf32>,
        %get3A_598 = vector.shape_cast %get3A_597 : vector<1x16xf32> to vector<16xf32>
        %mul3A_599 = arith.mulf %get3A_598, %get3A_545 : vector<16xf32>
        %swap3A_600 = arith.index_cast %add3A_542 : i32 to index
        %swap3A_601 = arith.constant 80 : index
        %swap3A_602 = tpu.vector_load %arg11[%swap3A_600, %swap3A_601] {strides = array<i32>} : memref<80x128xf32, #tpu.memory_space<vmem>>, vector<1x16xf32>,
        %swap3A_603 = vector.shape_cast %swap3A_602 : vector<1x16xf32> to vector<16xf32>
        %swap3A_604 = vector.shape_cast %mul3A_599 : vector<16xf32> to vector<1x16xf32>
        tpu.vector_store %arg11[%swap3A_600, %swap3A_601], %swap3A_604 {strides = array<i32>} : memref<80x128xf32, #tpu.memory_space<vmem>>, vector<1x16xf32>,
        %get3A_605 = arith.index_cast %add3A_542 : i32 to index
        %get3A_606 = arith.constant 96 : index
        %get3A_607 = tpu.vector_load %arg11[%get3A_605, %get3A_606] {strides = array<i32>} : memref<80x128xf32, #tpu.memory_space<vmem>>, vector<1x16xf32>,
        %get3A_608 = vector.shape_cast %get3A_607 : vector<1x16xf32> to vector<16xf32>
        %mul3A_609 = arith.mulf %get3A_608, %get3A_545 : vector<16xf32>
        %swap3A_610 = arith.index_cast %add3A_542 : i32 to index
        %swap3A_611 = arith.constant 96 : index
        %swap3A_612 = tpu.vector_load %arg11[%swap3A_610, %swap3A_611] {strides = array<i32>} : memref<80x128xf32, #tpu.memory_space<vmem>>, vector<1x16xf32>,
        %swap3A_613 = vector.shape_cast %swap3A_612 : vector<1x16xf32> to vector<16xf32>
        %swap3A_614 = vector.shape_cast %mul3A_609 : vector<16xf32> to vector<1x16xf32>
        tpu.vector_store %arg11[%swap3A_610, %swap3A_611], %swap3A_614 {strides = array<i32>} : memref<80x128xf32, #tpu.memory_space<vmem>>, vector<1x16xf32>,
        %get3A_615 = arith.index_cast %add3A_542 : i32 to index
        %get3A_616 = arith.constant 112 : index
        %get3A_617 = tpu.vector_load %arg11[%get3A_615, %get3A_616] {strides = array<i32>} : memref<80x128xf32, #tpu.memory_space<vmem>>, vector<1x16xf32>,
        %get3A_618 = vector.shape_cast %get3A_617 : vector<1x16xf32> to vector<16xf32>
        %mul3A_619 = arith.mulf %get3A_618, %get3A_545 : vector<16xf32>
        %swap3A_620 = arith.index_cast %add3A_542 : i32 to index
        %swap3A_621 = arith.constant 112 : index
        %swap3A_622 = tpu.vector_load %arg11[%swap3A_620, %swap3A_621] {strides = array<i32>} : memref<80x128xf32, #tpu.memory_space<vmem>>, vector<1x16xf32>,
        %swap3A_623 = vector.shape_cast %swap3A_622 : vector<1x16xf32> to vector<16xf32>
        %swap3A_624 = vector.shape_cast %mul3A_619 : vector<16xf32> to vector<1x16xf32>
        tpu.vector_store %arg11[%swap3A_620, %swap3A_621], %swap3A_624 {strides = array<i32>} : memref<80x128xf32, #tpu.memory_space<vmem>>, vector<1x16xf32>,
      }
      %scan3A_333 = arith.constant 80 : i32
      %dma_start3A_334 = arith.constant 1 : i32
      %dma_start3A_335 = arith.constant 1 : i32
      %dma_start3A_336 = arith.constant 0 : i32
      %dma_start3A_337 = tpu.memref_slice %arg7[%dma_start3A_334, %dma_start3A_335, %dma_start3A_336] : memref<6x2x80xi32, #tpu.memory_space<vmem>> -> memref<1x1x80xi32, #tpu.memory_space<vmem>>
      %dma_start3A_338 = tpu.memref_squeeze %dma_start3A_337 : memref<1x1x80xi32, #tpu.memory_space<vmem>> -> memref<80xi32, #tpu.memory_space<vmem>>
      %dma_start3A_339 = arith.constant 0 : i32
      %dma_start3A_340 = arith.constant 0 : i32
      %dma_start3A_341 = tpu.memref_slice %arg6[%dma_start3A_339, %dma_start3A_340] : memref<10240x128xf32, #tpu.memory_space<vmem_shared>> -> memref<10240x128xf32, #tpu.memory_space<vmem_shared>>
      tpu.enqueue_indirect_dma source(%arg11 : memref<80x128xf32, #tpu.memory_space<vmem>>) target(%dma_start3A_341 : memref<10240x128xf32, #tpu.memory_space<vmem_shared>>) offsets(%dma_start3A_338 : memref<80xi32, #tpu.memory_space<vmem>>) semaphore(%arg23 : memref<!tpu.dma_semaphore, #tpu.memory_space<semaphore_mem>>) {add = true}
      %mul3A_342 = arith.constant 6 : i32
      %mul3A_343 = arith.muli %add3A_247, %mul3A_342 : i32
      %add3A_344 = arith.constant 2 : i32
      %add3A_345 = arith.addi %mul3A_343, %add3A_344 : i32
      %ge3A_346 = arith.constant 1 : i32
      %ge3A_347 = arith.cmpi sge, %add3A_345, %ge3A_346 : i32
      %convert_element_type3A_348 = arith.extui %ge3A_347 : i1 to i32
      %cond3A_349 = arith.constant 0 : i32
      %cond3A_350 = arith.cmpi ne, %convert_element_type3A_348, %cond3A_349 : i32
      scf.if %cond3A_350 {
        %dma_wait3A_538 = arith.constant 1 : i32
        %dma_wait3A_539 = arith.constant 1 : i32
        %dma_wait3A_540 = arith.constant 0 : i32
        %dma_wait3A_541 = tpu.memref_slice %arg7[%dma_wait3A_538, %dma_wait3A_539, %dma_wait3A_540] : memref<6x2x80xi32, #tpu.memory_space<vmem>> -> memref<1x1x80xi32, #tpu.memory_space<vmem>>
        %dma_wait3A_542 = tpu.memref_squeeze %dma_wait3A_541 : memref<1x1x80xi32, #tpu.memory_space<vmem>> -> memref<80xi32, #tpu.memory_space<vmem>>
        %dma_wait3A_543 = arith.constant 0 : i32
        %dma_wait3A_544 = arith.constant 0 : i32
        %dma_wait3A_545 = tpu.memref_slice %arg6[%dma_wait3A_543, %dma_wait3A_544] : memref<10240x128xf32, #tpu.memory_space<vmem_shared>> -> memref<10240x128xf32, #tpu.memory_space<vmem_shared>>
        tpu.wait_indirect_dma semaphore(%arg23 : memref<!tpu.dma_semaphore, #tpu.memory_space<semaphore_mem>>) src(%arg11 : memref<80x128xf32, #tpu.memory_space<vmem>>) dst(%dma_wait3A_545 : memref<10240x128xf32, #tpu.memory_space<vmem_shared>>)
      } else {
      }
      %add3A_351 = arith.constant 4 : i32
      %add3A_352 = arith.addi %add3A_345, %add3A_351 : i32
      %lt3A_353 = arith.constant 126 : i32
      %lt3A_354 = arith.cmpi slt, %add3A_352, %lt3A_353 : i32
      %convert_element_type3A_355 = arith.extui %lt3A_354 : i1 to i32
      %cond3A_356 = arith.constant 0 : i32
      %cond3A_357 = arith.cmpi ne, %convert_element_type3A_355, %cond3A_356 : i32
      scf.if %cond3A_357 {
        %add3A_538 = arith.constant 4 : i32
        %add3A_539 = arith.addi %add3A_345, %add3A_538 : i32
        %dma_start3A_540 = arith.constant 0 : i32
        %dma_start3A_541 = arith.constant 0 : i32
        %dma_start3A_542 = arith.constant 0 : i32
        %dma_start3A_543 = tpu.memref_slice %arg7[%dma_start3A_540, %dma_start3A_541, %dma_start3A_542] : memref<6x2x80xi32, #tpu.memory_space<vmem>> -> memref<1x2x80xi32, #tpu.memory_space<vmem>>
        %dma_start3A_544 = tpu.memref_squeeze %dma_start3A_543 : memref<1x2x80xi32, #tpu.memory_space<vmem>> -> memref<2x80xi32, #tpu.memory_space<vmem>>
        %dma_start3A_545 = arith.constant 0 : i32
        %dma_start3A_546 = arith.constant 0 : i32
        %dma_start3A_547 = tpu.memref_slice %arg2[%add3A, %add3A_539, %dma_start3A_545, %dma_start3A_546] : memref<32x126x2x80xi32, #tpu.memory_space<hbm>> -> memref<1x1x2x80xi32, #tpu.memory_space<hbm>>
        %dma_start3A_548 = tpu.memref_squeeze %dma_start3A_547 : memref<1x1x2x80xi32, #tpu.memory_space<hbm>> -> memref<2x80xi32, #tpu.memory_space<hbm>>
        %dma_start3A_549 = arith.constant 0 : i32
        %dma_start3A_550 = arith.constant 0 : i32
        %dma_start3A_551 = tpu.memref_slice %arg7[%dma_start3A_540, %dma_start3A_549, %dma_start3A_550] : memref<6x2x80xi32, #tpu.memory_space<vmem>> -> memref<1x2x80xi32, #tpu.memory_space<vmem>>
        %dma_start3A_552 = tpu.memref_squeeze %dma_start3A_551 : memref<1x2x80xi32, #tpu.memory_space<vmem>> -> memref<2x80xi32, #tpu.memory_space<vmem>>
        %dma_start3A_553 = arith.constant 0 : i32
        %dma_start3A_554 = arith.constant 0 : i32
        %dma_start3A_555 = tpu.memref_slice %arg2[%add3A, %add3A_539, %dma_start3A_553, %dma_start3A_554] : memref<32x126x2x80xi32, #tpu.memory_space<hbm>> -> memref<1x1x2x80xi32, #tpu.memory_space<hbm>>
        %dma_start3A_556 = tpu.memref_squeeze %dma_start3A_555 : memref<1x1x2x80xi32, #tpu.memory_space<hbm>> -> memref<2x80xi32, #tpu.memory_space<hbm>>
        tpu.enqueue_dma source(%dma_start3A_556 : memref<2x80xi32, #tpu.memory_space<hbm>>) target(%dma_start3A_552 : memref<2x80xi32, #tpu.memory_space<vmem>>) target_semaphore(%arg13 : memref<!tpu.dma_semaphore, #tpu.memory_space<semaphore_mem>>)
        %dma_start3A_557 = arith.constant 0 : i32
        %dma_start3A_558 = arith.constant 0 : i32
        %dma_start3A_559 = tpu.memref_slice %arg8[%dma_start3A_557, %dma_start3A_558] : memref<6x80xf32, #tpu.memory_space<vmem>> -> memref<1x80xf32, #tpu.memory_space<vmem>>
        %dma_start3A_560 = tpu.memref_squeeze %dma_start3A_559 : memref<1x80xf32, #tpu.memory_space<vmem>> -> memref<80xf32, #tpu.memory_space<vmem>>
        %dma_start3A_561 = arith.constant 0 : i32
        %dma_start3A_562 = tpu.memref_slice %arg3[%add3A, %add3A_539, %dma_start3A_561] : memref<32x126x80xf32, #tpu.memory_space<hbm>> -> memref<1x1x80xf32, #tpu.memory_space<hbm>>
        %dma_start3A_563 = tpu.memref_squeeze %dma_start3A_562 : memref<1x1x80xf32, #tpu.memory_space<hbm>> -> memref<80xf32, #tpu.memory_space<hbm>>
        %dma_start3A_564 = arith.constant 0 : i32
        %dma_start3A_565 = tpu.memref_slice %arg8[%dma_start3A_557, %dma_start3A_564] : memref<6x80xf32, #tpu.memory_space<vmem>> -> memref<1x80xf32, #tpu.memory_space<vmem>>
        %dma_start3A_566 = tpu.memref_squeeze %dma_start3A_565 : memref<1x80xf32, #tpu.memory_space<vmem>> -> memref<80xf32, #tpu.memory_space<vmem>>
        %dma_start3A_567 = arith.constant 0 : i32
        %dma_start3A_568 = tpu.memref_slice %arg3[%add3A, %add3A_539, %dma_start3A_567] : memref<32x126x80xf32, #tpu.memory_space<hbm>> -> memref<1x1x80xf32, #tpu.memory_space<hbm>>
        %dma_start3A_569 = tpu.memref_squeeze %dma_start3A_568 : memref<1x1x80xf32, #tpu.memory_space<hbm>> -> memref<80xf32, #tpu.memory_space<hbm>>
        tpu.enqueue_dma source(%dma_start3A_569 : memref<80xf32, #tpu.memory_space<hbm>>) target(%dma_start3A_566 : memref<80xf32, #tpu.memory_space<vmem>>) target_semaphore(%arg13 : memref<!tpu.dma_semaphore, #tpu.memory_space<semaphore_mem>>)
      } else {
      }
      %add3A_358 = arith.constant 2 : i32
      %add3A_359 = arith.addi %add3A_345, %add3A_358 : i32
      %lt3A_360 = arith.constant 126 : i32
      %lt3A_361 = arith.cmpi slt, %add3A_359, %lt3A_360 : i32
      %convert_element_type3A_362 = arith.extui %lt3A_361 : i1 to i32
      %cond3A_363 = arith.constant 0 : i32
      %cond3A_364 = arith.cmpi ne, %convert_element_type3A_362, %cond3A_363 : i32
      scf.if %cond3A_364 {
        %dma_wait3A_538 = arith.constant 0 : i32
        %dma_wait3A_539 = arith.constant 4 : i32
        %dma_wait3A_540 = arith.constant 0 : i32
        %dma_wait3A_541 = arith.constant 0 : i32
        %dma_wait3A_542 = tpu.memref_slice %arg7[%dma_wait3A_539, %dma_wait3A_540, %dma_wait3A_541] : memref<6x2x80xi32, #tpu.memory_space<vmem>> -> memref<1x2x80xi32, #tpu.memory_space<vmem>>
        %dma_wait3A_543 = tpu.memref_squeeze %dma_wait3A_542 : memref<1x2x80xi32, #tpu.memory_space<vmem>> -> memref<2x80xi32, #tpu.memory_space<vmem>>
        %dma_wait3A_544 = arith.constant 0 : i32
        %dma_wait3A_545 = arith.constant 0 : i32
        %dma_wait3A_546 = tpu.memref_slice %arg2[%add3A, %dma_wait3A_538, %dma_wait3A_544, %dma_wait3A_545] : memref<32x126x2x80xi32, #tpu.memory_space<hbm>> -> memref<1x1x2x80xi32, #tpu.memory_space<hbm>>
        %dma_wait3A_547 = tpu.memref_squeeze %dma_wait3A_546 : memref<1x1x2x80xi32, #tpu.memory_space<hbm>> -> memref<2x80xi32, #tpu.memory_space<hbm>>
        %dma_wait3A_548 = arith.constant 0 : i32
        %dma_wait3A_549 = arith.constant 0 : i32
        %dma_wait3A_550 = tpu.memref_slice %arg7[%dma_wait3A_539, %dma_wait3A_548, %dma_wait3A_549] : memref<6x2x80xi32, #tpu.memory_space<vmem>> -> memref<1x2x80xi32, #tpu.memory_space<vmem>>
        %dma_wait3A_551 = tpu.memref_squeeze %dma_wait3A_550 : memref<1x2x80xi32, #tpu.memory_space<vmem>> -> memref<2x80xi32, #tpu.memory_space<vmem>>
        %dma_wait3A_552 = arith.constant 0 : i32
        %dma_wait3A_553 = arith.constant 0 : i32
        %dma_wait3A_554 = tpu.memref_slice %arg2[%add3A, %dma_wait3A_538, %dma_wait3A_552, %dma_wait3A_553] : memref<32x126x2x80xi32, #tpu.memory_space<hbm>> -> memref<1x1x2x80xi32, #tpu.memory_space<hbm>>
        %dma_wait3A_555 = tpu.memref_squeeze %dma_wait3A_554 : memref<1x1x2x80xi32, #tpu.memory_space<hbm>> -> memref<2x80xi32, #tpu.memory_space<hbm>>
        tpu.wait_dma2 semaphore(%arg17 : memref<!tpu.dma_semaphore, #tpu.memory_space<semaphore_mem>>) src(%dma_wait3A_555 : memref<2x80xi32, #tpu.memory_space<hbm>>) dst(%dma_wait3A_551 : memref<2x80xi32, #tpu.memory_space<vmem>>)
        %dma_wait3A_556 = arith.constant 0 : i32
        %dma_wait3A_557 = arith.constant 4 : i32
        %dma_wait3A_558 = arith.constant 0 : i32
        %dma_wait3A_559 = tpu.memref_slice %arg8[%dma_wait3A_557, %dma_wait3A_558] : memref<6x80xf32, #tpu.memory_space<vmem>> -> memref<1x80xf32, #tpu.memory_space<vmem>>
        %dma_wait3A_560 = tpu.memref_squeeze %dma_wait3A_559 : memref<1x80xf32, #tpu.memory_space<vmem>> -> memref<80xf32, #tpu.memory_space<vmem>>
        %dma_wait3A_561 = arith.constant 0 : i32
        %dma_wait3A_562 = tpu.memref_slice %arg3[%add3A, %dma_wait3A_556, %dma_wait3A_561] : memref<32x126x80xf32, #tpu.memory_space<hbm>> -> memref<1x1x80xf32, #tpu.memory_space<hbm>>
        %dma_wait3A_563 = tpu.memref_squeeze %dma_wait3A_562 : memref<1x1x80xf32, #tpu.memory_space<hbm>> -> memref<80xf32, #tpu.memory_space<hbm>>
        %dma_wait3A_564 = arith.constant 0 : i32
        %dma_wait3A_565 = tpu.memref_slice %arg8[%dma_wait3A_557, %dma_wait3A_564] : memref<6x80xf32, #tpu.memory_space<vmem>> -> memref<1x80xf32, #tpu.memory_space<vmem>>
        %dma_wait3A_566 = tpu.memref_squeeze %dma_wait3A_565 : memref<1x80xf32, #tpu.memory_space<vmem>> -> memref<80xf32, #tpu.memory_space<vmem>>
        %dma_wait3A_567 = arith.constant 0 : i32
        %dma_wait3A_568 = tpu.memref_slice %arg3[%add3A, %dma_wait3A_556, %dma_wait3A_567] : memref<32x126x80xf32, #tpu.memory_space<hbm>> -> memref<1x1x80xf32, #tpu.memory_space<hbm>>
        %dma_wait3A_569 = tpu.memref_squeeze %dma_wait3A_568 : memref<1x1x80xf32, #tpu.memory_space<hbm>> -> memref<80xf32, #tpu.memory_space<hbm>>
        tpu.wait_dma2 semaphore(%arg17 : memref<!tpu.dma_semaphore, #tpu.memory_space<semaphore_mem>>) src(%dma_wait3A_569 : memref<80xf32, #tpu.memory_space<hbm>>) dst(%dma_wait3A_566 : memref<80xf32, #tpu.memory_space<vmem>>)
        %dma_start3A_570 = arith.constant 4 : i32
        %dma_start3A_571 = arith.constant 0 : i32
        %dma_start3A_572 = arith.constant 0 : i32
        %dma_start3A_573 = tpu.memref_slice %arg7[%dma_start3A_570, %dma_start3A_571, %dma_start3A_572] : memref<6x2x80xi32, #tpu.memory_space<vmem>> -> memref<1x1x80xi32, #tpu.memory_space<vmem>>
        %dma_start3A_574 = tpu.memref_squeeze %dma_start3A_573 : memref<1x1x80xi32, #tpu.memory_space<vmem>> -> memref<80xi32, #tpu.memory_space<vmem>>
        %dma_start3A_575 = arith.constant 0 : i32
        %dma_start3A_576 = arith.constant 0 : i32
        %dma_start3A_577 = tpu.memref_slice %arg4[%dma_start3A_575, %dma_start3A_576] : memref<10000x128xf32, #tpu.memory_space<hbm>> -> memref<10000x128xf32, #tpu.memory_space<hbm>>
        tpu.enqueue_indirect_dma source(%dma_start3A_577 : memref<10000x128xf32, #tpu.memory_space<hbm>>) target(%arg11 : memref<80x128xf32, #tpu.memory_space<vmem>>) offsets(%dma_start3A_574 : memref<80xi32, #tpu.memory_space<vmem>>) semaphore(%arg20 : memref<!tpu.dma_semaphore, #tpu.memory_space<semaphore_mem>>)
      } else {
      }
      %dma_wait3A_365 = arith.constant 2 : i32
      %dma_wait3A_366 = arith.constant 0 : i32
      %dma_wait3A_367 = arith.constant 0 : i32
      %dma_wait3A_368 = tpu.memref_slice %arg7[%dma_wait3A_365, %dma_wait3A_366, %dma_wait3A_367] : memref<6x2x80xi32, #tpu.memory_space<vmem>> -> memref<1x1x80xi32, #tpu.memory_space<vmem>>
      %dma_wait3A_369 = tpu.memref_squeeze %dma_wait3A_368 : memref<1x1x80xi32, #tpu.memory_space<vmem>> -> memref<80xi32, #tpu.memory_space<vmem>>
      %dma_wait3A_370 = arith.constant 0 : i32
      %dma_wait3A_371 = arith.constant 0 : i32
      %dma_wait3A_372 = tpu.memref_slice %arg4[%dma_wait3A_370, %dma_wait3A_371] : memref<10000x128xf32, #tpu.memory_space<hbm>> -> memref<10000x128xf32, #tpu.memory_space<hbm>>
      tpu.wait_indirect_dma semaphore(%arg21 : memref<!tpu.dma_semaphore, #tpu.memory_space<semaphore_mem>>) src(%dma_wait3A_372 : memref<10000x128xf32, #tpu.memory_space<hbm>>) dst(%arg12 : memref<80x128xf32, #tpu.memory_space<vmem>>)
      %scan3A_373 = arith.constant 0 : i32
      %scan3A_374 = arith.constant 5 : i32
      %scan3A_375 = arith.addi %scan3A_373, %scan3A_374 : i32
      %scan3A_376 = arith.constant 1 : i32
      scf.for %scan3A_538 = %scan3A_373 to %scan3A_375 step %scan3A_376  : i32 {
        %mul3A_539 = arith.constant 1 : i32
        %mul3A_540 = arith.muli %scan3A_538, %mul3A_539 : i32
        %add3A_541 = arith.constant 0 : i32
        %add3A_542 = arith.addi %add3A_541, %mul3A_540 : i32
        %mul3A_543 = arith.constant 16 : i32
        %mul3A_544 = arith.muli %add3A_542, %mul3A_543 : i32
        %get3A = arith.constant 2 : i32
        %get3A_545 = arith.index_cast %get3A : i32 to index
        %get3A_546 = arith.index_cast %mul3A_544 : i32 to index
        %get3A_547 = tpu.vector_load %arg8[%get3A_545, %get3A_546] {strides = array<i32>} : memref<6x80xf32, #tpu.memory_space<vmem>>, vector<1x16xf32>,
        %get3A_548 = vector.shape_cast %get3A_547 : vector<1x16xf32> to vector<16xf32>
        %slice3A = vector.extract_strided_slice %get3A_548 {offsets = [0], sizes = [1], strides = [1]} : vector<16xf32> to vector<1xf32>
        %squeeze3A = vector.extract %slice3A[0] : f32 from vector<1xf32>
        %broadcast_in_dim3A = vector.broadcast %squeeze3A : f32 to vector<16xf32>
        %mul3A_549 = arith.constant 16 : i32
        %mul3A_550 = arith.muli %add3A_542, %mul3A_549 : i32
        %add3A_551 = arith.constant 0 : i32
        %add3A_552 = arith.addi %mul3A_550, %add3A_551 : i32
        %swap3A = arith.index_cast %add3A_552 : i32 to index
        %swap3A_553 = arith.constant 0 : index
        %swap3A_554 = tpu.vector_load %arg9[%swap3A, %swap3A_553] {strides = array<i32>} : memref<80x16xf32, #tpu.memory_space<vmem>>, vector<1x16xf32>,
        %swap3A_555 = vector.shape_cast %swap3A_554 : vector<1x16xf32> to vector<16xf32>
        %swap3A_556 = vector.shape_cast %broadcast_in_dim3A : vector<16xf32> to vector<1x16xf32>
        tpu.vector_store %arg9[%swap3A, %swap3A_553], %swap3A_556 {strides = array<i32>} : memref<80x16xf32, #tpu.memory_space<vmem>>, vector<1x16xf32>,
        %slice3A_557 = vector.extract_strided_slice %get3A_548 {offsets = [1], sizes = [1], strides = [1]} : vector<16xf32> to vector<1xf32>
        %squeeze3A_558 = vector.extract %slice3A_557[0] : f32 from vector<1xf32>
        %broadcast_in_dim3A_559 = vector.broadcast %squeeze3A_558 : f32 to vector<16xf32>
        %mul3A_560 = arith.constant 16 : i32
        %mul3A_561 = arith.muli %add3A_542, %mul3A_560 : i32
        %add3A_562 = arith.constant 1 : i32
        %add3A_563 = arith.addi %mul3A_561, %add3A_562 : i32
        %swap3A_564 = arith.index_cast %add3A_563 : i32 to index
        %swap3A_565 = arith.constant 0 : index
        %swap3A_566 = tpu.vector_load %arg9[%swap3A_564, %swap3A_565] {strides = array<i32>} : memref<80x16xf32, #tpu.memory_space<vmem>>, vector<1x16xf32>,
        %swap3A_567 = vector.shape_cast %swap3A_566 : vector<1x16xf32> to vector<16xf32>
        %swap3A_568 = vector.shape_cast %broadcast_in_dim3A_559 : vector<16xf32> to vector<1x16xf32>
        tpu.vector_store %arg9[%swap3A_564, %swap3A_565], %swap3A_568 {strides = array<i32>} : memref<80x16xf32, #tpu.memory_space<vmem>>, vector<1x16xf32>,
        %slice3A_569 = vector.extract_strided_slice %get3A_548 {offsets = [2], sizes = [1], strides = [1]} : vector<16xf32> to vector<1xf32>
        %squeeze3A_570 = vector.extract %slice3A_569[0] : f32 from vector<1xf32>
        %broadcast_in_dim3A_571 = vector.broadcast %squeeze3A_570 : f32 to vector<16xf32>
        %mul3A_572 = arith.constant 16 : i32
        %mul3A_573 = arith.muli %add3A_542, %mul3A_572 : i32
        %add3A_574 = arith.constant 2 : i32
        %add3A_575 = arith.addi %mul3A_573, %add3A_574 : i32
        %swap3A_576 = arith.index_cast %add3A_575 : i32 to index
        %swap3A_577 = arith.constant 0 : index
        %swap3A_578 = tpu.vector_load %arg9[%swap3A_576, %swap3A_577] {strides = array<i32>} : memref<80x16xf32, #tpu.memory_space<vmem>>, vector<1x16xf32>,
        %swap3A_579 = vector.shape_cast %swap3A_578 : vector<1x16xf32> to vector<16xf32>
        %swap3A_580 = vector.shape_cast %broadcast_in_dim3A_571 : vector<16xf32> to vector<1x16xf32>
        tpu.vector_store %arg9[%swap3A_576, %swap3A_577], %swap3A_580 {strides = array<i32>} : memref<80x16xf32, #tpu.memory_space<vmem>>, vector<1x16xf32>,
        %slice3A_581 = vector.extract_strided_slice %get3A_548 {offsets = [3], sizes = [1], strides = [1]} : vector<16xf32> to vector<1xf32>
        %squeeze3A_582 = vector.extract %slice3A_581[0] : f32 from vector<1xf32>
        %broadcast_in_dim3A_583 = vector.broadcast %squeeze3A_582 : f32 to vector<16xf32>
        %mul3A_584 = arith.constant 16 : i32
        %mul3A_585 = arith.muli %add3A_542, %mul3A_584 : i32
        %add3A_586 = arith.constant 3 : i32
        %add3A_587 = arith.addi %mul3A_585, %add3A_586 : i32
        %swap3A_588 = arith.index_cast %add3A_587 : i32 to index
        %swap3A_589 = arith.constant 0 : index
        %swap3A_590 = tpu.vector_load %arg9[%swap3A_588, %swap3A_589] {strides = array<i32>} : memref<80x16xf32, #tpu.memory_space<vmem>>, vector<1x16xf32>,
        %swap3A_591 = vector.shape_cast %swap3A_590 : vector<1x16xf32> to vector<16xf32>
        %swap3A_592 = vector.shape_cast %broadcast_in_dim3A_583 : vector<16xf32> to vector<1x16xf32>
        tpu.vector_store %arg9[%swap3A_588, %swap3A_589], %swap3A_592 {strides = array<i32>} : memref<80x16xf32, #tpu.memory_space<vmem>>, vector<1x16xf32>,
        %slice3A_593 = vector.extract_strided_slice %get3A_548 {offsets = [4], sizes = [1], strides = [1]} : vector<16xf32> to vector<1xf32>
        %squeeze3A_594 = vector.extract %slice3A_593[0] : f32 from vector<1xf32>
        %broadcast_in_dim3A_595 = vector.broadcast %squeeze3A_594 : f32 to vector<16xf32>
        %mul3A_596 = arith.constant 16 : i32
        %mul3A_597 = arith.muli %add3A_542, %mul3A_596 : i32
        %add3A_598 = arith.constant 4 : i32
        %add3A_599 = arith.addi %mul3A_597, %add3A_598 : i32
        %swap3A_600 = arith.index_cast %add3A_599 : i32 to index
        %swap3A_601 = arith.constant 0 : index
        %swap3A_602 = tpu.vector_load %arg9[%swap3A_600, %swap3A_601] {strides = array<i32>} : memref<80x16xf32, #tpu.memory_space<vmem>>, vector<1x16xf32>,
        %swap3A_603 = vector.shape_cast %swap3A_602 : vector<1x16xf32> to vector<16xf32>
        %swap3A_604 = vector.shape_cast %broadcast_in_dim3A_595 : vector<16xf32> to vector<1x16xf32>
        tpu.vector_store %arg9[%swap3A_600, %swap3A_601], %swap3A_604 {strides = array<i32>} : memref<80x16xf32, #tpu.memory_space<vmem>>, vector<1x16xf32>,
        %slice3A_605 = vector.extract_strided_slice %get3A_548 {offsets = [5], sizes = [1], strides = [1]} : vector<16xf32> to vector<1xf32>
        %squeeze3A_606 = vector.extract %slice3A_605[0] : f32 from vector<1xf32>
        %broadcast_in_dim3A_607 = vector.broadcast %squeeze3A_606 : f32 to vector<16xf32>
        %mul3A_608 = arith.constant 16 : i32
        %mul3A_609 = arith.muli %add3A_542, %mul3A_608 : i32
        %add3A_610 = arith.constant 5 : i32
        %add3A_611 = arith.addi %mul3A_609, %add3A_610 : i32
        %swap3A_612 = arith.index_cast %add3A_611 : i32 to index
        %swap3A_613 = arith.constant 0 : index
        %swap3A_614 = tpu.vector_load %arg9[%swap3A_612, %swap3A_613] {strides = array<i32>} : memref<80x16xf32, #tpu.memory_space<vmem>>, vector<1x16xf32>,
        %swap3A_615 = vector.shape_cast %swap3A_614 : vector<1x16xf32> to vector<16xf32>
        %swap3A_616 = vector.shape_cast %broadcast_in_dim3A_607 : vector<16xf32> to vector<1x16xf32>
        tpu.vector_store %arg9[%swap3A_612, %swap3A_613], %swap3A_616 {strides = array<i32>} : memref<80x16xf32, #tpu.memory_space<vmem>>, vector<1x16xf32>,
        %slice3A_617 = vector.extract_strided_slice %get3A_548 {offsets = [6], sizes = [1], strides = [1]} : vector<16xf32> to vector<1xf32>
        %squeeze3A_618 = vector.extract %slice3A_617[0] : f32 from vector<1xf32>
        %broadcast_in_dim3A_619 = vector.broadcast %squeeze3A_618 : f32 to vector<16xf32>
        %mul3A_620 = arith.constant 16 : i32
        %mul3A_621 = arith.muli %add3A_542, %mul3A_620 : i32
        %add3A_622 = arith.constant 6 : i32
        %add3A_623 = arith.addi %mul3A_621, %add3A_622 : i32
        %swap3A_624 = arith.index_cast %add3A_623 : i32 to index
        %swap3A_625 = arith.constant 0 : index
        %swap3A_626 = tpu.vector_load %arg9[%swap3A_624, %swap3A_625] {strides = array<i32>} : memref<80x16xf32, #tpu.memory_space<vmem>>, vector<1x16xf32>,
        %swap3A_627 = vector.shape_cast %swap3A_626 : vector<1x16xf32> to vector<16xf32>
        %swap3A_628 = vector.shape_cast %broadcast_in_dim3A_619 : vector<16xf32> to vector<1x16xf32>
        tpu.vector_store %arg9[%swap3A_624, %swap3A_625], %swap3A_628 {strides = array<i32>} : memref<80x16xf32, #tpu.memory_space<vmem>>, vector<1x16xf32>,
        %slice3A_629 = vector.extract_strided_slice %get3A_548 {offsets = [7], sizes = [1], strides = [1]} : vector<16xf32> to vector<1xf32>
        %squeeze3A_630 = vector.extract %slice3A_629[0] : f32 from vector<1xf32>
        %broadcast_in_dim3A_631 = vector.broadcast %squeeze3A_630 : f32 to vector<16xf32>
        %mul3A_632 = arith.constant 16 : i32
        %mul3A_633 = arith.muli %add3A_542, %mul3A_632 : i32
        %add3A_634 = arith.constant 7 : i32
        %add3A_635 = arith.addi %mul3A_633, %add3A_634 : i32
        %swap3A_636 = arith.index_cast %add3A_635 : i32 to index
        %swap3A_637 = arith.constant 0 : index
        %swap3A_638 = tpu.vector_load %arg9[%swap3A_636, %swap3A_637] {strides = array<i32>} : memref<80x16xf32, #tpu.memory_space<vmem>>, vector<1x16xf32>,
        %swap3A_639 = vector.shape_cast %swap3A_638 : vector<1x16xf32> to vector<16xf32>
        %swap3A_640 = vector.shape_cast %broadcast_in_dim3A_631 : vector<16xf32> to vector<1x16xf32>
        tpu.vector_store %arg9[%swap3A_636, %swap3A_637], %swap3A_640 {strides = array<i32>} : memref<80x16xf32, #tpu.memory_space<vmem>>, vector<1x16xf32>,
        %slice3A_641 = vector.extract_strided_slice %get3A_548 {offsets = [8], sizes = [1], strides = [1]} : vector<16xf32> to vector<1xf32>
        %squeeze3A_642 = vector.extract %slice3A_641[0] : f32 from vector<1xf32>
        %broadcast_in_dim3A_643 = vector.broadcast %squeeze3A_642 : f32 to vector<16xf32>
        %mul3A_644 = arith.constant 16 : i32
        %mul3A_645 = arith.muli %add3A_542, %mul3A_644 : i32
        %add3A_646 = arith.constant 8 : i32
        %add3A_647 = arith.addi %mul3A_645, %add3A_646 : i32
        %swap3A_648 = arith.index_cast %add3A_647 : i32 to index
        %swap3A_649 = arith.constant 0 : index
        %swap3A_650 = tpu.vector_load %arg9[%swap3A_648, %swap3A_649] {strides = array<i32>} : memref<80x16xf32, #tpu.memory_space<vmem>>, vector<1x16xf32>,
        %swap3A_651 = vector.shape_cast %swap3A_650 : vector<1x16xf32> to vector<16xf32>
        %swap3A_652 = vector.shape_cast %broadcast_in_dim3A_643 : vector<16xf32> to vector<1x16xf32>
        tpu.vector_store %arg9[%swap3A_648, %swap3A_649], %swap3A_652 {strides = array<i32>} : memref<80x16xf32, #tpu.memory_space<vmem>>, vector<1x16xf32>,
        %slice3A_653 = vector.extract_strided_slice %get3A_548 {offsets = [9], sizes = [1], strides = [1]} : vector<16xf32> to vector<1xf32>
        %squeeze3A_654 = vector.extract %slice3A_653[0] : f32 from vector<1xf32>
        %broadcast_in_dim3A_655 = vector.broadcast %squeeze3A_654 : f32 to vector<16xf32>
        %mul3A_656 = arith.constant 16 : i32
        %mul3A_657 = arith.muli %add3A_542, %mul3A_656 : i32
        %add3A_658 = arith.constant 9 : i32
        %add3A_659 = arith.addi %mul3A_657, %add3A_658 : i32
        %swap3A_660 = arith.index_cast %add3A_659 : i32 to index
        %swap3A_661 = arith.constant 0 : index
        %swap3A_662 = tpu.vector_load %arg9[%swap3A_660, %swap3A_661] {strides = array<i32>} : memref<80x16xf32, #tpu.memory_space<vmem>>, vector<1x16xf32>,
        %swap3A_663 = vector.shape_cast %swap3A_662 : vector<1x16xf32> to vector<16xf32>
        %swap3A_664 = vector.shape_cast %broadcast_in_dim3A_655 : vector<16xf32> to vector<1x16xf32>
        tpu.vector_store %arg9[%swap3A_660, %swap3A_661], %swap3A_664 {strides = array<i32>} : memref<80x16xf32, #tpu.memory_space<vmem>>, vector<1x16xf32>,
        %slice3A_665 = vector.extract_strided_slice %get3A_548 {offsets = [10], sizes = [1], strides = [1]} : vector<16xf32> to vector<1xf32>
        %squeeze3A_666 = vector.extract %slice3A_665[0] : f32 from vector<1xf32>
        %broadcast_in_dim3A_667 = vector.broadcast %squeeze3A_666 : f32 to vector<16xf32>
        %mul3A_668 = arith.constant 16 : i32
        %mul3A_669 = arith.muli %add3A_542, %mul3A_668 : i32
        %add3A_670 = arith.constant 10 : i32
        %add3A_671 = arith.addi %mul3A_669, %add3A_670 : i32
        %swap3A_672 = arith.index_cast %add3A_671 : i32 to index
        %swap3A_673 = arith.constant 0 : index
        %swap3A_674 = tpu.vector_load %arg9[%swap3A_672, %swap3A_673] {strides = array<i32>} : memref<80x16xf32, #tpu.memory_space<vmem>>, vector<1x16xf32>,
        %swap3A_675 = vector.shape_cast %swap3A_674 : vector<1x16xf32> to vector<16xf32>
        %swap3A_676 = vector.shape_cast %broadcast_in_dim3A_667 : vector<16xf32> to vector<1x16xf32>
        tpu.vector_store %arg9[%swap3A_672, %swap3A_673], %swap3A_676 {strides = array<i32>} : memref<80x16xf32, #tpu.memory_space<vmem>>, vector<1x16xf32>,
        %slice3A_677 = vector.extract_strided_slice %get3A_548 {offsets = [11], sizes = [1], strides = [1]} : vector<16xf32> to vector<1xf32>
        %squeeze3A_678 = vector.extract %slice3A_677[0] : f32 from vector<1xf32>
        %broadcast_in_dim3A_679 = vector.broadcast %squeeze3A_678 : f32 to vector<16xf32>
        %mul3A_680 = arith.constant 16 : i32
        %mul3A_681 = arith.muli %add3A_542, %mul3A_680 : i32
        %add3A_682 = arith.constant 11 : i32
        %add3A_683 = arith.addi %mul3A_681, %add3A_682 : i32
        %swap3A_684 = arith.index_cast %add3A_683 : i32 to index
        %swap3A_685 = arith.constant 0 : index
        %swap3A_686 = tpu.vector_load %arg9[%swap3A_684, %swap3A_685] {strides = array<i32>} : memref<80x16xf32, #tpu.memory_space<vmem>>, vector<1x16xf32>,
        %swap3A_687 = vector.shape_cast %swap3A_686 : vector<1x16xf32> to vector<16xf32>
        %swap3A_688 = vector.shape_cast %broadcast_in_dim3A_679 : vector<16xf32> to vector<1x16xf32>
        tpu.vector_store %arg9[%swap3A_684, %swap3A_685], %swap3A_688 {strides = array<i32>} : memref<80x16xf32, #tpu.memory_space<vmem>>, vector<1x16xf32>,
        %slice3A_689 = vector.extract_strided_slice %get3A_548 {offsets = [12], sizes = [1], strides = [1]} : vector<16xf32> to vector<1xf32>
        %squeeze3A_690 = vector.extract %slice3A_689[0] : f32 from vector<1xf32>
        %broadcast_in_dim3A_691 = vector.broadcast %squeeze3A_690 : f32 to vector<16xf32>
        %mul3A_692 = arith.constant 16 : i32
        %mul3A_693 = arith.muli %add3A_542, %mul3A_692 : i32
        %add3A_694 = arith.constant 12 : i32
        %add3A_695 = arith.addi %mul3A_693, %add3A_694 : i32
        %swap3A_696 = arith.index_cast %add3A_695 : i32 to index
        %swap3A_697 = arith.constant 0 : index
        %swap3A_698 = tpu.vector_load %arg9[%swap3A_696, %swap3A_697] {strides = array<i32>} : memref<80x16xf32, #tpu.memory_space<vmem>>, vector<1x16xf32>,
        %swap3A_699 = vector.shape_cast %swap3A_698 : vector<1x16xf32> to vector<16xf32>
        %swap3A_700 = vector.shape_cast %broadcast_in_dim3A_691 : vector<16xf32> to vector<1x16xf32>
        tpu.vector_store %arg9[%swap3A_696, %swap3A_697], %swap3A_700 {strides = array<i32>} : memref<80x16xf32, #tpu.memory_space<vmem>>, vector<1x16xf32>,
        %slice3A_701 = vector.extract_strided_slice %get3A_548 {offsets = [13], sizes = [1], strides = [1]} : vector<16xf32> to vector<1xf32>
        %squeeze3A_702 = vector.extract %slice3A_701[0] : f32 from vector<1xf32>
        %broadcast_in_dim3A_703 = vector.broadcast %squeeze3A_702 : f32 to vector<16xf32>
        %mul3A_704 = arith.constant 16 : i32
        %mul3A_705 = arith.muli %add3A_542, %mul3A_704 : i32
        %add3A_706 = arith.constant 13 : i32
        %add3A_707 = arith.addi %mul3A_705, %add3A_706 : i32
        %swap3A_708 = arith.index_cast %add3A_707 : i32 to index
        %swap3A_709 = arith.constant 0 : index
        %swap3A_710 = tpu.vector_load %arg9[%swap3A_708, %swap3A_709] {strides = array<i32>} : memref<80x16xf32, #tpu.memory_space<vmem>>, vector<1x16xf32>,
        %swap3A_711 = vector.shape_cast %swap3A_710 : vector<1x16xf32> to vector<16xf32>
        %swap3A_712 = vector.shape_cast %broadcast_in_dim3A_703 : vector<16xf32> to vector<1x16xf32>
        tpu.vector_store %arg9[%swap3A_708, %swap3A_709], %swap3A_712 {strides = array<i32>} : memref<80x16xf32, #tpu.memory_space<vmem>>, vector<1x16xf32>,
        %slice3A_713 = vector.extract_strided_slice %get3A_548 {offsets = [14], sizes = [1], strides = [1]} : vector<16xf32> to vector<1xf32>
        %squeeze3A_714 = vector.extract %slice3A_713[0] : f32 from vector<1xf32>
        %broadcast_in_dim3A_715 = vector.broadcast %squeeze3A_714 : f32 to vector<16xf32>
        %mul3A_716 = arith.constant 16 : i32
        %mul3A_717 = arith.muli %add3A_542, %mul3A_716 : i32
        %add3A_718 = arith.constant 14 : i32
        %add3A_719 = arith.addi %mul3A_717, %add3A_718 : i32
        %swap3A_720 = arith.index_cast %add3A_719 : i32 to index
        %swap3A_721 = arith.constant 0 : index
        %swap3A_722 = tpu.vector_load %arg9[%swap3A_720, %swap3A_721] {strides = array<i32>} : memref<80x16xf32, #tpu.memory_space<vmem>>, vector<1x16xf32>,
        %swap3A_723 = vector.shape_cast %swap3A_722 : vector<1x16xf32> to vector<16xf32>
        %swap3A_724 = vector.shape_cast %broadcast_in_dim3A_715 : vector<16xf32> to vector<1x16xf32>
        tpu.vector_store %arg9[%swap3A_720, %swap3A_721], %swap3A_724 {strides = array<i32>} : memref<80x16xf32, #tpu.memory_space<vmem>>, vector<1x16xf32>,
        %slice3A_725 = vector.extract_strided_slice %get3A_548 {offsets = [15], sizes = [1], strides = [1]} : vector<16xf32> to vector<1xf32>
        %squeeze3A_726 = vector.extract %slice3A_725[0] : f32 from vector<1xf32>
        %broadcast_in_dim3A_727 = vector.broadcast %squeeze3A_726 : f32 to vector<16xf32>
        %mul3A_728 = arith.constant 16 : i32
        %mul3A_729 = arith.muli %add3A_542, %mul3A_728 : i32
        %add3A_730 = arith.constant 15 : i32
        %add3A_731 = arith.addi %mul3A_729, %add3A_730 : i32
        %swap3A_732 = arith.index_cast %add3A_731 : i32 to index
        %swap3A_733 = arith.constant 0 : index
        %swap3A_734 = tpu.vector_load %arg9[%swap3A_732, %swap3A_733] {strides = array<i32>} : memref<80x16xf32, #tpu.memory_space<vmem>>, vector<1x16xf32>,
        %swap3A_735 = vector.shape_cast %swap3A_734 : vector<1x16xf32> to vector<16xf32>
        %swap3A_736 = vector.shape_cast %broadcast_in_dim3A_727 : vector<16xf32> to vector<1x16xf32>
        tpu.vector_store %arg9[%swap3A_732, %swap3A_733], %swap3A_736 {strides = array<i32>} : memref<80x16xf32, #tpu.memory_space<vmem>>, vector<1x16xf32>,
      }
      %scan3A_377 = arith.constant 5 : i32
      %scan3A_378 = arith.constant 0 : i32
      %scan3A_379 = arith.constant 80 : i32
      %scan3A_380 = arith.addi %scan3A_378, %scan3A_379 : i32
      %scan3A_381 = arith.constant 1 : i32
      scf.for %scan3A_538 = %scan3A_378 to %scan3A_380 step %scan3A_381  : i32 {
        %mul3A_539 = arith.constant 1 : i32
        %mul3A_540 = arith.muli %scan3A_538, %mul3A_539 : i32
        %add3A_541 = arith.constant 0 : i32
        %add3A_542 = arith.addi %add3A_541, %mul3A_540 : i32
        %get3A = arith.index_cast %add3A_542 : i32 to index
        %get3A_543 = arith.constant 0 : index
        %get3A_544 = tpu.vector_load %arg9[%get3A, %get3A_543] {strides = array<i32>} : memref<80x16xf32, #tpu.memory_space<vmem>>, vector<1x16xf32>,
        %get3A_545 = vector.shape_cast %get3A_544 : vector<1x16xf32> to vector<16xf32>
        %get3A_546 = arith.index_cast %add3A_542 : i32 to index
        %get3A_547 = arith.constant 0 : index
        %get3A_548 = tpu.vector_load %arg12[%get3A_546, %get3A_547] {strides = array<i32>} : memref<80x128xf32, #tpu.memory_space<vmem>>, vector<1x16xf32>,
        %get3A_549 = vector.shape_cast %get3A_548 : vector<1x16xf32> to vector<16xf32>
        %mul3A_550 = arith.mulf %get3A_549, %get3A_545 : vector<16xf32>
        %swap3A = arith.index_cast %add3A_542 : i32 to index
        %swap3A_551 = arith.constant 0 : index
        %swap3A_552 = tpu.vector_load %arg12[%swap3A, %swap3A_551] {strides = array<i32>} : memref<80x128xf32, #tpu.memory_space<vmem>>, vector<1x16xf32>,
        %swap3A_553 = vector.shape_cast %swap3A_552 : vector<1x16xf32> to vector<16xf32>
        %swap3A_554 = vector.shape_cast %mul3A_550 : vector<16xf32> to vector<1x16xf32>
        tpu.vector_store %arg12[%swap3A, %swap3A_551], %swap3A_554 {strides = array<i32>} : memref<80x128xf32, #tpu.memory_space<vmem>>, vector<1x16xf32>,
        %get3A_555 = arith.index_cast %add3A_542 : i32 to index
        %get3A_556 = arith.constant 16 : index
        %get3A_557 = tpu.vector_load %arg12[%get3A_555, %get3A_556] {strides = array<i32>} : memref<80x128xf32, #tpu.memory_space<vmem>>, vector<1x16xf32>,
        %get3A_558 = vector.shape_cast %get3A_557 : vector<1x16xf32> to vector<16xf32>
        %mul3A_559 = arith.mulf %get3A_558, %get3A_545 : vector<16xf32>
        %swap3A_560 = arith.index_cast %add3A_542 : i32 to index
        %swap3A_561 = arith.constant 16 : index
        %swap3A_562 = tpu.vector_load %arg12[%swap3A_560, %swap3A_561] {strides = array<i32>} : memref<80x128xf32, #tpu.memory_space<vmem>>, vector<1x16xf32>,
        %swap3A_563 = vector.shape_cast %swap3A_562 : vector<1x16xf32> to vector<16xf32>
        %swap3A_564 = vector.shape_cast %mul3A_559 : vector<16xf32> to vector<1x16xf32>
        tpu.vector_store %arg12[%swap3A_560, %swap3A_561], %swap3A_564 {strides = array<i32>} : memref<80x128xf32, #tpu.memory_space<vmem>>, vector<1x16xf32>,
        %get3A_565 = arith.index_cast %add3A_542 : i32 to index
        %get3A_566 = arith.constant 32 : index
        %get3A_567 = tpu.vector_load %arg12[%get3A_565, %get3A_566] {strides = array<i32>} : memref<80x128xf32, #tpu.memory_space<vmem>>, vector<1x16xf32>,
        %get3A_568 = vector.shape_cast %get3A_567 : vector<1x16xf32> to vector<16xf32>
        %mul3A_569 = arith.mulf %get3A_568, %get3A_545 : vector<16xf32>
        %swap3A_570 = arith.index_cast %add3A_542 : i32 to index
        %swap3A_571 = arith.constant 32 : index
        %swap3A_572 = tpu.vector_load %arg12[%swap3A_570, %swap3A_571] {strides = array<i32>} : memref<80x128xf32, #tpu.memory_space<vmem>>, vector<1x16xf32>,
        %swap3A_573 = vector.shape_cast %swap3A_572 : vector<1x16xf32> to vector<16xf32>
        %swap3A_574 = vector.shape_cast %mul3A_569 : vector<16xf32> to vector<1x16xf32>
        tpu.vector_store %arg12[%swap3A_570, %swap3A_571], %swap3A_574 {strides = array<i32>} : memref<80x128xf32, #tpu.memory_space<vmem>>, vector<1x16xf32>,
        %get3A_575 = arith.index_cast %add3A_542 : i32 to index
        %get3A_576 = arith.constant 48 : index
        %get3A_577 = tpu.vector_load %arg12[%get3A_575, %get3A_576] {strides = array<i32>} : memref<80x128xf32, #tpu.memory_space<vmem>>, vector<1x16xf32>,
        %get3A_578 = vector.shape_cast %get3A_577 : vector<1x16xf32> to vector<16xf32>
        %mul3A_579 = arith.mulf %get3A_578, %get3A_545 : vector<16xf32>
        %swap3A_580 = arith.index_cast %add3A_542 : i32 to index
        %swap3A_581 = arith.constant 48 : index
        %swap3A_582 = tpu.vector_load %arg12[%swap3A_580, %swap3A_581] {strides = array<i32>} : memref<80x128xf32, #tpu.memory_space<vmem>>, vector<1x16xf32>,
        %swap3A_583 = vector.shape_cast %swap3A_582 : vector<1x16xf32> to vector<16xf32>
        %swap3A_584 = vector.shape_cast %mul3A_579 : vector<16xf32> to vector<1x16xf32>
        tpu.vector_store %arg12[%swap3A_580, %swap3A_581], %swap3A_584 {strides = array<i32>} : memref<80x128xf32, #tpu.memory_space<vmem>>, vector<1x16xf32>,
        %get3A_585 = arith.index_cast %add3A_542 : i32 to index
        %get3A_586 = arith.constant 64 : index
        %get3A_587 = tpu.vector_load %arg12[%get3A_585, %get3A_586] {strides = array<i32>} : memref<80x128xf32, #tpu.memory_space<vmem>>, vector<1x16xf32>,
        %get3A_588 = vector.shape_cast %get3A_587 : vector<1x16xf32> to vector<16xf32>
        %mul3A_589 = arith.mulf %get3A_588, %get3A_545 : vector<16xf32>
        %swap3A_590 = arith.index_cast %add3A_542 : i32 to index
        %swap3A_591 = arith.constant 64 : index
        %swap3A_592 = tpu.vector_load %arg12[%swap3A_590, %swap3A_591] {strides = array<i32>} : memref<80x128xf32, #tpu.memory_space<vmem>>, vector<1x16xf32>,
        %swap3A_593 = vector.shape_cast %swap3A_592 : vector<1x16xf32> to vector<16xf32>
        %swap3A_594 = vector.shape_cast %mul3A_589 : vector<16xf32> to vector<1x16xf32>
        tpu.vector_store %arg12[%swap3A_590, %swap3A_591], %swap3A_594 {strides = array<i32>} : memref<80x128xf32, #tpu.memory_space<vmem>>, vector<1x16xf32>,
        %get3A_595 = arith.index_cast %add3A_542 : i32 to index
        %get3A_596 = arith.constant 80 : index
        %get3A_597 = tpu.vector_load %arg12[%get3A_595, %get3A_596] {strides = array<i32>} : memref<80x128xf32, #tpu.memory_space<vmem>>, vector<1x16xf32>,
        %get3A_598 = vector.shape_cast %get3A_597 : vector<1x16xf32> to vector<16xf32>
        %mul3A_599 = arith.mulf %get3A_598, %get3A_545 : vector<16xf32>
        %swap3A_600 = arith.index_cast %add3A_542 : i32 to index
        %swap3A_601 = arith.constant 80 : index
        %swap3A_602 = tpu.vector_load %arg12[%swap3A_600, %swap3A_601] {strides = array<i32>} : memref<80x128xf32, #tpu.memory_space<vmem>>, vector<1x16xf32>,
        %swap3A_603 = vector.shape_cast %swap3A_602 : vector<1x16xf32> to vector<16xf32>
        %swap3A_604 = vector.shape_cast %mul3A_599 : vector<16xf32> to vector<1x16xf32>
        tpu.vector_store %arg12[%swap3A_600, %swap3A_601], %swap3A_604 {strides = array<i32>} : memref<80x128xf32, #tpu.memory_space<vmem>>, vector<1x16xf32>,
        %get3A_605 = arith.index_cast %add3A_542 : i32 to index
        %get3A_606 = arith.constant 96 : index
        %get3A_607 = tpu.vector_load %arg12[%get3A_605, %get3A_606] {strides = array<i32>} : memref<80x128xf32, #tpu.memory_space<vmem>>, vector<1x16xf32>,
        %get3A_608 = vector.shape_cast %get3A_607 : vector<1x16xf32> to vector<16xf32>
        %mul3A_609 = arith.mulf %get3A_608, %get3A_545 : vector<16xf32>
        %swap3A_610 = arith.index_cast %add3A_542 : i32 to index
        %swap3A_611 = arith.constant 96 : index
        %swap3A_612 = tpu.vector_load %arg12[%swap3A_610, %swap3A_611] {strides = array<i32>} : memref<80x128xf32, #tpu.memory_space<vmem>>, vector<1x16xf32>,
        %swap3A_613 = vector.shape_cast %swap3A_612 : vector<1x16xf32> to vector<16xf32>
        %swap3A_614 = vector.shape_cast %mul3A_609 : vector<16xf32> to vector<1x16xf32>
        tpu.vector_store %arg12[%swap3A_610, %swap3A_611], %swap3A_614 {strides = array<i32>} : memref<80x128xf32, #tpu.memory_space<vmem>>, vector<1x16xf32>,
        %get3A_615 = arith.index_cast %add3A_542 : i32 to index
        %get3A_616 = arith.constant 112 : index
        %get3A_617 = tpu.vector_load %arg12[%get3A_615, %get3A_616] {strides = array<i32>} : memref<80x128xf32, #tpu.memory_space<vmem>>, vector<1x16xf32>,
        %get3A_618 = vector.shape_cast %get3A_617 : vector<1x16xf32> to vector<16xf32>
        %mul3A_619 = arith.mulf %get3A_618, %get3A_545 : vector<16xf32>
        %swap3A_620 = arith.index_cast %add3A_542 : i32 to index
        %swap3A_621 = arith.constant 112 : index
        %swap3A_622 = tpu.vector_load %arg12[%swap3A_620, %swap3A_621] {strides = array<i32>} : memref<80x128xf32, #tpu.memory_space<vmem>>, vector<1x16xf32>,
        %swap3A_623 = vector.shape_cast %swap3A_622 : vector<1x16xf32> to vector<16xf32>
        %swap3A_624 = vector.shape_cast %mul3A_619 : vector<16xf32> to vector<1x16xf32>
        tpu.vector_store %arg12[%swap3A_620, %swap3A_621], %swap3A_624 {strides = array<i32>} : memref<80x128xf32, #tpu.memory_space<vmem>>, vector<1x16xf32>,
      }
      %scan3A_382 = arith.constant 80 : i32
      %dma_start3A_383 = arith.constant 2 : i32
      %dma_start3A_384 = arith.constant 1 : i32
      %dma_start3A_385 = arith.constant 0 : i32
      %dma_start3A_386 = tpu.memref_slice %arg7[%dma_start3A_383, %dma_start3A_384, %dma_start3A_385] : memref<6x2x80xi32, #tpu.memory_space<vmem>> -> memref<1x1x80xi32, #tpu.memory_space<vmem>>
      %dma_start3A_387 = tpu.memref_squeeze %dma_start3A_386 : memref<1x1x80xi32, #tpu.memory_space<vmem>> -> memref<80xi32, #tpu.memory_space<vmem>>
      %dma_start3A_388 = arith.constant 0 : i32
      %dma_start3A_389 = arith.constant 0 : i32
      %dma_start3A_390 = tpu.memref_slice %arg6[%dma_start3A_388, %dma_start3A_389] : memref<10240x128xf32, #tpu.memory_space<vmem_shared>> -> memref<10240x128xf32, #tpu.memory_space<vmem_shared>>
      tpu.enqueue_indirect_dma source(%arg12 : memref<80x128xf32, #tpu.memory_space<vmem>>) target(%dma_start3A_390 : memref<10240x128xf32, #tpu.memory_space<vmem_shared>>) offsets(%dma_start3A_387 : memref<80xi32, #tpu.memory_space<vmem>>) semaphore(%arg24 : memref<!tpu.dma_semaphore, #tpu.memory_space<semaphore_mem>>) {add = true}
      %mul3A_391 = arith.constant 6 : i32
      %mul3A_392 = arith.muli %add3A_247, %mul3A_391 : i32
      %add3A_393 = arith.constant 3 : i32
      %add3A_394 = arith.addi %mul3A_392, %add3A_393 : i32
      %ge3A_395 = arith.constant 1 : i32
      %ge3A_396 = arith.cmpi sge, %add3A_394, %ge3A_395 : i32
      %convert_element_type3A_397 = arith.extui %ge3A_396 : i1 to i32
      %cond3A_398 = arith.constant 0 : i32
      %cond3A_399 = arith.cmpi ne, %convert_element_type3A_397, %cond3A_398 : i32
      scf.if %cond3A_399 {
        %dma_wait3A_538 = arith.constant 2 : i32
        %dma_wait3A_539 = arith.constant 1 : i32
        %dma_wait3A_540 = arith.constant 0 : i32
        %dma_wait3A_541 = tpu.memref_slice %arg7[%dma_wait3A_538, %dma_wait3A_539, %dma_wait3A_540] : memref<6x2x80xi32, #tpu.memory_space<vmem>> -> memref<1x1x80xi32, #tpu.memory_space<vmem>>
        %dma_wait3A_542 = tpu.memref_squeeze %dma_wait3A_541 : memref<1x1x80xi32, #tpu.memory_space<vmem>> -> memref<80xi32, #tpu.memory_space<vmem>>
        %dma_wait3A_543 = arith.constant 0 : i32
        %dma_wait3A_544 = arith.constant 0 : i32
        %dma_wait3A_545 = tpu.memref_slice %arg6[%dma_wait3A_543, %dma_wait3A_544] : memref<10240x128xf32, #tpu.memory_space<vmem_shared>> -> memref<10240x128xf32, #tpu.memory_space<vmem_shared>>
        tpu.wait_indirect_dma semaphore(%arg24 : memref<!tpu.dma_semaphore, #tpu.memory_space<semaphore_mem>>) src(%arg12 : memref<80x128xf32, #tpu.memory_space<vmem>>) dst(%dma_wait3A_545 : memref<10240x128xf32, #tpu.memory_space<vmem_shared>>)
      } else {
      }
      %add3A_400 = arith.constant 4 : i32
      %add3A_401 = arith.addi %add3A_394, %add3A_400 : i32
      %lt3A_402 = arith.constant 126 : i32
      %lt3A_403 = arith.cmpi slt, %add3A_401, %lt3A_402 : i32
      %convert_element_type3A_404 = arith.extui %lt3A_403 : i1 to i32
      %cond3A_405 = arith.constant 0 : i32
      %cond3A_406 = arith.cmpi ne, %convert_element_type3A_404, %cond3A_405 : i32
      scf.if %cond3A_406 {
        %add3A_538 = arith.constant 4 : i32
        %add3A_539 = arith.addi %add3A_394, %add3A_538 : i32
        %dma_start3A_540 = arith.constant 1 : i32
        %dma_start3A_541 = arith.constant 0 : i32
        %dma_start3A_542 = arith.constant 0 : i32
        %dma_start3A_543 = tpu.memref_slice %arg7[%dma_start3A_540, %dma_start3A_541, %dma_start3A_542] : memref<6x2x80xi32, #tpu.memory_space<vmem>> -> memref<1x2x80xi32, #tpu.memory_space<vmem>>
        %dma_start3A_544 = tpu.memref_squeeze %dma_start3A_543 : memref<1x2x80xi32, #tpu.memory_space<vmem>> -> memref<2x80xi32, #tpu.memory_space<vmem>>
        %dma_start3A_545 = arith.constant 0 : i32
        %dma_start3A_546 = arith.constant 0 : i32
        %dma_start3A_547 = tpu.memref_slice %arg2[%add3A, %add3A_539, %dma_start3A_545, %dma_start3A_546] : memref<32x126x2x80xi32, #tpu.memory_space<hbm>> -> memref<1x1x2x80xi32, #tpu.memory_space<hbm>>
        %dma_start3A_548 = tpu.memref_squeeze %dma_start3A_547 : memref<1x1x2x80xi32, #tpu.memory_space<hbm>> -> memref<2x80xi32, #tpu.memory_space<hbm>>
        %dma_start3A_549 = arith.constant 0 : i32
        %dma_start3A_550 = arith.constant 0 : i32
        %dma_start3A_551 = tpu.memref_slice %arg7[%dma_start3A_540, %dma_start3A_549, %dma_start3A_550] : memref<6x2x80xi32, #tpu.memory_space<vmem>> -> memref<1x2x80xi32, #tpu.memory_space<vmem>>
        %dma_start3A_552 = tpu.memref_squeeze %dma_start3A_551 : memref<1x2x80xi32, #tpu.memory_space<vmem>> -> memref<2x80xi32, #tpu.memory_space<vmem>>
        %dma_start3A_553 = arith.constant 0 : i32
        %dma_start3A_554 = arith.constant 0 : i32
        %dma_start3A_555 = tpu.memref_slice %arg2[%add3A, %add3A_539, %dma_start3A_553, %dma_start3A_554] : memref<32x126x2x80xi32, #tpu.memory_space<hbm>> -> memref<1x1x2x80xi32, #tpu.memory_space<hbm>>
        %dma_start3A_556 = tpu.memref_squeeze %dma_start3A_555 : memref<1x1x2x80xi32, #tpu.memory_space<hbm>> -> memref<2x80xi32, #tpu.memory_space<hbm>>
        tpu.enqueue_dma source(%dma_start3A_556 : memref<2x80xi32, #tpu.memory_space<hbm>>) target(%dma_start3A_552 : memref<2x80xi32, #tpu.memory_space<vmem>>) target_semaphore(%arg14 : memref<!tpu.dma_semaphore, #tpu.memory_space<semaphore_mem>>)
        %dma_start3A_557 = arith.constant 1 : i32
        %dma_start3A_558 = arith.constant 0 : i32
        %dma_start3A_559 = tpu.memref_slice %arg8[%dma_start3A_557, %dma_start3A_558] : memref<6x80xf32, #tpu.memory_space<vmem>> -> memref<1x80xf32, #tpu.memory_space<vmem>>
        %dma_start3A_560 = tpu.memref_squeeze %dma_start3A_559 : memref<1x80xf32, #tpu.memory_space<vmem>> -> memref<80xf32, #tpu.memory_space<vmem>>
        %dma_start3A_561 = arith.constant 0 : i32
        %dma_start3A_562 = tpu.memref_slice %arg3[%add3A, %add3A_539, %dma_start3A_561] : memref<32x126x80xf32, #tpu.memory_space<hbm>> -> memref<1x1x80xf32, #tpu.memory_space<hbm>>
        %dma_start3A_563 = tpu.memref_squeeze %dma_start3A_562 : memref<1x1x80xf32, #tpu.memory_space<hbm>> -> memref<80xf32, #tpu.memory_space<hbm>>
        %dma_start3A_564 = arith.constant 0 : i32
        %dma_start3A_565 = tpu.memref_slice %arg8[%dma_start3A_557, %dma_start3A_564] : memref<6x80xf32, #tpu.memory_space<vmem>> -> memref<1x80xf32, #tpu.memory_space<vmem>>
        %dma_start3A_566 = tpu.memref_squeeze %dma_start3A_565 : memref<1x80xf32, #tpu.memory_space<vmem>> -> memref<80xf32, #tpu.memory_space<vmem>>
        %dma_start3A_567 = arith.constant 0 : i32
        %dma_start3A_568 = tpu.memref_slice %arg3[%add3A, %add3A_539, %dma_start3A_567] : memref<32x126x80xf32, #tpu.memory_space<hbm>> -> memref<1x1x80xf32, #tpu.memory_space<hbm>>
        %dma_start3A_569 = tpu.memref_squeeze %dma_start3A_568 : memref<1x1x80xf32, #tpu.memory_space<hbm>> -> memref<80xf32, #tpu.memory_space<hbm>>
        tpu.enqueue_dma source(%dma_start3A_569 : memref<80xf32, #tpu.memory_space<hbm>>) target(%dma_start3A_566 : memref<80xf32, #tpu.memory_space<vmem>>) target_semaphore(%arg14 : memref<!tpu.dma_semaphore, #tpu.memory_space<semaphore_mem>>)
      } else {
      }
      %add3A_407 = arith.constant 2 : i32
      %add3A_408 = arith.addi %add3A_394, %add3A_407 : i32
      %lt3A_409 = arith.constant 126 : i32
      %lt3A_410 = arith.cmpi slt, %add3A_408, %lt3A_409 : i32
      %convert_element_type3A_411 = arith.extui %lt3A_410 : i1 to i32
      %cond3A_412 = arith.constant 0 : i32
      %cond3A_413 = arith.cmpi ne, %convert_element_type3A_411, %cond3A_412 : i32
      scf.if %cond3A_413 {
        %dma_wait3A_538 = arith.constant 0 : i32
        %dma_wait3A_539 = arith.constant 5 : i32
        %dma_wait3A_540 = arith.constant 0 : i32
        %dma_wait3A_541 = arith.constant 0 : i32
        %dma_wait3A_542 = tpu.memref_slice %arg7[%dma_wait3A_539, %dma_wait3A_540, %dma_wait3A_541] : memref<6x2x80xi32, #tpu.memory_space<vmem>> -> memref<1x2x80xi32, #tpu.memory_space<vmem>>
        %dma_wait3A_543 = tpu.memref_squeeze %dma_wait3A_542 : memref<1x2x80xi32, #tpu.memory_space<vmem>> -> memref<2x80xi32, #tpu.memory_space<vmem>>
        %dma_wait3A_544 = arith.constant 0 : i32
        %dma_wait3A_545 = arith.constant 0 : i32
        %dma_wait3A_546 = tpu.memref_slice %arg2[%add3A, %dma_wait3A_538, %dma_wait3A_544, %dma_wait3A_545] : memref<32x126x2x80xi32, #tpu.memory_space<hbm>> -> memref<1x1x2x80xi32, #tpu.memory_space<hbm>>
        %dma_wait3A_547 = tpu.memref_squeeze %dma_wait3A_546 : memref<1x1x2x80xi32, #tpu.memory_space<hbm>> -> memref<2x80xi32, #tpu.memory_space<hbm>>
        %dma_wait3A_548 = arith.constant 0 : i32
        %dma_wait3A_549 = arith.constant 0 : i32
        %dma_wait3A_550 = tpu.memref_slice %arg7[%dma_wait3A_539, %dma_wait3A_548, %dma_wait3A_549] : memref<6x2x80xi32, #tpu.memory_space<vmem>> -> memref<1x2x80xi32, #tpu.memory_space<vmem>>
        %dma_wait3A_551 = tpu.memref_squeeze %dma_wait3A_550 : memref<1x2x80xi32, #tpu.memory_space<vmem>> -> memref<2x80xi32, #tpu.memory_space<vmem>>
        %dma_wait3A_552 = arith.constant 0 : i32
        %dma_wait3A_553 = arith.constant 0 : i32
        %dma_wait3A_554 = tpu.memref_slice %arg2[%add3A, %dma_wait3A_538, %dma_wait3A_552, %dma_wait3A_553] : memref<32x126x2x80xi32, #tpu.memory_space<hbm>> -> memref<1x1x2x80xi32, #tpu.memory_space<hbm>>
        %dma_wait3A_555 = tpu.memref_squeeze %dma_wait3A_554 : memref<1x1x2x80xi32, #tpu.memory_space<hbm>> -> memref<2x80xi32, #tpu.memory_space<hbm>>
        tpu.wait_dma2 semaphore(%arg18 : memref<!tpu.dma_semaphore, #tpu.memory_space<semaphore_mem>>) src(%dma_wait3A_555 : memref<2x80xi32, #tpu.memory_space<hbm>>) dst(%dma_wait3A_551 : memref<2x80xi32, #tpu.memory_space<vmem>>)
        %dma_wait3A_556 = arith.constant 0 : i32
        %dma_wait3A_557 = arith.constant 5 : i32
        %dma_wait3A_558 = arith.constant 0 : i32
        %dma_wait3A_559 = tpu.memref_slice %arg8[%dma_wait3A_557, %dma_wait3A_558] : memref<6x80xf32, #tpu.memory_space<vmem>> -> memref<1x80xf32, #tpu.memory_space<vmem>>
        %dma_wait3A_560 = tpu.memref_squeeze %dma_wait3A_559 : memref<1x80xf32, #tpu.memory_space<vmem>> -> memref<80xf32, #tpu.memory_space<vmem>>
        %dma_wait3A_561 = arith.constant 0 : i32
        %dma_wait3A_562 = tpu.memref_slice %arg3[%add3A, %dma_wait3A_556, %dma_wait3A_561] : memref<32x126x80xf32, #tpu.memory_space<hbm>> -> memref<1x1x80xf32, #tpu.memory_space<hbm>>
        %dma_wait3A_563 = tpu.memref_squeeze %dma_wait3A_562 : memref<1x1x80xf32, #tpu.memory_space<hbm>> -> memref<80xf32, #tpu.memory_space<hbm>>
        %dma_wait3A_564 = arith.constant 0 : i32
        %dma_wait3A_565 = tpu.memref_slice %arg8[%dma_wait3A_557, %dma_wait3A_564] : memref<6x80xf32, #tpu.memory_space<vmem>> -> memref<1x80xf32, #tpu.memory_space<vmem>>
        %dma_wait3A_566 = tpu.memref_squeeze %dma_wait3A_565 : memref<1x80xf32, #tpu.memory_space<vmem>> -> memref<80xf32, #tpu.memory_space<vmem>>
        %dma_wait3A_567 = arith.constant 0 : i32
        %dma_wait3A_568 = tpu.memref_slice %arg3[%add3A, %dma_wait3A_556, %dma_wait3A_567] : memref<32x126x80xf32, #tpu.memory_space<hbm>> -> memref<1x1x80xf32, #tpu.memory_space<hbm>>
        %dma_wait3A_569 = tpu.memref_squeeze %dma_wait3A_568 : memref<1x1x80xf32, #tpu.memory_space<hbm>> -> memref<80xf32, #tpu.memory_space<hbm>>
        tpu.wait_dma2 semaphore(%arg18 : memref<!tpu.dma_semaphore, #tpu.memory_space<semaphore_mem>>) src(%dma_wait3A_569 : memref<80xf32, #tpu.memory_space<hbm>>) dst(%dma_wait3A_566 : memref<80xf32, #tpu.memory_space<vmem>>)
        %dma_start3A_570 = arith.constant 5 : i32
        %dma_start3A_571 = arith.constant 0 : i32
        %dma_start3A_572 = arith.constant 0 : i32
        %dma_start3A_573 = tpu.memref_slice %arg7[%dma_start3A_570, %dma_start3A_571, %dma_start3A_572] : memref<6x2x80xi32, #tpu.memory_space<vmem>> -> memref<1x1x80xi32, #tpu.memory_space<vmem>>
        %dma_start3A_574 = tpu.memref_squeeze %dma_start3A_573 : memref<1x1x80xi32, #tpu.memory_space<vmem>> -> memref<80xi32, #tpu.memory_space<vmem>>
        %dma_start3A_575 = arith.constant 0 : i32
        %dma_start3A_576 = arith.constant 0 : i32
        %dma_start3A_577 = tpu.memref_slice %arg4[%dma_start3A_575, %dma_start3A_576] : memref<10000x128xf32, #tpu.memory_space<hbm>> -> memref<10000x128xf32, #tpu.memory_space<hbm>>
        tpu.enqueue_indirect_dma source(%dma_start3A_577 : memref<10000x128xf32, #tpu.memory_space<hbm>>) target(%arg12 : memref<80x128xf32, #tpu.memory_space<vmem>>) offsets(%dma_start3A_574 : memref<80xi32, #tpu.memory_space<vmem>>) semaphore(%arg21 : memref<!tpu.dma_semaphore, #tpu.memory_space<semaphore_mem>>)
      } else {
      }
      %dma_wait3A_414 = arith.constant 3 : i32
      %dma_wait3A_415 = arith.constant 0 : i32
      %dma_wait3A_416 = arith.constant 0 : i32
      %dma_wait3A_417 = tpu.memref_slice %arg7[%dma_wait3A_414, %dma_wait3A_415, %dma_wait3A_416] : memref<6x2x80xi32, #tpu.memory_space<vmem>> -> memref<1x1x80xi32, #tpu.memory_space<vmem>>
      %dma_wait3A_418 = tpu.memref_squeeze %dma_wait3A_417 : memref<1x1x80xi32, #tpu.memory_space<vmem>> -> memref<80xi32, #tpu.memory_space<vmem>>
      %dma_wait3A_419 = arith.constant 0 : i32
      %dma_wait3A_420 = arith.constant 0 : i32
      %dma_wait3A_421 = tpu.memref_slice %arg4[%dma_wait3A_419, %dma_wait3A_420] : memref<10000x128xf32, #tpu.memory_space<hbm>> -> memref<10000x128xf32, #tpu.memory_space<hbm>>
      tpu.wait_indirect_dma semaphore(%arg19 : memref<!tpu.dma_semaphore, #tpu.memory_space<semaphore_mem>>) src(%dma_wait3A_421 : memref<10000x128xf32, #tpu.memory_space<hbm>>) dst(%arg10 : memref<80x128xf32, #tpu.memory_space<vmem>>)
      %scan3A_422 = arith.constant 0 : i32
      %scan3A_423 = arith.constant 5 : i32
      %scan3A_424 = arith.addi %scan3A_422, %scan3A_423 : i32
      %scan3A_425 = arith.constant 1 : i32
      scf.for %scan3A_538 = %scan3A_422 to %scan3A_424 step %scan3A_425  : i32 {
        %mul3A_539 = arith.constant 1 : i32
        %mul3A_540 = arith.muli %scan3A_538, %mul3A_539 : i32
        %add3A_541 = arith.constant 0 : i32
        %add3A_542 = arith.addi %add3A_541, %mul3A_540 : i32
        %mul3A_543 = arith.constant 16 : i32
        %mul3A_544 = arith.muli %add3A_542, %mul3A_543 : i32
        %get3A = arith.constant 3 : i32
        %get3A_545 = arith.index_cast %get3A : i32 to index
        %get3A_546 = arith.index_cast %mul3A_544 : i32 to index
        %get3A_547 = tpu.vector_load %arg8[%get3A_545, %get3A_546] {strides = array<i32>} : memref<6x80xf32, #tpu.memory_space<vmem>>, vector<1x16xf32>,
        %get3A_548 = vector.shape_cast %get3A_547 : vector<1x16xf32> to vector<16xf32>
        %slice3A = vector.extract_strided_slice %get3A_548 {offsets = [0], sizes = [1], strides = [1]} : vector<16xf32> to vector<1xf32>
        %squeeze3A = vector.extract %slice3A[0] : f32 from vector<1xf32>
        %broadcast_in_dim3A = vector.broadcast %squeeze3A : f32 to vector<16xf32>
        %mul3A_549 = arith.constant 16 : i32
        %mul3A_550 = arith.muli %add3A_542, %mul3A_549 : i32
        %add3A_551 = arith.constant 0 : i32
        %add3A_552 = arith.addi %mul3A_550, %add3A_551 : i32
        %swap3A = arith.index_cast %add3A_552 : i32 to index
        %swap3A_553 = arith.constant 0 : index
        %swap3A_554 = tpu.vector_load %arg9[%swap3A, %swap3A_553] {strides = array<i32>} : memref<80x16xf32, #tpu.memory_space<vmem>>, vector<1x16xf32>,
        %swap3A_555 = vector.shape_cast %swap3A_554 : vector<1x16xf32> to vector<16xf32>
        %swap3A_556 = vector.shape_cast %broadcast_in_dim3A : vector<16xf32> to vector<1x16xf32>
        tpu.vector_store %arg9[%swap3A, %swap3A_553], %swap3A_556 {strides = array<i32>} : memref<80x16xf32, #tpu.memory_space<vmem>>, vector<1x16xf32>,
        %slice3A_557 = vector.extract_strided_slice %get3A_548 {offsets = [1], sizes = [1], strides = [1]} : vector<16xf32> to vector<1xf32>
        %squeeze3A_558 = vector.extract %slice3A_557[0] : f32 from vector<1xf32>
        %broadcast_in_dim3A_559 = vector.broadcast %squeeze3A_558 : f32 to vector<16xf32>
        %mul3A_560 = arith.constant 16 : i32
        %mul3A_561 = arith.muli %add3A_542, %mul3A_560 : i32
        %add3A_562 = arith.constant 1 : i32
        %add3A_563 = arith.addi %mul3A_561, %add3A_562 : i32
        %swap3A_564 = arith.index_cast %add3A_563 : i32 to index
        %swap3A_565 = arith.constant 0 : index
        %swap3A_566 = tpu.vector_load %arg9[%swap3A_564, %swap3A_565] {strides = array<i32>} : memref<80x16xf32, #tpu.memory_space<vmem>>, vector<1x16xf32>,
        %swap3A_567 = vector.shape_cast %swap3A_566 : vector<1x16xf32> to vector<16xf32>
        %swap3A_568 = vector.shape_cast %broadcast_in_dim3A_559 : vector<16xf32> to vector<1x16xf32>
        tpu.vector_store %arg9[%swap3A_564, %swap3A_565], %swap3A_568 {strides = array<i32>} : memref<80x16xf32, #tpu.memory_space<vmem>>, vector<1x16xf32>,
        %slice3A_569 = vector.extract_strided_slice %get3A_548 {offsets = [2], sizes = [1], strides = [1]} : vector<16xf32> to vector<1xf32>
        %squeeze3A_570 = vector.extract %slice3A_569[0] : f32 from vector<1xf32>
        %broadcast_in_dim3A_571 = vector.broadcast %squeeze3A_570 : f32 to vector<16xf32>
        %mul3A_572 = arith.constant 16 : i32
        %mul3A_573 = arith.muli %add3A_542, %mul3A_572 : i32
        %add3A_574 = arith.constant 2 : i32
        %add3A_575 = arith.addi %mul3A_573, %add3A_574 : i32
        %swap3A_576 = arith.index_cast %add3A_575 : i32 to index
        %swap3A_577 = arith.constant 0 : index
        %swap3A_578 = tpu.vector_load %arg9[%swap3A_576, %swap3A_577] {strides = array<i32>} : memref<80x16xf32, #tpu.memory_space<vmem>>, vector<1x16xf32>,
        %swap3A_579 = vector.shape_cast %swap3A_578 : vector<1x16xf32> to vector<16xf32>
        %swap3A_580 = vector.shape_cast %broadcast_in_dim3A_571 : vector<16xf32> to vector<1x16xf32>
        tpu.vector_store %arg9[%swap3A_576, %swap3A_577], %swap3A_580 {strides = array<i32>} : memref<80x16xf32, #tpu.memory_space<vmem>>, vector<1x16xf32>,
        %slice3A_581 = vector.extract_strided_slice %get3A_548 {offsets = [3], sizes = [1], strides = [1]} : vector<16xf32> to vector<1xf32>
        %squeeze3A_582 = vector.extract %slice3A_581[0] : f32 from vector<1xf32>
        %broadcast_in_dim3A_583 = vector.broadcast %squeeze3A_582 : f32 to vector<16xf32>
        %mul3A_584 = arith.constant 16 : i32
        %mul3A_585 = arith.muli %add3A_542, %mul3A_584 : i32
        %add3A_586 = arith.constant 3 : i32
        %add3A_587 = arith.addi %mul3A_585, %add3A_586 : i32
        %swap3A_588 = arith.index_cast %add3A_587 : i32 to index
        %swap3A_589 = arith.constant 0 : index
        %swap3A_590 = tpu.vector_load %arg9[%swap3A_588, %swap3A_589] {strides = array<i32>} : memref<80x16xf32, #tpu.memory_space<vmem>>, vector<1x16xf32>,
        %swap3A_591 = vector.shape_cast %swap3A_590 : vector<1x16xf32> to vector<16xf32>
        %swap3A_592 = vector.shape_cast %broadcast_in_dim3A_583 : vector<16xf32> to vector<1x16xf32>
        tpu.vector_store %arg9[%swap3A_588, %swap3A_589], %swap3A_592 {strides = array<i32>} : memref<80x16xf32, #tpu.memory_space<vmem>>, vector<1x16xf32>,
        %slice3A_593 = vector.extract_strided_slice %get3A_548 {offsets = [4], sizes = [1], strides = [1]} : vector<16xf32> to vector<1xf32>
        %squeeze3A_594 = vector.extract %slice3A_593[0] : f32 from vector<1xf32>
        %broadcast_in_dim3A_595 = vector.broadcast %squeeze3A_594 : f32 to vector<16xf32>
        %mul3A_596 = arith.constant 16 : i32
        %mul3A_597 = arith.muli %add3A_542, %mul3A_596 : i32
        %add3A_598 = arith.constant 4 : i32
        %add3A_599 = arith.addi %mul3A_597, %add3A_598 : i32
        %swap3A_600 = arith.index_cast %add3A_599 : i32 to index
        %swap3A_601 = arith.constant 0 : index
        %swap3A_602 = tpu.vector_load %arg9[%swap3A_600, %swap3A_601] {strides = array<i32>} : memref<80x16xf32, #tpu.memory_space<vmem>>, vector<1x16xf32>,
        %swap3A_603 = vector.shape_cast %swap3A_602 : vector<1x16xf32> to vector<16xf32>
        %swap3A_604 = vector.shape_cast %broadcast_in_dim3A_595 : vector<16xf32> to vector<1x16xf32>
        tpu.vector_store %arg9[%swap3A_600, %swap3A_601], %swap3A_604 {strides = array<i32>} : memref<80x16xf32, #tpu.memory_space<vmem>>, vector<1x16xf32>,
        %slice3A_605 = vector.extract_strided_slice %get3A_548 {offsets = [5], sizes = [1], strides = [1]} : vector<16xf32> to vector<1xf32>
        %squeeze3A_606 = vector.extract %slice3A_605[0] : f32 from vector<1xf32>
        %broadcast_in_dim3A_607 = vector.broadcast %squeeze3A_606 : f32 to vector<16xf32>
        %mul3A_608 = arith.constant 16 : i32
        %mul3A_609 = arith.muli %add3A_542, %mul3A_608 : i32
        %add3A_610 = arith.constant 5 : i32
        %add3A_611 = arith.addi %mul3A_609, %add3A_610 : i32
        %swap3A_612 = arith.index_cast %add3A_611 : i32 to index
        %swap3A_613 = arith.constant 0 : index
        %swap3A_614 = tpu.vector_load %arg9[%swap3A_612, %swap3A_613] {strides = array<i32>} : memref<80x16xf32, #tpu.memory_space<vmem>>, vector<1x16xf32>,
        %swap3A_615 = vector.shape_cast %swap3A_614 : vector<1x16xf32> to vector<16xf32>
        %swap3A_616 = vector.shape_cast %broadcast_in_dim3A_607 : vector<16xf32> to vector<1x16xf32>
        tpu.vector_store %arg9[%swap3A_612, %swap3A_613], %swap3A_616 {strides = array<i32>} : memref<80x16xf32, #tpu.memory_space<vmem>>, vector<1x16xf32>,
        %slice3A_617 = vector.extract_strided_slice %get3A_548 {offsets = [6], sizes = [1], strides = [1]} : vector<16xf32> to vector<1xf32>
        %squeeze3A_618 = vector.extract %slice3A_617[0] : f32 from vector<1xf32>
        %broadcast_in_dim3A_619 = vector.broadcast %squeeze3A_618 : f32 to vector<16xf32>
        %mul3A_620 = arith.constant 16 : i32
        %mul3A_621 = arith.muli %add3A_542, %mul3A_620 : i32
        %add3A_622 = arith.constant 6 : i32
        %add3A_623 = arith.addi %mul3A_621, %add3A_622 : i32
        %swap3A_624 = arith.index_cast %add3A_623 : i32 to index
        %swap3A_625 = arith.constant 0 : index
        %swap3A_626 = tpu.vector_load %arg9[%swap3A_624, %swap3A_625] {strides = array<i32>} : memref<80x16xf32, #tpu.memory_space<vmem>>, vector<1x16xf32>,
        %swap3A_627 = vector.shape_cast %swap3A_626 : vector<1x16xf32> to vector<16xf32>
        %swap3A_628 = vector.shape_cast %broadcast_in_dim3A_619 : vector<16xf32> to vector<1x16xf32>
        tpu.vector_store %arg9[%swap3A_624, %swap3A_625], %swap3A_628 {strides = array<i32>} : memref<80x16xf32, #tpu.memory_space<vmem>>, vector<1x16xf32>,
        %slice3A_629 = vector.extract_strided_slice %get3A_548 {offsets = [7], sizes = [1], strides = [1]} : vector<16xf32> to vector<1xf32>
        %squeeze3A_630 = vector.extract %slice3A_629[0] : f32 from vector<1xf32>
        %broadcast_in_dim3A_631 = vector.broadcast %squeeze3A_630 : f32 to vector<16xf32>
        %mul3A_632 = arith.constant 16 : i32
        %mul3A_633 = arith.muli %add3A_542, %mul3A_632 : i32
        %add3A_634 = arith.constant 7 : i32
        %add3A_635 = arith.addi %mul3A_633, %add3A_634 : i32
        %swap3A_636 = arith.index_cast %add3A_635 : i32 to index
        %swap3A_637 = arith.constant 0 : index
        %swap3A_638 = tpu.vector_load %arg9[%swap3A_636, %swap3A_637] {strides = array<i32>} : memref<80x16xf32, #tpu.memory_space<vmem>>, vector<1x16xf32>,
        %swap3A_639 = vector.shape_cast %swap3A_638 : vector<1x16xf32> to vector<16xf32>
        %swap3A_640 = vector.shape_cast %broadcast_in_dim3A_631 : vector<16xf32> to vector<1x16xf32>
        tpu.vector_store %arg9[%swap3A_636, %swap3A_637], %swap3A_640 {strides = array<i32>} : memref<80x16xf32, #tpu.memory_space<vmem>>, vector<1x16xf32>,
        %slice3A_641 = vector.extract_strided_slice %get3A_548 {offsets = [8], sizes = [1], strides = [1]} : vector<16xf32> to vector<1xf32>
        %squeeze3A_642 = vector.extract %slice3A_641[0] : f32 from vector<1xf32>
        %broadcast_in_dim3A_643 = vector.broadcast %squeeze3A_642 : f32 to vector<16xf32>
        %mul3A_644 = arith.constant 16 : i32
        %mul3A_645 = arith.muli %add3A_542, %mul3A_644 : i32
        %add3A_646 = arith.constant 8 : i32
        %add3A_647 = arith.addi %mul3A_645, %add3A_646 : i32
        %swap3A_648 = arith.index_cast %add3A_647 : i32 to index
        %swap3A_649 = arith.constant 0 : index
        %swap3A_650 = tpu.vector_load %arg9[%swap3A_648, %swap3A_649] {strides = array<i32>} : memref<80x16xf32, #tpu.memory_space<vmem>>, vector<1x16xf32>,
        %swap3A_651 = vector.shape_cast %swap3A_650 : vector<1x16xf32> to vector<16xf32>
        %swap3A_652 = vector.shape_cast %broadcast_in_dim3A_643 : vector<16xf32> to vector<1x16xf32>
        tpu.vector_store %arg9[%swap3A_648, %swap3A_649], %swap3A_652 {strides = array<i32>} : memref<80x16xf32, #tpu.memory_space<vmem>>, vector<1x16xf32>,
        %slice3A_653 = vector.extract_strided_slice %get3A_548 {offsets = [9], sizes = [1], strides = [1]} : vector<16xf32> to vector<1xf32>
        %squeeze3A_654 = vector.extract %slice3A_653[0] : f32 from vector<1xf32>
        %broadcast_in_dim3A_655 = vector.broadcast %squeeze3A_654 : f32 to vector<16xf32>
        %mul3A_656 = arith.constant 16 : i32
        %mul3A_657 = arith.muli %add3A_542, %mul3A_656 : i32
        %add3A_658 = arith.constant 9 : i32
        %add3A_659 = arith.addi %mul3A_657, %add3A_658 : i32
        %swap3A_660 = arith.index_cast %add3A_659 : i32 to index
        %swap3A_661 = arith.constant 0 : index
        %swap3A_662 = tpu.vector_load %arg9[%swap3A_660, %swap3A_661] {strides = array<i32>} : memref<80x16xf32, #tpu.memory_space<vmem>>, vector<1x16xf32>,
        %swap3A_663 = vector.shape_cast %swap3A_662 : vector<1x16xf32> to vector<16xf32>
        %swap3A_664 = vector.shape_cast %broadcast_in_dim3A_655 : vector<16xf32> to vector<1x16xf32>
        tpu.vector_store %arg9[%swap3A_660, %swap3A_661], %swap3A_664 {strides = array<i32>} : memref<80x16xf32, #tpu.memory_space<vmem>>, vector<1x16xf32>,
        %slice3A_665 = vector.extract_strided_slice %get3A_548 {offsets = [10], sizes = [1], strides = [1]} : vector<16xf32> to vector<1xf32>
        %squeeze3A_666 = vector.extract %slice3A_665[0] : f32 from vector<1xf32>
        %broadcast_in_dim3A_667 = vector.broadcast %squeeze3A_666 : f32 to vector<16xf32>
        %mul3A_668 = arith.constant 16 : i32
        %mul3A_669 = arith.muli %add3A_542, %mul3A_668 : i32
        %add3A_670 = arith.constant 10 : i32
        %add3A_671 = arith.addi %mul3A_669, %add3A_670 : i32
        %swap3A_672 = arith.index_cast %add3A_671 : i32 to index
        %swap3A_673 = arith.constant 0 : index
        %swap3A_674 = tpu.vector_load %arg9[%swap3A_672, %swap3A_673] {strides = array<i32>} : memref<80x16xf32, #tpu.memory_space<vmem>>, vector<1x16xf32>,
        %swap3A_675 = vector.shape_cast %swap3A_674 : vector<1x16xf32> to vector<16xf32>
        %swap3A_676 = vector.shape_cast %broadcast_in_dim3A_667 : vector<16xf32> to vector<1x16xf32>
        tpu.vector_store %arg9[%swap3A_672, %swap3A_673], %swap3A_676 {strides = array<i32>} : memref<80x16xf32, #tpu.memory_space<vmem>>, vector<1x16xf32>,
        %slice3A_677 = vector.extract_strided_slice %get3A_548 {offsets = [11], sizes = [1], strides = [1]} : vector<16xf32> to vector<1xf32>
        %squeeze3A_678 = vector.extract %slice3A_677[0] : f32 from vector<1xf32>
        %broadcast_in_dim3A_679 = vector.broadcast %squeeze3A_678 : f32 to vector<16xf32>
        %mul3A_680 = arith.constant 16 : i32
        %mul3A_681 = arith.muli %add3A_542, %mul3A_680 : i32
        %add3A_682 = arith.constant 11 : i32
        %add3A_683 = arith.addi %mul3A_681, %add3A_682 : i32
        %swap3A_684 = arith.index_cast %add3A_683 : i32 to index
        %swap3A_685 = arith.constant 0 : index
        %swap3A_686 = tpu.vector_load %arg9[%swap3A_684, %swap3A_685] {strides = array<i32>} : memref<80x16xf32, #tpu.memory_space<vmem>>, vector<1x16xf32>,
        %swap3A_687 = vector.shape_cast %swap3A_686 : vector<1x16xf32> to vector<16xf32>
        %swap3A_688 = vector.shape_cast %broadcast_in_dim3A_679 : vector<16xf32> to vector<1x16xf32>
        tpu.vector_store %arg9[%swap3A_684, %swap3A_685], %swap3A_688 {strides = array<i32>} : memref<80x16xf32, #tpu.memory_space<vmem>>, vector<1x16xf32>,
        %slice3A_689 = vector.extract_strided_slice %get3A_548 {offsets = [12], sizes = [1], strides = [1]} : vector<16xf32> to vector<1xf32>
        %squeeze3A_690 = vector.extract %slice3A_689[0] : f32 from vector<1xf32>
        %broadcast_in_dim3A_691 = vector.broadcast %squeeze3A_690 : f32 to vector<16xf32>
        %mul3A_692 = arith.constant 16 : i32
        %mul3A_693 = arith.muli %add3A_542, %mul3A_692 : i32
        %add3A_694 = arith.constant 12 : i32
        %add3A_695 = arith.addi %mul3A_693, %add3A_694 : i32
        %swap3A_696 = arith.index_cast %add3A_695 : i32 to index
        %swap3A_697 = arith.constant 0 : index
        %swap3A_698 = tpu.vector_load %arg9[%swap3A_696, %swap3A_697] {strides = array<i32>} : memref<80x16xf32, #tpu.memory_space<vmem>>, vector<1x16xf32>,
        %swap3A_699 = vector.shape_cast %swap3A_698 : vector<1x16xf32> to vector<16xf32>
        %swap3A_700 = vector.shape_cast %broadcast_in_dim3A_691 : vector<16xf32> to vector<1x16xf32>
        tpu.vector_store %arg9[%swap3A_696, %swap3A_697], %swap3A_700 {strides = array<i32>} : memref<80x16xf32, #tpu.memory_space<vmem>>, vector<1x16xf32>,
        %slice3A_701 = vector.extract_strided_slice %get3A_548 {offsets = [13], sizes = [1], strides = [1]} : vector<16xf32> to vector<1xf32>
        %squeeze3A_702 = vector.extract %slice3A_701[0] : f32 from vector<1xf32>
        %broadcast_in_dim3A_703 = vector.broadcast %squeeze3A_702 : f32 to vector<16xf32>
        %mul3A_704 = arith.constant 16 : i32
        %mul3A_705 = arith.muli %add3A_542, %mul3A_704 : i32
        %add3A_706 = arith.constant 13 : i32
        %add3A_707 = arith.addi %mul3A_705, %add3A_706 : i32
        %swap3A_708 = arith.index_cast %add3A_707 : i32 to index
        %swap3A_709 = arith.constant 0 : index
        %swap3A_710 = tpu.vector_load %arg9[%swap3A_708, %swap3A_709] {strides = array<i32>} : memref<80x16xf32, #tpu.memory_space<vmem>>, vector<1x16xf32>,
        %swap3A_711 = vector.shape_cast %swap3A_710 : vector<1x16xf32> to vector<16xf32>
        %swap3A_712 = vector.shape_cast %broadcast_in_dim3A_703 : vector<16xf32> to vector<1x16xf32>
        tpu.vector_store %arg9[%swap3A_708, %swap3A_709], %swap3A_712 {strides = array<i32>} : memref<80x16xf32, #tpu.memory_space<vmem>>, vector<1x16xf32>,
        %slice3A_713 = vector.extract_strided_slice %get3A_548 {offsets = [14], sizes = [1], strides = [1]} : vector<16xf32> to vector<1xf32>
        %squeeze3A_714 = vector.extract %slice3A_713[0] : f32 from vector<1xf32>
        %broadcast_in_dim3A_715 = vector.broadcast %squeeze3A_714 : f32 to vector<16xf32>
        %mul3A_716 = arith.constant 16 : i32
        %mul3A_717 = arith.muli %add3A_542, %mul3A_716 : i32
        %add3A_718 = arith.constant 14 : i32
        %add3A_719 = arith.addi %mul3A_717, %add3A_718 : i32
        %swap3A_720 = arith.index_cast %add3A_719 : i32 to index
        %swap3A_721 = arith.constant 0 : index
        %swap3A_722 = tpu.vector_load %arg9[%swap3A_720, %swap3A_721] {strides = array<i32>} : memref<80x16xf32, #tpu.memory_space<vmem>>, vector<1x16xf32>,
        %swap3A_723 = vector.shape_cast %swap3A_722 : vector<1x16xf32> to vector<16xf32>
        %swap3A_724 = vector.shape_cast %broadcast_in_dim3A_715 : vector<16xf32> to vector<1x16xf32>
        tpu.vector_store %arg9[%swap3A_720, %swap3A_721], %swap3A_724 {strides = array<i32>} : memref<80x16xf32, #tpu.memory_space<vmem>>, vector<1x16xf32>,
        %slice3A_725 = vector.extract_strided_slice %get3A_548 {offsets = [15], sizes = [1], strides = [1]} : vector<16xf32> to vector<1xf32>
        %squeeze3A_726 = vector.extract %slice3A_725[0] : f32 from vector<1xf32>
        %broadcast_in_dim3A_727 = vector.broadcast %squeeze3A_726 : f32 to vector<16xf32>
        %mul3A_728 = arith.constant 16 : i32
        %mul3A_729 = arith.muli %add3A_542, %mul3A_728 : i32
        %add3A_730 = arith.constant 15 : i32
        %add3A_731 = arith.addi %mul3A_729, %add3A_730 : i32
        %swap3A_732 = arith.index_cast %add3A_731 : i32 to index
        %swap3A_733 = arith.constant 0 : index
        %swap3A_734 = tpu.vector_load %arg9[%swap3A_732, %swap3A_733] {strides = array<i32>} : memref<80x16xf32, #tpu.memory_space<vmem>>, vector<1x16xf32>,
        %swap3A_735 = vector.shape_cast %swap3A_734 : vector<1x16xf32> to vector<16xf32>
        %swap3A_736 = vector.shape_cast %broadcast_in_dim3A_727 : vector<16xf32> to vector<1x16xf32>
        tpu.vector_store %arg9[%swap3A_732, %swap3A_733], %swap3A_736 {strides = array<i32>} : memref<80x16xf32, #tpu.memory_space<vmem>>, vector<1x16xf32>,
      }
      %scan3A_426 = arith.constant 5 : i32
      %scan3A_427 = arith.constant 0 : i32
      %scan3A_428 = arith.constant 80 : i32
      %scan3A_429 = arith.addi %scan3A_427, %scan3A_428 : i32
      %scan3A_430 = arith.constant 1 : i32
      scf.for %scan3A_538 = %scan3A_427 to %scan3A_429 step %scan3A_430  : i32 {
        %mul3A_539 = arith.constant 1 : i32
        %mul3A_540 = arith.muli %scan3A_538, %mul3A_539 : i32
        %add3A_541 = arith.constant 0 : i32
        %add3A_542 = arith.addi %add3A_541, %mul3A_540 : i32
        %get3A = arith.index_cast %add3A_542 : i32 to index
        %get3A_543 = arith.constant 0 : index
        %get3A_544 = tpu.vector_load %arg9[%get3A, %get3A_543] {strides = array<i32>} : memref<80x16xf32, #tpu.memory_space<vmem>>, vector<1x16xf32>,
        %get3A_545 = vector.shape_cast %get3A_544 : vector<1x16xf32> to vector<16xf32>
        %get3A_546 = arith.index_cast %add3A_542 : i32 to index
        %get3A_547 = arith.constant 0 : index
        %get3A_548 = tpu.vector_load %arg10[%get3A_546, %get3A_547] {strides = array<i32>} : memref<80x128xf32, #tpu.memory_space<vmem>>, vector<1x16xf32>,
        %get3A_549 = vector.shape_cast %get3A_548 : vector<1x16xf32> to vector<16xf32>
        %mul3A_550 = arith.mulf %get3A_549, %get3A_545 : vector<16xf32>
        %swap3A = arith.index_cast %add3A_542 : i32 to index
        %swap3A_551 = arith.constant 0 : index
        %swap3A_552 = tpu.vector_load %arg10[%swap3A, %swap3A_551] {strides = array<i32>} : memref<80x128xf32, #tpu.memory_space<vmem>>, vector<1x16xf32>,
        %swap3A_553 = vector.shape_cast %swap3A_552 : vector<1x16xf32> to vector<16xf32>
        %swap3A_554 = vector.shape_cast %mul3A_550 : vector<16xf32> to vector<1x16xf32>
        tpu.vector_store %arg10[%swap3A, %swap3A_551], %swap3A_554 {strides = array<i32>} : memref<80x128xf32, #tpu.memory_space<vmem>>, vector<1x16xf32>,
        %get3A_555 = arith.index_cast %add3A_542 : i32 to index
        %get3A_556 = arith.constant 16 : index
        %get3A_557 = tpu.vector_load %arg10[%get3A_555, %get3A_556] {strides = array<i32>} : memref<80x128xf32, #tpu.memory_space<vmem>>, vector<1x16xf32>,
        %get3A_558 = vector.shape_cast %get3A_557 : vector<1x16xf32> to vector<16xf32>
        %mul3A_559 = arith.mulf %get3A_558, %get3A_545 : vector<16xf32>
        %swap3A_560 = arith.index_cast %add3A_542 : i32 to index
        %swap3A_561 = arith.constant 16 : index
        %swap3A_562 = tpu.vector_load %arg10[%swap3A_560, %swap3A_561] {strides = array<i32>} : memref<80x128xf32, #tpu.memory_space<vmem>>, vector<1x16xf32>,
        %swap3A_563 = vector.shape_cast %swap3A_562 : vector<1x16xf32> to vector<16xf32>
        %swap3A_564 = vector.shape_cast %mul3A_559 : vector<16xf32> to vector<1x16xf32>
        tpu.vector_store %arg10[%swap3A_560, %swap3A_561], %swap3A_564 {strides = array<i32>} : memref<80x128xf32, #tpu.memory_space<vmem>>, vector<1x16xf32>,
        %get3A_565 = arith.index_cast %add3A_542 : i32 to index
        %get3A_566 = arith.constant 32 : index
        %get3A_567 = tpu.vector_load %arg10[%get3A_565, %get3A_566] {strides = array<i32>} : memref<80x128xf32, #tpu.memory_space<vmem>>, vector<1x16xf32>,
        %get3A_568 = vector.shape_cast %get3A_567 : vector<1x16xf32> to vector<16xf32>
        %mul3A_569 = arith.mulf %get3A_568, %get3A_545 : vector<16xf32>
        %swap3A_570 = arith.index_cast %add3A_542 : i32 to index
        %swap3A_571 = arith.constant 32 : index
        %swap3A_572 = tpu.vector_load %arg10[%swap3A_570, %swap3A_571] {strides = array<i32>} : memref<80x128xf32, #tpu.memory_space<vmem>>, vector<1x16xf32>,
        %swap3A_573 = vector.shape_cast %swap3A_572 : vector<1x16xf32> to vector<16xf32>
        %swap3A_574 = vector.shape_cast %mul3A_569 : vector<16xf32> to vector<1x16xf32>
        tpu.vector_store %arg10[%swap3A_570, %swap3A_571], %swap3A_574 {strides = array<i32>} : memref<80x128xf32, #tpu.memory_space<vmem>>, vector<1x16xf32>,
        %get3A_575 = arith.index_cast %add3A_542 : i32 to index
        %get3A_576 = arith.constant 48 : index
        %get3A_577 = tpu.vector_load %arg10[%get3A_575, %get3A_576] {strides = array<i32>} : memref<80x128xf32, #tpu.memory_space<vmem>>, vector<1x16xf32>,
        %get3A_578 = vector.shape_cast %get3A_577 : vector<1x16xf32> to vector<16xf32>
        %mul3A_579 = arith.mulf %get3A_578, %get3A_545 : vector<16xf32>
        %swap3A_580 = arith.index_cast %add3A_542 : i32 to index
        %swap3A_581 = arith.constant 48 : index
        %swap3A_582 = tpu.vector_load %arg10[%swap3A_580, %swap3A_581] {strides = array<i32>} : memref<80x128xf32, #tpu.memory_space<vmem>>, vector<1x16xf32>,
        %swap3A_583 = vector.shape_cast %swap3A_582 : vector<1x16xf32> to vector<16xf32>
        %swap3A_584 = vector.shape_cast %mul3A_579 : vector<16xf32> to vector<1x16xf32>
        tpu.vector_store %arg10[%swap3A_580, %swap3A_581], %swap3A_584 {strides = array<i32>} : memref<80x128xf32, #tpu.memory_space<vmem>>, vector<1x16xf32>,
        %get3A_585 = arith.index_cast %add3A_542 : i32 to index
        %get3A_586 = arith.constant 64 : index
        %get3A_587 = tpu.vector_load %arg10[%get3A_585, %get3A_586] {strides = array<i32>} : memref<80x128xf32, #tpu.memory_space<vmem>>, vector<1x16xf32>,
        %get3A_588 = vector.shape_cast %get3A_587 : vector<1x16xf32> to vector<16xf32>
        %mul3A_589 = arith.mulf %get3A_588, %get3A_545 : vector<16xf32>
        %swap3A_590 = arith.index_cast %add3A_542 : i32 to index
        %swap3A_591 = arith.constant 64 : index
        %swap3A_592 = tpu.vector_load %arg10[%swap3A_590, %swap3A_591] {strides = array<i32>} : memref<80x128xf32, #tpu.memory_space<vmem>>, vector<1x16xf32>,
        %swap3A_593 = vector.shape_cast %swap3A_592 : vector<1x16xf32> to vector<16xf32>
        %swap3A_594 = vector.shape_cast %mul3A_589 : vector<16xf32> to vector<1x16xf32>
        tpu.vector_store %arg10[%swap3A_590, %swap3A_591], %swap3A_594 {strides = array<i32>} : memref<80x128xf32, #tpu.memory_space<vmem>>, vector<1x16xf32>,
        %get3A_595 = arith.index_cast %add3A_542 : i32 to index
        %get3A_596 = arith.constant 80 : index
        %get3A_597 = tpu.vector_load %arg10[%get3A_595, %get3A_596] {strides = array<i32>} : memref<80x128xf32, #tpu.memory_space<vmem>>, vector<1x16xf32>,
        %get3A_598 = vector.shape_cast %get3A_597 : vector<1x16xf32> to vector<16xf32>
        %mul3A_599 = arith.mulf %get3A_598, %get3A_545 : vector<16xf32>
        %swap3A_600 = arith.index_cast %add3A_542 : i32 to index
        %swap3A_601 = arith.constant 80 : index
        %swap3A_602 = tpu.vector_load %arg10[%swap3A_600, %swap3A_601] {strides = array<i32>} : memref<80x128xf32, #tpu.memory_space<vmem>>, vector<1x16xf32>,
        %swap3A_603 = vector.shape_cast %swap3A_602 : vector<1x16xf32> to vector<16xf32>
        %swap3A_604 = vector.shape_cast %mul3A_599 : vector<16xf32> to vector<1x16xf32>
        tpu.vector_store %arg10[%swap3A_600, %swap3A_601], %swap3A_604 {strides = array<i32>} : memref<80x128xf32, #tpu.memory_space<vmem>>, vector<1x16xf32>,
        %get3A_605 = arith.index_cast %add3A_542 : i32 to index
        %get3A_606 = arith.constant 96 : index
        %get3A_607 = tpu.vector_load %arg10[%get3A_605, %get3A_606] {strides = array<i32>} : memref<80x128xf32, #tpu.memory_space<vmem>>, vector<1x16xf32>,
        %get3A_608 = vector.shape_cast %get3A_607 : vector<1x16xf32> to vector<16xf32>
        %mul3A_609 = arith.mulf %get3A_608, %get3A_545 : vector<16xf32>
        %swap3A_610 = arith.index_cast %add3A_542 : i32 to index
        %swap3A_611 = arith.constant 96 : index
        %swap3A_612 = tpu.vector_load %arg10[%swap3A_610, %swap3A_611] {strides = array<i32>} : memref<80x128xf32, #tpu.memory_space<vmem>>, vector<1x16xf32>,
        %swap3A_613 = vector.shape_cast %swap3A_612 : vector<1x16xf32> to vector<16xf32>
        %swap3A_614 = vector.shape_cast %mul3A_609 : vector<16xf32> to vector<1x16xf32>
        tpu.vector_store %arg10[%swap3A_610, %swap3A_611], %swap3A_614 {strides = array<i32>} : memref<80x128xf32, #tpu.memory_space<vmem>>, vector<1x16xf32>,
        %get3A_615 = arith.index_cast %add3A_542 : i32 to index
        %get3A_616 = arith.constant 112 : index
        %get3A_617 = tpu.vector_load %arg10[%get3A_615, %get3A_616] {strides = array<i32>} : memref<80x128xf32, #tpu.memory_space<vmem>>, vector<1x16xf32>,
        %get3A_618 = vector.shape_cast %get3A_617 : vector<1x16xf32> to vector<16xf32>
        %mul3A_619 = arith.mulf %get3A_618, %get3A_545 : vector<16xf32>
        %swap3A_620 = arith.index_cast %add3A_542 : i32 to index
        %swap3A_621 = arith.constant 112 : index
        %swap3A_622 = tpu.vector_load %arg10[%swap3A_620, %swap3A_621] {strides = array<i32>} : memref<80x128xf32, #tpu.memory_space<vmem>>, vector<1x16xf32>,
        %swap3A_623 = vector.shape_cast %swap3A_622 : vector<1x16xf32> to vector<16xf32>
        %swap3A_624 = vector.shape_cast %mul3A_619 : vector<16xf32> to vector<1x16xf32>
        tpu.vector_store %arg10[%swap3A_620, %swap3A_621], %swap3A_624 {strides = array<i32>} : memref<80x128xf32, #tpu.memory_space<vmem>>, vector<1x16xf32>,
      }
      %scan3A_431 = arith.constant 80 : i32
      %dma_start3A_432 = arith.constant 3 : i32
      %dma_start3A_433 = arith.constant 1 : i32
      %dma_start3A_434 = arith.constant 0 : i32
      %dma_start3A_435 = tpu.memref_slice %arg7[%dma_start3A_432, %dma_start3A_433, %dma_start3A_434] : memref<6x2x80xi32, #tpu.memory_space<vmem>> -> memref<1x1x80xi32, #tpu.memory_space<vmem>>
      %dma_start3A_436 = tpu.memref_squeeze %dma_start3A_435 : memref<1x1x80xi32, #tpu.memory_space<vmem>> -> memref<80xi32, #tpu.memory_space<vmem>>
      %dma_start3A_437 = arith.constant 0 : i32
      %dma_start3A_438 = arith.constant 0 : i32
      %dma_start3A_439 = tpu.memref_slice %arg6[%dma_start3A_437, %dma_start3A_438] : memref<10240x128xf32, #tpu.memory_space<vmem_shared>> -> memref<10240x128xf32, #tpu.memory_space<vmem_shared>>
      tpu.enqueue_indirect_dma source(%arg10 : memref<80x128xf32, #tpu.memory_space<vmem>>) target(%dma_start3A_439 : memref<10240x128xf32, #tpu.memory_space<vmem_shared>>) offsets(%dma_start3A_436 : memref<80xi32, #tpu.memory_space<vmem>>) semaphore(%arg22 : memref<!tpu.dma_semaphore, #tpu.memory_space<semaphore_mem>>) {add = true}
      %mul3A_440 = arith.constant 6 : i32
      %mul3A_441 = arith.muli %add3A_247, %mul3A_440 : i32
      %add3A_442 = arith.constant 4 : i32
      %add3A_443 = arith.addi %mul3A_441, %add3A_442 : i32
      %ge3A_444 = arith.constant 1 : i32
      %ge3A_445 = arith.cmpi sge, %add3A_443, %ge3A_444 : i32
      %convert_element_type3A_446 = arith.extui %ge3A_445 : i1 to i32
      %cond3A_447 = arith.constant 0 : i32
      %cond3A_448 = arith.cmpi ne, %convert_element_type3A_446, %cond3A_447 : i32
      scf.if %cond3A_448 {
        %dma_wait3A_538 = arith.constant 3 : i32
        %dma_wait3A_539 = arith.constant 1 : i32
        %dma_wait3A_540 = arith.constant 0 : i32
        %dma_wait3A_541 = tpu.memref_slice %arg7[%dma_wait3A_538, %dma_wait3A_539, %dma_wait3A_540] : memref<6x2x80xi32, #tpu.memory_space<vmem>> -> memref<1x1x80xi32, #tpu.memory_space<vmem>>
        %dma_wait3A_542 = tpu.memref_squeeze %dma_wait3A_541 : memref<1x1x80xi32, #tpu.memory_space<vmem>> -> memref<80xi32, #tpu.memory_space<vmem>>
        %dma_wait3A_543 = arith.constant 0 : i32
        %dma_wait3A_544 = arith.constant 0 : i32
        %dma_wait3A_545 = tpu.memref_slice %arg6[%dma_wait3A_543, %dma_wait3A_544] : memref<10240x128xf32, #tpu.memory_space<vmem_shared>> -> memref<10240x128xf32, #tpu.memory_space<vmem_shared>>
        tpu.wait_indirect_dma semaphore(%arg22 : memref<!tpu.dma_semaphore, #tpu.memory_space<semaphore_mem>>) src(%arg10 : memref<80x128xf32, #tpu.memory_space<vmem>>) dst(%dma_wait3A_545 : memref<10240x128xf32, #tpu.memory_space<vmem_shared>>)
      } else {
      }
      %add3A_449 = arith.constant 4 : i32
      %add3A_450 = arith.addi %add3A_443, %add3A_449 : i32
      %lt3A_451 = arith.constant 126 : i32
      %lt3A_452 = arith.cmpi slt, %add3A_450, %lt3A_451 : i32
      %convert_element_type3A_453 = arith.extui %lt3A_452 : i1 to i32
      %cond3A_454 = arith.constant 0 : i32
      %cond3A_455 = arith.cmpi ne, %convert_element_type3A_453, %cond3A_454 : i32
      scf.if %cond3A_455 {
        %add3A_538 = arith.constant 4 : i32
        %add3A_539 = arith.addi %add3A_443, %add3A_538 : i32
        %dma_start3A_540 = arith.constant 2 : i32
        %dma_start3A_541 = arith.constant 0 : i32
        %dma_start3A_542 = arith.constant 0 : i32
        %dma_start3A_543 = tpu.memref_slice %arg7[%dma_start3A_540, %dma_start3A_541, %dma_start3A_542] : memref<6x2x80xi32, #tpu.memory_space<vmem>> -> memref<1x2x80xi32, #tpu.memory_space<vmem>>
        %dma_start3A_544 = tpu.memref_squeeze %dma_start3A_543 : memref<1x2x80xi32, #tpu.memory_space<vmem>> -> memref<2x80xi32, #tpu.memory_space<vmem>>
        %dma_start3A_545 = arith.constant 0 : i32
        %dma_start3A_546 = arith.constant 0 : i32
        %dma_start3A_547 = tpu.memref_slice %arg2[%add3A, %add3A_539, %dma_start3A_545, %dma_start3A_546] : memref<32x126x2x80xi32, #tpu.memory_space<hbm>> -> memref<1x1x2x80xi32, #tpu.memory_space<hbm>>
        %dma_start3A_548 = tpu.memref_squeeze %dma_start3A_547 : memref<1x1x2x80xi32, #tpu.memory_space<hbm>> -> memref<2x80xi32, #tpu.memory_space<hbm>>
        %dma_start3A_549 = arith.constant 0 : i32
        %dma_start3A_550 = arith.constant 0 : i32
        %dma_start3A_551 = tpu.memref_slice %arg7[%dma_start3A_540, %dma_start3A_549, %dma_start3A_550] : memref<6x2x80xi32, #tpu.memory_space<vmem>> -> memref<1x2x80xi32, #tpu.memory_space<vmem>>
        %dma_start3A_552 = tpu.memref_squeeze %dma_start3A_551 : memref<1x2x80xi32, #tpu.memory_space<vmem>> -> memref<2x80xi32, #tpu.memory_space<vmem>>
        %dma_start3A_553 = arith.constant 0 : i32
        %dma_start3A_554 = arith.constant 0 : i32
        %dma_start3A_555 = tpu.memref_slice %arg2[%add3A, %add3A_539, %dma_start3A_553, %dma_start3A_554] : memref<32x126x2x80xi32, #tpu.memory_space<hbm>> -> memref<1x1x2x80xi32, #tpu.memory_space<hbm>>
        %dma_start3A_556 = tpu.memref_squeeze %dma_start3A_555 : memref<1x1x2x80xi32, #tpu.memory_space<hbm>> -> memref<2x80xi32, #tpu.memory_space<hbm>>
        tpu.enqueue_dma source(%dma_start3A_556 : memref<2x80xi32, #tpu.memory_space<hbm>>) target(%dma_start3A_552 : memref<2x80xi32, #tpu.memory_space<vmem>>) target_semaphore(%arg15 : memref<!tpu.dma_semaphore, #tpu.memory_space<semaphore_mem>>)
        %dma_start3A_557 = arith.constant 2 : i32
        %dma_start3A_558 = arith.constant 0 : i32
        %dma_start3A_559 = tpu.memref_slice %arg8[%dma_start3A_557, %dma_start3A_558] : memref<6x80xf32, #tpu.memory_space<vmem>> -> memref<1x80xf32, #tpu.memory_space<vmem>>
        %dma_start3A_560 = tpu.memref_squeeze %dma_start3A_559 : memref<1x80xf32, #tpu.memory_space<vmem>> -> memref<80xf32, #tpu.memory_space<vmem>>
        %dma_start3A_561 = arith.constant 0 : i32
        %dma_start3A_562 = tpu.memref_slice %arg3[%add3A, %add3A_539, %dma_start3A_561] : memref<32x126x80xf32, #tpu.memory_space<hbm>> -> memref<1x1x80xf32, #tpu.memory_space<hbm>>
        %dma_start3A_563 = tpu.memref_squeeze %dma_start3A_562 : memref<1x1x80xf32, #tpu.memory_space<hbm>> -> memref<80xf32, #tpu.memory_space<hbm>>
        %dma_start3A_564 = arith.constant 0 : i32
        %dma_start3A_565 = tpu.memref_slice %arg8[%dma_start3A_557, %dma_start3A_564] : memref<6x80xf32, #tpu.memory_space<vmem>> -> memref<1x80xf32, #tpu.memory_space<vmem>>
        %dma_start3A_566 = tpu.memref_squeeze %dma_start3A_565 : memref<1x80xf32, #tpu.memory_space<vmem>> -> memref<80xf32, #tpu.memory_space<vmem>>
        %dma_start3A_567 = arith.constant 0 : i32
        %dma_start3A_568 = tpu.memref_slice %arg3[%add3A, %add3A_539, %dma_start3A_567] : memref<32x126x80xf32, #tpu.memory_space<hbm>> -> memref<1x1x80xf32, #tpu.memory_space<hbm>>
        %dma_start3A_569 = tpu.memref_squeeze %dma_start3A_568 : memref<1x1x80xf32, #tpu.memory_space<hbm>> -> memref<80xf32, #tpu.memory_space<hbm>>
        tpu.enqueue_dma source(%dma_start3A_569 : memref<80xf32, #tpu.memory_space<hbm>>) target(%dma_start3A_566 : memref<80xf32, #tpu.memory_space<vmem>>) target_semaphore(%arg15 : memref<!tpu.dma_semaphore, #tpu.memory_space<semaphore_mem>>)
      } else {
      }
      %add3A_456 = arith.constant 2 : i32
      %add3A_457 = arith.addi %add3A_443, %add3A_456 : i32
      %lt3A_458 = arith.constant 126 : i32
      %lt3A_459 = arith.cmpi slt, %add3A_457, %lt3A_458 : i32
      %convert_element_type3A_460 = arith.extui %lt3A_459 : i1 to i32
      %cond3A_461 = arith.constant 0 : i32
      %cond3A_462 = arith.cmpi ne, %convert_element_type3A_460, %cond3A_461 : i32
      scf.if %cond3A_462 {
        %dma_wait3A_538 = arith.constant 0 : i32
        %dma_wait3A_539 = arith.constant 0 : i32
        %dma_wait3A_540 = arith.constant 0 : i32
        %dma_wait3A_541 = arith.constant 0 : i32
        %dma_wait3A_542 = tpu.memref_slice %arg7[%dma_wait3A_539, %dma_wait3A_540, %dma_wait3A_541] : memref<6x2x80xi32, #tpu.memory_space<vmem>> -> memref<1x2x80xi32, #tpu.memory_space<vmem>>
        %dma_wait3A_543 = tpu.memref_squeeze %dma_wait3A_542 : memref<1x2x80xi32, #tpu.memory_space<vmem>> -> memref<2x80xi32, #tpu.memory_space<vmem>>
        %dma_wait3A_544 = arith.constant 0 : i32
        %dma_wait3A_545 = arith.constant 0 : i32
        %dma_wait3A_546 = tpu.memref_slice %arg2[%add3A, %dma_wait3A_538, %dma_wait3A_544, %dma_wait3A_545] : memref<32x126x2x80xi32, #tpu.memory_space<hbm>> -> memref<1x1x2x80xi32, #tpu.memory_space<hbm>>
        %dma_wait3A_547 = tpu.memref_squeeze %dma_wait3A_546 : memref<1x1x2x80xi32, #tpu.memory_space<hbm>> -> memref<2x80xi32, #tpu.memory_space<hbm>>
        %dma_wait3A_548 = arith.constant 0 : i32
        %dma_wait3A_549 = arith.constant 0 : i32
        %dma_wait3A_550 = tpu.memref_slice %arg7[%dma_wait3A_539, %dma_wait3A_548, %dma_wait3A_549] : memref<6x2x80xi32, #tpu.memory_space<vmem>> -> memref<1x2x80xi32, #tpu.memory_space<vmem>>
        %dma_wait3A_551 = tpu.memref_squeeze %dma_wait3A_550 : memref<1x2x80xi32, #tpu.memory_space<vmem>> -> memref<2x80xi32, #tpu.memory_space<vmem>>
        %dma_wait3A_552 = arith.constant 0 : i32
        %dma_wait3A_553 = arith.constant 0 : i32
        %dma_wait3A_554 = tpu.memref_slice %arg2[%add3A, %dma_wait3A_538, %dma_wait3A_552, %dma_wait3A_553] : memref<32x126x2x80xi32, #tpu.memory_space<hbm>> -> memref<1x1x2x80xi32, #tpu.memory_space<hbm>>
        %dma_wait3A_555 = tpu.memref_squeeze %dma_wait3A_554 : memref<1x1x2x80xi32, #tpu.memory_space<hbm>> -> memref<2x80xi32, #tpu.memory_space<hbm>>
        tpu.wait_dma2 semaphore(%arg13 : memref<!tpu.dma_semaphore, #tpu.memory_space<semaphore_mem>>) src(%dma_wait3A_555 : memref<2x80xi32, #tpu.memory_space<hbm>>) dst(%dma_wait3A_551 : memref<2x80xi32, #tpu.memory_space<vmem>>)
        %dma_wait3A_556 = arith.constant 0 : i32
        %dma_wait3A_557 = arith.constant 0 : i32
        %dma_wait3A_558 = arith.constant 0 : i32
        %dma_wait3A_559 = tpu.memref_slice %arg8[%dma_wait3A_557, %dma_wait3A_558] : memref<6x80xf32, #tpu.memory_space<vmem>> -> memref<1x80xf32, #tpu.memory_space<vmem>>
        %dma_wait3A_560 = tpu.memref_squeeze %dma_wait3A_559 : memref<1x80xf32, #tpu.memory_space<vmem>> -> memref<80xf32, #tpu.memory_space<vmem>>
        %dma_wait3A_561 = arith.constant 0 : i32
        %dma_wait3A_562 = tpu.memref_slice %arg3[%add3A, %dma_wait3A_556, %dma_wait3A_561] : memref<32x126x80xf32, #tpu.memory_space<hbm>> -> memref<1x1x80xf32, #tpu.memory_space<hbm>>
        %dma_wait3A_563 = tpu.memref_squeeze %dma_wait3A_562 : memref<1x1x80xf32, #tpu.memory_space<hbm>> -> memref<80xf32, #tpu.memory_space<hbm>>
        %dma_wait3A_564 = arith.constant 0 : i32
        %dma_wait3A_565 = tpu.memref_slice %arg8[%dma_wait3A_557, %dma_wait3A_564] : memref<6x80xf32, #tpu.memory_space<vmem>> -> memref<1x80xf32, #tpu.memory_space<vmem>>
        %dma_wait3A_566 = tpu.memref_squeeze %dma_wait3A_565 : memref<1x80xf32, #tpu.memory_space<vmem>> -> memref<80xf32, #tpu.memory_space<vmem>>
        %dma_wait3A_567 = arith.constant 0 : i32
        %dma_wait3A_568 = tpu.memref_slice %arg3[%add3A, %dma_wait3A_556, %dma_wait3A_567] : memref<32x126x80xf32, #tpu.memory_space<hbm>> -> memref<1x1x80xf32, #tpu.memory_space<hbm>>
        %dma_wait3A_569 = tpu.memref_squeeze %dma_wait3A_568 : memref<1x1x80xf32, #tpu.memory_space<hbm>> -> memref<80xf32, #tpu.memory_space<hbm>>
        tpu.wait_dma2 semaphore(%arg13 : memref<!tpu.dma_semaphore, #tpu.memory_space<semaphore_mem>>) src(%dma_wait3A_569 : memref<80xf32, #tpu.memory_space<hbm>>) dst(%dma_wait3A_566 : memref<80xf32, #tpu.memory_space<vmem>>)
        %dma_start3A_570 = arith.constant 0 : i32
        %dma_start3A_571 = arith.constant 0 : i32
        %dma_start3A_572 = arith.constant 0 : i32
        %dma_start3A_573 = tpu.memref_slice %arg7[%dma_start3A_570, %dma_start3A_571, %dma_start3A_572] : memref<6x2x80xi32, #tpu.memory_space<vmem>> -> memref<1x1x80xi32, #tpu.memory_space<vmem>>
        %dma_start3A_574 = tpu.memref_squeeze %dma_start3A_573 : memref<1x1x80xi32, #tpu.memory_space<vmem>> -> memref<80xi32, #tpu.memory_space<vmem>>
        %dma_start3A_575 = arith.constant 0 : i32
        %dma_start3A_576 = arith.constant 0 : i32
        %dma_start3A_577 = tpu.memref_slice %arg4[%dma_start3A_575, %dma_start3A_576] : memref<10000x128xf32, #tpu.memory_space<hbm>> -> memref<10000x128xf32, #tpu.memory_space<hbm>>
        tpu.enqueue_indirect_dma source(%dma_start3A_577 : memref<10000x128xf32, #tpu.memory_space<hbm>>) target(%arg10 : memref<80x128xf32, #tpu.memory_space<vmem>>) offsets(%dma_start3A_574 : memref<80xi32, #tpu.memory_space<vmem>>) semaphore(%arg19 : memref<!tpu.dma_semaphore, #tpu.memory_space<semaphore_mem>>)
      } else {
      }
      %dma_wait3A_463 = arith.constant 4 : i32
      %dma_wait3A_464 = arith.constant 0 : i32
      %dma_wait3A_465 = arith.constant 0 : i32
      %dma_wait3A_466 = tpu.memref_slice %arg7[%dma_wait3A_463, %dma_wait3A_464, %dma_wait3A_465] : memref<6x2x80xi32, #tpu.memory_space<vmem>> -> memref<1x1x80xi32, #tpu.memory_space<vmem>>
      %dma_wait3A_467 = tpu.memref_squeeze %dma_wait3A_466 : memref<1x1x80xi32, #tpu.memory_space<vmem>> -> memref<80xi32, #tpu.memory_space<vmem>>
      %dma_wait3A_468 = arith.constant 0 : i32
      %dma_wait3A_469 = arith.constant 0 : i32
      %dma_wait3A_470 = tpu.memref_slice %arg4[%dma_wait3A_468, %dma_wait3A_469] : memref<10000x128xf32, #tpu.memory_space<hbm>> -> memref<10000x128xf32, #tpu.memory_space<hbm>>
      tpu.wait_indirect_dma semaphore(%arg20 : memref<!tpu.dma_semaphore, #tpu.memory_space<semaphore_mem>>) src(%dma_wait3A_470 : memref<10000x128xf32, #tpu.memory_space<hbm>>) dst(%arg11 : memref<80x128xf32, #tpu.memory_space<vmem>>)
      %scan3A_471 = arith.constant 0 : i32
      %scan3A_472 = arith.constant 5 : i32
      %scan3A_473 = arith.addi %scan3A_471, %scan3A_472 : i32
      %scan3A_474 = arith.constant 1 : i32
      scf.for %scan3A_538 = %scan3A_471 to %scan3A_473 step %scan3A_474  : i32 {
        %mul3A_539 = arith.constant 1 : i32
        %mul3A_540 = arith.muli %scan3A_538, %mul3A_539 : i32
        %add3A_541 = arith.constant 0 : i32
        %add3A_542 = arith.addi %add3A_541, %mul3A_540 : i32
        %mul3A_543 = arith.constant 16 : i32
        %mul3A_544 = arith.muli %add3A_542, %mul3A_543 : i32
        %get3A = arith.constant 4 : i32
        %get3A_545 = arith.index_cast %get3A : i32 to index
        %get3A_546 = arith.index_cast %mul3A_544 : i32 to index
        %get3A_547 = tpu.vector_load %arg8[%get3A_545, %get3A_546] {strides = array<i32>} : memref<6x80xf32, #tpu.memory_space<vmem>>, vector<1x16xf32>,
        %get3A_548 = vector.shape_cast %get3A_547 : vector<1x16xf32> to vector<16xf32>
        %slice3A = vector.extract_strided_slice %get3A_548 {offsets = [0], sizes = [1], strides = [1]} : vector<16xf32> to vector<1xf32>
        %squeeze3A = vector.extract %slice3A[0] : f32 from vector<1xf32>
        %broadcast_in_dim3A = vector.broadcast %squeeze3A : f32 to vector<16xf32>
        %mul3A_549 = arith.constant 16 : i32
        %mul3A_550 = arith.muli %add3A_542, %mul3A_549 : i32
        %add3A_551 = arith.constant 0 : i32
        %add3A_552 = arith.addi %mul3A_550, %add3A_551 : i32
        %swap3A = arith.index_cast %add3A_552 : i32 to index
        %swap3A_553 = arith.constant 0 : index
        %swap3A_554 = tpu.vector_load %arg9[%swap3A, %swap3A_553] {strides = array<i32>} : memref<80x16xf32, #tpu.memory_space<vmem>>, vector<1x16xf32>,
        %swap3A_555 = vector.shape_cast %swap3A_554 : vector<1x16xf32> to vector<16xf32>
        %swap3A_556 = vector.shape_cast %broadcast_in_dim3A : vector<16xf32> to vector<1x16xf32>
        tpu.vector_store %arg9[%swap3A, %swap3A_553], %swap3A_556 {strides = array<i32>} : memref<80x16xf32, #tpu.memory_space<vmem>>, vector<1x16xf32>,
        %slice3A_557 = vector.extract_strided_slice %get3A_548 {offsets = [1], sizes = [1], strides = [1]} : vector<16xf32> to vector<1xf32>
        %squeeze3A_558 = vector.extract %slice3A_557[0] : f32 from vector<1xf32>
        %broadcast_in_dim3A_559 = vector.broadcast %squeeze3A_558 : f32 to vector<16xf32>
        %mul3A_560 = arith.constant 16 : i32
        %mul3A_561 = arith.muli %add3A_542, %mul3A_560 : i32
        %add3A_562 = arith.constant 1 : i32
        %add3A_563 = arith.addi %mul3A_561, %add3A_562 : i32
        %swap3A_564 = arith.index_cast %add3A_563 : i32 to index
        %swap3A_565 = arith.constant 0 : index
        %swap3A_566 = tpu.vector_load %arg9[%swap3A_564, %swap3A_565] {strides = array<i32>} : memref<80x16xf32, #tpu.memory_space<vmem>>, vector<1x16xf32>,
        %swap3A_567 = vector.shape_cast %swap3A_566 : vector<1x16xf32> to vector<16xf32>
        %swap3A_568 = vector.shape_cast %broadcast_in_dim3A_559 : vector<16xf32> to vector<1x16xf32>
        tpu.vector_store %arg9[%swap3A_564, %swap3A_565], %swap3A_568 {strides = array<i32>} : memref<80x16xf32, #tpu.memory_space<vmem>>, vector<1x16xf32>,
        %slice3A_569 = vector.extract_strided_slice %get3A_548 {offsets = [2], sizes = [1], strides = [1]} : vector<16xf32> to vector<1xf32>
        %squeeze3A_570 = vector.extract %slice3A_569[0] : f32 from vector<1xf32>
        %broadcast_in_dim3A_571 = vector.broadcast %squeeze3A_570 : f32 to vector<16xf32>
        %mul3A_572 = arith.constant 16 : i32
        %mul3A_573 = arith.muli %add3A_542, %mul3A_572 : i32
        %add3A_574 = arith.constant 2 : i32
        %add3A_575 = arith.addi %mul3A_573, %add3A_574 : i32
        %swap3A_576 = arith.index_cast %add3A_575 : i32 to index
        %swap3A_577 = arith.constant 0 : index
        %swap3A_578 = tpu.vector_load %arg9[%swap3A_576, %swap3A_577] {strides = array<i32>} : memref<80x16xf32, #tpu.memory_space<vmem>>, vector<1x16xf32>,
        %swap3A_579 = vector.shape_cast %swap3A_578 : vector<1x16xf32> to vector<16xf32>
        %swap3A_580 = vector.shape_cast %broadcast_in_dim3A_571 : vector<16xf32> to vector<1x16xf32>
        tpu.vector_store %arg9[%swap3A_576, %swap3A_577], %swap3A_580 {strides = array<i32>} : memref<80x16xf32, #tpu.memory_space<vmem>>, vector<1x16xf32>,
        %slice3A_581 = vector.extract_strided_slice %get3A_548 {offsets = [3], sizes = [1], strides = [1]} : vector<16xf32> to vector<1xf32>
        %squeeze3A_582 = vector.extract %slice3A_581[0] : f32 from vector<1xf32>
        %broadcast_in_dim3A_583 = vector.broadcast %squeeze3A_582 : f32 to vector<16xf32>
        %mul3A_584 = arith.constant 16 : i32
        %mul3A_585 = arith.muli %add3A_542, %mul3A_584 : i32
        %add3A_586 = arith.constant 3 : i32
        %add3A_587 = arith.addi %mul3A_585, %add3A_586 : i32
        %swap3A_588 = arith.index_cast %add3A_587 : i32 to index
        %swap3A_589 = arith.constant 0 : index
        %swap3A_590 = tpu.vector_load %arg9[%swap3A_588, %swap3A_589] {strides = array<i32>} : memref<80x16xf32, #tpu.memory_space<vmem>>, vector<1x16xf32>,
        %swap3A_591 = vector.shape_cast %swap3A_590 : vector<1x16xf32> to vector<16xf32>
        %swap3A_592 = vector.shape_cast %broadcast_in_dim3A_583 : vector<16xf32> to vector<1x16xf32>
        tpu.vector_store %arg9[%swap3A_588, %swap3A_589], %swap3A_592 {strides = array<i32>} : memref<80x16xf32, #tpu.memory_space<vmem>>, vector<1x16xf32>,
        %slice3A_593 = vector.extract_strided_slice %get3A_548 {offsets = [4], sizes = [1], strides = [1]} : vector<16xf32> to vector<1xf32>
        %squeeze3A_594 = vector.extract %slice3A_593[0] : f32 from vector<1xf32>
        %broadcast_in_dim3A_595 = vector.broadcast %squeeze3A_594 : f32 to vector<16xf32>
        %mul3A_596 = arith.constant 16 : i32
        %mul3A_597 = arith.muli %add3A_542, %mul3A_596 : i32
        %add3A_598 = arith.constant 4 : i32
        %add3A_599 = arith.addi %mul3A_597, %add3A_598 : i32
        %swap3A_600 = arith.index_cast %add3A_599 : i32 to index
        %swap3A_601 = arith.constant 0 : index
        %swap3A_602 = tpu.vector_load %arg9[%swap3A_600, %swap3A_601] {strides = array<i32>} : memref<80x16xf32, #tpu.memory_space<vmem>>, vector<1x16xf32>,
        %swap3A_603 = vector.shape_cast %swap3A_602 : vector<1x16xf32> to vector<16xf32>
        %swap3A_604 = vector.shape_cast %broadcast_in_dim3A_595 : vector<16xf32> to vector<1x16xf32>
        tpu.vector_store %arg9[%swap3A_600, %swap3A_601], %swap3A_604 {strides = array<i32>} : memref<80x16xf32, #tpu.memory_space<vmem>>, vector<1x16xf32>,
        %slice3A_605 = vector.extract_strided_slice %get3A_548 {offsets = [5], sizes = [1], strides = [1]} : vector<16xf32> to vector<1xf32>
        %squeeze3A_606 = vector.extract %slice3A_605[0] : f32 from vector<1xf32>
        %broadcast_in_dim3A_607 = vector.broadcast %squeeze3A_606 : f32 to vector<16xf32>
        %mul3A_608 = arith.constant 16 : i32
        %mul3A_609 = arith.muli %add3A_542, %mul3A_608 : i32
        %add3A_610 = arith.constant 5 : i32
        %add3A_611 = arith.addi %mul3A_609, %add3A_610 : i32
        %swap3A_612 = arith.index_cast %add3A_611 : i32 to index
        %swap3A_613 = arith.constant 0 : index
        %swap3A_614 = tpu.vector_load %arg9[%swap3A_612, %swap3A_613] {strides = array<i32>} : memref<80x16xf32, #tpu.memory_space<vmem>>, vector<1x16xf32>,
        %swap3A_615 = vector.shape_cast %swap3A_614 : vector<1x16xf32> to vector<16xf32>
        %swap3A_616 = vector.shape_cast %broadcast_in_dim3A_607 : vector<16xf32> to vector<1x16xf32>
        tpu.vector_store %arg9[%swap3A_612, %swap3A_613], %swap3A_616 {strides = array<i32>} : memref<80x16xf32, #tpu.memory_space<vmem>>, vector<1x16xf32>,
        %slice3A_617 = vector.extract_strided_slice %get3A_548 {offsets = [6], sizes = [1], strides = [1]} : vector<16xf32> to vector<1xf32>
        %squeeze3A_618 = vector.extract %slice3A_617[0] : f32 from vector<1xf32>
        %broadcast_in_dim3A_619 = vector.broadcast %squeeze3A_618 : f32 to vector<16xf32>
        %mul3A_620 = arith.constant 16 : i32
        %mul3A_621 = arith.muli %add3A_542, %mul3A_620 : i32
        %add3A_622 = arith.constant 6 : i32
        %add3A_623 = arith.addi %mul3A_621, %add3A_622 : i32
        %swap3A_624 = arith.index_cast %add3A_623 : i32 to index
        %swap3A_625 = arith.constant 0 : index
        %swap3A_626 = tpu.vector_load %arg9[%swap3A_624, %swap3A_625] {strides = array<i32>} : memref<80x16xf32, #tpu.memory_space<vmem>>, vector<1x16xf32>,
        %swap3A_627 = vector.shape_cast %swap3A_626 : vector<1x16xf32> to vector<16xf32>
        %swap3A_628 = vector.shape_cast %broadcast_in_dim3A_619 : vector<16xf32> to vector<1x16xf32>
        tpu.vector_store %arg9[%swap3A_624, %swap3A_625], %swap3A_628 {strides = array<i32>} : memref<80x16xf32, #tpu.memory_space<vmem>>, vector<1x16xf32>,
        %slice3A_629 = vector.extract_strided_slice %get3A_548 {offsets = [7], sizes = [1], strides = [1]} : vector<16xf32> to vector<1xf32>
        %squeeze3A_630 = vector.extract %slice3A_629[0] : f32 from vector<1xf32>
        %broadcast_in_dim3A_631 = vector.broadcast %squeeze3A_630 : f32 to vector<16xf32>
        %mul3A_632 = arith.constant 16 : i32
        %mul3A_633 = arith.muli %add3A_542, %mul3A_632 : i32
        %add3A_634 = arith.constant 7 : i32
        %add3A_635 = arith.addi %mul3A_633, %add3A_634 : i32
        %swap3A_636 = arith.index_cast %add3A_635 : i32 to index
        %swap3A_637 = arith.constant 0 : index
        %swap3A_638 = tpu.vector_load %arg9[%swap3A_636, %swap3A_637] {strides = array<i32>} : memref<80x16xf32, #tpu.memory_space<vmem>>, vector<1x16xf32>,
        %swap3A_639 = vector.shape_cast %swap3A_638 : vector<1x16xf32> to vector<16xf32>
        %swap3A_640 = vector.shape_cast %broadcast_in_dim3A_631 : vector<16xf32> to vector<1x16xf32>
        tpu.vector_store %arg9[%swap3A_636, %swap3A_637], %swap3A_640 {strides = array<i32>} : memref<80x16xf32, #tpu.memory_space<vmem>>, vector<1x16xf32>,
        %slice3A_641 = vector.extract_strided_slice %get3A_548 {offsets = [8], sizes = [1], strides = [1]} : vector<16xf32> to vector<1xf32>
        %squeeze3A_642 = vector.extract %slice3A_641[0] : f32 from vector<1xf32>
        %broadcast_in_dim3A_643 = vector.broadcast %squeeze3A_642 : f32 to vector<16xf32>
        %mul3A_644 = arith.constant 16 : i32
        %mul3A_645 = arith.muli %add3A_542, %mul3A_644 : i32
        %add3A_646 = arith.constant 8 : i32
        %add3A_647 = arith.addi %mul3A_645, %add3A_646 : i32
        %swap3A_648 = arith.index_cast %add3A_647 : i32 to index
        %swap3A_649 = arith.constant 0 : index
        %swap3A_650 = tpu.vector_load %arg9[%swap3A_648, %swap3A_649] {strides = array<i32>} : memref<80x16xf32, #tpu.memory_space<vmem>>, vector<1x16xf32>,
        %swap3A_651 = vector.shape_cast %swap3A_650 : vector<1x16xf32> to vector<16xf32>
        %swap3A_652 = vector.shape_cast %broadcast_in_dim3A_643 : vector<16xf32> to vector<1x16xf32>
        tpu.vector_store %arg9[%swap3A_648, %swap3A_649], %swap3A_652 {strides = array<i32>} : memref<80x16xf32, #tpu.memory_space<vmem>>, vector<1x16xf32>,
        %slice3A_653 = vector.extract_strided_slice %get3A_548 {offsets = [9], sizes = [1], strides = [1]} : vector<16xf32> to vector<1xf32>
        %squeeze3A_654 = vector.extract %slice3A_653[0] : f32 from vector<1xf32>
        %broadcast_in_dim3A_655 = vector.broadcast %squeeze3A_654 : f32 to vector<16xf32>
        %mul3A_656 = arith.constant 16 : i32
        %mul3A_657 = arith.muli %add3A_542, %mul3A_656 : i32
        %add3A_658 = arith.constant 9 : i32
        %add3A_659 = arith.addi %mul3A_657, %add3A_658 : i32
        %swap3A_660 = arith.index_cast %add3A_659 : i32 to index
        %swap3A_661 = arith.constant 0 : index
        %swap3A_662 = tpu.vector_load %arg9[%swap3A_660, %swap3A_661] {strides = array<i32>} : memref<80x16xf32, #tpu.memory_space<vmem>>, vector<1x16xf32>,
        %swap3A_663 = vector.shape_cast %swap3A_662 : vector<1x16xf32> to vector<16xf32>
        %swap3A_664 = vector.shape_cast %broadcast_in_dim3A_655 : vector<16xf32> to vector<1x16xf32>
        tpu.vector_store %arg9[%swap3A_660, %swap3A_661], %swap3A_664 {strides = array<i32>} : memref<80x16xf32, #tpu.memory_space<vmem>>, vector<1x16xf32>,
        %slice3A_665 = vector.extract_strided_slice %get3A_548 {offsets = [10], sizes = [1], strides = [1]} : vector<16xf32> to vector<1xf32>
        %squeeze3A_666 = vector.extract %slice3A_665[0] : f32 from vector<1xf32>
        %broadcast_in_dim3A_667 = vector.broadcast %squeeze3A_666 : f32 to vector<16xf32>
        %mul3A_668 = arith.constant 16 : i32
        %mul3A_669 = arith.muli %add3A_542, %mul3A_668 : i32
        %add3A_670 = arith.constant 10 : i32
        %add3A_671 = arith.addi %mul3A_669, %add3A_670 : i32
        %swap3A_672 = arith.index_cast %add3A_671 : i32 to index
        %swap3A_673 = arith.constant 0 : index
        %swap3A_674 = tpu.vector_load %arg9[%swap3A_672, %swap3A_673] {strides = array<i32>} : memref<80x16xf32, #tpu.memory_space<vmem>>, vector<1x16xf32>,
        %swap3A_675 = vector.shape_cast %swap3A_674 : vector<1x16xf32> to vector<16xf32>
        %swap3A_676 = vector.shape_cast %broadcast_in_dim3A_667 : vector<16xf32> to vector<1x16xf32>
        tpu.vector_store %arg9[%swap3A_672, %swap3A_673], %swap3A_676 {strides = array<i32>} : memref<80x16xf32, #tpu.memory_space<vmem>>, vector<1x16xf32>,
        %slice3A_677 = vector.extract_strided_slice %get3A_548 {offsets = [11], sizes = [1], strides = [1]} : vector<16xf32> to vector<1xf32>
        %squeeze3A_678 = vector.extract %slice3A_677[0] : f32 from vector<1xf32>
        %broadcast_in_dim3A_679 = vector.broadcast %squeeze3A_678 : f32 to vector<16xf32>
        %mul3A_680 = arith.constant 16 : i32
        %mul3A_681 = arith.muli %add3A_542, %mul3A_680 : i32
        %add3A_682 = arith.constant 11 : i32
        %add3A_683 = arith.addi %mul3A_681, %add3A_682 : i32
        %swap3A_684 = arith.index_cast %add3A_683 : i32 to index
        %swap3A_685 = arith.constant 0 : index
        %swap3A_686 = tpu.vector_load %arg9[%swap3A_684, %swap3A_685] {strides = array<i32>} : memref<80x16xf32, #tpu.memory_space<vmem>>, vector<1x16xf32>,
        %swap3A_687 = vector.shape_cast %swap3A_686 : vector<1x16xf32> to vector<16xf32>
        %swap3A_688 = vector.shape_cast %broadcast_in_dim3A_679 : vector<16xf32> to vector<1x16xf32>
        tpu.vector_store %arg9[%swap3A_684, %swap3A_685], %swap3A_688 {strides = array<i32>} : memref<80x16xf32, #tpu.memory_space<vmem>>, vector<1x16xf32>,
        %slice3A_689 = vector.extract_strided_slice %get3A_548 {offsets = [12], sizes = [1], strides = [1]} : vector<16xf32> to vector<1xf32>
        %squeeze3A_690 = vector.extract %slice3A_689[0] : f32 from vector<1xf32>
        %broadcast_in_dim3A_691 = vector.broadcast %squeeze3A_690 : f32 to vector<16xf32>
        %mul3A_692 = arith.constant 16 : i32
        %mul3A_693 = arith.muli %add3A_542, %mul3A_692 : i32
        %add3A_694 = arith.constant 12 : i32
        %add3A_695 = arith.addi %mul3A_693, %add3A_694 : i32
        %swap3A_696 = arith.index_cast %add3A_695 : i32 to index
        %swap3A_697 = arith.constant 0 : index
        %swap3A_698 = tpu.vector_load %arg9[%swap3A_696, %swap3A_697] {strides = array<i32>} : memref<80x16xf32, #tpu.memory_space<vmem>>, vector<1x16xf32>,
        %swap3A_699 = vector.shape_cast %swap3A_698 : vector<1x16xf32> to vector<16xf32>
        %swap3A_700 = vector.shape_cast %broadcast_in_dim3A_691 : vector<16xf32> to vector<1x16xf32>
        tpu.vector_store %arg9[%swap3A_696, %swap3A_697], %swap3A_700 {strides = array<i32>} : memref<80x16xf32, #tpu.memory_space<vmem>>, vector<1x16xf32>,
        %slice3A_701 = vector.extract_strided_slice %get3A_548 {offsets = [13], sizes = [1], strides = [1]} : vector<16xf32> to vector<1xf32>
        %squeeze3A_702 = vector.extract %slice3A_701[0] : f32 from vector<1xf32>
        %broadcast_in_dim3A_703 = vector.broadcast %squeeze3A_702 : f32 to vector<16xf32>
        %mul3A_704 = arith.constant 16 : i32
        %mul3A_705 = arith.muli %add3A_542, %mul3A_704 : i32
        %add3A_706 = arith.constant 13 : i32
        %add3A_707 = arith.addi %mul3A_705, %add3A_706 : i32
        %swap3A_708 = arith.index_cast %add3A_707 : i32 to index
        %swap3A_709 = arith.constant 0 : index
        %swap3A_710 = tpu.vector_load %arg9[%swap3A_708, %swap3A_709] {strides = array<i32>} : memref<80x16xf32, #tpu.memory_space<vmem>>, vector<1x16xf32>,
        %swap3A_711 = vector.shape_cast %swap3A_710 : vector<1x16xf32> to vector<16xf32>
        %swap3A_712 = vector.shape_cast %broadcast_in_dim3A_703 : vector<16xf32> to vector<1x16xf32>
        tpu.vector_store %arg9[%swap3A_708, %swap3A_709], %swap3A_712 {strides = array<i32>} : memref<80x16xf32, #tpu.memory_space<vmem>>, vector<1x16xf32>,
        %slice3A_713 = vector.extract_strided_slice %get3A_548 {offsets = [14], sizes = [1], strides = [1]} : vector<16xf32> to vector<1xf32>
        %squeeze3A_714 = vector.extract %slice3A_713[0] : f32 from vector<1xf32>
        %broadcast_in_dim3A_715 = vector.broadcast %squeeze3A_714 : f32 to vector<16xf32>
        %mul3A_716 = arith.constant 16 : i32
        %mul3A_717 = arith.muli %add3A_542, %mul3A_716 : i32
        %add3A_718 = arith.constant 14 : i32
        %add3A_719 = arith.addi %mul3A_717, %add3A_718 : i32
        %swap3A_720 = arith.index_cast %add3A_719 : i32 to index
        %swap3A_721 = arith.constant 0 : index
        %swap3A_722 = tpu.vector_load %arg9[%swap3A_720, %swap3A_721] {strides = array<i32>} : memref<80x16xf32, #tpu.memory_space<vmem>>, vector<1x16xf32>,
        %swap3A_723 = vector.shape_cast %swap3A_722 : vector<1x16xf32> to vector<16xf32>
        %swap3A_724 = vector.shape_cast %broadcast_in_dim3A_715 : vector<16xf32> to vector<1x16xf32>
        tpu.vector_store %arg9[%swap3A_720, %swap3A_721], %swap3A_724 {strides = array<i32>} : memref<80x16xf32, #tpu.memory_space<vmem>>, vector<1x16xf32>,
        %slice3A_725 = vector.extract_strided_slice %get3A_548 {offsets = [15], sizes = [1], strides = [1]} : vector<16xf32> to vector<1xf32>
        %squeeze3A_726 = vector.extract %slice3A_725[0] : f32 from vector<1xf32>
        %broadcast_in_dim3A_727 = vector.broadcast %squeeze3A_726 : f32 to vector<16xf32>
        %mul3A_728 = arith.constant 16 : i32
        %mul3A_729 = arith.muli %add3A_542, %mul3A_728 : i32
        %add3A_730 = arith.constant 15 : i32
        %add3A_731 = arith.addi %mul3A_729, %add3A_730 : i32
        %swap3A_732 = arith.index_cast %add3A_731 : i32 to index
        %swap3A_733 = arith.constant 0 : index
        %swap3A_734 = tpu.vector_load %arg9[%swap3A_732, %swap3A_733] {strides = array<i32>} : memref<80x16xf32, #tpu.memory_space<vmem>>, vector<1x16xf32>,
        %swap3A_735 = vector.shape_cast %swap3A_734 : vector<1x16xf32> to vector<16xf32>
        %swap3A_736 = vector.shape_cast %broadcast_in_dim3A_727 : vector<16xf32> to vector<1x16xf32>
        tpu.vector_store %arg9[%swap3A_732, %swap3A_733], %swap3A_736 {strides = array<i32>} : memref<80x16xf32, #tpu.memory_space<vmem>>, vector<1x16xf32>,
      }
      %scan3A_475 = arith.constant 5 : i32
      %scan3A_476 = arith.constant 0 : i32
      %scan3A_477 = arith.constant 80 : i32
      %scan3A_478 = arith.addi %scan3A_476, %scan3A_477 : i32
      %scan3A_479 = arith.constant 1 : i32
      scf.for %scan3A_538 = %scan3A_476 to %scan3A_478 step %scan3A_479  : i32 {
        %mul3A_539 = arith.constant 1 : i32
        %mul3A_540 = arith.muli %scan3A_538, %mul3A_539 : i32
        %add3A_541 = arith.constant 0 : i32
        %add3A_542 = arith.addi %add3A_541, %mul3A_540 : i32
        %get3A = arith.index_cast %add3A_542 : i32 to index
        %get3A_543 = arith.constant 0 : index
        %get3A_544 = tpu.vector_load %arg9[%get3A, %get3A_543] {strides = array<i32>} : memref<80x16xf32, #tpu.memory_space<vmem>>, vector<1x16xf32>,
        %get3A_545 = vector.shape_cast %get3A_544 : vector<1x16xf32> to vector<16xf32>
        %get3A_546 = arith.index_cast %add3A_542 : i32 to index
        %get3A_547 = arith.constant 0 : index
        %get3A_548 = tpu.vector_load %arg11[%get3A_546, %get3A_547] {strides = array<i32>} : memref<80x128xf32, #tpu.memory_space<vmem>>, vector<1x16xf32>,
        %get3A_549 = vector.shape_cast %get3A_548 : vector<1x16xf32> to vector<16xf32>
        %mul3A_550 = arith.mulf %get3A_549, %get3A_545 : vector<16xf32>
        %swap3A = arith.index_cast %add3A_542 : i32 to index
        %swap3A_551 = arith.constant 0 : index
        %swap3A_552 = tpu.vector_load %arg11[%swap3A, %swap3A_551] {strides = array<i32>} : memref<80x128xf32, #tpu.memory_space<vmem>>, vector<1x16xf32>,
        %swap3A_553 = vector.shape_cast %swap3A_552 : vector<1x16xf32> to vector<16xf32>
        %swap3A_554 = vector.shape_cast %mul3A_550 : vector<16xf32> to vector<1x16xf32>
        tpu.vector_store %arg11[%swap3A, %swap3A_551], %swap3A_554 {strides = array<i32>} : memref<80x128xf32, #tpu.memory_space<vmem>>, vector<1x16xf32>,
        %get3A_555 = arith.index_cast %add3A_542 : i32 to index
        %get3A_556 = arith.constant 16 : index
        %get3A_557 = tpu.vector_load %arg11[%get3A_555, %get3A_556] {strides = array<i32>} : memref<80x128xf32, #tpu.memory_space<vmem>>, vector<1x16xf32>,
        %get3A_558 = vector.shape_cast %get3A_557 : vector<1x16xf32> to vector<16xf32>
        %mul3A_559 = arith.mulf %get3A_558, %get3A_545 : vector<16xf32>
        %swap3A_560 = arith.index_cast %add3A_542 : i32 to index
        %swap3A_561 = arith.constant 16 : index
        %swap3A_562 = tpu.vector_load %arg11[%swap3A_560, %swap3A_561] {strides = array<i32>} : memref<80x128xf32, #tpu.memory_space<vmem>>, vector<1x16xf32>,
        %swap3A_563 = vector.shape_cast %swap3A_562 : vector<1x16xf32> to vector<16xf32>
        %swap3A_564 = vector.shape_cast %mul3A_559 : vector<16xf32> to vector<1x16xf32>
        tpu.vector_store %arg11[%swap3A_560, %swap3A_561], %swap3A_564 {strides = array<i32>} : memref<80x128xf32, #tpu.memory_space<vmem>>, vector<1x16xf32>,
        %get3A_565 = arith.index_cast %add3A_542 : i32 to index
        %get3A_566 = arith.constant 32 : index
        %get3A_567 = tpu.vector_load %arg11[%get3A_565, %get3A_566] {strides = array<i32>} : memref<80x128xf32, #tpu.memory_space<vmem>>, vector<1x16xf32>,
        %get3A_568 = vector.shape_cast %get3A_567 : vector<1x16xf32> to vector<16xf32>
        %mul3A_569 = arith.mulf %get3A_568, %get3A_545 : vector<16xf32>
        %swap3A_570 = arith.index_cast %add3A_542 : i32 to index
        %swap3A_571 = arith.constant 32 : index
        %swap3A_572 = tpu.vector_load %arg11[%swap3A_570, %swap3A_571] {strides = array<i32>} : memref<80x128xf32, #tpu.memory_space<vmem>>, vector<1x16xf32>,
        %swap3A_573 = vector.shape_cast %swap3A_572 : vector<1x16xf32> to vector<16xf32>
        %swap3A_574 = vector.shape_cast %mul3A_569 : vector<16xf32> to vector<1x16xf32>
        tpu.vector_store %arg11[%swap3A_570, %swap3A_571], %swap3A_574 {strides = array<i32>} : memref<80x128xf32, #tpu.memory_space<vmem>>, vector<1x16xf32>,
        %get3A_575 = arith.index_cast %add3A_542 : i32 to index
        %get3A_576 = arith.constant 48 : index
        %get3A_577 = tpu.vector_load %arg11[%get3A_575, %get3A_576] {strides = array<i32>} : memref<80x128xf32, #tpu.memory_space<vmem>>, vector<1x16xf32>,
        %get3A_578 = vector.shape_cast %get3A_577 : vector<1x16xf32> to vector<16xf32>
        %mul3A_579 = arith.mulf %get3A_578, %get3A_545 : vector<16xf32>
        %swap3A_580 = arith.index_cast %add3A_542 : i32 to index
        %swap3A_581 = arith.constant 48 : index
        %swap3A_582 = tpu.vector_load %arg11[%swap3A_580, %swap3A_581] {strides = array<i32>} : memref<80x128xf32, #tpu.memory_space<vmem>>, vector<1x16xf32>,
        %swap3A_583 = vector.shape_cast %swap3A_582 : vector<1x16xf32> to vector<16xf32>
        %swap3A_584 = vector.shape_cast %mul3A_579 : vector<16xf32> to vector<1x16xf32>
        tpu.vector_store %arg11[%swap3A_580, %swap3A_581], %swap3A_584 {strides = array<i32>} : memref<80x128xf32, #tpu.memory_space<vmem>>, vector<1x16xf32>,
        %get3A_585 = arith.index_cast %add3A_542 : i32 to index
        %get3A_586 = arith.constant 64 : index
        %get3A_587 = tpu.vector_load %arg11[%get3A_585, %get3A_586] {strides = array<i32>} : memref<80x128xf32, #tpu.memory_space<vmem>>, vector<1x16xf32>,
        %get3A_588 = vector.shape_cast %get3A_587 : vector<1x16xf32> to vector<16xf32>
        %mul3A_589 = arith.mulf %get3A_588, %get3A_545 : vector<16xf32>
        %swap3A_590 = arith.index_cast %add3A_542 : i32 to index
        %swap3A_591 = arith.constant 64 : index
        %swap3A_592 = tpu.vector_load %arg11[%swap3A_590, %swap3A_591] {strides = array<i32>} : memref<80x128xf32, #tpu.memory_space<vmem>>, vector<1x16xf32>,
        %swap3A_593 = vector.shape_cast %swap3A_592 : vector<1x16xf32> to vector<16xf32>
        %swap3A_594 = vector.shape_cast %mul3A_589 : vector<16xf32> to vector<1x16xf32>
        tpu.vector_store %arg11[%swap3A_590, %swap3A_591], %swap3A_594 {strides = array<i32>} : memref<80x128xf32, #tpu.memory_space<vmem>>, vector<1x16xf32>,
        %get3A_595 = arith.index_cast %add3A_542 : i32 to index
        %get3A_596 = arith.constant 80 : index
        %get3A_597 = tpu.vector_load %arg11[%get3A_595, %get3A_596] {strides = array<i32>} : memref<80x128xf32, #tpu.memory_space<vmem>>, vector<1x16xf32>,
        %get3A_598 = vector.shape_cast %get3A_597 : vector<1x16xf32> to vector<16xf32>
        %mul3A_599 = arith.mulf %get3A_598, %get3A_545 : vector<16xf32>
        %swap3A_600 = arith.index_cast %add3A_542 : i32 to index
        %swap3A_601 = arith.constant 80 : index
        %swap3A_602 = tpu.vector_load %arg11[%swap3A_600, %swap3A_601] {strides = array<i32>} : memref<80x128xf32, #tpu.memory_space<vmem>>, vector<1x16xf32>,
        %swap3A_603 = vector.shape_cast %swap3A_602 : vector<1x16xf32> to vector<16xf32>
        %swap3A_604 = vector.shape_cast %mul3A_599 : vector<16xf32> to vector<1x16xf32>
        tpu.vector_store %arg11[%swap3A_600, %swap3A_601], %swap3A_604 {strides = array<i32>} : memref<80x128xf32, #tpu.memory_space<vmem>>, vector<1x16xf32>,
        %get3A_605 = arith.index_cast %add3A_542 : i32 to index
        %get3A_606 = arith.constant 96 : index
        %get3A_607 = tpu.vector_load %arg11[%get3A_605, %get3A_606] {strides = array<i32>} : memref<80x128xf32, #tpu.memory_space<vmem>>, vector<1x16xf32>,
        %get3A_608 = vector.shape_cast %get3A_607 : vector<1x16xf32> to vector<16xf32>
        %mul3A_609 = arith.mulf %get3A_608, %get3A_545 : vector<16xf32>
        %swap3A_610 = arith.index_cast %add3A_542 : i32 to index
        %swap3A_611 = arith.constant 96 : index
        %swap3A_612 = tpu.vector_load %arg11[%swap3A_610, %swap3A_611] {strides = array<i32>} : memref<80x128xf32, #tpu.memory_space<vmem>>, vector<1x16xf32>,
        %swap3A_613 = vector.shape_cast %swap3A_612 : vector<1x16xf32> to vector<16xf32>
        %swap3A_614 = vector.shape_cast %mul3A_609 : vector<16xf32> to vector<1x16xf32>
        tpu.vector_store %arg11[%swap3A_610, %swap3A_611], %swap3A_614 {strides = array<i32>} : memref<80x128xf32, #tpu.memory_space<vmem>>, vector<1x16xf32>,
        %get3A_615 = arith.index_cast %add3A_542 : i32 to index
        %get3A_616 = arith.constant 112 : index
        %get3A_617 = tpu.vector_load %arg11[%get3A_615, %get3A_616] {strides = array<i32>} : memref<80x128xf32, #tpu.memory_space<vmem>>, vector<1x16xf32>,
        %get3A_618 = vector.shape_cast %get3A_617 : vector<1x16xf32> to vector<16xf32>
        %mul3A_619 = arith.mulf %get3A_618, %get3A_545 : vector<16xf32>
        %swap3A_620 = arith.index_cast %add3A_542 : i32 to index
        %swap3A_621 = arith.constant 112 : index
        %swap3A_622 = tpu.vector_load %arg11[%swap3A_620, %swap3A_621] {strides = array<i32>} : memref<80x128xf32, #tpu.memory_space<vmem>>, vector<1x16xf32>,
        %swap3A_623 = vector.shape_cast %swap3A_622 : vector<1x16xf32> to vector<16xf32>
        %swap3A_624 = vector.shape_cast %mul3A_619 : vector<16xf32> to vector<1x16xf32>
        tpu.vector_store %arg11[%swap3A_620, %swap3A_621], %swap3A_624 {strides = array<i32>} : memref<80x128xf32, #tpu.memory_space<vmem>>, vector<1x16xf32>,
      }
      %scan3A_480 = arith.constant 80 : i32
      %dma_start3A_481 = arith.constant 4 : i32
      %dma_start3A_482 = arith.constant 1 : i32
      %dma_start3A_483 = arith.constant 0 : i32
      %dma_start3A_484 = tpu.memref_slice %arg7[%dma_start3A_481, %dma_start3A_482, %dma_start3A_483] : memref<6x2x80xi32, #tpu.memory_space<vmem>> -> memref<1x1x80xi32, #tpu.memory_space<vmem>>
      %dma_start3A_485 = tpu.memref_squeeze %dma_start3A_484 : memref<1x1x80xi32, #tpu.memory_space<vmem>> -> memref<80xi32, #tpu.memory_space<vmem>>
      %dma_start3A_486 = arith.constant 0 : i32
      %dma_start3A_487 = arith.constant 0 : i32
      %dma_start3A_488 = tpu.memref_slice %arg6[%dma_start3A_486, %dma_start3A_487] : memref<10240x128xf32, #tpu.memory_space<vmem_shared>> -> memref<10240x128xf32, #tpu.memory_space<vmem_shared>>
      tpu.enqueue_indirect_dma source(%arg11 : memref<80x128xf32, #tpu.memory_space<vmem>>) target(%dma_start3A_488 : memref<10240x128xf32, #tpu.memory_space<vmem_shared>>) offsets(%dma_start3A_485 : memref<80xi32, #tpu.memory_space<vmem>>) semaphore(%arg23 : memref<!tpu.dma_semaphore, #tpu.memory_space<semaphore_mem>>) {add = true}
      %mul3A_489 = arith.constant 6 : i32
      %mul3A_490 = arith.muli %add3A_247, %mul3A_489 : i32
      %add3A_491 = arith.constant 5 : i32
      %add3A_492 = arith.addi %mul3A_490, %add3A_491 : i32
      %ge3A_493 = arith.constant 1 : i32
      %ge3A_494 = arith.cmpi sge, %add3A_492, %ge3A_493 : i32
      %convert_element_type3A_495 = arith.extui %ge3A_494 : i1 to i32
      %cond3A_496 = arith.constant 0 : i32
      %cond3A_497 = arith.cmpi ne, %convert_element_type3A_495, %cond3A_496 : i32
      scf.if %cond3A_497 {
        %dma_wait3A_538 = arith.constant 4 : i32
        %dma_wait3A_539 = arith.constant 1 : i32
        %dma_wait3A_540 = arith.constant 0 : i32
        %dma_wait3A_541 = tpu.memref_slice %arg7[%dma_wait3A_538, %dma_wait3A_539, %dma_wait3A_540] : memref<6x2x80xi32, #tpu.memory_space<vmem>> -> memref<1x1x80xi32, #tpu.memory_space<vmem>>
        %dma_wait3A_542 = tpu.memref_squeeze %dma_wait3A_541 : memref<1x1x80xi32, #tpu.memory_space<vmem>> -> memref<80xi32, #tpu.memory_space<vmem>>
        %dma_wait3A_543 = arith.constant 0 : i32
        %dma_wait3A_544 = arith.constant 0 : i32
        %dma_wait3A_545 = tpu.memref_slice %arg6[%dma_wait3A_543, %dma_wait3A_544] : memref<10240x128xf32, #tpu.memory_space<vmem_shared>> -> memref<10240x128xf32, #tpu.memory_space<vmem_shared>>
        tpu.wait_indirect_dma semaphore(%arg23 : memref<!tpu.dma_semaphore, #tpu.memory_space<semaphore_mem>>) src(%arg11 : memref<80x128xf32, #tpu.memory_space<vmem>>) dst(%dma_wait3A_545 : memref<10240x128xf32, #tpu.memory_space<vmem_shared>>)
      } else {
      }
      %add3A_498 = arith.constant 4 : i32
      %add3A_499 = arith.addi %add3A_492, %add3A_498 : i32
      %lt3A_500 = arith.constant 126 : i32
      %lt3A_501 = arith.cmpi slt, %add3A_499, %lt3A_500 : i32
      %convert_element_type3A_502 = arith.extui %lt3A_501 : i1 to i32
      %cond3A_503 = arith.constant 0 : i32
      %cond3A_504 = arith.cmpi ne, %convert_element_type3A_502, %cond3A_503 : i32
      scf.if %cond3A_504 {
        %add3A_538 = arith.constant 4 : i32
        %add3A_539 = arith.addi %add3A_492, %add3A_538 : i32
        %dma_start3A_540 = arith.constant 3 : i32
        %dma_start3A_541 = arith.constant 0 : i32
        %dma_start3A_542 = arith.constant 0 : i32
        %dma_start3A_543 = tpu.memref_slice %arg7[%dma_start3A_540, %dma_start3A_541, %dma_start3A_542] : memref<6x2x80xi32, #tpu.memory_space<vmem>> -> memref<1x2x80xi32, #tpu.memory_space<vmem>>
        %dma_start3A_544 = tpu.memref_squeeze %dma_start3A_543 : memref<1x2x80xi32, #tpu.memory_space<vmem>> -> memref<2x80xi32, #tpu.memory_space<vmem>>
        %dma_start3A_545 = arith.constant 0 : i32
        %dma_start3A_546 = arith.constant 0 : i32
        %dma_start3A_547 = tpu.memref_slice %arg2[%add3A, %add3A_539, %dma_start3A_545, %dma_start3A_546] : memref<32x126x2x80xi32, #tpu.memory_space<hbm>> -> memref<1x1x2x80xi32, #tpu.memory_space<hbm>>
        %dma_start3A_548 = tpu.memref_squeeze %dma_start3A_547 : memref<1x1x2x80xi32, #tpu.memory_space<hbm>> -> memref<2x80xi32, #tpu.memory_space<hbm>>
        %dma_start3A_549 = arith.constant 0 : i32
        %dma_start3A_550 = arith.constant 0 : i32
        %dma_start3A_551 = tpu.memref_slice %arg7[%dma_start3A_540, %dma_start3A_549, %dma_start3A_550] : memref<6x2x80xi32, #tpu.memory_space<vmem>> -> memref<1x2x80xi32, #tpu.memory_space<vmem>>
        %dma_start3A_552 = tpu.memref_squeeze %dma_start3A_551 : memref<1x2x80xi32, #tpu.memory_space<vmem>> -> memref<2x80xi32, #tpu.memory_space<vmem>>
        %dma_start3A_553 = arith.constant 0 : i32
        %dma_start3A_554 = arith.constant 0 : i32
        %dma_start3A_555 = tpu.memref_slice %arg2[%add3A, %add3A_539, %dma_start3A_553, %dma_start3A_554] : memref<32x126x2x80xi32, #tpu.memory_space<hbm>> -> memref<1x1x2x80xi32, #tpu.memory_space<hbm>>
        %dma_start3A_556 = tpu.memref_squeeze %dma_start3A_555 : memref<1x1x2x80xi32, #tpu.memory_space<hbm>> -> memref<2x80xi32, #tpu.memory_space<hbm>>
        tpu.enqueue_dma source(%dma_start3A_556 : memref<2x80xi32, #tpu.memory_space<hbm>>) target(%dma_start3A_552 : memref<2x80xi32, #tpu.memory_space<vmem>>) target_semaphore(%arg16 : memref<!tpu.dma_semaphore, #tpu.memory_space<semaphore_mem>>)
        %dma_start3A_557 = arith.constant 3 : i32
        %dma_start3A_558 = arith.constant 0 : i32
        %dma_start3A_559 = tpu.memref_slice %arg8[%dma_start3A_557, %dma_start3A_558] : memref<6x80xf32, #tpu.memory_space<vmem>> -> memref<1x80xf32, #tpu.memory_space<vmem>>
        %dma_start3A_560 = tpu.memref_squeeze %dma_start3A_559 : memref<1x80xf32, #tpu.memory_space<vmem>> -> memref<80xf32, #tpu.memory_space<vmem>>
        %dma_start3A_561 = arith.constant 0 : i32
        %dma_start3A_562 = tpu.memref_slice %arg3[%add3A, %add3A_539, %dma_start3A_561] : memref<32x126x80xf32, #tpu.memory_space<hbm>> -> memref<1x1x80xf32, #tpu.memory_space<hbm>>
        %dma_start3A_563 = tpu.memref_squeeze %dma_start3A_562 : memref<1x1x80xf32, #tpu.memory_space<hbm>> -> memref<80xf32, #tpu.memory_space<hbm>>
        %dma_start3A_564 = arith.constant 0 : i32
        %dma_start3A_565 = tpu.memref_slice %arg8[%dma_start3A_557, %dma_start3A_564] : memref<6x80xf32, #tpu.memory_space<vmem>> -> memref<1x80xf32, #tpu.memory_space<vmem>>
        %dma_start3A_566 = tpu.memref_squeeze %dma_start3A_565 : memref<1x80xf32, #tpu.memory_space<vmem>> -> memref<80xf32, #tpu.memory_space<vmem>>
        %dma_start3A_567 = arith.constant 0 : i32
        %dma_start3A_568 = tpu.memref_slice %arg3[%add3A, %add3A_539, %dma_start3A_567] : memref<32x126x80xf32, #tpu.memory_space<hbm>> -> memref<1x1x80xf32, #tpu.memory_space<hbm>>
        %dma_start3A_569 = tpu.memref_squeeze %dma_start3A_568 : memref<1x1x80xf32, #tpu.memory_space<hbm>> -> memref<80xf32, #tpu.memory_space<hbm>>
        tpu.enqueue_dma source(%dma_start3A_569 : memref<80xf32, #tpu.memory_space<hbm>>) target(%dma_start3A_566 : memref<80xf32, #tpu.memory_space<vmem>>) target_semaphore(%arg16 : memref<!tpu.dma_semaphore, #tpu.memory_space<semaphore_mem>>)
      } else {
      }
      %add3A_505 = arith.constant 2 : i32
      %add3A_506 = arith.addi %add3A_492, %add3A_505 : i32
      %lt3A_507 = arith.constant 126 : i32
      %lt3A_508 = arith.cmpi slt, %add3A_506, %lt3A_507 : i32
      %convert_element_type3A_509 = arith.extui %lt3A_508 : i1 to i32
      %cond3A_510 = arith.constant 0 : i32
      %cond3A_511 = arith.cmpi ne, %convert_element_type3A_509, %cond3A_510 : i32
      scf.if %cond3A_511 {
        %dma_wait3A_538 = arith.constant 0 : i32
        %dma_wait3A_539 = arith.constant 1 : i32
        %dma_wait3A_540 = arith.constant 0 : i32
        %dma_wait3A_541 = arith.constant 0 : i32
        %dma_wait3A_542 = tpu.memref_slice %arg7[%dma_wait3A_539, %dma_wait3A_540, %dma_wait3A_541] : memref<6x2x80xi32, #tpu.memory_space<vmem>> -> memref<1x2x80xi32, #tpu.memory_space<vmem>>
        %dma_wait3A_543 = tpu.memref_squeeze %dma_wait3A_542 : memref<1x2x80xi32, #tpu.memory_space<vmem>> -> memref<2x80xi32, #tpu.memory_space<vmem>>
        %dma_wait3A_544 = arith.constant 0 : i32
        %dma_wait3A_545 = arith.constant 0 : i32
        %dma_wait3A_546 = tpu.memref_slice %arg2[%add3A, %dma_wait3A_538, %dma_wait3A_544, %dma_wait3A_545] : memref<32x126x2x80xi32, #tpu.memory_space<hbm>> -> memref<1x1x2x80xi32, #tpu.memory_space<hbm>>
        %dma_wait3A_547 = tpu.memref_squeeze %dma_wait3A_546 : memref<1x1x2x80xi32, #tpu.memory_space<hbm>> -> memref<2x80xi32, #tpu.memory_space<hbm>>
        %dma_wait3A_548 = arith.constant 0 : i32
        %dma_wait3A_549 = arith.constant 0 : i32
        %dma_wait3A_550 = tpu.memref_slice %arg7[%dma_wait3A_539, %dma_wait3A_548, %dma_wait3A_549] : memref<6x2x80xi32, #tpu.memory_space<vmem>> -> memref<1x2x80xi32, #tpu.memory_space<vmem>>
        %dma_wait3A_551 = tpu.memref_squeeze %dma_wait3A_550 : memref<1x2x80xi32, #tpu.memory_space<vmem>> -> memref<2x80xi32, #tpu.memory_space<vmem>>
        %dma_wait3A_552 = arith.constant 0 : i32
        %dma_wait3A_553 = arith.constant 0 : i32
        %dma_wait3A_554 = tpu.memref_slice %arg2[%add3A, %dma_wait3A_538, %dma_wait3A_552, %dma_wait3A_553] : memref<32x126x2x80xi32, #tpu.memory_space<hbm>> -> memref<1x1x2x80xi32, #tpu.memory_space<hbm>>
        %dma_wait3A_555 = tpu.memref_squeeze %dma_wait3A_554 : memref<1x1x2x80xi32, #tpu.memory_space<hbm>> -> memref<2x80xi32, #tpu.memory_space<hbm>>
        tpu.wait_dma2 semaphore(%arg14 : memref<!tpu.dma_semaphore, #tpu.memory_space<semaphore_mem>>) src(%dma_wait3A_555 : memref<2x80xi32, #tpu.memory_space<hbm>>) dst(%dma_wait3A_551 : memref<2x80xi32, #tpu.memory_space<vmem>>)
        %dma_wait3A_556 = arith.constant 0 : i32
        %dma_wait3A_557 = arith.constant 1 : i32
        %dma_wait3A_558 = arith.constant 0 : i32
        %dma_wait3A_559 = tpu.memref_slice %arg8[%dma_wait3A_557, %dma_wait3A_558] : memref<6x80xf32, #tpu.memory_space<vmem>> -> memref<1x80xf32, #tpu.memory_space<vmem>>
        %dma_wait3A_560 = tpu.memref_squeeze %dma_wait3A_559 : memref<1x80xf32, #tpu.memory_space<vmem>> -> memref<80xf32, #tpu.memory_space<vmem>>
        %dma_wait3A_561 = arith.constant 0 : i32
        %dma_wait3A_562 = tpu.memref_slice %arg3[%add3A, %dma_wait3A_556, %dma_wait3A_561] : memref<32x126x80xf32, #tpu.memory_space<hbm>> -> memref<1x1x80xf32, #tpu.memory_space<hbm>>
        %dma_wait3A_563 = tpu.memref_squeeze %dma_wait3A_562 : memref<1x1x80xf32, #tpu.memory_space<hbm>> -> memref<80xf32, #tpu.memory_space<hbm>>
        %dma_wait3A_564 = arith.constant 0 : i32
        %dma_wait3A_565 = tpu.memref_slice %arg8[%dma_wait3A_557, %dma_wait3A_564] : memref<6x80xf32, #tpu.memory_space<vmem>> -> memref<1x80xf32, #tpu.memory_space<vmem>>
        %dma_wait3A_566 = tpu.memref_squeeze %dma_wait3A_565 : memref<1x80xf32, #tpu.memory_space<vmem>> -> memref<80xf32, #tpu.memory_space<vmem>>
        %dma_wait3A_567 = arith.constant 0 : i32
        %dma_wait3A_568 = tpu.memref_slice %arg3[%add3A, %dma_wait3A_556, %dma_wait3A_567] : memref<32x126x80xf32, #tpu.memory_space<hbm>> -> memref<1x1x80xf32, #tpu.memory_space<hbm>>
        %dma_wait3A_569 = tpu.memref_squeeze %dma_wait3A_568 : memref<1x1x80xf32, #tpu.memory_space<hbm>> -> memref<80xf32, #tpu.memory_space<hbm>>
        tpu.wait_dma2 semaphore(%arg14 : memref<!tpu.dma_semaphore, #tpu.memory_space<semaphore_mem>>) src(%dma_wait3A_569 : memref<80xf32, #tpu.memory_space<hbm>>) dst(%dma_wait3A_566 : memref<80xf32, #tpu.memory_space<vmem>>)
        %dma_start3A_570 = arith.constant 1 : i32
        %dma_start3A_571 = arith.constant 0 : i32
        %dma_start3A_572 = arith.constant 0 : i32
        %dma_start3A_573 = tpu.memref_slice %arg7[%dma_start3A_570, %dma_start3A_571, %dma_start3A_572] : memref<6x2x80xi32, #tpu.memory_space<vmem>> -> memref<1x1x80xi32, #tpu.memory_space<vmem>>
        %dma_start3A_574 = tpu.memref_squeeze %dma_start3A_573 : memref<1x1x80xi32, #tpu.memory_space<vmem>> -> memref<80xi32, #tpu.memory_space<vmem>>
        %dma_start3A_575 = arith.constant 0 : i32
        %dma_start3A_576 = arith.constant 0 : i32
        %dma_start3A_577 = tpu.memref_slice %arg4[%dma_start3A_575, %dma_start3A_576] : memref<10000x128xf32, #tpu.memory_space<hbm>> -> memref<10000x128xf32, #tpu.memory_space<hbm>>
        tpu.enqueue_indirect_dma source(%dma_start3A_577 : memref<10000x128xf32, #tpu.memory_space<hbm>>) target(%arg11 : memref<80x128xf32, #tpu.memory_space<vmem>>) offsets(%dma_start3A_574 : memref<80xi32, #tpu.memory_space<vmem>>) semaphore(%arg20 : memref<!tpu.dma_semaphore, #tpu.memory_space<semaphore_mem>>)
      } else {
      }
      %dma_wait3A_512 = arith.constant 5 : i32
      %dma_wait3A_513 = arith.constant 0 : i32
      %dma_wait3A_514 = arith.constant 0 : i32
      %dma_wait3A_515 = tpu.memref_slice %arg7[%dma_wait3A_512, %dma_wait3A_513, %dma_wait3A_514] : memref<6x2x80xi32, #tpu.memory_space<vmem>> -> memref<1x1x80xi32, #tpu.memory_space<vmem>>
      %dma_wait3A_516 = tpu.memref_squeeze %dma_wait3A_515 : memref<1x1x80xi32, #tpu.memory_space<vmem>> -> memref<80xi32, #tpu.memory_space<vmem>>
      %dma_wait3A_517 = arith.constant 0 : i32
      %dma_wait3A_518 = arith.constant 0 : i32
      %dma_wait3A_519 = tpu.memref_slice %arg4[%dma_wait3A_517, %dma_wait3A_518] : memref<10000x128xf32, #tpu.memory_space<hbm>> -> memref<10000x128xf32, #tpu.memory_space<hbm>>
      tpu.wait_indirect_dma semaphore(%arg21 : memref<!tpu.dma_semaphore, #tpu.memory_space<semaphore_mem>>) src(%dma_wait3A_519 : memref<10000x128xf32, #tpu.memory_space<hbm>>) dst(%arg12 : memref<80x128xf32, #tpu.memory_space<vmem>>)
      %scan3A_520 = arith.constant 0 : i32
      %scan3A_521 = arith.constant 5 : i32
      %scan3A_522 = arith.addi %scan3A_520, %scan3A_521 : i32
      %scan3A_523 = arith.constant 1 : i32
      scf.for %scan3A_538 = %scan3A_520 to %scan3A_522 step %scan3A_523  : i32 {
        %mul3A_539 = arith.constant 1 : i32
        %mul3A_540 = arith.muli %scan3A_538, %mul3A_539 : i32
        %add3A_541 = arith.constant 0 : i32
        %add3A_542 = arith.addi %add3A_541, %mul3A_540 : i32
        %mul3A_543 = arith.constant 16 : i32
        %mul3A_544 = arith.muli %add3A_542, %mul3A_543 : i32
        %get3A = arith.constant 5 : i32
        %get3A_545 = arith.index_cast %get3A : i32 to index
        %get3A_546 = arith.index_cast %mul3A_544 : i32 to index
        %get3A_547 = tpu.vector_load %arg8[%get3A_545, %get3A_546] {strides = array<i32>} : memref<6x80xf32, #tpu.memory_space<vmem>>, vector<1x16xf32>,
        %get3A_548 = vector.shape_cast %get3A_547 : vector<1x16xf32> to vector<16xf32>
        %slice3A = vector.extract_strided_slice %get3A_548 {offsets = [0], sizes = [1], strides = [1]} : vector<16xf32> to vector<1xf32>
        %squeeze3A = vector.extract %slice3A[0] : f32 from vector<1xf32>
        %broadcast_in_dim3A = vector.broadcast %squeeze3A : f32 to vector<16xf32>
        %mul3A_549 = arith.constant 16 : i32
        %mul3A_550 = arith.muli %add3A_542, %mul3A_549 : i32
        %add3A_551 = arith.constant 0 : i32
        %add3A_552 = arith.addi %mul3A_550, %add3A_551 : i32
        %swap3A = arith.index_cast %add3A_552 : i32 to index
        %swap3A_553 = arith.constant 0 : index
        %swap3A_554 = tpu.vector_load %arg9[%swap3A, %swap3A_553] {strides = array<i32>} : memref<80x16xf32, #tpu.memory_space<vmem>>, vector<1x16xf32>,
        %swap3A_555 = vector.shape_cast %swap3A_554 : vector<1x16xf32> to vector<16xf32>
        %swap3A_556 = vector.shape_cast %broadcast_in_dim3A : vector<16xf32> to vector<1x16xf32>
        tpu.vector_store %arg9[%swap3A, %swap3A_553], %swap3A_556 {strides = array<i32>} : memref<80x16xf32, #tpu.memory_space<vmem>>, vector<1x16xf32>,
        %slice3A_557 = vector.extract_strided_slice %get3A_548 {offsets = [1], sizes = [1], strides = [1]} : vector<16xf32> to vector<1xf32>
        %squeeze3A_558 = vector.extract %slice3A_557[0] : f32 from vector<1xf32>
        %broadcast_in_dim3A_559 = vector.broadcast %squeeze3A_558 : f32 to vector<16xf32>
        %mul3A_560 = arith.constant 16 : i32
        %mul3A_561 = arith.muli %add3A_542, %mul3A_560 : i32
        %add3A_562 = arith.constant 1 : i32
        %add3A_563 = arith.addi %mul3A_561, %add3A_562 : i32
        %swap3A_564 = arith.index_cast %add3A_563 : i32 to index
        %swap3A_565 = arith.constant 0 : index
        %swap3A_566 = tpu.vector_load %arg9[%swap3A_564, %swap3A_565] {strides = array<i32>} : memref<80x16xf32, #tpu.memory_space<vmem>>, vector<1x16xf32>,
        %swap3A_567 = vector.shape_cast %swap3A_566 : vector<1x16xf32> to vector<16xf32>
        %swap3A_568 = vector.shape_cast %broadcast_in_dim3A_559 : vector<16xf32> to vector<1x16xf32>
        tpu.vector_store %arg9[%swap3A_564, %swap3A_565], %swap3A_568 {strides = array<i32>} : memref<80x16xf32, #tpu.memory_space<vmem>>, vector<1x16xf32>,
        %slice3A_569 = vector.extract_strided_slice %get3A_548 {offsets = [2], sizes = [1], strides = [1]} : vector<16xf32> to vector<1xf32>
        %squeeze3A_570 = vector.extract %slice3A_569[0] : f32 from vector<1xf32>
        %broadcast_in_dim3A_571 = vector.broadcast %squeeze3A_570 : f32 to vector<16xf32>
        %mul3A_572 = arith.constant 16 : i32
        %mul3A_573 = arith.muli %add3A_542, %mul3A_572 : i32
        %add3A_574 = arith.constant 2 : i32
        %add3A_575 = arith.addi %mul3A_573, %add3A_574 : i32
        %swap3A_576 = arith.index_cast %add3A_575 : i32 to index
        %swap3A_577 = arith.constant 0 : index
        %swap3A_578 = tpu.vector_load %arg9[%swap3A_576, %swap3A_577] {strides = array<i32>} : memref<80x16xf32, #tpu.memory_space<vmem>>, vector<1x16xf32>,
        %swap3A_579 = vector.shape_cast %swap3A_578 : vector<1x16xf32> to vector<16xf32>
        %swap3A_580 = vector.shape_cast %broadcast_in_dim3A_571 : vector<16xf32> to vector<1x16xf32>
        tpu.vector_store %arg9[%swap3A_576, %swap3A_577], %swap3A_580 {strides = array<i32>} : memref<80x16xf32, #tpu.memory_space<vmem>>, vector<1x16xf32>,
        %slice3A_581 = vector.extract_strided_slice %get3A_548 {offsets = [3], sizes = [1], strides = [1]} : vector<16xf32> to vector<1xf32>
        %squeeze3A_582 = vector.extract %slice3A_581[0] : f32 from vector<1xf32>
        %broadcast_in_dim3A_583 = vector.broadcast %squeeze3A_582 : f32 to vector<16xf32>
        %mul3A_584 = arith.constant 16 : i32
        %mul3A_585 = arith.muli %add3A_542, %mul3A_584 : i32
        %add3A_586 = arith.constant 3 : i32
        %add3A_587 = arith.addi %mul3A_585, %add3A_586 : i32
        %swap3A_588 = arith.index_cast %add3A_587 : i32 to index
        %swap3A_589 = arith.constant 0 : index
        %swap3A_590 = tpu.vector_load %arg9[%swap3A_588, %swap3A_589] {strides = array<i32>} : memref<80x16xf32, #tpu.memory_space<vmem>>, vector<1x16xf32>,
        %swap3A_591 = vector.shape_cast %swap3A_590 : vector<1x16xf32> to vector<16xf32>
        %swap3A_592 = vector.shape_cast %broadcast_in_dim3A_583 : vector<16xf32> to vector<1x16xf32>
        tpu.vector_store %arg9[%swap3A_588, %swap3A_589], %swap3A_592 {strides = array<i32>} : memref<80x16xf32, #tpu.memory_space<vmem>>, vector<1x16xf32>,
        %slice3A_593 = vector.extract_strided_slice %get3A_548 {offsets = [4], sizes = [1], strides = [1]} : vector<16xf32> to vector<1xf32>
        %squeeze3A_594 = vector.extract %slice3A_593[0] : f32 from vector<1xf32>
        %broadcast_in_dim3A_595 = vector.broadcast %squeeze3A_594 : f32 to vector<16xf32>
        %mul3A_596 = arith.constant 16 : i32
        %mul3A_597 = arith.muli %add3A_542, %mul3A_596 : i32
        %add3A_598 = arith.constant 4 : i32
        %add3A_599 = arith.addi %mul3A_597, %add3A_598 : i32
        %swap3A_600 = arith.index_cast %add3A_599 : i32 to index
        %swap3A_601 = arith.constant 0 : index
        %swap3A_602 = tpu.vector_load %arg9[%swap3A_600, %swap3A_601] {strides = array<i32>} : memref<80x16xf32, #tpu.memory_space<vmem>>, vector<1x16xf32>,
        %swap3A_603 = vector.shape_cast %swap3A_602 : vector<1x16xf32> to vector<16xf32>
        %swap3A_604 = vector.shape_cast %broadcast_in_dim3A_595 : vector<16xf32> to vector<1x16xf32>
        tpu.vector_store %arg9[%swap3A_600, %swap3A_601], %swap3A_604 {strides = array<i32>} : memref<80x16xf32, #tpu.memory_space<vmem>>, vector<1x16xf32>,
        %slice3A_605 = vector.extract_strided_slice %get3A_548 {offsets = [5], sizes = [1], strides = [1]} : vector<16xf32> to vector<1xf32>
        %squeeze3A_606 = vector.extract %slice3A_605[0] : f32 from vector<1xf32>
        %broadcast_in_dim3A_607 = vector.broadcast %squeeze3A_606 : f32 to vector<16xf32>
        %mul3A_608 = arith.constant 16 : i32
        %mul3A_609 = arith.muli %add3A_542, %mul3A_608 : i32
        %add3A_610 = arith.constant 5 : i32
        %add3A_611 = arith.addi %mul3A_609, %add3A_610 : i32
        %swap3A_612 = arith.index_cast %add3A_611 : i32 to index
        %swap3A_613 = arith.constant 0 : index
        %swap3A_614 = tpu.vector_load %arg9[%swap3A_612, %swap3A_613] {strides = array<i32>} : memref<80x16xf32, #tpu.memory_space<vmem>>, vector<1x16xf32>,
        %swap3A_615 = vector.shape_cast %swap3A_614 : vector<1x16xf32> to vector<16xf32>
        %swap3A_616 = vector.shape_cast %broadcast_in_dim3A_607 : vector<16xf32> to vector<1x16xf32>
        tpu.vector_store %arg9[%swap3A_612, %swap3A_613], %swap3A_616 {strides = array<i32>} : memref<80x16xf32, #tpu.memory_space<vmem>>, vector<1x16xf32>,
        %slice3A_617 = vector.extract_strided_slice %get3A_548 {offsets = [6], sizes = [1], strides = [1]} : vector<16xf32> to vector<1xf32>
        %squeeze3A_618 = vector.extract %slice3A_617[0] : f32 from vector<1xf32>
        %broadcast_in_dim3A_619 = vector.broadcast %squeeze3A_618 : f32 to vector<16xf32>
        %mul3A_620 = arith.constant 16 : i32
        %mul3A_621 = arith.muli %add3A_542, %mul3A_620 : i32
        %add3A_622 = arith.constant 6 : i32
        %add3A_623 = arith.addi %mul3A_621, %add3A_622 : i32
        %swap3A_624 = arith.index_cast %add3A_623 : i32 to index
        %swap3A_625 = arith.constant 0 : index
        %swap3A_626 = tpu.vector_load %arg9[%swap3A_624, %swap3A_625] {strides = array<i32>} : memref<80x16xf32, #tpu.memory_space<vmem>>, vector<1x16xf32>,
        %swap3A_627 = vector.shape_cast %swap3A_626 : vector<1x16xf32> to vector<16xf32>
        %swap3A_628 = vector.shape_cast %broadcast_in_dim3A_619 : vector<16xf32> to vector<1x16xf32>
        tpu.vector_store %arg9[%swap3A_624, %swap3A_625], %swap3A_628 {strides = array<i32>} : memref<80x16xf32, #tpu.memory_space<vmem>>, vector<1x16xf32>,
        %slice3A_629 = vector.extract_strided_slice %get3A_548 {offsets = [7], sizes = [1], strides = [1]} : vector<16xf32> to vector<1xf32>
        %squeeze3A_630 = vector.extract %slice3A_629[0] : f32 from vector<1xf32>
        %broadcast_in_dim3A_631 = vector.broadcast %squeeze3A_630 : f32 to vector<16xf32>
        %mul3A_632 = arith.constant 16 : i32
        %mul3A_633 = arith.muli %add3A_542, %mul3A_632 : i32
        %add3A_634 = arith.constant 7 : i32
        %add3A_635 = arith.addi %mul3A_633, %add3A_634 : i32
        %swap3A_636 = arith.index_cast %add3A_635 : i32 to index
        %swap3A_637 = arith.constant 0 : index
        %swap3A_638 = tpu.vector_load %arg9[%swap3A_636, %swap3A_637] {strides = array<i32>} : memref<80x16xf32, #tpu.memory_space<vmem>>, vector<1x16xf32>,
        %swap3A_639 = vector.shape_cast %swap3A_638 : vector<1x16xf32> to vector<16xf32>
        %swap3A_640 = vector.shape_cast %broadcast_in_dim3A_631 : vector<16xf32> to vector<1x16xf32>
        tpu.vector_store %arg9[%swap3A_636, %swap3A_637], %swap3A_640 {strides = array<i32>} : memref<80x16xf32, #tpu.memory_space<vmem>>, vector<1x16xf32>,
        %slice3A_641 = vector.extract_strided_slice %get3A_548 {offsets = [8], sizes = [1], strides = [1]} : vector<16xf32> to vector<1xf32>
        %squeeze3A_642 = vector.extract %slice3A_641[0] : f32 from vector<1xf32>
        %broadcast_in_dim3A_643 = vector.broadcast %squeeze3A_642 : f32 to vector<16xf32>
        %mul3A_644 = arith.constant 16 : i32
        %mul3A_645 = arith.muli %add3A_542, %mul3A_644 : i32
        %add3A_646 = arith.constant 8 : i32
        %add3A_647 = arith.addi %mul3A_645, %add3A_646 : i32
        %swap3A_648 = arith.index_cast %add3A_647 : i32 to index
        %swap3A_649 = arith.constant 0 : index
        %swap3A_650 = tpu.vector_load %arg9[%swap3A_648, %swap3A_649] {strides = array<i32>} : memref<80x16xf32, #tpu.memory_space<vmem>>, vector<1x16xf32>,
        %swap3A_651 = vector.shape_cast %swap3A_650 : vector<1x16xf32> to vector<16xf32>
        %swap3A_652 = vector.shape_cast %broadcast_in_dim3A_643 : vector<16xf32> to vector<1x16xf32>
        tpu.vector_store %arg9[%swap3A_648, %swap3A_649], %swap3A_652 {strides = array<i32>} : memref<80x16xf32, #tpu.memory_space<vmem>>, vector<1x16xf32>,
        %slice3A_653 = vector.extract_strided_slice %get3A_548 {offsets = [9], sizes = [1], strides = [1]} : vector<16xf32> to vector<1xf32>
        %squeeze3A_654 = vector.extract %slice3A_653[0] : f32 from vector<1xf32>
        %broadcast_in_dim3A_655 = vector.broadcast %squeeze3A_654 : f32 to vector<16xf32>
        %mul3A_656 = arith.constant 16 : i32
        %mul3A_657 = arith.muli %add3A_542, %mul3A_656 : i32
        %add3A_658 = arith.constant 9 : i32
        %add3A_659 = arith.addi %mul3A_657, %add3A_658 : i32
        %swap3A_660 = arith.index_cast %add3A_659 : i32 to index
        %swap3A_661 = arith.constant 0 : index
        %swap3A_662 = tpu.vector_load %arg9[%swap3A_660, %swap3A_661] {strides = array<i32>} : memref<80x16xf32, #tpu.memory_space<vmem>>, vector<1x16xf32>,
        %swap3A_663 = vector.shape_cast %swap3A_662 : vector<1x16xf32> to vector<16xf32>
        %swap3A_664 = vector.shape_cast %broadcast_in_dim3A_655 : vector<16xf32> to vector<1x16xf32>
        tpu.vector_store %arg9[%swap3A_660, %swap3A_661], %swap3A_664 {strides = array<i32>} : memref<80x16xf32, #tpu.memory_space<vmem>>, vector<1x16xf32>,
        %slice3A_665 = vector.extract_strided_slice %get3A_548 {offsets = [10], sizes = [1], strides = [1]} : vector<16xf32> to vector<1xf32>
        %squeeze3A_666 = vector.extract %slice3A_665[0] : f32 from vector<1xf32>
        %broadcast_in_dim3A_667 = vector.broadcast %squeeze3A_666 : f32 to vector<16xf32>
        %mul3A_668 = arith.constant 16 : i32
        %mul3A_669 = arith.muli %add3A_542, %mul3A_668 : i32
        %add3A_670 = arith.constant 10 : i32
        %add3A_671 = arith.addi %mul3A_669, %add3A_670 : i32
        %swap3A_672 = arith.index_cast %add3A_671 : i32 to index
        %swap3A_673 = arith.constant 0 : index
        %swap3A_674 = tpu.vector_load %arg9[%swap3A_672, %swap3A_673] {strides = array<i32>} : memref<80x16xf32, #tpu.memory_space<vmem>>, vector<1x16xf32>,
        %swap3A_675 = vector.shape_cast %swap3A_674 : vector<1x16xf32> to vector<16xf32>
        %swap3A_676 = vector.shape_cast %broadcast_in_dim3A_667 : vector<16xf32> to vector<1x16xf32>
        tpu.vector_store %arg9[%swap3A_672, %swap3A_673], %swap3A_676 {strides = array<i32>} : memref<80x16xf32, #tpu.memory_space<vmem>>, vector<1x16xf32>,
        %slice3A_677 = vector.extract_strided_slice %get3A_548 {offsets = [11], sizes = [1], strides = [1]} : vector<16xf32> to vector<1xf32>
        %squeeze3A_678 = vector.extract %slice3A_677[0] : f32 from vector<1xf32>
        %broadcast_in_dim3A_679 = vector.broadcast %squeeze3A_678 : f32 to vector<16xf32>
        %mul3A_680 = arith.constant 16 : i32
        %mul3A_681 = arith.muli %add3A_542, %mul3A_680 : i32
        %add3A_682 = arith.constant 11 : i32
        %add3A_683 = arith.addi %mul3A_681, %add3A_682 : i32
        %swap3A_684 = arith.index_cast %add3A_683 : i32 to index
        %swap3A_685 = arith.constant 0 : index
        %swap3A_686 = tpu.vector_load %arg9[%swap3A_684, %swap3A_685] {strides = array<i32>} : memref<80x16xf32, #tpu.memory_space<vmem>>, vector<1x16xf32>,
        %swap3A_687 = vector.shape_cast %swap3A_686 : vector<1x16xf32> to vector<16xf32>
        %swap3A_688 = vector.shape_cast %broadcast_in_dim3A_679 : vector<16xf32> to vector<1x16xf32>
        tpu.vector_store %arg9[%swap3A_684, %swap3A_685], %swap3A_688 {strides = array<i32>} : memref<80x16xf32, #tpu.memory_space<vmem>>, vector<1x16xf32>,
        %slice3A_689 = vector.extract_strided_slice %get3A_548 {offsets = [12], sizes = [1], strides = [1]} : vector<16xf32> to vector<1xf32>
        %squeeze3A_690 = vector.extract %slice3A_689[0] : f32 from vector<1xf32>
        %broadcast_in_dim3A_691 = vector.broadcast %squeeze3A_690 : f32 to vector<16xf32>
        %mul3A_692 = arith.constant 16 : i32
        %mul3A_693 = arith.muli %add3A_542, %mul3A_692 : i32
        %add3A_694 = arith.constant 12 : i32
        %add3A_695 = arith.addi %mul3A_693, %add3A_694 : i32
        %swap3A_696 = arith.index_cast %add3A_695 : i32 to index
        %swap3A_697 = arith.constant 0 : index
        %swap3A_698 = tpu.vector_load %arg9[%swap3A_696, %swap3A_697] {strides = array<i32>} : memref<80x16xf32, #tpu.memory_space<vmem>>, vector<1x16xf32>,
        %swap3A_699 = vector.shape_cast %swap3A_698 : vector<1x16xf32> to vector<16xf32>
        %swap3A_700 = vector.shape_cast %broadcast_in_dim3A_691 : vector<16xf32> to vector<1x16xf32>
        tpu.vector_store %arg9[%swap3A_696, %swap3A_697], %swap3A_700 {strides = array<i32>} : memref<80x16xf32, #tpu.memory_space<vmem>>, vector<1x16xf32>,
        %slice3A_701 = vector.extract_strided_slice %get3A_548 {offsets = [13], sizes = [1], strides = [1]} : vector<16xf32> to vector<1xf32>
        %squeeze3A_702 = vector.extract %slice3A_701[0] : f32 from vector<1xf32>
        %broadcast_in_dim3A_703 = vector.broadcast %squeeze3A_702 : f32 to vector<16xf32>
        %mul3A_704 = arith.constant 16 : i32
        %mul3A_705 = arith.muli %add3A_542, %mul3A_704 : i32
        %add3A_706 = arith.constant 13 : i32
        %add3A_707 = arith.addi %mul3A_705, %add3A_706 : i32
        %swap3A_708 = arith.index_cast %add3A_707 : i32 to index
        %swap3A_709 = arith.constant 0 : index
        %swap3A_710 = tpu.vector_load %arg9[%swap3A_708, %swap3A_709] {strides = array<i32>} : memref<80x16xf32, #tpu.memory_space<vmem>>, vector<1x16xf32>,
        %swap3A_711 = vector.shape_cast %swap3A_710 : vector<1x16xf32> to vector<16xf32>
        %swap3A_712 = vector.shape_cast %broadcast_in_dim3A_703 : vector<16xf32> to vector<1x16xf32>
        tpu.vector_store %arg9[%swap3A_708, %swap3A_709], %swap3A_712 {strides = array<i32>} : memref<80x16xf32, #tpu.memory_space<vmem>>, vector<1x16xf32>,
        %slice3A_713 = vector.extract_strided_slice %get3A_548 {offsets = [14], sizes = [1], strides = [1]} : vector<16xf32> to vector<1xf32>
        %squeeze3A_714 = vector.extract %slice3A_713[0] : f32 from vector<1xf32>
        %broadcast_in_dim3A_715 = vector.broadcast %squeeze3A_714 : f32 to vector<16xf32>
        %mul3A_716 = arith.constant 16 : i32
        %mul3A_717 = arith.muli %add3A_542, %mul3A_716 : i32
        %add3A_718 = arith.constant 14 : i32
        %add3A_719 = arith.addi %mul3A_717, %add3A_718 : i32
        %swap3A_720 = arith.index_cast %add3A_719 : i32 to index
        %swap3A_721 = arith.constant 0 : index
        %swap3A_722 = tpu.vector_load %arg9[%swap3A_720, %swap3A_721] {strides = array<i32>} : memref<80x16xf32, #tpu.memory_space<vmem>>, vector<1x16xf32>,
        %swap3A_723 = vector.shape_cast %swap3A_722 : vector<1x16xf32> to vector<16xf32>
        %swap3A_724 = vector.shape_cast %broadcast_in_dim3A_715 : vector<16xf32> to vector<1x16xf32>
        tpu.vector_store %arg9[%swap3A_720, %swap3A_721], %swap3A_724 {strides = array<i32>} : memref<80x16xf32, #tpu.memory_space<vmem>>, vector<1x16xf32>,
        %slice3A_725 = vector.extract_strided_slice %get3A_548 {offsets = [15], sizes = [1], strides = [1]} : vector<16xf32> to vector<1xf32>
        %squeeze3A_726 = vector.extract %slice3A_725[0] : f32 from vector<1xf32>
        %broadcast_in_dim3A_727 = vector.broadcast %squeeze3A_726 : f32 to vector<16xf32>
        %mul3A_728 = arith.constant 16 : i32
        %mul3A_729 = arith.muli %add3A_542, %mul3A_728 : i32
        %add3A_730 = arith.constant 15 : i32
        %add3A_731 = arith.addi %mul3A_729, %add3A_730 : i32
        %swap3A_732 = arith.index_cast %add3A_731 : i32 to index
        %swap3A_733 = arith.constant 0 : index
        %swap3A_734 = tpu.vector_load %arg9[%swap3A_732, %swap3A_733] {strides = array<i32>} : memref<80x16xf32, #tpu.memory_space<vmem>>, vector<1x16xf32>,
        %swap3A_735 = vector.shape_cast %swap3A_734 : vector<1x16xf32> to vector<16xf32>
        %swap3A_736 = vector.shape_cast %broadcast_in_dim3A_727 : vector<16xf32> to vector<1x16xf32>
        tpu.vector_store %arg9[%swap3A_732, %swap3A_733], %swap3A_736 {strides = array<i32>} : memref<80x16xf32, #tpu.memory_space<vmem>>, vector<1x16xf32>,
      }
      %scan3A_524 = arith.constant 5 : i32
      %scan3A_525 = arith.constant 0 : i32
      %scan3A_526 = arith.constant 80 : i32
      %scan3A_527 = arith.addi %scan3A_525, %scan3A_526 : i32
      %scan3A_528 = arith.constant 1 : i32
      scf.for %scan3A_538 = %scan3A_525 to %scan3A_527 step %scan3A_528  : i32 {
        %mul3A_539 = arith.constant 1 : i32
        %mul3A_540 = arith.muli %scan3A_538, %mul3A_539 : i32
        %add3A_541 = arith.constant 0 : i32
        %add3A_542 = arith.addi %add3A_541, %mul3A_540 : i32
        %get3A = arith.index_cast %add3A_542 : i32 to index
        %get3A_543 = arith.constant 0 : index
        %get3A_544 = tpu.vector_load %arg9[%get3A, %get3A_543] {strides = array<i32>} : memref<80x16xf32, #tpu.memory_space<vmem>>, vector<1x16xf32>,
        %get3A_545 = vector.shape_cast %get3A_544 : vector<1x16xf32> to vector<16xf32>
        %get3A_546 = arith.index_cast %add3A_542 : i32 to index
        %get3A_547 = arith.constant 0 : index
        %get3A_548 = tpu.vector_load %arg12[%get3A_546, %get3A_547] {strides = array<i32>} : memref<80x128xf32, #tpu.memory_space<vmem>>, vector<1x16xf32>,
        %get3A_549 = vector.shape_cast %get3A_548 : vector<1x16xf32> to vector<16xf32>
        %mul3A_550 = arith.mulf %get3A_549, %get3A_545 : vector<16xf32>
        %swap3A = arith.index_cast %add3A_542 : i32 to index
        %swap3A_551 = arith.constant 0 : index
        %swap3A_552 = tpu.vector_load %arg12[%swap3A, %swap3A_551] {strides = array<i32>} : memref<80x128xf32, #tpu.memory_space<vmem>>, vector<1x16xf32>,
        %swap3A_553 = vector.shape_cast %swap3A_552 : vector<1x16xf32> to vector<16xf32>
        %swap3A_554 = vector.shape_cast %mul3A_550 : vector<16xf32> to vector<1x16xf32>
        tpu.vector_store %arg12[%swap3A, %swap3A_551], %swap3A_554 {strides = array<i32>} : memref<80x128xf32, #tpu.memory_space<vmem>>, vector<1x16xf32>,
        %get3A_555 = arith.index_cast %add3A_542 : i32 to index
        %get3A_556 = arith.constant 16 : index
        %get3A_557 = tpu.vector_load %arg12[%get3A_555, %get3A_556] {strides = array<i32>} : memref<80x128xf32, #tpu.memory_space<vmem>>, vector<1x16xf32>,
        %get3A_558 = vector.shape_cast %get3A_557 : vector<1x16xf32> to vector<16xf32>
        %mul3A_559 = arith.mulf %get3A_558, %get3A_545 : vector<16xf32>
        %swap3A_560 = arith.index_cast %add3A_542 : i32 to index
        %swap3A_561 = arith.constant 16 : index
        %swap3A_562 = tpu.vector_load %arg12[%swap3A_560, %swap3A_561] {strides = array<i32>} : memref<80x128xf32, #tpu.memory_space<vmem>>, vector<1x16xf32>,
        %swap3A_563 = vector.shape_cast %swap3A_562 : vector<1x16xf32> to vector<16xf32>
        %swap3A_564 = vector.shape_cast %mul3A_559 : vector<16xf32> to vector<1x16xf32>
        tpu.vector_store %arg12[%swap3A_560, %swap3A_561], %swap3A_564 {strides = array<i32>} : memref<80x128xf32, #tpu.memory_space<vmem>>, vector<1x16xf32>,
        %get3A_565 = arith.index_cast %add3A_542 : i32 to index
        %get3A_566 = arith.constant 32 : index
        %get3A_567 = tpu.vector_load %arg12[%get3A_565, %get3A_566] {strides = array<i32>} : memref<80x128xf32, #tpu.memory_space<vmem>>, vector<1x16xf32>,
        %get3A_568 = vector.shape_cast %get3A_567 : vector<1x16xf32> to vector<16xf32>
        %mul3A_569 = arith.mulf %get3A_568, %get3A_545 : vector<16xf32>
        %swap3A_570 = arith.index_cast %add3A_542 : i32 to index
        %swap3A_571 = arith.constant 32 : index
        %swap3A_572 = tpu.vector_load %arg12[%swap3A_570, %swap3A_571] {strides = array<i32>} : memref<80x128xf32, #tpu.memory_space<vmem>>, vector<1x16xf32>,
        %swap3A_573 = vector.shape_cast %swap3A_572 : vector<1x16xf32> to vector<16xf32>
        %swap3A_574 = vector.shape_cast %mul3A_569 : vector<16xf32> to vector<1x16xf32>
        tpu.vector_store %arg12[%swap3A_570, %swap3A_571], %swap3A_574 {strides = array<i32>} : memref<80x128xf32, #tpu.memory_space<vmem>>, vector<1x16xf32>,
        %get3A_575 = arith.index_cast %add3A_542 : i32 to index
        %get3A_576 = arith.constant 48 : index
        %get3A_577 = tpu.vector_load %arg12[%get3A_575, %get3A_576] {strides = array<i32>} : memref<80x128xf32, #tpu.memory_space<vmem>>, vector<1x16xf32>,
        %get3A_578 = vector.shape_cast %get3A_577 : vector<1x16xf32> to vector<16xf32>
        %mul3A_579 = arith.mulf %get3A_578, %get3A_545 : vector<16xf32>
        %swap3A_580 = arith.index_cast %add3A_542 : i32 to index
        %swap3A_581 = arith.constant 48 : index
        %swap3A_582 = tpu.vector_load %arg12[%swap3A_580, %swap3A_581] {strides = array<i32>} : memref<80x128xf32, #tpu.memory_space<vmem>>, vector<1x16xf32>,
        %swap3A_583 = vector.shape_cast %swap3A_582 : vector<1x16xf32> to vector<16xf32>
        %swap3A_584 = vector.shape_cast %mul3A_579 : vector<16xf32> to vector<1x16xf32>
        tpu.vector_store %arg12[%swap3A_580, %swap3A_581], %swap3A_584 {strides = array<i32>} : memref<80x128xf32, #tpu.memory_space<vmem>>, vector<1x16xf32>,
        %get3A_585 = arith.index_cast %add3A_542 : i32 to index
        %get3A_586 = arith.constant 64 : index
        %get3A_587 = tpu.vector_load %arg12[%get3A_585, %get3A_586] {strides = array<i32>} : memref<80x128xf32, #tpu.memory_space<vmem>>, vector<1x16xf32>,
        %get3A_588 = vector.shape_cast %get3A_587 : vector<1x16xf32> to vector<16xf32>
        %mul3A_589 = arith.mulf %get3A_588, %get3A_545 : vector<16xf32>
        %swap3A_590 = arith.index_cast %add3A_542 : i32 to index
        %swap3A_591 = arith.constant 64 : index
        %swap3A_592 = tpu.vector_load %arg12[%swap3A_590, %swap3A_591] {strides = array<i32>} : memref<80x128xf32, #tpu.memory_space<vmem>>, vector<1x16xf32>,
        %swap3A_593 = vector.shape_cast %swap3A_592 : vector<1x16xf32> to vector<16xf32>
        %swap3A_594 = vector.shape_cast %mul3A_589 : vector<16xf32> to vector<1x16xf32>
        tpu.vector_store %arg12[%swap3A_590, %swap3A_591], %swap3A_594 {strides = array<i32>} : memref<80x128xf32, #tpu.memory_space<vmem>>, vector<1x16xf32>,
        %get3A_595 = arith.index_cast %add3A_542 : i32 to index
        %get3A_596 = arith.constant 80 : index
        %get3A_597 = tpu.vector_load %arg12[%get3A_595, %get3A_596] {strides = array<i32>} : memref<80x128xf32, #tpu.memory_space<vmem>>, vector<1x16xf32>,
        %get3A_598 = vector.shape_cast %get3A_597 : vector<1x16xf32> to vector<16xf32>
        %mul3A_599 = arith.mulf %get3A_598, %get3A_545 : vector<16xf32>
        %swap3A_600 = arith.index_cast %add3A_542 : i32 to index
        %swap3A_601 = arith.constant 80 : index
        %swap3A_602 = tpu.vector_load %arg12[%swap3A_600, %swap3A_601] {strides = array<i32>} : memref<80x128xf32, #tpu.memory_space<vmem>>, vector<1x16xf32>,
        %swap3A_603 = vector.shape_cast %swap3A_602 : vector<1x16xf32> to vector<16xf32>
        %swap3A_604 = vector.shape_cast %mul3A_599 : vector<16xf32> to vector<1x16xf32>
        tpu.vector_store %arg12[%swap3A_600, %swap3A_601], %swap3A_604 {strides = array<i32>} : memref<80x128xf32, #tpu.memory_space<vmem>>, vector<1x16xf32>,
        %get3A_605 = arith.index_cast %add3A_542 : i32 to index
        %get3A_606 = arith.constant 96 : index
        %get3A_607 = tpu.vector_load %arg12[%get3A_605, %get3A_606] {strides = array<i32>} : memref<80x128xf32, #tpu.memory_space<vmem>>, vector<1x16xf32>,
        %get3A_608 = vector.shape_cast %get3A_607 : vector<1x16xf32> to vector<16xf32>
        %mul3A_609 = arith.mulf %get3A_608, %get3A_545 : vector<16xf32>
        %swap3A_610 = arith.index_cast %add3A_542 : i32 to index
        %swap3A_611 = arith.constant 96 : index
        %swap3A_612 = tpu.vector_load %arg12[%swap3A_610, %swap3A_611] {strides = array<i32>} : memref<80x128xf32, #tpu.memory_space<vmem>>, vector<1x16xf32>,
        %swap3A_613 = vector.shape_cast %swap3A_612 : vector<1x16xf32> to vector<16xf32>
        %swap3A_614 = vector.shape_cast %mul3A_609 : vector<16xf32> to vector<1x16xf32>
        tpu.vector_store %arg12[%swap3A_610, %swap3A_611], %swap3A_614 {strides = array<i32>} : memref<80x128xf32, #tpu.memory_space<vmem>>, vector<1x16xf32>,
        %get3A_615 = arith.index_cast %add3A_542 : i32 to index
        %get3A_616 = arith.constant 112 : index
        %get3A_617 = tpu.vector_load %arg12[%get3A_615, %get3A_616] {strides = array<i32>} : memref<80x128xf32, #tpu.memory_space<vmem>>, vector<1x16xf32>,
        %get3A_618 = vector.shape_cast %get3A_617 : vector<1x16xf32> to vector<16xf32>
        %mul3A_619 = arith.mulf %get3A_618, %get3A_545 : vector<16xf32>
        %swap3A_620 = arith.index_cast %add3A_542 : i32 to index
        %swap3A_621 = arith.constant 112 : index
        %swap3A_622 = tpu.vector_load %arg12[%swap3A_620, %swap3A_621] {strides = array<i32>} : memref<80x128xf32, #tpu.memory_space<vmem>>, vector<1x16xf32>,
        %swap3A_623 = vector.shape_cast %swap3A_622 : vector<1x16xf32> to vector<16xf32>
        %swap3A_624 = vector.shape_cast %mul3A_619 : vector<16xf32> to vector<1x16xf32>
        tpu.vector_store %arg12[%swap3A_620, %swap3A_621], %swap3A_624 {strides = array<i32>} : memref<80x128xf32, #tpu.memory_space<vmem>>, vector<1x16xf32>,
      }
      %scan3A_529 = arith.constant 80 : i32
      %dma_start3A_530 = arith.constant 5 : i32
      %dma_start3A_531 = arith.constant 1 : i32
      %dma_start3A_532 = arith.constant 0 : i32
      %dma_start3A_533 = tpu.memref_slice %arg7[%dma_start3A_530, %dma_start3A_531, %dma_start3A_532] : memref<6x2x80xi32, #tpu.memory_space<vmem>> -> memref<1x1x80xi32, #tpu.memory_space<vmem>>
      %dma_start3A_534 = tpu.memref_squeeze %dma_start3A_533 : memref<1x1x80xi32, #tpu.memory_space<vmem>> -> memref<80xi32, #tpu.memory_space<vmem>>
      %dma_start3A_535 = arith.constant 0 : i32
      %dma_start3A_536 = arith.constant 0 : i32
      %dma_start3A_537 = tpu.memref_slice %arg6[%dma_start3A_535, %dma_start3A_536] : memref<10240x128xf32, #tpu.memory_space<vmem_shared>> -> memref<10240x128xf32, #tpu.memory_space<vmem_shared>>
      tpu.enqueue_indirect_dma source(%arg12 : memref<80x128xf32, #tpu.memory_space<vmem>>) target(%dma_start3A_537 : memref<10240x128xf32, #tpu.memory_space<vmem_shared>>) offsets(%dma_start3A_534 : memref<80xi32, #tpu.memory_space<vmem>>) semaphore(%arg24 : memref<!tpu.dma_semaphore, #tpu.memory_space<semaphore_mem>>) {add = true}
    }
    %scan3A_233 = arith.constant 21 : i32
    %dma_wait3A_234 = arith.constant 5 : i32
    %dma_wait3A_235 = arith.constant 1 : i32
    %dma_wait3A_236 = arith.constant 0 : i32
    %dma_wait3A_237 = tpu.memref_slice %arg7[%dma_wait3A_234, %dma_wait3A_235, %dma_wait3A_236] : memref<6x2x80xi32, #tpu.memory_space<vmem>> -> memref<1x1x80xi32, #tpu.memory_space<vmem>>
    %dma_wait3A_238 = tpu.memref_squeeze %dma_wait3A_237 : memref<1x1x80xi32, #tpu.memory_space<vmem>> -> memref<80xi32, #tpu.memory_space<vmem>>
    %dma_wait3A_239 = arith.constant 0 : i32
    %dma_wait3A_240 = arith.constant 0 : i32
    %dma_wait3A_241 = tpu.memref_slice %arg6[%dma_wait3A_239, %dma_wait3A_240] : memref<10240x128xf32, #tpu.memory_space<vmem_shared>> -> memref<10240x128xf32, #tpu.memory_space<vmem_shared>>
    tpu.wait_indirect_dma semaphore(%arg24 : memref<!tpu.dma_semaphore, #tpu.memory_space<semaphore_mem>>) src(%arg12 : memref<80x128xf32, #tpu.memory_space<vmem>>) dst(%dma_wait3A_241 : memref<10240x128xf32, #tpu.memory_space<vmem_shared>>)
    %barrier3A_242 = arith.constant 0 : index
    tpu.barrier barrier_id(%barrier3A_242)
    "tpu.region"() ({
      %run_scoped3A = tpu.sem_alloc : memref<!tpu.dma_semaphore, #tpu.memory_space<semaphore_mem>>
      %dma_start3A_243 = arith.constant 0 : i32
      %dma_start3A_244 = tpu.memref_slice %arg5[%arg0, %mul3A_6, %dma_start3A_243] : memref<2x10240x128xf32, #tpu.memory_space<hbm>> -> memref<1x640x128xf32, #tpu.memory_space<hbm>>
      %dma_start3A_245 = tpu.memref_squeeze %dma_start3A_244 : memref<1x640x128xf32, #tpu.memory_space<hbm>> -> memref<640x128xf32, #tpu.memory_space<hbm>>
      %dma_start3A_246 = arith.constant 0 : i32
      %dma_start3A_247 = tpu.memref_slice %arg6[%mul3A_6, %dma_start3A_246] : memref<10240x128xf32, #tpu.memory_space<vmem_shared>> -> memref<640x128xf32, #tpu.memory_space<vmem_shared>>
      tpu.enqueue_dma source(%dma_start3A_247 : memref<640x128xf32, #tpu.memory_space<vmem_shared>>) target(%dma_start3A_245 : memref<640x128xf32, #tpu.memory_space<hbm>>) target_semaphore(%run_scoped3A : memref<!tpu.dma_semaphore, #tpu.memory_space<semaphore_mem>>)
      %dma_wait3A_248 = arith.constant 0 : i32
      %dma_wait3A_249 = tpu.memref_slice %arg5[%arg0, %mul3A_6, %dma_wait3A_248] : memref<2x10240x128xf32, #tpu.memory_space<hbm>> -> memref<1x640x128xf32, #tpu.memory_space<hbm>>
      %dma_wait3A_250 = tpu.memref_squeeze %dma_wait3A_249 : memref<1x640x128xf32, #tpu.memory_space<hbm>> -> memref<640x128xf32, #tpu.memory_space<hbm>>
      %dma_wait3A_251 = arith.constant 0 : i32
      %dma_wait3A_252 = tpu.memref_slice %arg6[%mul3A_6, %dma_wait3A_251] : memref<10240x128xf32, #tpu.memory_space<vmem_shared>> -> memref<640x128xf32, #tpu.memory_space<vmem_shared>>
      tpu.wait_dma2 semaphore(%run_scoped3A : memref<!tpu.dma_semaphore, #tpu.memory_space<semaphore_mem>>) src(%dma_wait3A_252 : memref<640x128xf32, #tpu.memory_space<vmem_shared>>) dst(%dma_wait3A_250 : memref<640x128xf32, #tpu.memory_space<hbm>>)
      tpu.yield
    }) : () -> ()
    return
  }
}

</mosaic_0001>

<sc_bundles>
// kernel: _segment_sum_sc.3.cloned.1.call-start
scs
__scs_entry_jumppad:
0x0: {  	(pc) =	sbr.rel $0x88, $3  }
0x1: {  	(tag) =	ssettag $0x0;
	lr =	simm.s32 $0x1  }
0x2: {  	[smem:$0x3F9E] =	sst lr;
	_ =	strace $0xD0000000  }
0x3: {  	_ = 	snop  }
0x4: {  	_ = 	snop  }
0x5: {  	_ = 	snop  }
0x6: {  	_ = 	snop  }
0x7: {  	_ = 	snop  }
__scs_overlays_trampoline_lowered:
0x8: {  	[smem:$0x3FAD] =	sst s0  }
0x9: {  	[smem:$0x3FAE] =	sst s1  }
0xa: {  	[smem:$0x3FAF] =	sst s2  }
0xb: {  	[smem:$0x3FB0] =	sst s3  }
0xc: {  	[smem:$0x3FB1] =	sst s4  }
0xd: {  	[smem:$0x3FB2] =	sst s5  }
0xe: {  	[smem:$0x3FB3] =	sst s6  }
0xf: {  	[smem:$0x3FB4] =	sst s7  }
0x10: {  	[smem:$0x3FB5] =	sst s8  }
0x11: {  	[smem:$0x3FB6] =	sst s9;
	s0 =	simm.s32 @!p0 $0x0  }
0x12: {  	s1 =	sld [smem:$0x3F9C];
	s0 =	simm.s32 @p0 $0x1  }
0x13: {  	[smem:$0x3FB7] =	sst s0;
	s0 =	simm.s32 @!p1 $0x0  }
0x14: {  	s2 =	sld [smem:$0x3F9B];
	s0 =	simm.s32 @p1 $0x1  }
0x15: {  	[smem:$0x3FB8] =	sst s0;
	s0 =	simm.s32 @!p2 $0x0  }
0x16: {  	s3 =	sld [smem:$0x3FDB];
	s0 =	simm.s32 @p2 $0x1  }
0x17: {  	s4 =	simm.s32 $0x1BF5;
	[smem:$0x3FBA] =	sst s0  }
0x18: {  	s0 =	sld [smem:$0x3F9D];
	_ =	swait.ge [sflag:s4], $0x0  }
0x19: {  	s7 =	sld [smem:$0x3F9E]  }
0x1a: {  	s8 =	sadd.s32 $0xFFFFE003, lr  }
0x1b: {  	s9 =	sadd.s32 $0xFFFFFEF7, lr;
	s5 =	simm.s32 $0xFFFFFFFF;
	p2 =	slt.u32 s8, $0xFFFFF086  }
0x1c: {  	p1 =	slt.u32 s9, $0xF7A;
	s5 =	simm.s32 @!p2 $0x0  }
0x1d: {  	s5 =	simm.s32 @p1 $0x1;
	p0 =	seq.s32 s7, s2  }
0x1e: {  	s7 =	smul.u32 @!p0 $0xF7A, s2;
	p2 =	seq.s32 @!p0 s5, $0x0  }
0x1f: {  	s9 =	smul.u32 $0xF7A, s1;
	s8 =	simm.s32 @!p0 $0x1BF5;
	p2 =	por !p2, p0  }
0x20: {  	[sflag:s8] =	ssyncset.s32 @!p0 $0xFFFFF086;
	s6 =	sadd.s32 @!p0 s3, s7;
	s7 =	simm.s32 @!p0 $0x108  }
0x21: {  	s3 =	sadd.s32 s3, s9;
	s6 =	sadd.s32 @!p0 $0x88, s6;
	s7 =	simm.s32 @p2 $0x1082  }
0x22: {  	[simem:s7], [sflag:s8] =	dma.local @!p0 [hbm:s6], $0xF7A  }
0x23: {  	s9 =	sor.u32 $0xD0000000, s2;
	s6 =	simm.s32 $0x108;
	_ =	swait.ge @!p0 [sflag:s8], $0x0  }
0x24: {  	s3 =	sadd.s32 $0x88, s3;
	s6 =	simm.s32 @!p1 $0x1082;
	[sflag:s4] =	ssyncset.s32 $0xFFFFF086  }
0x25: {  	[simem:s6], [sflag:s4] =	dma.local [hbm:s3], $0xF7A  }
0x26: {  	[smem:$0x3F9E] =	sst s1;
	(tag) =	ssettag s2;
	_ =	strace s9  }
0x27: {  	s1 =	sld [smem:$0x3FAE]  }
0x28: {  	s2 =	sld [smem:$0x3FAF]  }
0x29: {  	s4 =	sld [smem:$0x3FB1]  }
0x2a: {  	p0 =	seq.s32 s5, $0x0;
	s5 =	sld [smem:$0x3FB2]  }
0x2b: {  	s6 =	sld [smem:$0x3FB3]  }
0x2c: {  	s7 =	sld [smem:$0x3FB4]  }
0x2d: {  	s3 =	simm.s32 $0x108;
	s8 =	sld [smem:$0x3FB5]  }
0x2e: {  	s3 =	simm.s32 @!p0 $0x1082;
	s9 =	sld [smem:$0x3FB6]  }
0x2f: {  	lr =	sadd.s32 s0, s3;
	s0 =	sld [smem:$0x3FAD]  }
0x30: {  	s3 =	sld [smem:$0x3FB0]  }
0x31: {  	[smem:$0x3FB9] =	sst s10  }
0x32: {  	s10 =	sld [smem:$0x3FB7];
	_ =	sdelay $0x3  }
0x33: {  	p0 =	seq.s32 s10, $0x1;
	s10 =	sld [smem:$0x3FB9];
	_ =	sdelay $0x3  }
0x34: {  	[smem:$0x3FB9] =	sst s10  }
0x35: {  	s10 =	sld [smem:$0x3FB8];
	_ =	sdelay $0x3  }
0x36: {  	p1 =	seq.s32 s10, $0x1;
	s10 =	sld [smem:$0x3FB9];
	_ =	sdelay $0x3  }
0x37: {  	[smem:$0x3FB9] =	sst s10  }
0x38: {  	s10 =	sld [smem:$0x3FBA]  }
0x39: {  	_ = 	snop;
	(pc) =	sbr.ind lr, $3  }
0x3a: {  	_ = 	snop  }
0x3b: {  	_ = 	snop  }
0x3c: {  	p2 =	seq.s32 s10, $0x1;
	s10 =	sld [smem:$0x3FB9]  }
0x3d: {  	_ =	shalt  }
0x3e: {  	_ =	shalt  }
0x3f: {  	_ =	shalt  }
0x40: {  	_ =	shalt  }
0x41: {  	_ =	shalt  }
0x42: {  	_ =	shalt  }
0x43: {  	_ =	shalt  }
0x44: {  	_ =	shalt  }
0x45: {  	_ =	shalt  }
0x46: {  	_ =	shalt  }
0x47: {  	_ =	shalt  }
0x48: {  	_ =	shalt  }
0x49: {  	_ =	shalt  }
0x4a: {  	_ =	shalt  }
0x4b: {  	_ =	shalt  }
0x4c: {  	_ =	shalt  }
0x4d: {  	_ =	shalt  }
0x4e: {  	_ =	shalt  }
0x4f: {  	_ =	shalt  }
0x50: {  	_ =	shalt  }
0x51: {  	_ =	shalt  }
0x52: {  	_ =	shalt  }
0x53: {  	_ =	shalt  }
0x54: {  	_ =	shalt  }
0x55: {  	_ =	shalt  }
0x56: {  	_ =	shalt  }
0x57: {  	_ =	shalt  }
0x58: {  	_ =	shalt  }
0x59: {  	_ =	shalt  }
0x5a: {  	_ =	shalt  }
0x5b: {  	_ =	shalt  }
0x5c: {  	_ =	shalt  }
0x5d: {  	_ =	shalt  }
0x5e: {  	_ =	shalt  }
0x5f: {  	_ =	shalt  }
0x60: {  	_ =	shalt  }
0x61: {  	_ =	shalt  }
0x62: {  	_ =	shalt  }
0x63: {  	_ =	shalt  }
0x64: {  	_ =	shalt  }
0x65: {  	_ =	shalt  }
0x66: {  	_ =	shalt  }
0x67: {  	_ =	shalt  }
0x68: {  	_ =	shalt  }
0x69: {  	_ =	shalt  }
0x6a: {  	_ =	shalt  }
0x6b: {  	_ =	shalt  }
0x6c: {  	_ =	shalt  }
0x6d: {  	_ =	shalt  }
0x6e: {  	_ =	shalt  }
0x6f: {  	_ =	shalt  }
0x70: {  	_ =	shalt  }
0x71: {  	_ =	shalt  }
0x72: {  	_ =	shalt  }
0x73: {  	_ =	shalt  }
0x74: {  	_ =	shalt  }
0x75: {  	_ =	shalt  }
0x76: {  	_ =	shalt  }
0x77: {  	_ =	shalt  }
0x78: {  	_ =	shalt  }
0x79: {  	_ =	shalt  }
0x7a: {  	_ =	shalt  }
0x7b: {  	_ =	shalt  }
0x7c: {  	_ =	shalt  }
0x7d: {  	_ =	shalt  }
0x7e: {  	_ =	shalt  }
0x7f: {  	_ =	shalt  }
0x80: {  	_ =	shalt  }
0x81: {  	_ =	shalt  }
0x82: {  	_ =	shalt  }
0x83: {  	_ =	shalt  }
0x84: {  	_ =	shalt  }
0x85: {  	_ =	shalt  }
0x86: {  	_ =	shalt  }
0x87: {  	_ =	shalt  }
.Lfunc_end0:
.L_simem_size_0:
called_computation_lowered:
.L_overlay_start_0:
0x88: {  	s2 =	sld [smem:$0x3FD9]  }
0x89: {  	s3 =	sld [smem:$0x3FFE];
	_ =	sdelay $0x1  }
0x8a: {  	s1 =	srdreg.scid  }
0x8b: {  	s0 =	sand.u32 $0x1, s1  }
0x8c: {  	s17 =	sshll.u32 s0, $0xA;
	s2 =	sadd.s32 s3, s2  }
0x8d: {  	s2 =	sadd.s32 s2, s17  }
0x8e: {  	[smem:$0x3FC5] =	sst s2  }
0x8f: {  	_ = 	snop  }
0x90: {  	s2 =	sld [smem:$0x3FC7]  }
0x91: {  	s18 =	sld [smem:$0x3FD0];
	(tm) =	ssettm $0x1  }
0x92: {  	s4 =	sld [smem:$0x3FFB];
	_ =	sdelay $0x3  }
0x93: {  	_ =	strace s4  }
0x94: {  	s4 =	sld [smem:$0x3FFC];
	_ =	sdelay $0x3  }
0x95: {  	_ =	strace s4  }
0x96: {  	s4 =	sld [smem:$0x3FFD];
	_ =	sdelay $0x3  }
0x97: {  	_ =	strace s4  }
0x98: {  	_ =	strace $0x8FFFFFFF  }
0x99: {  	s19 =	sld [smem:$0x3FDB];
	_ =	sdelay $0x1  }
0x9a: {  	s5 =	simm.s32 $_scs_section_size  }
0x9b: {  	s6 =	simm.s32 $_size__tile_overlayer_lowered;
	s7 =	simm.s32 $_tile_overlayer_lowered  }
0x9c: {  	s22 =	simm.s32 $0x1BFF;
	s21 =	sshll.u32 s7, $0x1;
	s4 =	sadd.s32 s5, s19  }
0x9d: {  	s8 =	simm.s32 $0x0;
	s20 =	sshll.u32 s6, $0x1;
	s6 =	sadd.s32 s21, s4  }
0x9e: {  	[timem:s8], [sflag:s22] =	dma.local [hbm:s6], s20  }
0x9f: {  	_ =	swait.ge [sflag:s22], s20  }
0xa0: {  	s5 =	ssub.s32 $0x0, s20;
	[sflag:s22] =	ssyncset.done $0x0  }
0xa1: {  	[sflag:s22] =	ssyncadd.s32 s5;
	_ =	sdelay $0x1  }
0xa2: {  	s23 =	simm.s32 $0x1B8B  }
0xa3: {  	_ =	swait.ge [sflag:s23], $0x1  }
0xa4: {  	[sflag:s23] =	ssyncset.done $0x0  }
0xa5: {  	s25 =	simm.s32 $0x1B8E;
	s24 =	sld [smem:$0x3FFE];
	[sflag:s23] =	ssyncadd.s32 $0xFFFFFFFF  }
0xa6: {  	s26 =	simm.s32 $execute0_lowered;
	[smem:$0x3FD2] =	sst s25  }
0xa7: {  	s6 =	sshll.u32 s26, $0x1;
	_ =	strace $0x80000046;
	[dreg:$0x1] =	wrdreg $0xFFFFFFFF  }
0xa8: {  	s28 =	simm.s32 $_size_execute0_lowered;
	s4 =	sadd.s32 s4, s6;
	[dreg:$0x0] =	wrdreg $0x0  }
0xa9: {  	s6 =	sshll.u32 s28, $0x1;
	[dreg:$0x2] =	wrdreg s4  }
0xaa: {  	[dreg:$0x3] =	wrdreg s6  }
0xab: {  	[dreg:$0x4] =	wrdreg $0xC0  }
0xac: {  	_ =	task [dreg:s8], $0x5FFFF  }
0xad: {  	[dreg:$0x1] =	wrdreg $0xFFFFFFFF  }
0xae: {  	[dreg:$0x0] =	wrdreg $0x60  }
0xaf: {  	[dreg:$0x2] =	wrdreg s24  }
0xb0: {  	[dreg:$0x3] =	wrdreg s2  }
0xb1: {  	[dreg:$0x4] =	wrdreg s18  }
0xb2: {  	[dreg:$0x5] =	wrdreg $0x0  }
0xb3: {  	[dreg:$0x6] =	wrdreg $0x9  }
0xb4: {  	_ =	task.clear_ibuf [dreg:s8], $0x7FFFF;
	_ =	strace $0x90000046  }
0xb5: {  	s29 =	simm.s32 $0x9;
	_ =	strace $0x80000048  }
0xb6: {  	_ =	swait.ge [sflag:s29], $0x1  }
0xb7: {  	[sflag:s29] =	ssyncadd.s32 $0xFFFFFFFF  }
0xb8: {  	_ =	strace $0x90000048  }
0xb9: {  	_ =	sfence  }
0xba: {  	s30 =	sld [smem:$0x0];
	_ =	sdelay $0x2  }
0xbb: {  	s31 =	sshll.u32 s1, $0xD;
	s1 =	sshrl.u32 s1, $0x2  }
0xbc: {  	s3 =	sand.u32 $0x4000, s31;
	s1 =	sadd.s32 s1, s30  }
0xbd: {  	s0 =	sor.u32 s3, s0;
	s1 =	sshll.u32 s1, $0x11  }
0xbe: {  	s0 =	sor.u32 s1, s0  }
0xbf: {  	s0 =	sadd.s32 $0x8F2B, s0  }
0xc0: {  	[sflag:s0] =	ssyncadd.remote.s32 $0x1  }
0xc1: {  	_ =	sfence.sel $0xFFFF  }
0xc2: {  	[dreg:$0x0] =	wrdreg $0xFFFFFFFF;
	(pc) =	sbr.abs _section_cstart, $3  }
0xc3: {  	[dreg:$0x1] =	wrdreg $0xFFFFFFFF  }
0xc4: {  	_ =	task.clear_ibuf [dreg:s8], $0x2FFFF;
	_ =	strace $0x9FFFFFFF  }
0xc5: {  	(tm) =	ssettm $0x7FFFFFFF  }
tec
execute0_lowered:
.L_overlay_start_1:
0x0: {  	(tag) =	ssettag $0x1  }
0x1: {  	s0 =	rddreg [dreg:$0x0]  }
0x2: {  	s1 =	rddreg [dreg:$0x1]  }
0x3: {  	s3 =	rddreg [dreg:$0x2]  }
0x4: {  	s2 =	rddreg [dreg:$0x3]  }
0x5: {  	s12 =	simm.s32 $0x0;
	s4 =	srdreg.scid;
	s10 =	stileid.u32  }
0x6: {  	s28 =	simm.s32 $0x17200;
	s31 =	simm.s32 $0x14200;
	s30 =	simm.s32 $0x19A00  }
0x7: {  	[smem:$0x7FF] =	sst s12;
	s4 =	sand.u32 $0x1, s4;
	s9 =	sshll.u32 s10, $0x1  }
0x8: {  	s7 =	smul.u32 $0x50000, s10;
	s5 =	sadd.s32 $0x10600, s0;
	s11 =	sor.u32 s4, s9  }
0x9: {  	s6 =	sadd.s32 $0x600, s0;
	s10 =	smul.u32 $0x14000, s10;
	s9 =	sshll.u32 s11, $0xB  }
0xa: {  	_ =	strace $0x80000047;
	s7 =	sshrl.u32 s7, $0x2;
	s21 =	sadd.s32 s6, s9  }
0xb: {  	s29 =	ssub.s32 $0x2, s4;
	s19 =	sadd.s32 s7, s2;
	[dreg:$0xf] =	wrdreg s21  }
0xc: {  	s4 =	smul.u32 $0x140000, s4;
	s7 =	sadd.s32 $0x2800, s19;
	[dreg:$0x6] =	wrdreg s19  }
0xd: {  	s8 =	sshrl.u32 s29, $0x1;
	s13 =	sadd.s32 $0x5000, s19;
	[dreg:$0x7] =	wrdreg s7  }
0xe: {  	s0 =	ssub.s32 s29, s8;
	s14 =	sadd.s32 $0x7800, s19;
	[dreg:$0x8] =	wrdreg s13  }
0xf: {  	s4 =	sadd.s32 s10, s4;
	s15 =	sadd.s32 $0xA000, s19;
	[dreg:$0x9] =	wrdreg s14  }
0x10: {  	s9 =	simm.s32 $0x50;
	s16 =	sadd.s32 $0xC800, s19;
	[dreg:$0xa] =	wrdreg s15  }
0x11: {  	s8 =	simm.s32 $0xC;
	s17 =	sadd.s32 $0xF000, s19;
	[dreg:$0xb] =	wrdreg s16  }
0x12: {  	s10 =	simm.s32 $0x6;
	s18 =	sadd.s32 $0x11800, s19;
	[dreg:$0xc] =	wrdreg s17  }
0x13: {  	s23 =	sadd.s32 $0x10, s21;
	s25 =	sadd.s32 $0x20, s21;
	[dreg:$0xd] =	wrdreg s18  }
0x14: {  	s4 =	sshrl.u32 s4, $0x3;
	s0 =	smax.u32 s0, $0x1;
	[dreg:$0x11] =	wrdreg s23  }
0x15: {  	s29 =	sadd.s32 $0x30, s21;
	s21 =	simm.s32 $0x14500;
	[dreg:$0x13] =	wrdreg s25  }
0x16: {  	s13 =	smul.u32 $0x7E00, s11;
	s17 =	sshll.u32 s11, $0xE;
	[dreg:$0x16] =	wrdreg s0  }
0x17: {  	s3 =	sadd.s32 s3, s4;
	[dreg:$0x17] =	wrdreg s29;
	s11 =	simm.s32 $0x14400  }
0x18: {  	s0 =	simm.s32 $0x3;
	s14 =	simm.s32 $0x1C200;
	s20 =	sshrl.u32 s13, $0x3  }
0x19: {  	s15 =	simm.s32 $0x7;
	[dreg:$0x14] =	wrdreg s3;
	s7 =	sadd.s32 s5, s20  }
0x1a: {  	s23 =	simm.s32 $0x4;
	s22 =	sadd.s32 $0x20, s7;
	[dreg:$0xe] =	wrdreg s7  }
0x1b: {  	s16 =	simm.s32 $0x5;
	s24 =	sadd.s32 $0x40, s7;
	[dreg:$0x10] =	wrdreg s22  }
0x1c: {  	s18 =	simm.s32 $0x9;
	s26 =	sadd.s32 $0x60, s7;
	[dreg:$0x12] =	wrdreg s24  }
0x1d: {  	s3 =	simm.s32 $0x14300;
	s20 =	simm.s32 $0xA;
	[dreg:$0x15] =	wrdreg s26  }
0x1e: {  	v0 =	vimm.f32 $0.0e+00;
	s22 =	simm.s32 $0xD;
	s24 =	simm.s32 $0x8;
	s26 =	simm.s32 $0xB  }
.LBB2_1:
0x1f: {  	[dreg:$0x5] =	wrdreg s12;
	s4 =	simm.s32 $0x0;
	s7 =	simm.s32 $0x200  }
.LBB2_2:
0x20: {  	p0 =	sne.s32 s7, $0x9E00;
	[tilespmem:s4+$0x17270] =	vst v0  }
0x21: {  	[tilespmem:s4+$0x17200] =	vst v0  }
0x22: {  	[tilespmem:s4+$0x17210] =	vst v0  }
.Ltmp0:
0x23: {  	[tilespmem:s4+$0x17220] =	vst v0;
	(pc) =	sbr.rel @p0 .LBB2_2-.Ltmp0, $4  }
0x24: {  	[tilespmem:s4+$0x17230] =	vst v0  }
0x25: {  	[tilespmem:s4+$0x17240] =	vst v0  }
0x26: {  	[tilespmem:s4+$0x17250] =	vst v0  }
0x27: {  	[tilespmem:s4+$0x17260] =	vst v0;
	s4 =	sshra.s32 s7, $0x2;
	s7 =	sadd.s32 $0x200, s7  }
0x28: {  	[tilespmem:s4+$0x17270] =	vst v0  }
0x29: {  	[tilespmem:s4+$0x17200] =	vst v0  }
0x2a: {  	[tilespmem:s4+$0x17210] =	vst v0  }
0x2b: {  	[tilespmem:s4+$0x17220] =	vst v0  }
0x2c: {  	[tilespmem:s4+$0x17230] =	vst v0  }
0x2d: {  	[tilespmem:s4+$0x17240] =	vst v0  }
0x2e: {  	[tilespmem:s4+$0x17250] =	vst v0  }
0x2f: {  	[tilespmem:s4+$0x17260] =	vst v0  }
0x30: {  	[spmem:s19] =	stream.linear.scatter [tilespmem:s28], [sflag:$0xD], $0x2800, $0x38;
	[tilespmem:$0x1EA00] =	vst v63  }
0x31: {  	_ =	swait.ge [sflag:s22], $0x2800  }
0x32: {  	[sflag:s22] =	ssyncset.done $0x0  }
0x33: {  	s12 =	rddreg [dreg:$0x7];
	[sflag:s22] =	ssyncadd.s32 $0xFFFFD800  }
0x34: {  	[spmem:s12] =	stream.linear.scatter [tilespmem:s28], [sflag:$0xD], $0x2800, $0x38;
	[tilespmem:$0x1EA00] =	vst v63  }
0x35: {  	_ =	swait.ge [sflag:s22], $0x2800  }
0x36: {  	[sflag:s22] =	ssyncset.done $0x0  }
0x37: {  	s19 =	rddreg [dreg:$0x8];
	[sflag:s22] =	ssyncadd.s32 $0xFFFFD800  }
0x38: {  	[spmem:s19] =	stream.linear.scatter [tilespmem:s28], [sflag:$0xD], $0x2800, $0x38;
	[tilespmem:$0x1EA00] =	vst v63  }
0x39: {  	_ =	swait.ge [sflag:s22], $0x2800  }
0x3a: {  	[sflag:s22] =	ssyncset.done $0x0  }
0x3b: {  	s25 =	rddreg [dreg:$0x9];
	[sflag:s22] =	ssyncadd.s32 $0xFFFFD800  }
0x3c: {  	[spmem:s25] =	stream.linear.scatter [tilespmem:s28], [sflag:$0xD], $0x2800, $0x38;
	[tilespmem:$0x1EA00] =	vst v63  }
0x3d: {  	_ =	swait.ge [sflag:s22], $0x2800  }
0x3e: {  	[sflag:s22] =	ssyncset.done $0x0  }
0x3f: {  	s29 =	rddreg [dreg:$0xa];
	[sflag:s22] =	ssyncadd.s32 $0xFFFFD800  }
0x40: {  	[spmem:s29] =	stream.linear.scatter [tilespmem:s28], [sflag:$0xD], $0x2800, $0x38;
	[tilespmem:$0x1EA00] =	vst v63  }
0x41: {  	_ =	swait.ge [sflag:s22], $0x2800  }
0x42: {  	[sflag:s22] =	ssyncset.done $0x0  }
0x43: {  	s7 =	rddreg [dreg:$0xb];
	[sflag:s22] =	ssyncadd.s32 $0xFFFFD800  }
0x44: {  	[spmem:s7] =	stream.linear.scatter [tilespmem:s28], [sflag:$0xD], $0x2800, $0x38;
	[tilespmem:$0x1EA00] =	vst v63  }
0x45: {  	_ =	swait.ge [sflag:s22], $0x2800  }
0x46: {  	[sflag:s22] =	ssyncset.done $0x0  }
0x47: {  	s12 =	rddreg [dreg:$0xc];
	[sflag:s22] =	ssyncadd.s32 $0xFFFFD800  }
0x48: {  	[spmem:s12] =	stream.linear.scatter [tilespmem:s28], [sflag:$0xD], $0x2800, $0x38;
	[tilespmem:$0x1EA00] =	vst v63  }
0x49: {  	_ =	swait.ge [sflag:s22], $0x2800  }
0x4a: {  	[sflag:s22] =	ssyncset.done $0x0  }
0x4b: {  	s19 =	rddreg [dreg:$0xd];
	[sflag:s22] =	ssyncadd.s32 $0xFFFFD800  }
0x4c: {  	[spmem:s19] =	stream.linear.scatter [tilespmem:s28], [sflag:$0xD], $0x2800, $0x38;
	[tilespmem:$0x1EA00] =	vst v63  }
0x4d: {  	_ =	swait.ge [sflag:s22], $0x2800  }
0x4e: {  	[sflag:s22] =	ssyncset.done $0x0  }
0x4f: {  	[sflag:s22] =	ssyncadd.s32 $0xFFFFD800  }
0x50: {  	[bflag:$0x0] =	sbarrier.arrive $0xFFFF  }
0x51: {  	s7 =	simm.s32 $0x14000;
	s19 =	simm.s32 $0x0;
	s25 =	rddreg [dreg:$0xe]  }
0x52: {  	[tilespmem:s7], [sflag:$0x1] =	stream.linear.gather [hbm4b:s25+s19], $0x100, $0x38;
	[tilespmem:$0x1EA00] =	vst v63  }
0x53: {  	s12 =	simm.s32 $0x14600;
	s29 =	rddreg [dreg:$0xf]  }
0x54: {  	[tilespmem:s12], [sflag:$0x1] =	stream.linear.gather [hbm4b:s29+s19], $0x80, $0x38;
	[tilespmem:$0x1EA00] =	vst v63  }
0x55: {  	s22 =	rddreg [dreg:$0x10];
	s12 =	simm.s32 $0x14100  }
0x56: {  	[tilespmem:s12], [sflag:$0x2] =	stream.linear.gather [hbm4b:s22+s19], $0x100, $0x38;
	[tilespmem:$0x1EA00] =	vst v63  }
0x57: {  	s25 =	rddreg [dreg:$0x11];
	s29 =	simm.s32 $0x14680  }
0x58: {  	[tilespmem:s29], [sflag:$0x2] =	stream.linear.gather [hbm4b:s25+s19], $0x80, $0x38;
	[tilespmem:$0x1EA00] =	vst v63  }
0x59: {  	s22 =	rddreg [dreg:$0x12]  }
0x5a: {  	[tilespmem:s31], [sflag:$0x3] =	stream.linear.gather [hbm4b:s22+s19], $0x100, $0x38;
	[tilespmem:$0x1EA00] =	vst v63  }
0x5b: {  	s25 =	rddreg [dreg:$0x13];
	s29 =	simm.s32 $0x14700  }
0x5c: {  	[tilespmem:s29], [sflag:$0x3] =	stream.linear.gather [hbm4b:s25+s19], $0x80, $0x38;
	[tilespmem:$0x1EA00] =	vst v63  }
0x5d: {  	s22 =	rddreg [dreg:$0x15]  }
0x5e: {  	[tilespmem:s3], [sflag:$0x4] =	stream.linear.gather [hbm4b:s22+s19], $0x100, $0x38;
	[tilespmem:$0x1EA00] =	vst v63  }
0x5f: {  	s25 =	rddreg [dreg:$0x17];
	s29 =	simm.s32 $0x14780  }
0x60: {  	[tilespmem:s29], [sflag:$0x4] =	stream.linear.gather [hbm4b:s25+s19], $0x80, $0x38;
	[tilespmem:$0x1EA00] =	vst v63  }
0x61: {  	s25 =	simm.s32 $0x1  }
0x62: {  	_ =	swait.ge [sflag:s25], $0x100  }
0x63: {  	[sflag:s25] =	ssyncset.done $0x0  }
0x64: {  	[sflag:s25] =	ssyncadd.s32 $0xFFFFFF00  }
0x65: {  	_ =	swait.ge [sflag:s25], $0x80  }
0x66: {  	[sflag:s25] =	ssyncset.done $0x0  }
0x67: {  	s29 =	simm.s32 $0x2;
	[sflag:s25] =	ssyncadd.s32 $0xFFFFFF80  }
0x68: {  	[tilespmem:s28], [sflag:$0x7] =	stream.indirect.gather [hbm4b:s1+s9], $0x80, s7, s9, $0xb8;
	[tilespmem:$0x1EA00] =	vst v63  }
0x69: {  	_ =	swait.ge [sflag:s29], $0x100  }
0x6a: {  	[sflag:s29] =	ssyncset.done $0x0  }
0x6b: {  	[sflag:s29] =	ssyncadd.s32 $0xFFFFFF00  }
0x6c: {  	_ =	swait.ge [sflag:s29], $0x80  }
0x6d: {  	[sflag:s29] =	ssyncset.done $0x0  }
0x6e: {  	s22 =	simm.s32 $0x0;
	[sflag:s29] =	ssyncadd.s32 $0xFFFFFF80  }
0x6f: {  	[tilespmem:s30], [sflag:$0x8] =	stream.indirect.gather [hbm4b:s1+s9], $0x80, s12, s9, $0xb8;
	[tilespmem:$0x1EA00] =	vst v63  }
.LBB2_4:
0x70: {  	s25 =	smul.u32 $0x6, s22;
	p0 =	seq.s32 s22, $0x0  }
0x71: {  	s7 =	simm.s32 @!p0 $0xC  }
0x72: {  	s4 =	sadd.s32 $0x4, s25;
	_ =	swait.ge @!p0 [sflag:s7], $0x2800  }
0x73: {  	s12 =	sshll.u32 s4, $0x8;
	[sflag:s7] =	ssyncset.done @!p0 $0x0;
	s4 =	sshll.u32 s4, $0x7  }
0x74: {  	s12 =	sadd.s32 s13, s12;
	[sflag:s7] =	ssyncadd.s32 @!p0 $0xFFFFD800;
	s29 =	sand.u32 $0xFC00, s4  }
0x75: {  	s4 =	sand.u32 $0x300, s4;
	s12 =	sshrl.u32 s12, $0x3;
	s7 =	sadd.s32 s17, s29  }
0x76: {  	s12 =	sadd.s32 s5, s12;
	s4 =	sor.u32 s4, s7  }
0x77: {  	[tilespmem:s11], [sflag:$0x5] =	stream.linear.gather [hbm4b:s12+s19], $0x100, $0x38;
	[tilespmem:$0x1EA00] =	vst v63  }
0x78: {  	s4 =	sshrl.u32 s4, $0x3  }
0x79: {  	s12 =	simm.s32 $0x14800;
	s4 =	sadd.s32 s6, s4  }
0x7a: {  	[tilespmem:s12], [sflag:$0x5] =	stream.linear.gather [hbm4b:s4+s19], $0x80, $0x38;
	[tilespmem:$0x1EA00] =	vst v63  }
0x7b: {  	_ =	swait.ge [sflag:s0], $0x100  }
0x7c: {  	[sflag:s0] =	ssyncset.done $0x0  }
0x7d: {  	[sflag:s0] =	ssyncadd.s32 $0xFFFFFF00  }
0x7e: {  	_ =	swait.ge [sflag:s0], $0x80  }
0x7f: {  	[sflag:s0] =	ssyncset.done $0x0  }
0x80: {  	[sflag:s0] =	ssyncadd.s32 $0xFFFFFF80  }
0x81: {  	[tilespmem:s14], [sflag:$0x9] =	stream.indirect.gather [hbm4b:s1+s9], $0x80, s31, s9, $0xb8;
	[tilespmem:$0x1EA00] =	vst v63  }
0x82: {  	_ =	swait.ge [sflag:s15], $0x2800  }
0x83: {  	[sflag:s15] =	ssyncset.done $0x0  }
0x84: {  	s29 =	simm.s32 $0x0;
	[sflag:s15] =	ssyncadd.s32 $0xFFFFD800  }
0x85: {  	v1 =	vld [tilespmem:s29+$0x14600];
	_ =	sdelay $0x4  }
0x86: {  	v2 =	vbroadcast v1, $0x0  }
0x87: {  	s4 =	simm.s32 $0x14E00;
	v3 =	vbroadcast v1, $0x1  }
0x88: {  	v4 =	vbroadcast v1, $0x2;
	[tilespmem:s4+$0xFFFFFC00] =	vst v2  }
0x89: {  	v60 =	vbroadcast v1, $0x5;
	[tilespmem:s4+$0xFFFFFC80] =	vst v3  }
0x8a: {  	v61 =	vbroadcast v1, $0x8;
	[tilespmem:s4+$0xFFFFFD00] =	vst v4  }
0x8b: {  	v62 =	vbroadcast v1, $0xB;
	[tilespmem:s4+$0xFFFFFE80] =	vst v60  }
0x8c: {  	v63 =	vbroadcast v1, $0xE;
	[tilespmem:s4+$0x0] =	vst v61  }
0x8d: {  	v2 =	vbroadcast v1, $0x3;
	[tilespmem:s4+$0x180] =	vst v62  }
0x8e: {  	v3 =	vbroadcast v1, $0x4;
	[tilespmem:s4+$0x300] =	vst v63  }
0x8f: {  	[tilespmem:s4+$0xFFFFFD80] =	vst v2;
	v2 =	vbroadcast v1, $0x6  }
0x90: {  	[tilespmem:s4+$0xFFFFFE00] =	vst v3;
	v3 =	vbroadcast v1, $0x7  }
0x91: {  	[tilespmem:s4+$0xFFFFFF00] =	vst v2;
	v2 =	vbroadcast v1, $0x9  }
0x92: {  	[tilespmem:s4+$0xFFFFFF80] =	vst v3;
	v3 =	vbroadcast v1, $0xA  }
0x93: {  	[tilespmem:s4+$0x80] =	vst v2;
	v2 =	vbroadcast v1, $0xC  }
0x94: {  	[tilespmem:s4+$0x100] =	vst v3;
	v3 =	vbroadcast v1, $0xD  }
0x95: {  	v1 =	vbroadcast v1, $0xF;
	[tilespmem:s4+$0x200] =	vst v2  }
0x96: {  	[tilespmem:s4+$0x280] =	vst v3  }
0x97: {  	s7 =	simm.s32 $0x80;
	s12 =	simm.s32 $0x10;
	[tilespmem:s4+$0x380] =	vst v1  }
.LBB2_5:
0x98: {  	p0 =	sne.s32 s7, $0x100;
	v1 =	vld [tilespmem:s12+$0x14600];
	_ =	sdelay $0x4  }
0x99: {  	v2 =	vbroadcast v1, $0x0;
	v3 =	vbroadcast v1, $0x1  }
0x9a: {  	s4 =	sadd.s32 $0x800, s4;
	v4 =	vbroadcast v1, $0x2;
	v5 =	vbroadcast v1, $0x3  }
0x9b: {  	v6 =	vbroadcast v1, $0x5;
	[tilespmem:s4+$0xFFFFFC00] =	vst v2;
	v2 =	vbroadcast v1, $0x4  }
0x9c: {  	v7 =	vbroadcast v1, $0x7;
	[tilespmem:s4+$0xFFFFFC80] =	vst v3;
	v3 =	vbroadcast v1, $0x6  }
0x9d: {  	v8 =	vbroadcast v1, $0x9;
	[tilespmem:s4+$0xFFFFFD00] =	vst v4;
	v4 =	vbroadcast v1, $0x8  }
0x9e: {  	v9 =	vbroadcast v1, $0xB;
	[tilespmem:s4+$0xFFFFFD80] =	vst v5;
	v5 =	vbroadcast v1, $0xA  }
0x9f: {  	v10 =	vbroadcast v1, $0xD;
	[tilespmem:s4+$0xFFFFFE00] =	vst v2;
	v2 =	vbroadcast v1, $0xC  }
0xa0: {  	[tilespmem:s4+$0xFFFFFE80] =	vst v6;
	v6 =	vbroadcast v1, $0xE;
	v1 =	vbroadcast v1, $0xF  }
0xa1: {  	[tilespmem:s4+$0xFFFFFF00] =	vst v3  }
0xa2: {  	[tilespmem:s4+$0xFFFFFF80] =	vst v7  }
0xa3: {  	[tilespmem:s4+$0x0] =	vst v4  }
0xa4: {  	[tilespmem:s4+$0x80] =	vst v8  }
0xa5: {  	[tilespmem:s4+$0x100] =	vst v5  }
.Ltmp1:
0xa6: {  	[tilespmem:s4+$0x180] =	vst v9;
	(pc) =	sbr.rel @p0 .LBB2_5-.Ltmp1, $4  }
0xa7: {  	[tilespmem:s4+$0x200] =	vst v2  }
0xa8: {  	[tilespmem:s4+$0x280] =	vst v10  }
0xa9: {  	[tilespmem:s4+$0x300] =	vst v6  }
0xaa: {  	s12 =	sshra.s32 s7, $0x2;
	s7 =	sadd.s32 $0x40, s7;
	[tilespmem:s4+$0x380] =	vst v1  }
0xab: {  	v1 =	vld [tilespmem:s12+$0x14600];
	_ =	sdelay $0x4  }
0xac: {  	v2 =	vbroadcast v1, $0x0  }
0xad: {  	s4 =	sadd.s32 $0x800, s4;
	v3 =	vbroadcast v1, $0x1  }
0xae: {  	v4 =	vbroadcast v1, $0x2;
	[tilespmem:s4+$0xFFFFFC00] =	vst v2  }
0xaf: {  	v2 =	vbroadcast v1, $0x3;
	[tilespmem:s4+$0xFFFFFC80] =	vst v3  }
0xb0: {  	v3 =	vbroadcast v1, $0x4;
	[tilespmem:s4+$0xFFFFFD00] =	vst v4  }
0xb1: {  	v4 =	vbroadcast v1, $0x5;
	[tilespmem:s4+$0xFFFFFD80] =	vst v2  }
0xb2: {  	v2 =	vbroadcast v1, $0x6;
	[tilespmem:s4+$0xFFFFFE00] =	vst v3  }
0xb3: {  	v3 =	vbroadcast v1, $0x7;
	[tilespmem:s4+$0xFFFFFE80] =	vst v4  }
0xb4: {  	v4 =	vbroadcast v1, $0x8;
	[tilespmem:s4+$0xFFFFFF00] =	vst v2  }
0xb5: {  	v2 =	vbroadcast v1, $0x9;
	[tilespmem:s4+$0xFFFFFF80] =	vst v3  }
0xb6: {  	v3 =	vbroadcast v1, $0xA;
	[tilespmem:s4+$0x0] =	vst v4  }
0xb7: {  	v4 =	vbroadcast v1, $0xB;
	[tilespmem:s4+$0x80] =	vst v2  }
0xb8: {  	v2 =	vbroadcast v1, $0xC;
	[tilespmem:s4+$0x100] =	vst v3  }
0xb9: {  	v3 =	vbroadcast v1, $0xD;
	[tilespmem:s4+$0x180] =	vst v4  }
0xba: {  	v4 =	vbroadcast v1, $0xE;
	[tilespmem:s4+$0x200] =	vst v2  }
0xbb: {  	v1 =	vbroadcast v1, $0xF;
	[tilespmem:s4+$0x280] =	vst v3  }
0xbc: {  	[tilespmem:s4+$0x300] =	vst v4  }
0xbd: {  	[tilespmem:s4+$0x380] =	vst v1;
	s4 =	simm.s32 $0x0  }
0xbe: {  	v1 =	vld [tilespmem:s4+$0x14A00]  }
0xbf: {  	v5 =	vld [tilespmem:s4+$0x17200]  }
0xc0: {  	v7 =	vld [tilespmem:s4+$0x17210]  }
0xc1: {  	v6 =	vld [tilespmem:s4+$0x17220]  }
0xc2: {  	v4 =	vld [tilespmem:s4+$0x17230]  }
0xc3: {  	v2 =	vld [tilespmem:s4+$0x17240]  }
0xc4: {  	v3 =	vld [tilespmem:s4+$0x17250];
	v8 =	vmul.f32 v5, v1  }
0xc5: {  	s7 =	simm.s32 $0x200;
	v7 =	vmul.f32 v7, v1;
	v5 =	vld [tilespmem:s4+$0x17260]  }
.LBB2_7:
0xc6: {  	s12 =	sshra.s32 s7, $0x2;
	p0 =	sne.s32 s7, $0x9E00;
	[tilespmem:s4+$0x17200] =	vst v8;
	v6 =	vmul.f32 v6, v1;
	v8 =	vld [tilespmem:s4+$0x17270]  }
0xc7: {  	v9 =	vld [tilespmem:s12+$0x14A00];
	[tilespmem:s4+$0x17210] =	vst v7;
	v4 =	vmul.f32 v4, v1  }
0xc8: {  	v7 =	vld [tilespmem:s12+$0x17200];
	[tilespmem:s4+$0x17220] =	vst v6;
	v2 =	vmul.f32 v2, v1  }
0xc9: {  	v10 =	vld [tilespmem:s12+$0x17210];
	[tilespmem:s4+$0x17230] =	vst v4;
	v3 =	vmul.f32 v3, v1  }
.Ltmp2:
0xca: {  	v6 =	vld [tilespmem:s12+$0x17220];
	[tilespmem:s4+$0x17240] =	vst v2;
	v5 =	vmul.f32 v5, v1;
	(pc) =	sbr.rel @p0 .LBB2_7-.Ltmp2, $4  }
0xcb: {  	v4 =	vld [tilespmem:s12+$0x17230];
	[tilespmem:s4+$0x17250] =	vst v3;
	v11 =	vmul.f32 v8, v1  }
0xcc: {  	v2 =	vld [tilespmem:s12+$0x17240];
	[tilespmem:s4+$0x17260] =	vst v5;
	v1 =	vmov v9  }
0xcd: {  	v8 =	vmul.f32 v7, v1;
	v3 =	vld [tilespmem:s12+$0x17250];
	[tilespmem:s4+$0x17270] =	vst v11;
	s4 =	smov.u32 s12  }
0xce: {  	s7 =	sadd.s32 $0x200, s7;
	v7 =	vmul.f32 v10, v1;
	v5 =	vld [tilespmem:s4+$0x17260]  }
0xcf: {  	[tilespmem:s4+$0x17200] =	vst v8;
	v6 =	vmul.f32 v6, v1;
	v58 =	vld [tilespmem:s4+$0x17270]  }
0xd0: {  	[tilespmem:s4+$0x17210] =	vst v7;
	v4 =	vmul.f32 v4, v1  }
0xd1: {  	[tilespmem:s4+$0x17220] =	vst v6;
	v2 =	vmul.f32 v2, v1  }
0xd2: {  	[tilespmem:s4+$0x17230] =	vst v4;
	v3 =	vmul.f32 v3, v1  }
0xd3: {  	[tilespmem:s4+$0x17240] =	vst v2;
	v2 =	vmul.f32 v5, v1  }
0xd4: {  	[tilespmem:s4+$0x17250] =	vst v3;
	v1 =	vmul.f32 v58, v1  }
0xd5: {  	[tilespmem:s4+$0x17260] =	vst v2  }
0xd6: {  	s12 =	simm.s32 $0x14080;
	[tilespmem:s4+$0x17270] =	vst v1;
	s4 =	sadd.s32 $0x5, s25  }
0xd7: {  	[spmem:s2] =	stream.indirect.scatter.add.f32 [tilespmem:s28], [sflag:$0xA], $0x80, s12, s9, $0xb8;
	[tilespmem:$0x1EA00] =	vst v63  }
0xd8: {  	s7 =	sshll.u32 s4, $0x8  }
0xd9: {  	_ =	swait.ge [sflag:s20], $0x2800;
	s7 =	sadd.s32 s13, s7  }
0xda: {  	s12 =	simm.s32 $0x0;
	[sflag:s20] =	ssyncset.done $0x0;
	s7 =	sshrl.u32 s7, $0x3  }
0xdb: {  	s4 =	sshll.u32 s4, $0x7;
	[sflag:s20] =	ssyncadd.s32 $0xFFFFD800;
	s7 =	sadd.s32 s5, s7  }
0xdc: {  	[tilespmem:s21], [sflag:$0x6] =	stream.linear.gather [hbm4b:s7+s12], $0x100, $0x38;
	[tilespmem:$0x1EA00] =	vst v63  }
0xdd: {  	s7 =	sand.u32 $0xFC00, s4  }
0xde: {  	s4 =	sand.u32 $0x380, s4;
	s7 =	sadd.s32 s17, s7  }
0xdf: {  	s4 =	sor.u32 s4, s7  }
0xe0: {  	s4 =	sshrl.u32 s4, $0x3  }
0xe1: {  	s7 =	simm.s32 $0x14880;
	s4 =	sadd.s32 s6, s4  }
0xe2: {  	[tilespmem:s7], [sflag:$0x6] =	stream.linear.gather [hbm4b:s4+s12], $0x80, $0x38;
	[tilespmem:$0x1EA00] =	vst v63  }
0xe3: {  	_ =	swait.ge [sflag:s23], $0x100  }
0xe4: {  	[sflag:s23] =	ssyncset.done $0x0  }
0xe5: {  	[sflag:s23] =	ssyncadd.s32 $0xFFFFFF00  }
0xe6: {  	_ =	swait.ge [sflag:s23], $0x80  }
0xe7: {  	[sflag:s23] =	ssyncset.done $0x0  }
0xe8: {  	[sflag:s23] =	ssyncadd.s32 $0xFFFFFF80  }
0xe9: {  	[tilespmem:s28], [sflag:$0x7] =	stream.indirect.gather [hbm4b:s1+s9], $0x80, s3, s9, $0xb8;
	[tilespmem:$0x1EA00] =	vst v63  }
0xea: {  	_ =	swait.ge [sflag:s24], $0x2800  }
0xeb: {  	[sflag:s24] =	ssyncset.done $0x0  }
0xec: {  	s7 =	simm.s32 $0x0;
	[sflag:s24] =	ssyncadd.s32 $0xFFFFD800  }
0xed: {  	v1 =	vld [tilespmem:s7+$0x14680];
	_ =	sdelay $0x4  }
0xee: {  	v2 =	vbroadcast v1, $0x0  }
0xef: {  	s4 =	simm.s32 $0x14E00;
	v3 =	vbroadcast v1, $0x1  }
0xf0: {  	v59 =	vbroadcast v1, $0x2;
	[tilespmem:s4+$0xFFFFFC00] =	vst v2  }
0xf1: {  	v60 =	vbroadcast v1, $0x5;
	[tilespmem:s4+$0xFFFFFC80] =	vst v3  }
0xf2: {  	v61 =	vbroadcast v1, $0x8;
	[tilespmem:s4+$0xFFFFFD00] =	vst v59  }
0xf3: {  	v62 =	vbroadcast v1, $0xB;
	[tilespmem:s4+$0xFFFFFE80] =	vst v60  }
0xf4: {  	v63 =	vbroadcast v1, $0xE;
	[tilespmem:s4+$0x0] =	vst v61  }
0xf5: {  	v2 =	vbroadcast v1, $0x3;
	[tilespmem:s4+$0x180] =	vst v62  }
0xf6: {  	v3 =	vbroadcast v1, $0x4;
	[tilespmem:s4+$0x300] =	vst v63  }
0xf7: {  	[tilespmem:s4+$0xFFFFFD80] =	vst v2;
	v2 =	vbroadcast v1, $0x6  }
0xf8: {  	[tilespmem:s4+$0xFFFFFE00] =	vst v3;
	v3 =	vbroadcast v1, $0x7  }
0xf9: {  	[tilespmem:s4+$0xFFFFFF00] =	vst v2;
	v2 =	vbroadcast v1, $0x9  }
0xfa: {  	[tilespmem:s4+$0xFFFFFF80] =	vst v3;
	v3 =	vbroadcast v1, $0xA  }
0xfb: {  	[tilespmem:s4+$0x80] =	vst v2;
	v2 =	vbroadcast v1, $0xC  }
0xfc: {  	[tilespmem:s4+$0x100] =	vst v3;
	v3 =	vbroadcast v1, $0xD  }
0xfd: {  	v1 =	vbroadcast v1, $0xF;
	[tilespmem:s4+$0x200] =	vst v2  }
0xfe: {  	[tilespmem:s4+$0x280] =	vst v3  }
0xff: {  	s29 =	simm.s32 $0x80;
	s12 =	simm.s32 $0x10;
	[tilespmem:s4+$0x380] =	vst v1  }
.LBB2_9:
0x100: {  	p0 =	sne.s32 s29, $0x100;
	v1 =	vld [tilespmem:s12+$0x14680];
	_ =	sdelay $0x4  }
0x101: {  	v2 =	vbroadcast v1, $0x0;
	v3 =	vbroadcast v1, $0x1  }
0x102: {  	s4 =	sadd.s32 $0x800, s4;
	v4 =	vbroadcast v1, $0x2;
	v5 =	vbroadcast v1, $0x3  }
0x103: {  	v6 =	vbroadcast v1, $0x5;
	[tilespmem:s4+$0xFFFFFC00] =	vst v2;
	v2 =	vbroadcast v1, $0x4  }
0x104: {  	v7 =	vbroadcast v1, $0x7;
	[tilespmem:s4+$0xFFFFFC80] =	vst v3;
	v3 =	vbroadcast v1, $0x6  }
0x105: {  	v8 =	vbroadcast v1, $0x9;
	[tilespmem:s4+$0xFFFFFD00] =	vst v4;
	v4 =	vbroadcast v1, $0x8  }
0x106: {  	v9 =	vbroadcast v1, $0xB;
	[tilespmem:s4+$0xFFFFFD80] =	vst v5;
	v5 =	vbroadcast v1, $0xA  }
0x107: {  	v10 =	vbroadcast v1, $0xD;
	[tilespmem:s4+$0xFFFFFE00] =	vst v2;
	v2 =	vbroadcast v1, $0xC  }
0x108: {  	[tilespmem:s4+$0xFFFFFE80] =	vst v6;
	v6 =	vbroadcast v1, $0xE;
	v1 =	vbroadcast v1, $0xF  }
0x109: {  	[tilespmem:s4+$0xFFFFFF00] =	vst v3  }
0x10a: {  	[tilespmem:s4+$0xFFFFFF80] =	vst v7  }
0x10b: {  	[tilespmem:s4+$0x0] =	vst v4  }
0x10c: {  	[tilespmem:s4+$0x80] =	vst v8  }
0x10d: {  	[tilespmem:s4+$0x100] =	vst v5  }
.Ltmp3:
0x10e: {  	[tilespmem:s4+$0x180] =	vst v9;
	(pc) =	sbr.rel @p0 .LBB2_9-.Ltmp3, $4  }
0x10f: {  	[tilespmem:s4+$0x200] =	vst v2  }
0x110: {  	[tilespmem:s4+$0x280] =	vst v10  }
0x111: {  	[tilespmem:s4+$0x300] =	vst v6  }
0x112: {  	s12 =	sshra.s32 s29, $0x2;
	s29 =	sadd.s32 $0x40, s29;
	[tilespmem:s4+$0x380] =	vst v1  }
0x113: {  	v1 =	vld [tilespmem:s12+$0x14680];
	_ =	sdelay $0x4  }
0x114: {  	v2 =	vbroadcast v1, $0x0  }
0x115: {  	s4 =	sadd.s32 $0x800, s4;
	v3 =	vbroadcast v1, $0x1  }
0x116: {  	v4 =	vbroadcast v1, $0x2;
	[tilespmem:s4+$0xFFFFFC00] =	vst v2  }
0x117: {  	v2 =	vbroadcast v1, $0x3;
	[tilespmem:s4+$0xFFFFFC80] =	vst v3  }
0x118: {  	v3 =	vbroadcast v1, $0x4;
	[tilespmem:s4+$0xFFFFFD00] =	vst v4  }
0x119: {  	v4 =	vbroadcast v1, $0x5;
	[tilespmem:s4+$0xFFFFFD80] =	vst v2  }
0x11a: {  	v2 =	vbroadcast v1, $0x6;
	[tilespmem:s4+$0xFFFFFE00] =	vst v3  }
0x11b: {  	v3 =	vbroadcast v1, $0x7;
	[tilespmem:s4+$0xFFFFFE80] =	vst v4  }
0x11c: {  	v4 =	vbroadcast v1, $0x8;
	[tilespmem:s4+$0xFFFFFF00] =	vst v2  }
0x11d: {  	v2 =	vbroadcast v1, $0x9;
	[tilespmem:s4+$0xFFFFFF80] =	vst v3  }
0x11e: {  	v3 =	vbroadcast v1, $0xA;
	[tilespmem:s4+$0x0] =	vst v4  }
0x11f: {  	v4 =	vbroadcast v1, $0xB;
	[tilespmem:s4+$0x80] =	vst v2  }
0x120: {  	v2 =	vbroadcast v1, $0xC;
	[tilespmem:s4+$0x100] =	vst v3  }
0x121: {  	v3 =	vbroadcast v1, $0xD;
	[tilespmem:s4+$0x180] =	vst v4  }
0x122: {  	v4 =	vbroadcast v1, $0xE;
	[tilespmem:s4+$0x200] =	vst v2  }
0x123: {  	v1 =	vbroadcast v1, $0xF;
	[tilespmem:s4+$0x280] =	vst v3  }
0x124: {  	[tilespmem:s4+$0x300] =	vst v4  }
0x125: {  	[tilespmem:s4+$0x380] =	vst v1  }
0x126: {  	v1 =	vld [tilespmem:s7+$0x14A00]  }
0x127: {  	v5 =	vld [tilespmem:s7+$0x19A00]  }
0x128: {  	v7 =	vld [tilespmem:s7+$0x19A10]  }
0x129: {  	v6 =	vld [tilespmem:s7+$0x19A20]  }
0x12a: {  	v4 =	vld [tilespmem:s7+$0x19A30]  }
0x12b: {  	v2 =	vld [tilespmem:s7+$0x19A40]  }
0x12c: {  	v3 =	vld [tilespmem:s7+$0x19A50];
	v8 =	vmul.f32 v5, v1  }
0x12d: {  	s4 =	simm.s32 $0x200;
	v7 =	vmul.f32 v7, v1;
	v5 =	vld [tilespmem:s7+$0x19A60]  }
.LBB2_11:
0x12e: {  	s12 =	sshra.s32 s4, $0x2;
	p0 =	sne.s32 s4, $0x9E00;
	[tilespmem:s7+$0x19A00] =	vst v8;
	v6 =	vmul.f32 v6, v1;
	v8 =	vld [tilespmem:s7+$0x19A70]  }
0x12f: {  	v9 =	vld [tilespmem:s12+$0x14A00];
	[tilespmem:s7+$0x19A10] =	vst v7;
	v4 =	vmul.f32 v4, v1  }
0x130: {  	v7 =	vld [tilespmem:s12+$0x19A00];
	[tilespmem:s7+$0x19A20] =	vst v6;
	v2 =	vmul.f32 v2, v1  }
0x131: {  	v10 =	vld [tilespmem:s12+$0x19A10];
	[tilespmem:s7+$0x19A30] =	vst v4;
	v3 =	vmul.f32 v3, v1  }
.Ltmp4:
0x132: {  	v6 =	vld [tilespmem:s12+$0x19A20];
	[tilespmem:s7+$0x19A40] =	vst v2;
	v5 =	vmul.f32 v5, v1;
	(pc) =	sbr.rel @p0 .LBB2_11-.Ltmp4, $4  }
0x133: {  	v4 =	vld [tilespmem:s12+$0x19A30];
	[tilespmem:s7+$0x19A50] =	vst v3;
	v11 =	vmul.f32 v8, v1  }
0x134: {  	v2 =	vld [tilespmem:s12+$0x19A40];
	[tilespmem:s7+$0x19A60] =	vst v5;
	v1 =	vmov v9  }
0x135: {  	v8 =	vmul.f32 v7, v1;
	v3 =	vld [tilespmem:s12+$0x19A50];
	[tilespmem:s7+$0x19A70] =	vst v11;
	s7 =	smov.u32 s12  }
0x136: {  	s4 =	sadd.s32 $0x200, s4;
	v7 =	vmul.f32 v10, v1;
	v5 =	vld [tilespmem:s7+$0x19A60]  }
0x137: {  	[tilespmem:s7+$0x19A00] =	vst v8;
	v6 =	vmul.f32 v6, v1;
	v58 =	vld [tilespmem:s7+$0x19A70]  }
0x138: {  	[tilespmem:s7+$0x19A10] =	vst v7;
	v4 =	vmul.f32 v4, v1  }
0x139: {  	[tilespmem:s7+$0x19A20] =	vst v6;
	v2 =	vmul.f32 v2, v1  }
0x13a: {  	[tilespmem:s7+$0x19A30] =	vst v4;
	v3 =	vmul.f32 v3, v1  }
0x13b: {  	[tilespmem:s7+$0x19A40] =	vst v2;
	v2 =	vmul.f32 v5, v1  }
0x13c: {  	[tilespmem:s7+$0x19A50] =	vst v3;
	v1 =	vmul.f32 v58, v1  }
0x13d: {  	[tilespmem:s7+$0x19A60] =	vst v2  }
0x13e: {  	s4 =	simm.s32 $0x14180;
	p0 =	seq.s32 s22, $0x14;
	[tilespmem:s7+$0x19A70] =	vst v1  }
0x13f: {  	[spmem:s2] =	stream.indirect.scatter.add.f32 [tilespmem:s30], [sflag:$0xB], $0x80, s4, s9, $0xb8;
	[tilespmem:$0x1EA00] =	vst v63  }
0x140: {  	s4 =	sadd.s32 @!p0 $0x6, s25  }
0x141: {  	s7 =	sshll.u32 @!p0 s4, $0x8  }
0x142: {  	s12 =	simm.s32 @!p0 $0x0;
	_ =	swait.ge [sflag:s26], $0x2800;
	s7 =	sadd.s32 @!p0 s13, s7  }
0x143: {  	s29 =	simm.s32 @!p0 $0x14000;
	[sflag:s26] =	ssyncset.done $0x0;
	s7 =	sshrl.u32 @!p0 s7, $0x3  }
0x144: {  	s4 =	sshll.u32 @!p0 s4, $0x7;
	[sflag:s26] =	ssyncadd.s32 $0xFFFFD800;
	s7 =	sadd.s32 @!p0 s5, s7  }
0x145: {  	[tilespmem:s29], [sflag:$0x1] =	stream.linear.gather @!p0 [hbm4b:s7+s12], $0x100, $0x38;
	[tilespmem:$0x1EA00] =	vst v63  }
0x146: {  	s7 =	sand.u32 @!p0 $0xFC00, s4  }
0x147: {  	s4 =	sand.u32 @!p0 $0x300, s4;
	s7 =	sadd.s32 @!p0 s17, s7  }
0x148: {  	s4 =	sor.u32 @!p0 s4, s7  }
0x149: {  	s4 =	sshrl.u32 @!p0 s4, $0x3  }
0x14a: {  	s7 =	simm.s32 @!p0 $0x14600;
	s4 =	sadd.s32 @!p0 s6, s4  }
0x14b: {  	[tilespmem:s7], [sflag:$0x1] =	stream.linear.gather @!p0 [hbm4b:s4+s12], $0x80, $0x38;
	[tilespmem:$0x1EA00] =	vst v63  }
0x14c: {  	_ =	swait.ge [sflag:s16], $0x100  }
0x14d: {  	[sflag:s16] =	ssyncset.done $0x0  }
0x14e: {  	[sflag:s16] =	ssyncadd.s32 $0xFFFFFF00  }
0x14f: {  	_ =	swait.ge [sflag:s16], $0x80  }
0x150: {  	[sflag:s16] =	ssyncset.done $0x0  }
0x151: {  	[sflag:s16] =	ssyncadd.s32 $0xFFFFFF80  }
0x152: {  	[tilespmem:s30], [sflag:$0x8] =	stream.indirect.gather [hbm4b:s1+s9], $0x80, s11, s9, $0xb8;
	[tilespmem:$0x1EA00] =	vst v63  }
0x153: {  	_ =	swait.ge [sflag:s18], $0x2800  }
0x154: {  	[sflag:s18] =	ssyncset.done $0x0  }
0x155: {  	s7 =	simm.s32 $0x0;
	[sflag:s18] =	ssyncadd.s32 $0xFFFFD800  }
0x156: {  	v1 =	vld [tilespmem:s7+$0x14700];
	_ =	sdelay $0x4  }
0x157: {  	v2 =	vbroadcast v1, $0x0  }
0x158: {  	s4 =	simm.s32 $0x14E00;
	v3 =	vbroadcast v1, $0x1  }
0x159: {  	v59 =	vbroadcast v1, $0x2;
	[tilespmem:s4+$0xFFFFFC00] =	vst v2  }
0x15a: {  	v60 =	vbroadcast v1, $0x5;
	[tilespmem:s4+$0xFFFFFC80] =	vst v3  }
0x15b: {  	v61 =	vbroadcast v1, $0x8;
	[tilespmem:s4+$0xFFFFFD00] =	vst v59  }
0x15c: {  	v62 =	vbroadcast v1, $0xB;
	[tilespmem:s4+$0xFFFFFE80] =	vst v60  }
0x15d: {  	v63 =	vbroadcast v1, $0xE;
	[tilespmem:s4+$0x0] =	vst v61  }
0x15e: {  	v2 =	vbroadcast v1, $0x3;
	[tilespmem:s4+$0x180] =	vst v62  }
0x15f: {  	v3 =	vbroadcast v1, $0x4;
	[tilespmem:s4+$0x300] =	vst v63  }
0x160: {  	[tilespmem:s4+$0xFFFFFD80] =	vst v2;
	v2 =	vbroadcast v1, $0x6  }
0x161: {  	[tilespmem:s4+$0xFFFFFE00] =	vst v3;
	v3 =	vbroadcast v1, $0x7  }
0x162: {  	[tilespmem:s4+$0xFFFFFF00] =	vst v2;
	v2 =	vbroadcast v1, $0x9  }
0x163: {  	[tilespmem:s4+$0xFFFFFF80] =	vst v3;
	v3 =	vbroadcast v1, $0xA  }
0x164: {  	[tilespmem:s4+$0x80] =	vst v2;
	v2 =	vbroadcast v1, $0xC  }
0x165: {  	[tilespmem:s4+$0x100] =	vst v3;
	v3 =	vbroadcast v1, $0xD  }
0x166: {  	v1 =	vbroadcast v1, $0xF;
	[tilespmem:s4+$0x200] =	vst v2  }
0x167: {  	[tilespmem:s4+$0x280] =	vst v3  }
0x168: {  	s29 =	simm.s32 $0x80;
	s12 =	simm.s32 $0x10;
	[tilespmem:s4+$0x380] =	vst v1  }
.LBB2_13:
0x169: {  	p1 =	sne.s32 s29, $0x100;
	v1 =	vld [tilespmem:s12+$0x14700];
	_ =	sdelay $0x4  }
0x16a: {  	v2 =	vbroadcast v1, $0x0;
	v3 =	vbroadcast v1, $0x1  }
0x16b: {  	s4 =	sadd.s32 $0x800, s4;
	v4 =	vbroadcast v1, $0x2;
	v5 =	vbroadcast v1, $0x3  }
0x16c: {  	v6 =	vbroadcast v1, $0x5;
	[tilespmem:s4+$0xFFFFFC00] =	vst v2;
	v2 =	vbroadcast v1, $0x4  }
0x16d: {  	v7 =	vbroadcast v1, $0x7;
	[tilespmem:s4+$0xFFFFFC80] =	vst v3;
	v3 =	vbroadcast v1, $0x6  }
0x16e: {  	v8 =	vbroadcast v1, $0x9;
	[tilespmem:s4+$0xFFFFFD00] =	vst v4;
	v4 =	vbroadcast v1, $0x8  }
0x16f: {  	v9 =	vbroadcast v1, $0xB;
	[tilespmem:s4+$0xFFFFFD80] =	vst v5;
	v5 =	vbroadcast v1, $0xA  }
0x170: {  	v10 =	vbroadcast v1, $0xD;
	[tilespmem:s4+$0xFFFFFE00] =	vst v2;
	v2 =	vbroadcast v1, $0xC  }
0x171: {  	[tilespmem:s4+$0xFFFFFE80] =	vst v6;
	v6 =	vbroadcast v1, $0xE;
	v1 =	vbroadcast v1, $0xF  }
0x172: {  	[tilespmem:s4+$0xFFFFFF00] =	vst v3  }
0x173: {  	[tilespmem:s4+$0xFFFFFF80] =	vst v7  }
0x174: {  	[tilespmem:s4+$0x0] =	vst v4  }
0x175: {  	[tilespmem:s4+$0x80] =	vst v8  }
0x176: {  	[tilespmem:s4+$0x100] =	vst v5  }
.Ltmp5:
0x177: {  	[tilespmem:s4+$0x180] =	vst v9;
	(pc) =	sbr.rel @p1 .LBB2_13-.Ltmp5, $4  }
0x178: {  	[tilespmem:s4+$0x200] =	vst v2  }
0x179: {  	[tilespmem:s4+$0x280] =	vst v10  }
0x17a: {  	[tilespmem:s4+$0x300] =	vst v6  }
0x17b: {  	s12 =	sshra.s32 s29, $0x2;
	s29 =	sadd.s32 $0x40, s29;
	[tilespmem:s4+$0x380] =	vst v1  }
0x17c: {  	v1 =	vld [tilespmem:s12+$0x14700];
	_ =	sdelay $0x4  }
0x17d: {  	v2 =	vbroadcast v1, $0x0  }
0x17e: {  	s4 =	sadd.s32 $0x800, s4;
	v3 =	vbroadcast v1, $0x1  }
0x17f: {  	v4 =	vbroadcast v1, $0x2;
	[tilespmem:s4+$0xFFFFFC00] =	vst v2  }
0x180: {  	v2 =	vbroadcast v1, $0x3;
	[tilespmem:s4+$0xFFFFFC80] =	vst v3  }
0x181: {  	v3 =	vbroadcast v1, $0x4;
	[tilespmem:s4+$0xFFFFFD00] =	vst v4  }
0x182: {  	v4 =	vbroadcast v1, $0x5;
	[tilespmem:s4+$0xFFFFFD80] =	vst v2  }
0x183: {  	v2 =	vbroadcast v1, $0x6;
	[tilespmem:s4+$0xFFFFFE00] =	vst v3  }
0x184: {  	v3 =	vbroadcast v1, $0x7;
	[tilespmem:s4+$0xFFFFFE80] =	vst v4  }
0x185: {  	v4 =	vbroadcast v1, $0x8;
	[tilespmem:s4+$0xFFFFFF00] =	vst v2  }
0x186: {  	v2 =	vbroadcast v1, $0x9;
	[tilespmem:s4+$0xFFFFFF80] =	vst v3  }
0x187: {  	v3 =	vbroadcast v1, $0xA;
	[tilespmem:s4+$0x0] =	vst v4  }
0x188: {  	v4 =	vbroadcast v1, $0xB;
	[tilespmem:s4+$0x80] =	vst v2  }
0x189: {  	v2 =	vbroadcast v1, $0xC;
	[tilespmem:s4+$0x100] =	vst v3  }
0x18a: {  	v3 =	vbroadcast v1, $0xD;
	[tilespmem:s4+$0x180] =	vst v4  }
0x18b: {  	v4 =	vbroadcast v1, $0xE;
	[tilespmem:s4+$0x200] =	vst v2  }
0x18c: {  	v1 =	vbroadcast v1, $0xF;
	[tilespmem:s4+$0x280] =	vst v3  }
0x18d: {  	[tilespmem:s4+$0x300] =	vst v4  }
0x18e: {  	[tilespmem:s4+$0x380] =	vst v1  }
0x18f: {  	v1 =	vld [tilespmem:s7+$0x14A00]  }
0x190: {  	v5 =	vld [tilespmem:s7+$0x1C200]  }
0x191: {  	v7 =	vld [tilespmem:s7+$0x1C210]  }
0x192: {  	v6 =	vld [tilespmem:s7+$0x1C220]  }
0x193: {  	v4 =	vld [tilespmem:s7+$0x1C230]  }
0x194: {  	v2 =	vld [tilespmem:s7+$0x1C240]  }
0x195: {  	v3 =	vld [tilespmem:s7+$0x1C250];
	v8 =	vmul.f32 v5, v1  }
0x196: {  	s4 =	simm.s32 $0x200;
	v7 =	vmul.f32 v7, v1;
	v5 =	vld [tilespmem:s7+$0x1C260]  }
.LBB2_15:
0x197: {  	s12 =	sshra.s32 s4, $0x2;
	p1 =	sne.s32 s4, $0x9E00;
	[tilespmem:s7+$0x1C200] =	vst v8;
	v6 =	vmul.f32 v6, v1;
	v8 =	vld [tilespmem:s7+$0x1C270]  }
0x198: {  	v9 =	vld [tilespmem:s12+$0x14A00];
	[tilespmem:s7+$0x1C210] =	vst v7;
	v4 =	vmul.f32 v4, v1  }
0x199: {  	v7 =	vld [tilespmem:s12+$0x1C200];
	[tilespmem:s7+$0x1C220] =	vst v6;
	v2 =	vmul.f32 v2, v1  }
0x19a: {  	v10 =	vld [tilespmem:s12+$0x1C210];
	[tilespmem:s7+$0x1C230] =	vst v4;
	v3 =	vmul.f32 v3, v1  }
.Ltmp6:
0x19b: {  	v6 =	vld [tilespmem:s12+$0x1C220];
	[tilespmem:s7+$0x1C240] =	vst v2;
	v5 =	vmul.f32 v5, v1;
	(pc) =	sbr.rel @p1 .LBB2_15-.Ltmp6, $4  }
0x19c: {  	v4 =	vld [tilespmem:s12+$0x1C230];
	[tilespmem:s7+$0x1C250] =	vst v3;
	v11 =	vmul.f32 v8, v1  }
0x19d: {  	v2 =	vld [tilespmem:s12+$0x1C240];
	[tilespmem:s7+$0x1C260] =	vst v5;
	v1 =	vmov v9  }
0x19e: {  	v8 =	vmul.f32 v7, v1;
	v3 =	vld [tilespmem:s12+$0x1C250];
	[tilespmem:s7+$0x1C270] =	vst v11;
	s7 =	smov.u32 s12  }
0x19f: {  	s4 =	sadd.s32 $0x200, s4;
	v7 =	vmul.f32 v10, v1;
	v5 =	vld [tilespmem:s7+$0x1C260]  }
0x1a0: {  	[tilespmem:s7+$0x1C200] =	vst v8;
	v6 =	vmul.f32 v6, v1;
	v58 =	vld [tilespmem:s7+$0x1C270]  }
0x1a1: {  	[tilespmem:s7+$0x1C210] =	vst v7;
	v4 =	vmul.f32 v4, v1  }
0x1a2: {  	[tilespmem:s7+$0x1C220] =	vst v6;
	v2 =	vmul.f32 v2, v1  }
0x1a3: {  	[tilespmem:s7+$0x1C230] =	vst v4;
	v3 =	vmul.f32 v3, v1  }
0x1a4: {  	[tilespmem:s7+$0x1C240] =	vst v2;
	v2 =	vmul.f32 v5, v1  }
0x1a5: {  	[tilespmem:s7+$0x1C250] =	vst v3;
	v1 =	vmul.f32 v58, v1  }
0x1a6: {  	[tilespmem:s7+$0x1C260] =	vst v2  }
0x1a7: {  	s4 =	simm.s32 $0x14280;
	[tilespmem:s7+$0x1C270] =	vst v1  }
0x1a8: {  	[spmem:s2] =	stream.indirect.scatter.add.f32 [tilespmem:s14], [sflag:$0xC], $0x80, s4, s9, $0xb8;
	[tilespmem:$0x1EA00] =	vst v63  }
0x1a9: {  	s4 =	sadd.s32 @!p0 $0x7, s25  }
0x1aa: {  	s7 =	sshll.u32 @!p0 s4, $0x8  }
0x1ab: {  	s12 =	simm.s32 @!p0 $0x0;
	_ =	swait.ge [sflag:s8], $0x2800;
	s7 =	sadd.s32 @!p0 s13, s7  }
0x1ac: {  	s29 =	simm.s32 @!p0 $0x14100;
	[sflag:s8] =	ssyncset.done $0x0;
	s7 =	sshrl.u32 @!p0 s7, $0x3  }
0x1ad: {  	s4 =	sshll.u32 @!p0 s4, $0x7;
	[sflag:s8] =	ssyncadd.s32 $0xFFFFD800;
	s7 =	sadd.s32 @!p0 s5, s7  }
0x1ae: {  	[tilespmem:s29], [sflag:$0x2] =	stream.linear.gather @!p0 [hbm4b:s7+s12], $0x100, $0x38;
	[tilespmem:$0x1EA00] =	vst v63  }
0x1af: {  	s7 =	sand.u32 @!p0 $0xFC00, s4  }
0x1b0: {  	s4 =	sand.u32 @!p0 $0x380, s4;
	s7 =	sadd.s32 @!p0 s17, s7  }
0x1b1: {  	s4 =	sor.u32 @!p0 s4, s7  }
0x1b2: {  	s4 =	sshrl.u32 @!p0 s4, $0x3  }
0x1b3: {  	s7 =	simm.s32 @!p0 $0x14680;
	s4 =	sadd.s32 @!p0 s6, s4  }
0x1b4: {  	[tilespmem:s7], [sflag:$0x2] =	stream.linear.gather @!p0 [hbm4b:s4+s12], $0x80, $0x38;
	[tilespmem:$0x1EA00] =	vst v63  }
0x1b5: {  	_ =	swait.ge [sflag:s10], $0x100  }
0x1b6: {  	[sflag:s10] =	ssyncset.done $0x0  }
0x1b7: {  	[sflag:s10] =	ssyncadd.s32 $0xFFFFFF00  }
0x1b8: {  	_ =	swait.ge [sflag:s10], $0x80  }
0x1b9: {  	[sflag:s10] =	ssyncset.done $0x0  }
0x1ba: {  	[sflag:s10] =	ssyncadd.s32 $0xFFFFFF80  }
0x1bb: {  	[tilespmem:s14], [sflag:$0x9] =	stream.indirect.gather [hbm4b:s1+s9], $0x80, s21, s9, $0xb8;
	[tilespmem:$0x1EA00] =	vst v63  }
0x1bc: {  	_ =	swait.ge [sflag:s15], $0x2800  }
0x1bd: {  	[sflag:s15] =	ssyncset.done $0x0  }
0x1be: {  	s7 =	simm.s32 $0x0;
	[sflag:s15] =	ssyncadd.s32 $0xFFFFD800  }
0x1bf: {  	v1 =	vld [tilespmem:s7+$0x14780];
	_ =	sdelay $0x4  }
0x1c0: {  	v2 =	vbroadcast v1, $0x0  }
0x1c1: {  	s4 =	simm.s32 $0x14E00;
	v3 =	vbroadcast v1, $0x1  }
0x1c2: {  	v59 =	vbroadcast v1, $0x2;
	[tilespmem:s4+$0xFFFFFC00] =	vst v2  }
0x1c3: {  	v60 =	vbroadcast v1, $0x5;
	[tilespmem:s4+$0xFFFFFC80] =	vst v3  }
0x1c4: {  	v61 =	vbroadcast v1, $0x8;
	[tilespmem:s4+$0xFFFFFD00] =	vst v59  }
0x1c5: {  	v62 =	vbroadcast v1, $0xB;
	[tilespmem:s4+$0xFFFFFE80] =	vst v60  }
0x1c6: {  	v63 =	vbroadcast v1, $0xE;
	[tilespmem:s4+$0x0] =	vst v61  }
0x1c7: {  	v2 =	vbroadcast v1, $0x3;
	[tilespmem:s4+$0x180] =	vst v62  }
0x1c8: {  	v3 =	vbroadcast v1, $0x4;
	[tilespmem:s4+$0x300] =	vst v63  }
0x1c9: {  	[tilespmem:s4+$0xFFFFFD80] =	vst v2;
	v2 =	vbroadcast v1, $0x6  }
0x1ca: {  	[tilespmem:s4+$0xFFFFFE00] =	vst v3;
	v3 =	vbroadcast v1, $0x7  }
0x1cb: {  	[tilespmem:s4+$0xFFFFFF00] =	vst v2;
	v2 =	vbroadcast v1, $0x9  }
0x1cc: {  	[tilespmem:s4+$0xFFFFFF80] =	vst v3;
	v3 =	vbroadcast v1, $0xA  }
0x1cd: {  	[tilespmem:s4+$0x80] =	vst v2;
	v2 =	vbroadcast v1, $0xC  }
0x1ce: {  	[tilespmem:s4+$0x100] =	vst v3;
	v3 =	vbroadcast v1, $0xD  }
0x1cf: {  	v1 =	vbroadcast v1, $0xF;
	[tilespmem:s4+$0x200] =	vst v2  }
0x1d0: {  	[tilespmem:s4+$0x280] =	vst v3  }
0x1d1: {  	s29 =	simm.s32 $0x80;
	s12 =	simm.s32 $0x10;
	[tilespmem:s4+$0x380] =	vst v1  }
.LBB2_17:
0x1d2: {  	p1 =	sne.s32 s29, $0x100;
	v1 =	vld [tilespmem:s12+$0x14780];
	_ =	sdelay $0x4  }
0x1d3: {  	v2 =	vbroadcast v1, $0x0;
	v3 =	vbroadcast v1, $0x1  }
0x1d4: {  	s4 =	sadd.s32 $0x800, s4;
	v4 =	vbroadcast v1, $0x2;
	v5 =	vbroadcast v1, $0x3  }
0x1d5: {  	v6 =	vbroadcast v1, $0x5;
	[tilespmem:s4+$0xFFFFFC00] =	vst v2;
	v2 =	vbroadcast v1, $0x4  }
0x1d6: {  	v7 =	vbroadcast v1, $0x7;
	[tilespmem:s4+$0xFFFFFC80] =	vst v3;
	v3 =	vbroadcast v1, $0x6  }
0x1d7: {  	v8 =	vbroadcast v1, $0x9;
	[tilespmem:s4+$0xFFFFFD00] =	vst v4;
	v4 =	vbroadcast v1, $0x8  }
0x1d8: {  	v9 =	vbroadcast v1, $0xB;
	[tilespmem:s4+$0xFFFFFD80] =	vst v5;
	v5 =	vbroadcast v1, $0xA  }
0x1d9: {  	v10 =	vbroadcast v1, $0xD;
	[tilespmem:s4+$0xFFFFFE00] =	vst v2;
	v2 =	vbroadcast v1, $0xC  }
0x1da: {  	[tilespmem:s4+$0xFFFFFE80] =	vst v6;
	v6 =	vbroadcast v1, $0xE;
	v1 =	vbroadcast v1, $0xF  }
0x1db: {  	[tilespmem:s4+$0xFFFFFF00] =	vst v3  }
0x1dc: {  	[tilespmem:s4+$0xFFFFFF80] =	vst v7  }
0x1dd: {  	[tilespmem:s4+$0x0] =	vst v4  }
0x1de: {  	[tilespmem:s4+$0x80] =	vst v8  }
0x1df: {  	[tilespmem:s4+$0x100] =	vst v5  }
.Ltmp7:
0x1e0: {  	[tilespmem:s4+$0x180] =	vst v9;
	(pc) =	sbr.rel @p1 .LBB2_17-.Ltmp7, $4  }
0x1e1: {  	[tilespmem:s4+$0x200] =	vst v2  }
0x1e2: {  	[tilespmem:s4+$0x280] =	vst v10  }
0x1e3: {  	[tilespmem:s4+$0x300] =	vst v6  }
0x1e4: {  	s12 =	sshra.s32 s29, $0x2;
	s29 =	sadd.s32 $0x40, s29;
	[tilespmem:s4+$0x380] =	vst v1  }
0x1e5: {  	v1 =	vld [tilespmem:s12+$0x14780];
	_ =	sdelay $0x4  }
0x1e6: {  	v2 =	vbroadcast v1, $0x0  }
0x1e7: {  	s4 =	sadd.s32 $0x800, s4;
	v3 =	vbroadcast v1, $0x1  }
0x1e8: {  	v4 =	vbroadcast v1, $0x2;
	[tilespmem:s4+$0xFFFFFC00] =	vst v2  }
0x1e9: {  	v2 =	vbroadcast v1, $0x3;
	[tilespmem:s4+$0xFFFFFC80] =	vst v3  }
0x1ea: {  	v3 =	vbroadcast v1, $0x4;
	[tilespmem:s4+$0xFFFFFD00] =	vst v4  }
0x1eb: {  	v4 =	vbroadcast v1, $0x5;
	[tilespmem:s4+$0xFFFFFD80] =	vst v2  }
0x1ec: {  	v2 =	vbroadcast v1, $0x6;
	[tilespmem:s4+$0xFFFFFE00] =	vst v3  }
0x1ed: {  	v3 =	vbroadcast v1, $0x7;
	[tilespmem:s4+$0xFFFFFE80] =	vst v4  }
0x1ee: {  	v4 =	vbroadcast v1, $0x8;
	[tilespmem:s4+$0xFFFFFF00] =	vst v2  }
0x1ef: {  	v2 =	vbroadcast v1, $0x9;
	[tilespmem:s4+$0xFFFFFF80] =	vst v3  }
0x1f0: {  	v3 =	vbroadcast v1, $0xA;
	[tilespmem:s4+$0x0] =	vst v4  }
0x1f1: {  	v4 =	vbroadcast v1, $0xB;
	[tilespmem:s4+$0x80] =	vst v2  }
0x1f2: {  	v2 =	vbroadcast v1, $0xC;
	[tilespmem:s4+$0x100] =	vst v3  }
0x1f3: {  	v3 =	vbroadcast v1, $0xD;
	[tilespmem:s4+$0x180] =	vst v4  }
0x1f4: {  	v4 =	vbroadcast v1, $0xE;
	[tilespmem:s4+$0x200] =	vst v2  }
0x1f5: {  	v1 =	vbroadcast v1, $0xF;
	[tilespmem:s4+$0x280] =	vst v3  }
0x1f6: {  	[tilespmem:s4+$0x300] =	vst v4  }
0x1f7: {  	[tilespmem:s4+$0x380] =	vst v1  }
0x1f8: {  	v1 =	vld [tilespmem:s7+$0x14A00]  }
0x1f9: {  	v5 =	vld [tilespmem:s7+$0x17200]  }
0x1fa: {  	v7 =	vld [tilespmem:s7+$0x17210]  }
0x1fb: {  	v6 =	vld [tilespmem:s7+$0x17220]  }
0x1fc: {  	v4 =	vld [tilespmem:s7+$0x17230]  }
0x1fd: {  	v2 =	vld [tilespmem:s7+$0x17240]  }
0x1fe: {  	v3 =	vld [tilespmem:s7+$0x17250];
	v8 =	vmul.f32 v5, v1  }
0x1ff: {  	s4 =	simm.s32 $0x200;
	v7 =	vmul.f32 v7, v1;
	v5 =	vld [tilespmem:s7+$0x17260]  }
.LBB2_19:
0x200: {  	s12 =	sshra.s32 s4, $0x2;
	p1 =	sne.s32 s4, $0x9E00;
	[tilespmem:s7+$0x17200] =	vst v8;
	v6 =	vmul.f32 v6, v1;
	v8 =	vld [tilespmem:s7+$0x17270]  }
0x201: {  	v9 =	vld [tilespmem:s12+$0x14A00];
	[tilespmem:s7+$0x17210] =	vst v7;
	v4 =	vmul.f32 v4, v1  }
0x202: {  	v7 =	vld [tilespmem:s12+$0x17200];
	[tilespmem:s7+$0x17220] =	vst v6;
	v2 =	vmul.f32 v2, v1  }
0x203: {  	v10 =	vld [tilespmem:s12+$0x17210];
	[tilespmem:s7+$0x17230] =	vst v4;
	v3 =	vmul.f32 v3, v1  }
.Ltmp8:
0x204: {  	v6 =	vld [tilespmem:s12+$0x17220];
	[tilespmem:s7+$0x17240] =	vst v2;
	v5 =	vmul.f32 v5, v1;
	(pc) =	sbr.rel @p1 .LBB2_19-.Ltmp8, $4  }
0x205: {  	v4 =	vld [tilespmem:s12+$0x17230];
	[tilespmem:s7+$0x17250] =	vst v3;
	v11 =	vmul.f32 v8, v1  }
0x206: {  	v2 =	vld [tilespmem:s12+$0x17240];
	[tilespmem:s7+$0x17260] =	vst v5;
	v1 =	vmov v9  }
0x207: {  	v8 =	vmul.f32 v7, v1;
	v3 =	vld [tilespmem:s12+$0x17250];
	[tilespmem:s7+$0x17270] =	vst v11;
	s7 =	smov.u32 s12  }
0x208: {  	s4 =	sadd.s32 $0x200, s4;
	v7 =	vmul.f32 v10, v1;
	v5 =	vld [tilespmem:s7+$0x17260]  }
0x209: {  	[tilespmem:s7+$0x17200] =	vst v8;
	v6 =	vmul.f32 v6, v1;
	v58 =	vld [tilespmem:s7+$0x17270]  }
0x20a: {  	[tilespmem:s7+$0x17210] =	vst v7;
	v4 =	vmul.f32 v4, v1  }
0x20b: {  	[tilespmem:s7+$0x17220] =	vst v6;
	v2 =	vmul.f32 v2, v1  }
0x20c: {  	[tilespmem:s7+$0x17230] =	vst v4;
	v3 =	vmul.f32 v3, v1  }
0x20d: {  	[tilespmem:s7+$0x17240] =	vst v2;
	v2 =	vmul.f32 v5, v1  }
0x20e: {  	[tilespmem:s7+$0x17250] =	vst v3;
	v1 =	vmul.f32 v58, v1  }
0x20f: {  	[tilespmem:s7+$0x17260] =	vst v2  }
0x210: {  	s4 =	simm.s32 $0x14380;
	[tilespmem:s7+$0x17270] =	vst v1  }
0x211: {  	[spmem:s2] =	stream.indirect.scatter.add.f32 [tilespmem:s28], [sflag:$0xA], $0x80, s4, s9, $0xb8;
	[tilespmem:$0x1EA00] =	vst v63  }
0x212: {  	s4 =	sadd.s32 @!p0 $0x8, s25  }
0x213: {  	s7 =	sshll.u32 @!p0 s4, $0x8  }
0x214: {  	_ =	swait.ge [sflag:s20], $0x2800;
	s7 =	sadd.s32 @!p0 s13, s7  }
0x215: {  	s12 =	simm.s32 @!p0 $0x0;
	[sflag:s20] =	ssyncset.done $0x0;
	s7 =	sshrl.u32 @!p0 s7, $0x3  }
0x216: {  	s29 =	simm.s32 @!p0 $0x14200;
	[sflag:s20] =	ssyncadd.s32 $0xFFFFD800;
	s7 =	sadd.s32 @!p0 s5, s7  }
0x217: {  	[tilespmem:s29], [sflag:$0x3] =	stream.linear.gather @!p0 [hbm4b:s7+s12], $0x100, $0x38;
	[tilespmem:$0x1EA00] =	vst v63  }
0x218: {  	s4 =	sshll.u32 @!p0 s4, $0x7;
	s7 =	smul.u32 @!p0 $0x300, s22  }
0x219: {  	s4 =	sand.u32 @!p0 $0xFC00, s4  }
0x21a: {  	s4 =	sadd.s32 @!p0 s17, s4;
	s7 =	sand.u32 @!p0 $0x300, s7  }
0x21b: {  	s4 =	sor.u32 @!p0 s7, s4  }
0x21c: {  	s4 =	sshrl.u32 @!p0 s4, $0x3  }
0x21d: {  	s7 =	simm.s32 @!p0 $0x14700;
	s4 =	sadd.s32 @!p0 s6, s4  }
0x21e: {  	[tilespmem:s7], [sflag:$0x3] =	stream.linear.gather @!p0 [hbm4b:s4+s12], $0x80, $0x38;
	[tilespmem:$0x1EA00] =	vst v63  }
0x21f: {  	s4 =	simm.s32 @!p0 $0x1  }
0x220: {  	_ =	swait.ge @!p0 [sflag:s4], $0x100  }
0x221: {  	[sflag:s4] =	ssyncset.done @!p0 $0x0  }
0x222: {  	[sflag:s4] =	ssyncadd.s32 @!p0 $0xFFFFFF00  }
0x223: {  	_ =	swait.ge @!p0 [sflag:s4], $0x80  }
0x224: {  	s7 =	simm.s32 @!p0 $0x14000;
	[sflag:s4] =	ssyncset.done @!p0 $0x0  }
0x225: {  	s12 =	simm.s32 @!p0 $0x17200;
	[sflag:s4] =	ssyncadd.s32 @!p0 $0xFFFFFF80;
	s4 =	simm.s32 @!p0 $0x50  }
0x226: {  	[tilespmem:s12], [sflag:$0x7] =	stream.indirect.gather @!p0 [hbm4b:s1+s4], $0x80, s7, s4, $0xb8;
	[tilespmem:$0x1EA00] =	vst v63  }
0x227: {  	_ =	swait.ge [sflag:s24], $0x2800  }
0x228: {  	[sflag:s24] =	ssyncset.done $0x0  }
0x229: {  	s7 =	simm.s32 $0x0;
	[sflag:s24] =	ssyncadd.s32 $0xFFFFD800  }
0x22a: {  	v1 =	vld [tilespmem:s7+$0x14800];
	_ =	sdelay $0x4  }
0x22b: {  	v2 =	vbroadcast v1, $0x0  }
0x22c: {  	s4 =	simm.s32 $0x14E00;
	v3 =	vbroadcast v1, $0x1  }
0x22d: {  	v59 =	vbroadcast v1, $0x2;
	[tilespmem:s4+$0xFFFFFC00] =	vst v2  }
0x22e: {  	v60 =	vbroadcast v1, $0x5;
	[tilespmem:s4+$0xFFFFFC80] =	vst v3  }
0x22f: {  	v61 =	vbroadcast v1, $0x8;
	[tilespmem:s4+$0xFFFFFD00] =	vst v59  }
0x230: {  	v62 =	vbroadcast v1, $0xB;
	[tilespmem:s4+$0xFFFFFE80] =	vst v60  }
0x231: {  	v63 =	vbroadcast v1, $0xE;
	[tilespmem:s4+$0x0] =	vst v61  }
0x232: {  	v2 =	vbroadcast v1, $0x3;
	[tilespmem:s4+$0x180] =	vst v62  }
0x233: {  	v3 =	vbroadcast v1, $0x4;
	[tilespmem:s4+$0x300] =	vst v63  }
0x234: {  	[tilespmem:s4+$0xFFFFFD80] =	vst v2;
	v2 =	vbroadcast v1, $0x6  }
0x235: {  	[tilespmem:s4+$0xFFFFFE00] =	vst v3;
	v3 =	vbroadcast v1, $0x7  }
0x236: {  	[tilespmem:s4+$0xFFFFFF00] =	vst v2;
	v2 =	vbroadcast v1, $0x9  }
0x237: {  	[tilespmem:s4+$0xFFFFFF80] =	vst v3;
	v3 =	vbroadcast v1, $0xA  }
0x238: {  	[tilespmem:s4+$0x80] =	vst v2;
	v2 =	vbroadcast v1, $0xC  }
0x239: {  	[tilespmem:s4+$0x100] =	vst v3;
	v3 =	vbroadcast v1, $0xD  }
0x23a: {  	v1 =	vbroadcast v1, $0xF;
	[tilespmem:s4+$0x200] =	vst v2  }
0x23b: {  	[tilespmem:s4+$0x280] =	vst v3  }
0x23c: {  	s29 =	simm.s32 $0x80;
	s12 =	simm.s32 $0x10;
	[tilespmem:s4+$0x380] =	vst v1  }
.LBB2_21:
0x23d: {  	p1 =	sne.s32 s29, $0x100;
	v1 =	vld [tilespmem:s12+$0x14800];
	_ =	sdelay $0x4  }
0x23e: {  	v2 =	vbroadcast v1, $0x0;
	v3 =	vbroadcast v1, $0x1  }
0x23f: {  	s4 =	sadd.s32 $0x800, s4;
	v4 =	vbroadcast v1, $0x2;
	v5 =	vbroadcast v1, $0x3  }
0x240: {  	v6 =	vbroadcast v1, $0x5;
	[tilespmem:s4+$0xFFFFFC00] =	vst v2;
	v2 =	vbroadcast v1, $0x4  }
0x241: {  	v7 =	vbroadcast v1, $0x7;
	[tilespmem:s4+$0xFFFFFC80] =	vst v3;
	v3 =	vbroadcast v1, $0x6  }
0x242: {  	v8 =	vbroadcast v1, $0x9;
	[tilespmem:s4+$0xFFFFFD00] =	vst v4;
	v4 =	vbroadcast v1, $0x8  }
0x243: {  	v9 =	vbroadcast v1, $0xB;
	[tilespmem:s4+$0xFFFFFD80] =	vst v5;
	v5 =	vbroadcast v1, $0xA  }
0x244: {  	v10 =	vbroadcast v1, $0xD;
	[tilespmem:s4+$0xFFFFFE00] =	vst v2;
	v2 =	vbroadcast v1, $0xC  }
0x245: {  	[tilespmem:s4+$0xFFFFFE80] =	vst v6;
	v6 =	vbroadcast v1, $0xE;
	v1 =	vbroadcast v1, $0xF  }
0x246: {  	[tilespmem:s4+$0xFFFFFF00] =	vst v3  }
0x247: {  	[tilespmem:s4+$0xFFFFFF80] =	vst v7  }
0x248: {  	[tilespmem:s4+$0x0] =	vst v4  }
0x249: {  	[tilespmem:s4+$0x80] =	vst v8  }
0x24a: {  	[tilespmem:s4+$0x100] =	vst v5  }
.Ltmp9:
0x24b: {  	[tilespmem:s4+$0x180] =	vst v9;
	(pc) =	sbr.rel @p1 .LBB2_21-.Ltmp9, $4  }
0x24c: {  	[tilespmem:s4+$0x200] =	vst v2  }
0x24d: {  	[tilespmem:s4+$0x280] =	vst v10  }
0x24e: {  	[tilespmem:s4+$0x300] =	vst v6  }
0x24f: {  	s12 =	sshra.s32 s29, $0x2;
	s29 =	sadd.s32 $0x40, s29;
	[tilespmem:s4+$0x380] =	vst v1  }
0x250: {  	v1 =	vld [tilespmem:s12+$0x14800];
	_ =	sdelay $0x4  }
0x251: {  	v2 =	vbroadcast v1, $0x0  }
0x252: {  	s4 =	sadd.s32 $0x800, s4;
	v3 =	vbroadcast v1, $0x1  }
0x253: {  	v4 =	vbroadcast v1, $0x2;
	[tilespmem:s4+$0xFFFFFC00] =	vst v2  }
0x254: {  	v2 =	vbroadcast v1, $0x3;
	[tilespmem:s4+$0xFFFFFC80] =	vst v3  }
0x255: {  	v3 =	vbroadcast v1, $0x4;
	[tilespmem:s4+$0xFFFFFD00] =	vst v4  }
0x256: {  	v4 =	vbroadcast v1, $0x5;
	[tilespmem:s4+$0xFFFFFD80] =	vst v2  }
0x257: {  	v2 =	vbroadcast v1, $0x6;
	[tilespmem:s4+$0xFFFFFE00] =	vst v3  }
0x258: {  	v3 =	vbroadcast v1, $0x7;
	[tilespmem:s4+$0xFFFFFE80] =	vst v4  }
0x259: {  	v4 =	vbroadcast v1, $0x8;
	[tilespmem:s4+$0xFFFFFF00] =	vst v2  }
0x25a: {  	v2 =	vbroadcast v1, $0x9;
	[tilespmem:s4+$0xFFFFFF80] =	vst v3  }
0x25b: {  	v3 =	vbroadcast v1, $0xA;
	[tilespmem:s4+$0x0] =	vst v4  }
0x25c: {  	v4 =	vbroadcast v1, $0xB;
	[tilespmem:s4+$0x80] =	vst v2  }
0x25d: {  	v2 =	vbroadcast v1, $0xC;
	[tilespmem:s4+$0x100] =	vst v3  }
0x25e: {  	v3 =	vbroadcast v1, $0xD;
	[tilespmem:s4+$0x180] =	vst v4  }
0x25f: {  	v4 =	vbroadcast v1, $0xE;
	[tilespmem:s4+$0x200] =	vst v2  }
0x260: {  	v1 =	vbroadcast v1, $0xF;
	[tilespmem:s4+$0x280] =	vst v3  }
0x261: {  	[tilespmem:s4+$0x300] =	vst v4  }
0x262: {  	[tilespmem:s4+$0x380] =	vst v1  }
0x263: {  	v1 =	vld [tilespmem:s7+$0x14A00]  }
0x264: {  	v5 =	vld [tilespmem:s7+$0x19A00]  }
0x265: {  	v7 =	vld [tilespmem:s7+$0x19A10]  }
0x266: {  	v6 =	vld [tilespmem:s7+$0x19A20]  }
0x267: {  	v4 =	vld [tilespmem:s7+$0x19A30]  }
0x268: {  	v2 =	vld [tilespmem:s7+$0x19A40]  }
0x269: {  	v3 =	vld [tilespmem:s7+$0x19A50];
	v8 =	vmul.f32 v5, v1  }
0x26a: {  	s4 =	simm.s32 $0x200;
	v7 =	vmul.f32 v7, v1;
	v5 =	vld [tilespmem:s7+$0x19A60]  }
.LBB2_23:
0x26b: {  	s12 =	sshra.s32 s4, $0x2;
	p1 =	sne.s32 s4, $0x9E00;
	[tilespmem:s7+$0x19A00] =	vst v8;
	v6 =	vmul.f32 v6, v1;
	v8 =	vld [tilespmem:s7+$0x19A70]  }
0x26c: {  	v9 =	vld [tilespmem:s12+$0x14A00];
	[tilespmem:s7+$0x19A10] =	vst v7;
	v4 =	vmul.f32 v4, v1  }
0x26d: {  	v7 =	vld [tilespmem:s12+$0x19A00];
	[tilespmem:s7+$0x19A20] =	vst v6;
	v2 =	vmul.f32 v2, v1  }
0x26e: {  	v10 =	vld [tilespmem:s12+$0x19A10];
	[tilespmem:s7+$0x19A30] =	vst v4;
	v3 =	vmul.f32 v3, v1  }
.Ltmp10:
0x26f: {  	v6 =	vld [tilespmem:s12+$0x19A20];
	[tilespmem:s7+$0x19A40] =	vst v2;
	v5 =	vmul.f32 v5, v1;
	(pc) =	sbr.rel @p1 .LBB2_23-.Ltmp10, $4  }
0x270: {  	v4 =	vld [tilespmem:s12+$0x19A30];
	[tilespmem:s7+$0x19A50] =	vst v3;
	v11 =	vmul.f32 v8, v1  }
0x271: {  	v2 =	vld [tilespmem:s12+$0x19A40];
	[tilespmem:s7+$0x19A60] =	vst v5;
	v1 =	vmov v9  }
0x272: {  	v8 =	vmul.f32 v7, v1;
	v3 =	vld [tilespmem:s12+$0x19A50];
	[tilespmem:s7+$0x19A70] =	vst v11;
	s7 =	smov.u32 s12  }
0x273: {  	s4 =	sadd.s32 $0x200, s4;
	v7 =	vmul.f32 v10, v1;
	v5 =	vld [tilespmem:s7+$0x19A60]  }
0x274: {  	[tilespmem:s7+$0x19A00] =	vst v8;
	v6 =	vmul.f32 v6, v1;
	v58 =	vld [tilespmem:s7+$0x19A70]  }
0x275: {  	[tilespmem:s7+$0x19A10] =	vst v7;
	v4 =	vmul.f32 v4, v1  }
0x276: {  	[tilespmem:s7+$0x19A20] =	vst v6;
	v2 =	vmul.f32 v2, v1  }
0x277: {  	[tilespmem:s7+$0x19A30] =	vst v4;
	v3 =	vmul.f32 v3, v1  }
0x278: {  	[tilespmem:s7+$0x19A40] =	vst v2;
	v2 =	vmul.f32 v5, v1  }
0x279: {  	[tilespmem:s7+$0x19A50] =	vst v3;
	v1 =	vmul.f32 v58, v1  }
0x27a: {  	[tilespmem:s7+$0x19A60] =	vst v2  }
0x27b: {  	s4 =	simm.s32 $0x14480;
	[tilespmem:s7+$0x19A70] =	vst v1  }
0x27c: {  	[spmem:s2] =	stream.indirect.scatter.add.f32 [tilespmem:s30], [sflag:$0xB], $0x80, s4, s9, $0xb8;
	[tilespmem:$0x1EA00] =	vst v63  }
0x27d: {  	s4 =	sadd.s32 @!p0 $0x9, s25  }
0x27e: {  	s7 =	sshll.u32 @!p0 s4, $0x8  }
0x27f: {  	s12 =	simm.s32 @!p0 $0x0;
	_ =	swait.ge [sflag:s26], $0x2800;
	s7 =	sadd.s32 @!p0 s13, s7  }
0x280: {  	s25 =	simm.s32 @!p0 $0x14300;
	[sflag:s26] =	ssyncset.done $0x0;
	s7 =	sshrl.u32 @!p0 s7, $0x3  }
0x281: {  	s4 =	sshll.u32 @!p0 s4, $0x7;
	[sflag:s26] =	ssyncadd.s32 $0xFFFFD800;
	s7 =	sadd.s32 @!p0 s5, s7  }
0x282: {  	[tilespmem:s25], [sflag:$0x4] =	stream.linear.gather @!p0 [hbm4b:s7+s12], $0x100, $0x38;
	[tilespmem:$0x1EA00] =	vst v63  }
0x283: {  	s7 =	sand.u32 @!p0 $0xFC00, s4  }
0x284: {  	s4 =	sand.u32 @!p0 $0x380, s4;
	s7 =	sadd.s32 @!p0 s17, s7  }
0x285: {  	s4 =	sor.u32 @!p0 s4, s7  }
0x286: {  	s4 =	sshrl.u32 @!p0 s4, $0x3  }
0x287: {  	s7 =	simm.s32 @!p0 $0x14780;
	s4 =	sadd.s32 @!p0 s6, s4  }
0x288: {  	[tilespmem:s7], [sflag:$0x4] =	stream.linear.gather @!p0 [hbm4b:s4+s12], $0x80, $0x38;
	[tilespmem:$0x1EA00] =	vst v63  }
0x289: {  	s4 =	simm.s32 @!p0 $0x2  }
0x28a: {  	_ =	swait.ge @!p0 [sflag:s4], $0x100  }
0x28b: {  	[sflag:s4] =	ssyncset.done @!p0 $0x0  }
0x28c: {  	[sflag:s4] =	ssyncadd.s32 @!p0 $0xFFFFFF00  }
0x28d: {  	_ =	swait.ge @!p0 [sflag:s4], $0x80  }
0x28e: {  	s7 =	simm.s32 @!p0 $0x14100;
	[sflag:s4] =	ssyncset.done @!p0 $0x0  }
0x28f: {  	s12 =	simm.s32 @!p0 $0x19A00;
	[sflag:s4] =	ssyncadd.s32 @!p0 $0xFFFFFF80;
	s4 =	simm.s32 @!p0 $0x50  }
0x290: {  	[tilespmem:s12], [sflag:$0x8] =	stream.indirect.gather @!p0 [hbm4b:s1+s4], $0x80, s7, s4, $0xb8;
	[tilespmem:$0x1EA00] =	vst v63  }
0x291: {  	_ =	swait.ge [sflag:s18], $0x2800  }
0x292: {  	[sflag:s18] =	ssyncset.done $0x0  }
0x293: {  	s7 =	simm.s32 $0x0;
	[sflag:s18] =	ssyncadd.s32 $0xFFFFD800  }
0x294: {  	v1 =	vld [tilespmem:s7+$0x14880];
	_ =	sdelay $0x4  }
0x295: {  	v2 =	vbroadcast v1, $0x0  }
0x296: {  	s4 =	simm.s32 $0x14E00;
	v3 =	vbroadcast v1, $0x1  }
0x297: {  	v59 =	vbroadcast v1, $0x2;
	[tilespmem:s4+$0xFFFFFC00] =	vst v2  }
0x298: {  	v60 =	vbroadcast v1, $0x5;
	[tilespmem:s4+$0xFFFFFC80] =	vst v3  }
0x299: {  	v61 =	vbroadcast v1, $0x8;
	[tilespmem:s4+$0xFFFFFD00] =	vst v59  }
0x29a: {  	v62 =	vbroadcast v1, $0xB;
	[tilespmem:s4+$0xFFFFFE80] =	vst v60  }
0x29b: {  	v63 =	vbroadcast v1, $0xE;
	[tilespmem:s4+$0x0] =	vst v61  }
0x29c: {  	v2 =	vbroadcast v1, $0x3;
	[tilespmem:s4+$0x180] =	vst v62  }
0x29d: {  	v3 =	vbroadcast v1, $0x4;
	[tilespmem:s4+$0x300] =	vst v63  }
0x29e: {  	[tilespmem:s4+$0xFFFFFD80] =	vst v2;
	v2 =	vbroadcast v1, $0x6  }
0x29f: {  	[tilespmem:s4+$0xFFFFFE00] =	vst v3;
	v3 =	vbroadcast v1, $0x7  }
0x2a0: {  	[tilespmem:s4+$0xFFFFFF00] =	vst v2;
	v2 =	vbroadcast v1, $0x9  }
0x2a1: {  	[tilespmem:s4+$0xFFFFFF80] =	vst v3;
	v3 =	vbroadcast v1, $0xA  }
0x2a2: {  	[tilespmem:s4+$0x80] =	vst v2;
	v2 =	vbroadcast v1, $0xC  }
0x2a3: {  	[tilespmem:s4+$0x100] =	vst v3;
	v3 =	vbroadcast v1, $0xD  }
0x2a4: {  	v1 =	vbroadcast v1, $0xF;
	[tilespmem:s4+$0x200] =	vst v2  }
0x2a5: {  	[tilespmem:s4+$0x280] =	vst v3  }
0x2a6: {  	s25 =	simm.s32 $0x80;
	s12 =	simm.s32 $0x10;
	[tilespmem:s4+$0x380] =	vst v1  }
.LBB2_25:
0x2a7: {  	p0 =	sne.s32 s25, $0x100;
	v1 =	vld [tilespmem:s12+$0x14880];
	_ =	sdelay $0x4  }
0x2a8: {  	v2 =	vbroadcast v1, $0x0;
	v3 =	vbroadcast v1, $0x1  }
0x2a9: {  	s4 =	sadd.s32 $0x800, s4;
	v4 =	vbroadcast v1, $0x2;
	v5 =	vbroadcast v1, $0x3  }
0x2aa: {  	v6 =	vbroadcast v1, $0x5;
	[tilespmem:s4+$0xFFFFFC00] =	vst v2;
	v2 =	vbroadcast v1, $0x4  }
0x2ab: {  	v7 =	vbroadcast v1, $0x7;
	[tilespmem:s4+$0xFFFFFC80] =	vst v3;
	v3 =	vbroadcast v1, $0x6  }
0x2ac: {  	v8 =	vbroadcast v1, $0x9;
	[tilespmem:s4+$0xFFFFFD00] =	vst v4;
	v4 =	vbroadcast v1, $0x8  }
0x2ad: {  	v9 =	vbroadcast v1, $0xB;
	[tilespmem:s4+$0xFFFFFD80] =	vst v5;
	v5 =	vbroadcast v1, $0xA  }
0x2ae: {  	v10 =	vbroadcast v1, $0xD;
	[tilespmem:s4+$0xFFFFFE00] =	vst v2;
	v2 =	vbroadcast v1, $0xC  }
0x2af: {  	[tilespmem:s4+$0xFFFFFE80] =	vst v6;
	v6 =	vbroadcast v1, $0xE;
	v1 =	vbroadcast v1, $0xF  }
0x2b0: {  	[tilespmem:s4+$0xFFFFFF00] =	vst v3  }
0x2b1: {  	[tilespmem:s4+$0xFFFFFF80] =	vst v7  }
0x2b2: {  	[tilespmem:s4+$0x0] =	vst v4  }
0x2b3: {  	[tilespmem:s4+$0x80] =	vst v8  }
0x2b4: {  	[tilespmem:s4+$0x100] =	vst v5  }
.Ltmp11:
0x2b5: {  	[tilespmem:s4+$0x180] =	vst v9;
	(pc) =	sbr.rel @p0 .LBB2_25-.Ltmp11, $4  }
0x2b6: {  	[tilespmem:s4+$0x200] =	vst v2  }
0x2b7: {  	[tilespmem:s4+$0x280] =	vst v10  }
0x2b8: {  	[tilespmem:s4+$0x300] =	vst v6  }
0x2b9: {  	s12 =	sshra.s32 s25, $0x2;
	s25 =	sadd.s32 $0x40, s25;
	[tilespmem:s4+$0x380] =	vst v1  }
0x2ba: {  	v1 =	vld [tilespmem:s12+$0x14880];
	_ =	sdelay $0x4  }
0x2bb: {  	v2 =	vbroadcast v1, $0x0  }
0x2bc: {  	s4 =	sadd.s32 $0x800, s4;
	v3 =	vbroadcast v1, $0x1  }
0x2bd: {  	v4 =	vbroadcast v1, $0x2;
	[tilespmem:s4+$0xFFFFFC00] =	vst v2  }
0x2be: {  	v2 =	vbroadcast v1, $0x3;
	[tilespmem:s4+$0xFFFFFC80] =	vst v3  }
0x2bf: {  	v3 =	vbroadcast v1, $0x4;
	[tilespmem:s4+$0xFFFFFD00] =	vst v4  }
0x2c0: {  	v4 =	vbroadcast v1, $0x5;
	[tilespmem:s4+$0xFFFFFD80] =	vst v2  }
0x2c1: {  	v2 =	vbroadcast v1, $0x6;
	[tilespmem:s4+$0xFFFFFE00] =	vst v3  }
0x2c2: {  	v3 =	vbroadcast v1, $0x7;
	[tilespmem:s4+$0xFFFFFE80] =	vst v4  }
0x2c3: {  	v4 =	vbroadcast v1, $0x8;
	[tilespmem:s4+$0xFFFFFF00] =	vst v2  }
0x2c4: {  	v2 =	vbroadcast v1, $0x9;
	[tilespmem:s4+$0xFFFFFF80] =	vst v3  }
0x2c5: {  	v3 =	vbroadcast v1, $0xA;
	[tilespmem:s4+$0x0] =	vst v4  }
0x2c6: {  	v4 =	vbroadcast v1, $0xB;
	[tilespmem:s4+$0x80] =	vst v2  }
0x2c7: {  	v2 =	vbroadcast v1, $0xC;
	[tilespmem:s4+$0x100] =	vst v3  }
0x2c8: {  	v3 =	vbroadcast v1, $0xD;
	[tilespmem:s4+$0x180] =	vst v4  }
0x2c9: {  	v4 =	vbroadcast v1, $0xE;
	[tilespmem:s4+$0x200] =	vst v2  }
0x2ca: {  	v1 =	vbroadcast v1, $0xF;
	[tilespmem:s4+$0x280] =	vst v3  }
0x2cb: {  	[tilespmem:s4+$0x300] =	vst v4  }
0x2cc: {  	[tilespmem:s4+$0x380] =	vst v1  }
0x2cd: {  	v1 =	vld [tilespmem:s7+$0x14A00]  }
0x2ce: {  	v5 =	vld [tilespmem:s7+$0x1C200]  }
0x2cf: {  	v7 =	vld [tilespmem:s7+$0x1C210]  }
0x2d0: {  	v6 =	vld [tilespmem:s7+$0x1C220]  }
0x2d1: {  	v4 =	vld [tilespmem:s7+$0x1C230]  }
0x2d2: {  	v2 =	vld [tilespmem:s7+$0x1C240]  }
0x2d3: {  	v3 =	vld [tilespmem:s7+$0x1C250];
	v8 =	vmul.f32 v5, v1  }
0x2d4: {  	s4 =	simm.s32 $0x200;
	v7 =	vmul.f32 v7, v1;
	v5 =	vld [tilespmem:s7+$0x1C260]  }
.LBB2_27:
0x2d5: {  	s12 =	sshra.s32 s4, $0x2;
	p0 =	sne.s32 s4, $0x9E00;
	[tilespmem:s7+$0x1C200] =	vst v8;
	v6 =	vmul.f32 v6, v1;
	v8 =	vld [tilespmem:s7+$0x1C270]  }
0x2d6: {  	v9 =	vld [tilespmem:s12+$0x14A00];
	[tilespmem:s7+$0x1C210] =	vst v7;
	v4 =	vmul.f32 v4, v1  }
0x2d7: {  	v7 =	vld [tilespmem:s12+$0x1C200];
	[tilespmem:s7+$0x1C220] =	vst v6;
	v2 =	vmul.f32 v2, v1  }
0x2d8: {  	v10 =	vld [tilespmem:s12+$0x1C210];
	[tilespmem:s7+$0x1C230] =	vst v4;
	v3 =	vmul.f32 v3, v1  }
.Ltmp12:
0x2d9: {  	v6 =	vld [tilespmem:s12+$0x1C220];
	[tilespmem:s7+$0x1C240] =	vst v2;
	v5 =	vmul.f32 v5, v1;
	(pc) =	sbr.rel @p0 .LBB2_27-.Ltmp12, $4  }
0x2da: {  	v4 =	vld [tilespmem:s12+$0x1C230];
	[tilespmem:s7+$0x1C250] =	vst v3;
	v11 =	vmul.f32 v8, v1  }
0x2db: {  	v2 =	vld [tilespmem:s12+$0x1C240];
	[tilespmem:s7+$0x1C260] =	vst v5;
	v1 =	vmov v9  }
0x2dc: {  	v8 =	vmul.f32 v7, v1;
	v3 =	vld [tilespmem:s12+$0x1C250];
	[tilespmem:s7+$0x1C270] =	vst v11;
	s7 =	smov.u32 s12  }
0x2dd: {  	s4 =	sadd.s32 $0x200, s4;
	v7 =	vmul.f32 v10, v1;
	v5 =	vld [tilespmem:s7+$0x1C260]  }
0x2de: {  	[tilespmem:s7+$0x1C200] =	vst v8;
	v6 =	vmul.f32 v6, v1;
	v63 =	vld [tilespmem:s7+$0x1C270]  }
0x2df: {  	[tilespmem:s7+$0x1C210] =	vst v7;
	v4 =	vmul.f32 v4, v1  }
0x2e0: {  	s22 =	sadd.s32 $0x1, s22;
	[tilespmem:s7+$0x1C220] =	vst v6;
	v2 =	vmul.f32 v2, v1  }
0x2e1: {  	p0 =	sne.s32 s22, $0x15;
	[tilespmem:s7+$0x1C230] =	vst v4;
	v3 =	vmul.f32 v3, v1  }
.Ltmp13:
0x2e2: {  	[tilespmem:s7+$0x1C240] =	vst v2;
	v2 =	vmul.f32 v5, v1;
	(pc) =	sbr.rel @p0 .LBB2_4-.Ltmp13, $4  }
0x2e3: {  	[tilespmem:s7+$0x1C250] =	vst v3;
	v1 =	vmul.f32 v63, v1  }
0x2e4: {  	[tilespmem:s7+$0x1C260] =	vst v2  }
0x2e5: {  	s4 =	simm.s32 $0x14580;
	[tilespmem:s7+$0x1C270] =	vst v1  }
0x2e6: {  	[spmem:s2] =	stream.indirect.scatter.add.f32 [tilespmem:s14], [sflag:$0xC], $0x80, s4, s9, $0xb8;
	[tilespmem:$0x1EA00] =	vst v63  }
0x2e7: {  	_ =	swait.ge [sflag:s8], $0x2800  }
0x2e8: {  	[sflag:s8] =	ssyncset.done $0x0  }
0x2e9: {  	[sflag:s8] =	ssyncadd.s32 $0xFFFFD800  }
0x2ea: {  	s4 =	stileid.u32;
	[bflag:$0x0] =	sbarrier.arrive $0xFFFF  }
0x2eb: {  	s22 =	simm.s32 $0xD;
	s4 =	sshll.u32 s4, $0x6;
	s19 =	rddreg [dreg:$0x6]  }
0x2ec: {  	s4 =	sor.u32 $0x1C0D, s4;
	s12 =	rddreg [dreg:$0x14];
	s7 =	sshrl.u32 s19, $0x3  }
0x2ed: {  	[hbm:s12], [sflag:s4] =	dma.local [spmem:s7], $0x2800  }
0x2ee: {  	_ =	swait.ge [sflag:s22], $0x2800  }
0x2ef: {  	s25 =	rddreg [dreg:$0x5]  }
0x2f0: {  	s29 =	rddreg [dreg:$0x16];
	s12 =	sadd.s32 $0x1, s25  }
0x2f1: {  	p0 =	sne.s32 s12, s29  }
.Ltmp14:
0x2f2: {  	_ = 	snop;
	(pc) =	sbr.rel @p0 .LBB2_1-.Ltmp14, $3  }
0x2f3: {  	_ =	sdelay $0x1  }
0x2f4: {  	[sflag:s22] =	ssyncset.done $0x0  }
0x2f5: {  	[sflag:s22] =	ssyncadd.s32 $0xFFFFD800  }
0x2f6: {  	_ =	sfence.sel $0x180000  }
0x2f7: {  	[bflag:$0x0] =	sbarrier.arrive $0xFFFF  }
0x2f8: {  	_ =	strace $0x90000047  }
0x2f9: {  	s0 =	stileid.u32;
	[bflag:$0x2] =	sbarrier.arrive $0xFFFF  }
0x2fa: {  	p0 =	sne.s32 s0, $0x0;
	s0 =	rddreg [dreg:$0x4]  }
0x2fb: {  	s0 =	sadd.s32 @!p0 $0x100000, s0  }
0x2fc: {  	[sflag:s0] =	ssyncadd.tile.s32 @!p0 $0x1;
	_ =	shalt  }
.Lfunc_end2:
_tile_overlayer_lowered:
.L_overlay_start_2:
0x2fd: {  	(tag) =	ssettag $0x2  }
0x2fe: {  	s0 =	rddreg [dreg:$0x0];
	s2 =	stileid.u32  }
0x2ff: {  	s1 =	rddreg [dreg:$0x1];
	p0 =	sne.s32 s2, $0x0  }
0x300: {  	s3 =	rddreg [dreg:$0x2];
	[bflag:$0x3] =	sbarrier.arrive $0xFFFF;
	s2 =	simm.s32 @!p0 $0x1C0D  }
0x301: {  	[timem:s3], [sflag:s2] =	dma.local @!p0 [hbm:s0], s1  }
0x302: {  	s0 =	simm.s32 @!p0 $0xD  }
0x303: {  	_ =	swait.ge @!p0 [sflag:s0], s1  }
0x304: {  	s1 =	ssub.s32 @!p0 $0x0, s1;
	[sflag:s0] =	ssyncset.done @!p0 $0x0  }
0x305: {  	[sflag:s0] =	ssyncadd.s32 @!p0 s1  }
0x306: {  	[bflag:$0x3] =	sbarrier.arrive $0xFFFF  }
0x307: {  	_ =	shalt  }

</sc_bundles>
